<compile_context>
chip_gen: v7x
topology: tpu7x:2x2x1
jax: 0.10.2.dev20260603
libtpu: 0.0.44.dev20260713+nightly
codegen_flags: <defaults>
</compile_context>

<pallas_src>
import functools
import math

import numpy as np
import jax
import jax.numpy as jnp
from jax import lax
from jax.experimental import pallas as pl
from jax.experimental.pallas import tpu as pltpu
from jax.experimental.pallas import tpu_sc as plsc

_D_MODEL = 512
_MAX_LEN = 2048
_SCALE = math.sqrt(float(_D_MODEL))
_NUM_CORES = 2
_NUM_SUBCORES = 16
_NUM_WORKERS = _NUM_CORES * _NUM_SUBCORES
_LANES = 16
_CHUNK = 32
_RING = 3


def _sinusoidal_pe_np(max_len, d_model):
    pos = np.arange(max_len, dtype=np.float32)[:, None]
    div = np.exp(
        np.arange(0, d_model, 2, dtype=np.float32) * (-math.log(10000.0) / d_model)
    )
    pe = np.zeros((max_len, d_model), dtype=np.float32)
    pe[:, 0::2] = np.sin(pos * div)
    pe[:, 1::2] = np.cos(pos * div)
    return pe


_PE_NP = _sinusoidal_pe_np(_MAX_LEN, _D_MODEL)


def _prep_body(table_ref, pe_ref, st_ref, pec_ref):
    st_ref[...] = table_ref[...] * _SCALE
    pec_ref[...] = pe_ref[...]


@functools.lru_cache(maxsize=None)
def _build_prep(v, t, d):
    return pl.pallas_call(
        _prep_body,
        out_shape=[
            jax.ShapeDtypeStruct((v, d), jnp.float32),
            jax.ShapeDtypeStruct((t, d), jnp.float32),
        ],
    )


@functools.lru_cache(maxsize=None)
def _build_sc(n_batch, seq_len, d_model):
    n_rows = n_batch * seq_len
    per_w = n_rows // _NUM_WORKERS
    n_chunks = per_w // _CHUNK
    prime = min(_RING - 1, n_chunks)
    mesh = plsc.VectorSubcoreMesh(core_axis_name="c", subcore_axis_name="s")

    def body(tok_hbm, table_hbm, pe_hbm, out_hbm, *scr):
        idx = scr[0]
        gbuf = scr[1:4]
        pbuf = scr[4:7]
        gsem = scr[7:10]
        psem = scr[10:13]
        osem = scr[13:16]
        wid = lax.axis_index("s") * _NUM_CORES + lax.axis_index("c")

        base0 = wid * per_w
        bi = lax.div(base0, seq_len)
        tw = lax.rem(base0, seq_len)
        pltpu.sync_copy(tok_hbm.at[bi, pl.ds(tw, per_w)], idx)

        in_flight = {}
        out_flight = {}

        def issue_in(ci):
            s = ci % _RING
            p = pltpu.async_copy(
                pe_hbm.at[pl.ds(tw + ci * _CHUNK, _CHUNK)], pbuf[s], psem[s]
            )
            if s in out_flight:
                out_flight.pop(s).wait()
            g = pltpu.async_copy(
                table_hbm.at[idx.at[pl.ds(ci * _CHUNK, _CHUNK)]], gbuf[s], gsem[s]
            )
            in_flight[ci] = (g, p)

        for ci in range(prime):
            issue_in(ci)

        for ci in range(n_chunks):
            s = ci % _RING
            g, p = in_flight.pop(ci)
            g.wait()
            p.wait()

            def do_row(r, carry):
                for j in range(d_model // _LANES):
                    sl = pl.ds(j * _LANES, _LANES)
                    plsc.addupdate(gbuf[s].at[r, sl], pbuf[s][r, sl])
                return carry

            lax.fori_loop(0, _CHUNK, do_row, 0)

            out_flight[s] = pltpu.async_copy(
                gbuf[s], out_hbm.at[bi, pl.ds(tw + ci * _CHUNK, _CHUNK)], osem[s]
            )

            nxt = ci + prime
            if nxt < n_chunks:
                issue_in(nxt)

        for d in out_flight.values():
            d.wait()

    return pl.kernel(
        body,
        out_type=jax.ShapeDtypeStruct((n_batch, seq_len, d_model), jnp.float32),
        mesh=mesh,
        scratch_types=(
            [pltpu.VMEM((per_w,), jnp.int32)]
            + [pltpu.VMEM((_CHUNK, d_model), jnp.float32) for _ in range(_RING)]
            + [pltpu.VMEM((_CHUNK, d_model), jnp.float32) for _ in range(_RING)]
            + [pltpu.SemaphoreType.DMA for _ in range(3 * _RING)]
        ),
    )


def kernel(tokens, table):
    b, t = tokens.shape
    v, d = table.shape
    pe = jnp.asarray(_PE_NP[:t])
    table_scaled, pe_buf = _build_prep(v, t, d)(table, pe)
    return _build_sc(b, t, d)(tokens, table_scaled, pe_buf)

# --- scband reference (transcript-rebuilt; emitter-appended) ---
"""Pipeline reference for scband-music-embedding-64381559767356 (READ-ONLY COPY).

The authoritative reference and input builder live on the scoring server;
editing this copy changes nothing except your own understanding.
"""

import jax, jax.numpy as jnp
import numpy as np
import math

VOCAB = 774
D_MODEL = 512
MAX_LEN = 2048

def _sinusoidal_pe(max_len, d_model):
    pos = np.arange(max_len, dtype=np.float32)[:, None]
    div = np.exp(np.arange(0, d_model, 2, dtype=np.float32) * (-math.log(10000.0) / d_model))
    pe = np.zeros((max_len, d_model), dtype=np.float32)
    pe[:, 0::2] = np.sin(pos * div)
    pe[:, 1::2] = np.cos(pos * div)
    return jnp.asarray(pe)

def setup_inputs(seed: int = 0) -> dict:
    key = jax.random.key(seed)
    k1, k2 = jax.random.split(key)
    tokens = jax.random.randint(k1, (4, 2048), 0, VOCAB, dtype=jnp.int64 if jax.config.jax_enable_x64 else jnp.int32)
    table = 0.02 * jax.random.normal(k2, (VOCAB, D_MODEL), dtype=jnp.float32)
    return {"tokens": tokens, "table": table}

def reference(tokens, table):
    # token embedding lookup (gather) scaled by sqrt(d_model)
    emb = jnp.take(table, tokens, axis=0) * math.sqrt(D_MODEL)
    # musical sinusoidal positional encoding (buffer, non-learned)
    pe = _sinusoidal_pe(MAX_LEN, D_MODEL)
    seq_len = emb.shape[1]
    emb = emb + pe[:seq_len][None, :, :]
    # dropout is identity in eval mode
    return emb

if __name__ == "__main__":
    import jax
    _d = setup_inputs()
    print(jax.jit(kernel)(*tuple(_d.values())))

</pallas_src>

<mosaic_0001>
#map = affine_map<(d0, d1) -> (0, 0)>
#map1 = affine_map<(d0, d1) -> (0, 0, 0)>
module attributes {stable_mosaic.version = 14 : i64} {
  func.func @body(%arg0: i32, %arg1: i32, %arg2: memref<4x2048xi32, #tpu.memory_space<hbm>>, %arg3: memref<774x512xf32, #tpu.memory_space<hbm>>, %arg4: memref<2048x512xf32, #tpu.memory_space<hbm>>, %arg5: memref<4x2048x512xf32, #tpu.memory_space<hbm>>, %arg6: memref<256xi32, #tpu.memory_space<vmem>>, %arg7: memref<32x512xf32, #tpu.memory_space<vmem>>, %arg8: memref<32x512xf32, #tpu.memory_space<vmem>>, %arg9: memref<32x512xf32, #tpu.memory_space<vmem>>, %arg10: memref<32x512xf32, #tpu.memory_space<vmem>>, %arg11: memref<32x512xf32, #tpu.memory_space<vmem>>, %arg12: memref<32x512xf32, #tpu.memory_space<vmem>>, %arg13: memref<!tpu.dma_semaphore, #tpu.memory_space<semaphore_mem>>, %arg14: memref<!tpu.dma_semaphore, #tpu.memory_space<semaphore_mem>>, %arg15: memref<!tpu.dma_semaphore, #tpu.memory_space<semaphore_mem>>, %arg16: memref<!tpu.dma_semaphore, #tpu.memory_space<semaphore_mem>>, %arg17: memref<!tpu.dma_semaphore, #tpu.memory_space<semaphore_mem>>, %arg18: memref<!tpu.dma_semaphore, #tpu.memory_space<semaphore_mem>>, %arg19: memref<!tpu.dma_semaphore, #tpu.memory_space<semaphore_mem>>, %arg20: memref<!tpu.dma_semaphore, #tpu.memory_space<semaphore_mem>>, %arg21: memref<!tpu.dma_semaphore, #tpu.memory_space<semaphore_mem>>) attributes {dimension_semantics = [#tpu.dimension_semantics<core_parallel>, #tpu.dimension_semantics<subcore_parallel>], iteration_bounds = array<i64: 2, 16>, scalar_prefetch = 0 : i64, scratch_operands = 16 : i64, tpu.core_type = #tpu.core_type<sc_vector_subcore>, window_params = [{transform_indices = #map}, {transform_indices = #map}, {transform_indices = #map}, {transform_indices = #map1}]} {
    %mul3A = arith.constant 2 : i32
    %mul3A_0 = arith.muli %arg1, %mul3A : i32
    %add3A = arith.addi %mul3A_0, %arg0 : i32
    %mul3A_1 = arith.constant 256 : i32
    %mul3A_2 = arith.muli %add3A, %mul3A_1 : i32
    %div3A = arith.constant 2048 : i32
    %div3A_3 = arith.divsi %mul3A_2, %div3A : i32
    %rem3A = arith.constant 2048 : i32
    %rem3A_4 = arith.remsi %mul3A_2, %rem3A : i32
    "tpu.region"() ({
      %run_scoped3A = tpu.sem_alloc : memref<!tpu.dma_semaphore, #tpu.memory_space<semaphore_mem>>
      %dma_start3A_322 = tpu.memref_slice %arg2[%div3A_3, %rem3A_4] : memref<4x2048xi32, #tpu.memory_space<hbm>> -> memref<1x256xi32, #tpu.memory_space<hbm>>
      %dma_start3A_323 = tpu.memref_squeeze %dma_start3A_322 : memref<1x256xi32, #tpu.memory_space<hbm>> -> memref<256xi32, #tpu.memory_space<hbm>>
      %dma_start3A_324 = tpu.memref_slice %arg2[%div3A_3, %rem3A_4] : memref<4x2048xi32, #tpu.memory_space<hbm>> -> memref<1x256xi32, #tpu.memory_space<hbm>>
      %dma_start3A_325 = tpu.memref_squeeze %dma_start3A_324 : memref<1x256xi32, #tpu.memory_space<hbm>> -> memref<256xi32, #tpu.memory_space<hbm>>
      tpu.enqueue_dma source(%dma_start3A_325 : memref<256xi32, #tpu.memory_space<hbm>>) target(%arg6 : memref<256xi32, #tpu.memory_space<vmem>>) target_semaphore(%run_scoped3A : memref<!tpu.dma_semaphore, #tpu.memory_space<semaphore_mem>>)
      %dma_wait3A_326 = tpu.memref_slice %arg2[%div3A_3, %rem3A_4] : memref<4x2048xi32, #tpu.memory_space<hbm>> -> memref<1x256xi32, #tpu.memory_space<hbm>>
      %dma_wait3A_327 = tpu.memref_squeeze %dma_wait3A_326 : memref<1x256xi32, #tpu.memory_space<hbm>> -> memref<256xi32, #tpu.memory_space<hbm>>
      %dma_wait3A_328 = tpu.memref_slice %arg2[%div3A_3, %rem3A_4] : memref<4x2048xi32, #tpu.memory_space<hbm>> -> memref<1x256xi32, #tpu.memory_space<hbm>>
      %dma_wait3A_329 = tpu.memref_squeeze %dma_wait3A_328 : memref<1x256xi32, #tpu.memory_space<hbm>> -> memref<256xi32, #tpu.memory_space<hbm>>
      tpu.wait_dma2 semaphore(%run_scoped3A : memref<!tpu.dma_semaphore, #tpu.memory_space<semaphore_mem>>) src(%dma_wait3A_329 : memref<256xi32, #tpu.memory_space<hbm>>) dst(%arg6 : memref<256xi32, #tpu.memory_space<vmem>>)
      tpu.yield
    }) : () -> ()
    %add3A_5 = arith.constant 0 : i32
    %add3A_6 = arith.addi %rem3A_4, %add3A_5 : i32
    %dma_start3A = arith.constant 0 : i32
    %dma_start3A_7 = tpu.memref_slice %arg4[%add3A_6, %dma_start3A] : memref<2048x512xf32, #tpu.memory_space<hbm>> -> memref<32x512xf32, #tpu.memory_space<hbm>>
    %dma_start3A_8 = arith.constant 0 : i32
    %dma_start3A_9 = tpu.memref_slice %arg4[%add3A_6, %dma_start3A_8] : memref<2048x512xf32, #tpu.memory_space<hbm>> -> memref<32x512xf32, #tpu.memory_space<hbm>>
    tpu.enqueue_dma source(%dma_start3A_9 : memref<32x512xf32, #tpu.memory_space<hbm>>) target(%arg10 : memref<32x512xf32, #tpu.memory_space<vmem>>) target_semaphore(%arg16 : memref<!tpu.dma_semaphore, #tpu.memory_space<semaphore_mem>>)
    %dma_start3A_10 = arith.constant 0 : i32
    %dma_start3A_11 = tpu.memref_slice %arg6[%dma_start3A_10] : memref<256xi32, #tpu.memory_space<vmem>> -> memref<32xi32, #tpu.memory_space<vmem>>
    %dma_start3A_12 = arith.constant 0 : i32
    %dma_start3A_13 = arith.constant 0 : i32
    %dma_start3A_14 = tpu.memref_slice %arg3[%dma_start3A_12, %dma_start3A_13] : memref<774x512xf32, #tpu.memory_space<hbm>> -> memref<774x512xf32, #tpu.memory_space<hbm>>
    tpu.enqueue_indirect_dma source(%dma_start3A_14 : memref<774x512xf32, #tpu.memory_space<hbm>>) target(%arg7 : memref<32x512xf32, #tpu.memory_space<vmem>>) offsets(%dma_start3A_11 : memref<32xi32, #tpu.memory_space<vmem>>) semaphore(%arg13 : memref<!tpu.dma_semaphore, #tpu.memory_space<semaphore_mem>>)
    %add3A_15 = arith.constant 32 : i32
    %add3A_16 = arith.addi %rem3A_4, %add3A_15 : i32
    %dma_start3A_17 = arith.constant 0 : i32
    %dma_start3A_18 = tpu.memref_slice %arg4[%add3A_16, %dma_start3A_17] : memref<2048x512xf32, #tpu.memory_space<hbm>> -> memref<32x512xf32, #tpu.memory_space<hbm>>
    %dma_start3A_19 = arith.constant 0 : i32
    %dma_start3A_20 = tpu.memref_slice %arg4[%add3A_16, %dma_start3A_19] : memref<2048x512xf32, #tpu.memory_space<hbm>> -> memref<32x512xf32, #tpu.memory_space<hbm>>
    tpu.enqueue_dma source(%dma_start3A_20 : memref<32x512xf32, #tpu.memory_space<hbm>>) target(%arg11 : memref<32x512xf32, #tpu.memory_space<vmem>>) target_semaphore(%arg17 : memref<!tpu.dma_semaphore, #tpu.memory_space<semaphore_mem>>)
    %dma_start3A_21 = arith.constant 32 : i32
    %dma_start3A_22 = tpu.memref_slice %arg6[%dma_start3A_21] : memref<256xi32, #tpu.memory_space<vmem>> -> memref<32xi32, #tpu.memory_space<vmem>>
    %dma_start3A_23 = arith.constant 0 : i32
    %dma_start3A_24 = arith.constant 0 : i32
    %dma_start3A_25 = tpu.memref_slice %arg3[%dma_start3A_23, %dma_start3A_24] : memref<774x512xf32, #tpu.memory_space<hbm>> -> memref<774x512xf32, #tpu.memory_space<hbm>>
    tpu.enqueue_indirect_dma source(%dma_start3A_25 : memref<774x512xf32, #tpu.memory_space<hbm>>) target(%arg8 : memref<32x512xf32, #tpu.memory_space<vmem>>) offsets(%dma_start3A_22 : memref<32xi32, #tpu.memory_space<vmem>>) semaphore(%arg14 : memref<!tpu.dma_semaphore, #tpu.memory_space<semaphore_mem>>)
    %dma_wait3A = arith.constant 0 : i32
    %dma_wait3A_26 = tpu.memref_slice %arg6[%dma_wait3A] : memref<256xi32, #tpu.memory_space<vmem>> -> memref<32xi32, #tpu.memory_space<vmem>>
    %dma_wait3A_27 = arith.constant 0 : i32
    %dma_wait3A_28 = arith.constant 0 : i32
    %dma_wait3A_29 = tpu.memref_slice %arg3[%dma_wait3A_27, %dma_wait3A_28] : memref<774x512xf32, #tpu.memory_space<hbm>> -> memref<774x512xf32, #tpu.memory_space<hbm>>
    tpu.wait_indirect_dma semaphore(%arg13 : memref<!tpu.dma_semaphore, #tpu.memory_space<semaphore_mem>>) src(%dma_wait3A_29 : memref<774x512xf32, #tpu.memory_space<hbm>>) dst(%arg7 : memref<32x512xf32, #tpu.memory_space<vmem>>)
    %dma_wait3A_30 = arith.constant 0 : i32
    %dma_wait3A_31 = tpu.memref_slice %arg4[%add3A_6, %dma_wait3A_30] : memref<2048x512xf32, #tpu.memory_space<hbm>> -> memref<32x512xf32, #tpu.memory_space<hbm>>
    %dma_wait3A_32 = arith.constant 0 : i32
    %dma_wait3A_33 = tpu.memref_slice %arg4[%add3A_6, %dma_wait3A_32] : memref<2048x512xf32, #tpu.memory_space<hbm>> -> memref<32x512xf32, #tpu.memory_space<hbm>>
    tpu.wait_dma2 semaphore(%arg16 : memref<!tpu.dma_semaphore, #tpu.memory_space<semaphore_mem>>) src(%dma_wait3A_33 : memref<32x512xf32, #tpu.memory_space<hbm>>) dst(%arg10 : memref<32x512xf32, #tpu.memory_space<vmem>>)
    %scan3A = arith.constant 0 : i32
    %scan3A_34 = arith.constant 0 : i32
    %scan3A_35 = arith.constant 32 : i32
    %scan3A_36 = arith.addi %scan3A_34, %scan3A_35 : i32
    %scan3A_37 = arith.constant 1 : i32
    scf.for %scan3A_322 = %scan3A_34 to %scan3A_36 step %scan3A_37  : i32 {
      %get3A = arith.index_cast %scan3A_322 : i32 to index
      %get3A_323 = arith.constant 0 : index
      %get3A_324 = tpu.vector_load %arg10[%get3A, %get3A_323] {strides = array<i32>} : memref<32x512xf32, #tpu.memory_space<vmem>>, vector<1x16xf32>,
      %get3A_325 = vector.shape_cast %get3A_324 : vector<1x16xf32> to vector<16xf32>
      %swap3A = arith.index_cast %scan3A_322 : i32 to index
      %swap3A_326 = arith.constant 0 : index
      %swap3A_327 = tpu.vector_load %arg7[%swap3A, %swap3A_326] {strides = array<i32>} : memref<32x512xf32, #tpu.memory_space<vmem>>, vector<1x16xf32>,
      %swap3A_328 = vector.shape_cast %swap3A_327 : vector<1x16xf32> to vector<16xf32>
      %swap3A_329 = vector.shape_cast %get3A_325 : vector<16xf32> to vector<1x16xf32>
      tpu.vector_store %arg7[%swap3A, %swap3A_326], %swap3A_329 {add = true, strides = array<i32>} : memref<32x512xf32, #tpu.memory_space<vmem>>, vector<1x16xf32>,
      %get3A_330 = arith.index_cast %scan3A_322 : i32 to index
      %get3A_331 = arith.constant 16 : index
      %get3A_332 = tpu.vector_load %arg10[%get3A_330, %get3A_331] {strides = array<i32>} : memref<32x512xf32, #tpu.memory_space<vmem>>, vector<1x16xf32>,
      %get3A_333 = vector.shape_cast %get3A_332 : vector<1x16xf32> to vector<16xf32>
      %swap3A_334 = arith.index_cast %scan3A_322 : i32 to index
      %swap3A_335 = arith.constant 16 : index
      %swap3A_336 = tpu.vector_load %arg7[%swap3A_334, %swap3A_335] {strides = array<i32>} : memref<32x512xf32, #tpu.memory_space<vmem>>, vector<1x16xf32>,
      %swap3A_337 = vector.shape_cast %swap3A_336 : vector<1x16xf32> to vector<16xf32>
      %swap3A_338 = vector.shape_cast %get3A_333 : vector<16xf32> to vector<1x16xf32>
      tpu.vector_store %arg7[%swap3A_334, %swap3A_335], %swap3A_338 {add = true, strides = array<i32>} : memref<32x512xf32, #tpu.memory_space<vmem>>, vector<1x16xf32>,
      %get3A_339 = arith.index_cast %scan3A_322 : i32 to index
      %get3A_340 = arith.constant 32 : index
      %get3A_341 = tpu.vector_load %arg10[%get3A_339, %get3A_340] {strides = array<i32>} : memref<32x512xf32, #tpu.memory_space<vmem>>, vector<1x16xf32>,
      %get3A_342 = vector.shape_cast %get3A_341 : vector<1x16xf32> to vector<16xf32>
      %swap3A_343 = arith.index_cast %scan3A_322 : i32 to index
      %swap3A_344 = arith.constant 32 : index
      %swap3A_345 = tpu.vector_load %arg7[%swap3A_343, %swap3A_344] {strides = array<i32>} : memref<32x512xf32, #tpu.memory_space<vmem>>, vector<1x16xf32>,
      %swap3A_346 = vector.shape_cast %swap3A_345 : vector<1x16xf32> to vector<16xf32>
      %swap3A_347 = vector.shape_cast %get3A_342 : vector<16xf32> to vector<1x16xf32>
      tpu.vector_store %arg7[%swap3A_343, %swap3A_344], %swap3A_347 {add = true, strides = array<i32>} : memref<32x512xf32, #tpu.memory_space<vmem>>, vector<1x16xf32>,
      %get3A_348 = arith.index_cast %scan3A_322 : i32 to index
      %get3A_349 = arith.constant 48 : index
      %get3A_350 = tpu.vector_load %arg10[%get3A_348, %get3A_349] {strides = array<i32>} : memref<32x512xf32, #tpu.memory_space<vmem>>, vector<1x16xf32>,
      %get3A_351 = vector.shape_cast %get3A_350 : vector<1x16xf32> to vector<16xf32>
      %swap3A_352 = arith.index_cast %scan3A_322 : i32 to index
      %swap3A_353 = arith.constant 48 : index
      %swap3A_354 = tpu.vector_load %arg7[%swap3A_352, %swap3A_353] {strides = array<i32>} : memref<32x512xf32, #tpu.memory_space<vmem>>, vector<1x16xf32>,
      %swap3A_355 = vector.shape_cast %swap3A_354 : vector<1x16xf32> to vector<16xf32>
      %swap3A_356 = vector.shape_cast %get3A_351 : vector<16xf32> to vector<1x16xf32>
      tpu.vector_store %arg7[%swap3A_352, %swap3A_353], %swap3A_356 {add = true, strides = array<i32>} : memref<32x512xf32, #tpu.memory_space<vmem>>, vector<1x16xf32>,
      %get3A_357 = arith.index_cast %scan3A_322 : i32 to index
      %get3A_358 = arith.constant 64 : index
      %get3A_359 = tpu.vector_load %arg10[%get3A_357, %get3A_358] {strides = array<i32>} : memref<32x512xf32, #tpu.memory_space<vmem>>, vector<1x16xf32>,
      %get3A_360 = vector.shape_cast %get3A_359 : vector<1x16xf32> to vector<16xf32>
      %swap3A_361 = arith.index_cast %scan3A_322 : i32 to index
      %swap3A_362 = arith.constant 64 : index
      %swap3A_363 = tpu.vector_load %arg7[%swap3A_361, %swap3A_362] {strides = array<i32>} : memref<32x512xf32, #tpu.memory_space<vmem>>, vector<1x16xf32>,
      %swap3A_364 = vector.shape_cast %swap3A_363 : vector<1x16xf32> to vector<16xf32>
      %swap3A_365 = vector.shape_cast %get3A_360 : vector<16xf32> to vector<1x16xf32>
      tpu.vector_store %arg7[%swap3A_361, %swap3A_362], %swap3A_365 {add = true, strides = array<i32>} : memref<32x512xf32, #tpu.memory_space<vmem>>, vector<1x16xf32>,
      %get3A_366 = arith.index_cast %scan3A_322 : i32 to index
      %get3A_367 = arith.constant 80 : index
      %get3A_368 = tpu.vector_load %arg10[%get3A_366, %get3A_367] {strides = array<i32>} : memref<32x512xf32, #tpu.memory_space<vmem>>, vector<1x16xf32>,
      %get3A_369 = vector.shape_cast %get3A_368 : vector<1x16xf32> to vector<16xf32>
      %swap3A_370 = arith.index_cast %scan3A_322 : i32 to index
      %swap3A_371 = arith.constant 80 : index
      %swap3A_372 = tpu.vector_load %arg7[%swap3A_370, %swap3A_371] {strides = array<i32>} : memref<32x512xf32, #tpu.memory_space<vmem>>, vector<1x16xf32>,
      %swap3A_373 = vector.shape_cast %swap3A_372 : vector<1x16xf32> to vector<16xf32>
      %swap3A_374 = vector.shape_cast %get3A_369 : vector<16xf32> to vector<1x16xf32>
      tpu.vector_store %arg7[%swap3A_370, %swap3A_371], %swap3A_374 {add = true, strides = array<i32>} : memref<32x512xf32, #tpu.memory_space<vmem>>, vector<1x16xf32>,
      %get3A_375 = arith.index_cast %scan3A_322 : i32 to index
      %get3A_376 = arith.constant 96 : index
      %get3A_377 = tpu.vector_load %arg10[%get3A_375, %get3A_376] {strides = array<i32>} : memref<32x512xf32, #tpu.memory_space<vmem>>, vector<1x16xf32>,
      %get3A_378 = vector.shape_cast %get3A_377 : vector<1x16xf32> to vector<16xf32>
      %swap3A_379 = arith.index_cast %scan3A_322 : i32 to index
      %swap3A_380 = arith.constant 96 : index
      %swap3A_381 = tpu.vector_load %arg7[%swap3A_379, %swap3A_380] {strides = array<i32>} : memref<32x512xf32, #tpu.memory_space<vmem>>, vector<1x16xf32>,
      %swap3A_382 = vector.shape_cast %swap3A_381 : vector<1x16xf32> to vector<16xf32>
      %swap3A_383 = vector.shape_cast %get3A_378 : vector<16xf32> to vector<1x16xf32>
      tpu.vector_store %arg7[%swap3A_379, %swap3A_380], %swap3A_383 {add = true, strides = array<i32>} : memref<32x512xf32, #tpu.memory_space<vmem>>, vector<1x16xf32>,
      %get3A_384 = arith.index_cast %scan3A_322 : i32 to index
      %get3A_385 = arith.constant 112 : index
      %get3A_386 = tpu.vector_load %arg10[%get3A_384, %get3A_385] {strides = array<i32>} : memref<32x512xf32, #tpu.memory_space<vmem>>, vector<1x16xf32>,
      %get3A_387 = vector.shape_cast %get3A_386 : vector<1x16xf32> to vector<16xf32>
      %swap3A_388 = arith.index_cast %scan3A_322 : i32 to index
      %swap3A_389 = arith.constant 112 : index
      %swap3A_390 = tpu.vector_load %arg7[%swap3A_388, %swap3A_389] {strides = array<i32>} : memref<32x512xf32, #tpu.memory_space<vmem>>, vector<1x16xf32>,
      %swap3A_391 = vector.shape_cast %swap3A_390 : vector<1x16xf32> to vector<16xf32>
      %swap3A_392 = vector.shape_cast %get3A_387 : vector<16xf32> to vector<1x16xf32>
      tpu.vector_store %arg7[%swap3A_388, %swap3A_389], %swap3A_392 {add = true, strides = array<i32>} : memref<32x512xf32, #tpu.memory_space<vmem>>, vector<1x16xf32>,
      %get3A_393 = arith.index_cast %scan3A_322 : i32 to index
      %get3A_394 = arith.constant 128 : index
      %get3A_395 = tpu.vector_load %arg10[%get3A_393, %get3A_394] {strides = array<i32>} : memref<32x512xf32, #tpu.memory_space<vmem>>, vector<1x16xf32>,
      %get3A_396 = vector.shape_cast %get3A_395 : vector<1x16xf32> to vector<16xf32>
      %swap3A_397 = arith.index_cast %scan3A_322 : i32 to index
      %swap3A_398 = arith.constant 128 : index
      %swap3A_399 = tpu.vector_load %arg7[%swap3A_397, %swap3A_398] {strides = array<i32>} : memref<32x512xf32, #tpu.memory_space<vmem>>, vector<1x16xf32>,
      %swap3A_400 = vector.shape_cast %swap3A_399 : vector<1x16xf32> to vector<16xf32>
      %swap3A_401 = vector.shape_cast %get3A_396 : vector<16xf32> to vector<1x16xf32>
      tpu.vector_store %arg7[%swap3A_397, %swap3A_398], %swap3A_401 {add = true, strides = array<i32>} : memref<32x512xf32, #tpu.memory_space<vmem>>, vector<1x16xf32>,
      %get3A_402 = arith.index_cast %scan3A_322 : i32 to index
      %get3A_403 = arith.constant 144 : index
      %get3A_404 = tpu.vector_load %arg10[%get3A_402, %get3A_403] {strides = array<i32>} : memref<32x512xf32, #tpu.memory_space<vmem>>, vector<1x16xf32>,
      %get3A_405 = vector.shape_cast %get3A_404 : vector<1x16xf32> to vector<16xf32>
      %swap3A_406 = arith.index_cast %scan3A_322 : i32 to index
      %swap3A_407 = arith.constant 144 : index
      %swap3A_408 = tpu.vector_load %arg7[%swap3A_406, %swap3A_407] {strides = array<i32>} : memref<32x512xf32, #tpu.memory_space<vmem>>, vector<1x16xf32>,
      %swap3A_409 = vector.shape_cast %swap3A_408 : vector<1x16xf32> to vector<16xf32>
      %swap3A_410 = vector.shape_cast %get3A_405 : vector<16xf32> to vector<1x16xf32>
      tpu.vector_store %arg7[%swap3A_406, %swap3A_407], %swap3A_410 {add = true, strides = array<i32>} : memref<32x512xf32, #tpu.memory_space<vmem>>, vector<1x16xf32>,
      %get3A_411 = arith.index_cast %scan3A_322 : i32 to index
      %get3A_412 = arith.constant 160 : index
      %get3A_413 = tpu.vector_load %arg10[%get3A_411, %get3A_412] {strides = array<i32>} : memref<32x512xf32, #tpu.memory_space<vmem>>, vector<1x16xf32>,
      %get3A_414 = vector.shape_cast %get3A_413 : vector<1x16xf32> to vector<16xf32>
      %swap3A_415 = arith.index_cast %scan3A_322 : i32 to index
      %swap3A_416 = arith.constant 160 : index
      %swap3A_417 = tpu.vector_load %arg7[%swap3A_415, %swap3A_416] {strides = array<i32>} : memref<32x512xf32, #tpu.memory_space<vmem>>, vector<1x16xf32>,
      %swap3A_418 = vector.shape_cast %swap3A_417 : vector<1x16xf32> to vector<16xf32>
      %swap3A_419 = vector.shape_cast %get3A_414 : vector<16xf32> to vector<1x16xf32>
      tpu.vector_store %arg7[%swap3A_415, %swap3A_416], %swap3A_419 {add = true, strides = array<i32>} : memref<32x512xf32, #tpu.memory_space<vmem>>, vector<1x16xf32>,
      %get3A_420 = arith.index_cast %scan3A_322 : i32 to index
      %get3A_421 = arith.constant 176 : index
      %get3A_422 = tpu.vector_load %arg10[%get3A_420, %get3A_421] {strides = array<i32>} : memref<32x512xf32, #tpu.memory_space<vmem>>, vector<1x16xf32>,
      %get3A_423 = vector.shape_cast %get3A_422 : vector<1x16xf32> to vector<16xf32>
      %swap3A_424 = arith.index_cast %scan3A_322 : i32 to index
      %swap3A_425 = arith.constant 176 : index
      %swap3A_426 = tpu.vector_load %arg7[%swap3A_424, %swap3A_425] {strides = array<i32>} : memref<32x512xf32, #tpu.memory_space<vmem>>, vector<1x16xf32>,
      %swap3A_427 = vector.shape_cast %swap3A_426 : vector<1x16xf32> to vector<16xf32>
      %swap3A_428 = vector.shape_cast %get3A_423 : vector<16xf32> to vector<1x16xf32>
      tpu.vector_store %arg7[%swap3A_424, %swap3A_425], %swap3A_428 {add = true, strides = array<i32>} : memref<32x512xf32, #tpu.memory_space<vmem>>, vector<1x16xf32>,
      %get3A_429 = arith.index_cast %scan3A_322 : i32 to index
      %get3A_430 = arith.constant 192 : index
      %get3A_431 = tpu.vector_load %arg10[%get3A_429, %get3A_430] {strides = array<i32>} : memref<32x512xf32, #tpu.memory_space<vmem>>, vector<1x16xf32>,
      %get3A_432 = vector.shape_cast %get3A_431 : vector<1x16xf32> to vector<16xf32>
      %swap3A_433 = arith.index_cast %scan3A_322 : i32 to index
      %swap3A_434 = arith.constant 192 : index
      %swap3A_435 = tpu.vector_load %arg7[%swap3A_433, %swap3A_434] {strides = array<i32>} : memref<32x512xf32, #tpu.memory_space<vmem>>, vector<1x16xf32>,
      %swap3A_436 = vector.shape_cast %swap3A_435 : vector<1x16xf32> to vector<16xf32>
      %swap3A_437 = vector.shape_cast %get3A_432 : vector<16xf32> to vector<1x16xf32>
      tpu.vector_store %arg7[%swap3A_433, %swap3A_434], %swap3A_437 {add = true, strides = array<i32>} : memref<32x512xf32, #tpu.memory_space<vmem>>, vector<1x16xf32>,
      %get3A_438 = arith.index_cast %scan3A_322 : i32 to index
      %get3A_439 = arith.constant 208 : index
      %get3A_440 = tpu.vector_load %arg10[%get3A_438, %get3A_439] {strides = array<i32>} : memref<32x512xf32, #tpu.memory_space<vmem>>, vector<1x16xf32>,
      %get3A_441 = vector.shape_cast %get3A_440 : vector<1x16xf32> to vector<16xf32>
      %swap3A_442 = arith.index_cast %scan3A_322 : i32 to index
      %swap3A_443 = arith.constant 208 : index
      %swap3A_444 = tpu.vector_load %arg7[%swap3A_442, %swap3A_443] {strides = array<i32>} : memref<32x512xf32, #tpu.memory_space<vmem>>, vector<1x16xf32>,
      %swap3A_445 = vector.shape_cast %swap3A_444 : vector<1x16xf32> to vector<16xf32>
      %swap3A_446 = vector.shape_cast %get3A_441 : vector<16xf32> to vector<1x16xf32>
      tpu.vector_store %arg7[%swap3A_442, %swap3A_443], %swap3A_446 {add = true, strides = array<i32>} : memref<32x512xf32, #tpu.memory_space<vmem>>, vector<1x16xf32>,
      %get3A_447 = arith.index_cast %scan3A_322 : i32 to index
      %get3A_448 = arith.constant 224 : index
      %get3A_449 = tpu.vector_load %arg10[%get3A_447, %get3A_448] {strides = array<i32>} : memref<32x512xf32, #tpu.memory_space<vmem>>, vector<1x16xf32>,
      %get3A_450 = vector.shape_cast %get3A_449 : vector<1x16xf32> to vector<16xf32>
      %swap3A_451 = arith.index_cast %scan3A_322 : i32 to index
      %swap3A_452 = arith.constant 224 : index
      %swap3A_453 = tpu.vector_load %arg7[%swap3A_451, %swap3A_452] {strides = array<i32>} : memref<32x512xf32, #tpu.memory_space<vmem>>, vector<1x16xf32>,
      %swap3A_454 = vector.shape_cast %swap3A_453 : vector<1x16xf32> to vector<16xf32>
      %swap3A_455 = vector.shape_cast %get3A_450 : vector<16xf32> to vector<1x16xf32>
      tpu.vector_store %arg7[%swap3A_451, %swap3A_452], %swap3A_455 {add = true, strides = array<i32>} : memref<32x512xf32, #tpu.memory_space<vmem>>, vector<1x16xf32>,
      %get3A_456 = arith.index_cast %scan3A_322 : i32 to index
      %get3A_457 = arith.constant 240 : index
      %get3A_458 = tpu.vector_load %arg10[%get3A_456, %get3A_457] {strides = array<i32>} : memref<32x512xf32, #tpu.memory_space<vmem>>, vector<1x16xf32>,
      %get3A_459 = vector.shape_cast %get3A_458 : vector<1x16xf32> to vector<16xf32>
      %swap3A_460 = arith.index_cast %scan3A_322 : i32 to index
      %swap3A_461 = arith.constant 240 : index
      %swap3A_462 = tpu.vector_load %arg7[%swap3A_460, %swap3A_461] {strides = array<i32>} : memref<32x512xf32, #tpu.memory_space<vmem>>, vector<1x16xf32>,
      %swap3A_463 = vector.shape_cast %swap3A_462 : vector<1x16xf32> to vector<16xf32>
      %swap3A_464 = vector.shape_cast %get3A_459 : vector<16xf32> to vector<1x16xf32>
      tpu.vector_store %arg7[%swap3A_460, %swap3A_461], %swap3A_464 {add = true, strides = array<i32>} : memref<32x512xf32, #tpu.memory_space<vmem>>, vector<1x16xf32>,
      %get3A_465 = arith.index_cast %scan3A_322 : i32 to index
      %get3A_466 = arith.constant 256 : index
      %get3A_467 = tpu.vector_load %arg10[%get3A_465, %get3A_466] {strides = array<i32>} : memref<32x512xf32, #tpu.memory_space<vmem>>, vector<1x16xf32>,
      %get3A_468 = vector.shape_cast %get3A_467 : vector<1x16xf32> to vector<16xf32>
      %swap3A_469 = arith.index_cast %scan3A_322 : i32 to index
      %swap3A_470 = arith.constant 256 : index
      %swap3A_471 = tpu.vector_load %arg7[%swap3A_469, %swap3A_470] {strides = array<i32>} : memref<32x512xf32, #tpu.memory_space<vmem>>, vector<1x16xf32>,
      %swap3A_472 = vector.shape_cast %swap3A_471 : vector<1x16xf32> to vector<16xf32>
      %swap3A_473 = vector.shape_cast %get3A_468 : vector<16xf32> to vector<1x16xf32>
      tpu.vector_store %arg7[%swap3A_469, %swap3A_470], %swap3A_473 {add = true, strides = array<i32>} : memref<32x512xf32, #tpu.memory_space<vmem>>, vector<1x16xf32>,
      %get3A_474 = arith.index_cast %scan3A_322 : i32 to index
      %get3A_475 = arith.constant 272 : index
      %get3A_476 = tpu.vector_load %arg10[%get3A_474, %get3A_475] {strides = array<i32>} : memref<32x512xf32, #tpu.memory_space<vmem>>, vector<1x16xf32>,
      %get3A_477 = vector.shape_cast %get3A_476 : vector<1x16xf32> to vector<16xf32>
      %swap3A_478 = arith.index_cast %scan3A_322 : i32 to index
      %swap3A_479 = arith.constant 272 : index
      %swap3A_480 = tpu.vector_load %arg7[%swap3A_478, %swap3A_479] {strides = array<i32>} : memref<32x512xf32, #tpu.memory_space<vmem>>, vector<1x16xf32>,
      %swap3A_481 = vector.shape_cast %swap3A_480 : vector<1x16xf32> to vector<16xf32>
      %swap3A_482 = vector.shape_cast %get3A_477 : vector<16xf32> to vector<1x16xf32>
      tpu.vector_store %arg7[%swap3A_478, %swap3A_479], %swap3A_482 {add = true, strides = array<i32>} : memref<32x512xf32, #tpu.memory_space<vmem>>, vector<1x16xf32>,
      %get3A_483 = arith.index_cast %scan3A_322 : i32 to index
      %get3A_484 = arith.constant 288 : index
      %get3A_485 = tpu.vector_load %arg10[%get3A_483, %get3A_484] {strides = array<i32>} : memref<32x512xf32, #tpu.memory_space<vmem>>, vector<1x16xf32>,
      %get3A_486 = vector.shape_cast %get3A_485 : vector<1x16xf32> to vector<16xf32>
      %swap3A_487 = arith.index_cast %scan3A_322 : i32 to index
      %swap3A_488 = arith.constant 288 : index
      %swap3A_489 = tpu.vector_load %arg7[%swap3A_487, %swap3A_488] {strides = array<i32>} : memref<32x512xf32, #tpu.memory_space<vmem>>, vector<1x16xf32>,
      %swap3A_490 = vector.shape_cast %swap3A_489 : vector<1x16xf32> to vector<16xf32>
      %swap3A_491 = vector.shape_cast %get3A_486 : vector<16xf32> to vector<1x16xf32>
      tpu.vector_store %arg7[%swap3A_487, %swap3A_488], %swap3A_491 {add = true, strides = array<i32>} : memref<32x512xf32, #tpu.memory_space<vmem>>, vector<1x16xf32>,
      %get3A_492 = arith.index_cast %scan3A_322 : i32 to index
      %get3A_493 = arith.constant 304 : index
      %get3A_494 = tpu.vector_load %arg10[%get3A_492, %get3A_493] {strides = array<i32>} : memref<32x512xf32, #tpu.memory_space<vmem>>, vector<1x16xf32>,
      %get3A_495 = vector.shape_cast %get3A_494 : vector<1x16xf32> to vector<16xf32>
      %swap3A_496 = arith.index_cast %scan3A_322 : i32 to index
      %swap3A_497 = arith.constant 304 : index
      %swap3A_498 = tpu.vector_load %arg7[%swap3A_496, %swap3A_497] {strides = array<i32>} : memref<32x512xf32, #tpu.memory_space<vmem>>, vector<1x16xf32>,
      %swap3A_499 = vector.shape_cast %swap3A_498 : vector<1x16xf32> to vector<16xf32>
      %swap3A_500 = vector.shape_cast %get3A_495 : vector<16xf32> to vector<1x16xf32>
      tpu.vector_store %arg7[%swap3A_496, %swap3A_497], %swap3A_500 {add = true, strides = array<i32>} : memref<32x512xf32, #tpu.memory_space<vmem>>, vector<1x16xf32>,
      %get3A_501 = arith.index_cast %scan3A_322 : i32 to index
      %get3A_502 = arith.constant 320 : index
      %get3A_503 = tpu.vector_load %arg10[%get3A_501, %get3A_502] {strides = array<i32>} : memref<32x512xf32, #tpu.memory_space<vmem>>, vector<1x16xf32>,
      %get3A_504 = vector.shape_cast %get3A_503 : vector<1x16xf32> to vector<16xf32>
      %swap3A_505 = arith.index_cast %scan3A_322 : i32 to index
      %swap3A_506 = arith.constant 320 : index
      %swap3A_507 = tpu.vector_load %arg7[%swap3A_505, %swap3A_506] {strides = array<i32>} : memref<32x512xf32, #tpu.memory_space<vmem>>, vector<1x16xf32>,
      %swap3A_508 = vector.shape_cast %swap3A_507 : vector<1x16xf32> to vector<16xf32>
      %swap3A_509 = vector.shape_cast %get3A_504 : vector<16xf32> to vector<1x16xf32>
      tpu.vector_store %arg7[%swap3A_505, %swap3A_506], %swap3A_509 {add = true, strides = array<i32>} : memref<32x512xf32, #tpu.memory_space<vmem>>, vector<1x16xf32>,
      %get3A_510 = arith.index_cast %scan3A_322 : i32 to index
      %get3A_511 = arith.constant 336 : index
      %get3A_512 = tpu.vector_load %arg10[%get3A_510, %get3A_511] {strides = array<i32>} : memref<32x512xf32, #tpu.memory_space<vmem>>, vector<1x16xf32>,
      %get3A_513 = vector.shape_cast %get3A_512 : vector<1x16xf32> to vector<16xf32>
      %swap3A_514 = arith.index_cast %scan3A_322 : i32 to index
      %swap3A_515 = arith.constant 336 : index
      %swap3A_516 = tpu.vector_load %arg7[%swap3A_514, %swap3A_515] {strides = array<i32>} : memref<32x512xf32, #tpu.memory_space<vmem>>, vector<1x16xf32>,
      %swap3A_517 = vector.shape_cast %swap3A_516 : vector<1x16xf32> to vector<16xf32>
      %swap3A_518 = vector.shape_cast %get3A_513 : vector<16xf32> to vector<1x16xf32>
      tpu.vector_store %arg7[%swap3A_514, %swap3A_515], %swap3A_518 {add = true, strides = array<i32>} : memref<32x512xf32, #tpu.memory_space<vmem>>, vector<1x16xf32>,
      %get3A_519 = arith.index_cast %scan3A_322 : i32 to index
      %get3A_520 = arith.constant 352 : index
      %get3A_521 = tpu.vector_load %arg10[%get3A_519, %get3A_520] {strides = array<i32>} : memref<32x512xf32, #tpu.memory_space<vmem>>, vector<1x16xf32>,
      %get3A_522 = vector.shape_cast %get3A_521 : vector<1x16xf32> to vector<16xf32>
      %swap3A_523 = arith.index_cast %scan3A_322 : i32 to index
      %swap3A_524 = arith.constant 352 : index
      %swap3A_525 = tpu.vector_load %arg7[%swap3A_523, %swap3A_524] {strides = array<i32>} : memref<32x512xf32, #tpu.memory_space<vmem>>, vector<1x16xf32>,
      %swap3A_526 = vector.shape_cast %swap3A_525 : vector<1x16xf32> to vector<16xf32>
      %swap3A_527 = vector.shape_cast %get3A_522 : vector<16xf32> to vector<1x16xf32>
      tpu.vector_store %arg7[%swap3A_523, %swap3A_524], %swap3A_527 {add = true, strides = array<i32>} : memref<32x512xf32, #tpu.memory_space<vmem>>, vector<1x16xf32>,
      %get3A_528 = arith.index_cast %scan3A_322 : i32 to index
      %get3A_529 = arith.constant 368 : index
      %get3A_530 = tpu.vector_load %arg10[%get3A_528, %get3A_529] {strides = array<i32>} : memref<32x512xf32, #tpu.memory_space<vmem>>, vector<1x16xf32>,
      %get3A_531 = vector.shape_cast %get3A_530 : vector<1x16xf32> to vector<16xf32>
      %swap3A_532 = arith.index_cast %scan3A_322 : i32 to index
      %swap3A_533 = arith.constant 368 : index
      %swap3A_534 = tpu.vector_load %arg7[%swap3A_532, %swap3A_533] {strides = array<i32>} : memref<32x512xf32, #tpu.memory_space<vmem>>, vector<1x16xf32>,
      %swap3A_535 = vector.shape_cast %swap3A_534 : vector<1x16xf32> to vector<16xf32>
      %swap3A_536 = vector.shape_cast %get3A_531 : vector<16xf32> to vector<1x16xf32>
      tpu.vector_store %arg7[%swap3A_532, %swap3A_533], %swap3A_536 {add = true, strides = array<i32>} : memref<32x512xf32, #tpu.memory_space<vmem>>, vector<1x16xf32>,
      %get3A_537 = arith.index_cast %scan3A_322 : i32 to index
      %get3A_538 = arith.constant 384 : index
      %get3A_539 = tpu.vector_load %arg10[%get3A_537, %get3A_538] {strides = array<i32>} : memref<32x512xf32, #tpu.memory_space<vmem>>, vector<1x16xf32>,
      %get3A_540 = vector.shape_cast %get3A_539 : vector<1x16xf32> to vector<16xf32>
      %swap3A_541 = arith.index_cast %scan3A_322 : i32 to index
      %swap3A_542 = arith.constant 384 : index
      %swap3A_543 = tpu.vector_load %arg7[%swap3A_541, %swap3A_542] {strides = array<i32>} : memref<32x512xf32, #tpu.memory_space<vmem>>, vector<1x16xf32>,
      %swap3A_544 = vector.shape_cast %swap3A_543 : vector<1x16xf32> to vector<16xf32>
      %swap3A_545 = vector.shape_cast %get3A_540 : vector<16xf32> to vector<1x16xf32>
      tpu.vector_store %arg7[%swap3A_541, %swap3A_542], %swap3A_545 {add = true, strides = array<i32>} : memref<32x512xf32, #tpu.memory_space<vmem>>, vector<1x16xf32>,
      %get3A_546 = arith.index_cast %scan3A_322 : i32 to index
      %get3A_547 = arith.constant 400 : index
      %get3A_548 = tpu.vector_load %arg10[%get3A_546, %get3A_547] {strides = array<i32>} : memref<32x512xf32, #tpu.memory_space<vmem>>, vector<1x16xf32>,
      %get3A_549 = vector.shape_cast %get3A_548 : vector<1x16xf32> to vector<16xf32>
      %swap3A_550 = arith.index_cast %scan3A_322 : i32 to index
      %swap3A_551 = arith.constant 400 : index
      %swap3A_552 = tpu.vector_load %arg7[%swap3A_550, %swap3A_551] {strides = array<i32>} : memref<32x512xf32, #tpu.memory_space<vmem>>, vector<1x16xf32>,
      %swap3A_553 = vector.shape_cast %swap3A_552 : vector<1x16xf32> to vector<16xf32>
      %swap3A_554 = vector.shape_cast %get3A_549 : vector<16xf32> to vector<1x16xf32>
      tpu.vector_store %arg7[%swap3A_550, %swap3A_551], %swap3A_554 {add = true, strides = array<i32>} : memref<32x512xf32, #tpu.memory_space<vmem>>, vector<1x16xf32>,
      %get3A_555 = arith.index_cast %scan3A_322 : i32 to index
      %get3A_556 = arith.constant 416 : index
      %get3A_557 = tpu.vector_load %arg10[%get3A_555, %get3A_556] {strides = array<i32>} : memref<32x512xf32, #tpu.memory_space<vmem>>, vector<1x16xf32>,
      %get3A_558 = vector.shape_cast %get3A_557 : vector<1x16xf32> to vector<16xf32>
      %swap3A_559 = arith.index_cast %scan3A_322 : i32 to index
      %swap3A_560 = arith.constant 416 : index
      %swap3A_561 = tpu.vector_load %arg7[%swap3A_559, %swap3A_560] {strides = array<i32>} : memref<32x512xf32, #tpu.memory_space<vmem>>, vector<1x16xf32>,
      %swap3A_562 = vector.shape_cast %swap3A_561 : vector<1x16xf32> to vector<16xf32>
      %swap3A_563 = vector.shape_cast %get3A_558 : vector<16xf32> to vector<1x16xf32>
      tpu.vector_store %arg7[%swap3A_559, %swap3A_560], %swap3A_563 {add = true, strides = array<i32>} : memref<32x512xf32, #tpu.memory_space<vmem>>, vector<1x16xf32>,
      %get3A_564 = arith.index_cast %scan3A_322 : i32 to index
      %get3A_565 = arith.constant 432 : index
      %get3A_566 = tpu.vector_load %arg10[%get3A_564, %get3A_565] {strides = array<i32>} : memref<32x512xf32, #tpu.memory_space<vmem>>, vector<1x16xf32>,
      %get3A_567 = vector.shape_cast %get3A_566 : vector<1x16xf32> to vector<16xf32>
      %swap3A_568 = arith.index_cast %scan3A_322 : i32 to index
      %swap3A_569 = arith.constant 432 : index
      %swap3A_570 = tpu.vector_load %arg7[%swap3A_568, %swap3A_569] {strides = array<i32>} : memref<32x512xf32, #tpu.memory_space<vmem>>, vector<1x16xf32>,
      %swap3A_571 = vector.shape_cast %swap3A_570 : vector<1x16xf32> to vector<16xf32>
      %swap3A_572 = vector.shape_cast %get3A_567 : vector<16xf32> to vector<1x16xf32>
      tpu.vector_store %arg7[%swap3A_568, %swap3A_569], %swap3A_572 {add = true, strides = array<i32>} : memref<32x512xf32, #tpu.memory_space<vmem>>, vector<1x16xf32>,
      %get3A_573 = arith.index_cast %scan3A_322 : i32 to index
      %get3A_574 = arith.constant 448 : index
      %get3A_575 = tpu.vector_load %arg10[%get3A_573, %get3A_574] {strides = array<i32>} : memref<32x512xf32, #tpu.memory_space<vmem>>, vector<1x16xf32>,
      %get3A_576 = vector.shape_cast %get3A_575 : vector<1x16xf32> to vector<16xf32>
      %swap3A_577 = arith.index_cast %scan3A_322 : i32 to index
      %swap3A_578 = arith.constant 448 : index
      %swap3A_579 = tpu.vector_load %arg7[%swap3A_577, %swap3A_578] {strides = array<i32>} : memref<32x512xf32, #tpu.memory_space<vmem>>, vector<1x16xf32>,
      %swap3A_580 = vector.shape_cast %swap3A_579 : vector<1x16xf32> to vector<16xf32>
      %swap3A_581 = vector.shape_cast %get3A_576 : vector<16xf32> to vector<1x16xf32>
      tpu.vector_store %arg7[%swap3A_577, %swap3A_578], %swap3A_581 {add = true, strides = array<i32>} : memref<32x512xf32, #tpu.memory_space<vmem>>, vector<1x16xf32>,
      %get3A_582 = arith.index_cast %scan3A_322 : i32 to index
      %get3A_583 = arith.constant 464 : index
      %get3A_584 = tpu.vector_load %arg10[%get3A_582, %get3A_583] {strides = array<i32>} : memref<32x512xf32, #tpu.memory_space<vmem>>, vector<1x16xf32>,
      %get3A_585 = vector.shape_cast %get3A_584 : vector<1x16xf32> to vector<16xf32>
      %swap3A_586 = arith.index_cast %scan3A_322 : i32 to index
      %swap3A_587 = arith.constant 464 : index
      %swap3A_588 = tpu.vector_load %arg7[%swap3A_586, %swap3A_587] {strides = array<i32>} : memref<32x512xf32, #tpu.memory_space<vmem>>, vector<1x16xf32>,
      %swap3A_589 = vector.shape_cast %swap3A_588 : vector<1x16xf32> to vector<16xf32>
      %swap3A_590 = vector.shape_cast %get3A_585 : vector<16xf32> to vector<1x16xf32>
      tpu.vector_store %arg7[%swap3A_586, %swap3A_587], %swap3A_590 {add = true, strides = array<i32>} : memref<32x512xf32, #tpu.memory_space<vmem>>, vector<1x16xf32>,
      %get3A_591 = arith.index_cast %scan3A_322 : i32 to index
      %get3A_592 = arith.constant 480 : index
      %get3A_593 = tpu.vector_load %arg10[%get3A_591, %get3A_592] {strides = array<i32>} : memref<32x512xf32, #tpu.memory_space<vmem>>, vector<1x16xf32>,
      %get3A_594 = vector.shape_cast %get3A_593 : vector<1x16xf32> to vector<16xf32>
      %swap3A_595 = arith.index_cast %scan3A_322 : i32 to index
      %swap3A_596 = arith.constant 480 : index
      %swap3A_597 = tpu.vector_load %arg7[%swap3A_595, %swap3A_596] {strides = array<i32>} : memref<32x512xf32, #tpu.memory_space<vmem>>, vector<1x16xf32>,
      %swap3A_598 = vector.shape_cast %swap3A_597 : vector<1x16xf32> to vector<16xf32>
      %swap3A_599 = vector.shape_cast %get3A_594 : vector<16xf32> to vector<1x16xf32>
      tpu.vector_store %arg7[%swap3A_595, %swap3A_596], %swap3A_599 {add = true, strides = array<i32>} : memref<32x512xf32, #tpu.memory_space<vmem>>, vector<1x16xf32>,
      %get3A_600 = arith.index_cast %scan3A_322 : i32 to index
      %get3A_601 = arith.constant 496 : index
      %get3A_602 = tpu.vector_load %arg10[%get3A_600, %get3A_601] {strides = array<i32>} : memref<32x512xf32, #tpu.memory_space<vmem>>, vector<1x16xf32>,
      %get3A_603 = vector.shape_cast %get3A_602 : vector<1x16xf32> to vector<16xf32>
      %swap3A_604 = arith.index_cast %scan3A_322 : i32 to index
      %swap3A_605 = arith.constant 496 : index
      %swap3A_606 = tpu.vector_load %arg7[%swap3A_604, %swap3A_605] {strides = array<i32>} : memref<32x512xf32, #tpu.memory_space<vmem>>, vector<1x16xf32>,
      %swap3A_607 = vector.shape_cast %swap3A_606 : vector<1x16xf32> to vector<16xf32>
      %swap3A_608 = vector.shape_cast %get3A_603 : vector<16xf32> to vector<1x16xf32>
      tpu.vector_store %arg7[%swap3A_604, %swap3A_605], %swap3A_608 {add = true, strides = array<i32>} : memref<32x512xf32, #tpu.memory_space<vmem>>, vector<1x16xf32>,
    }
    %scan3A_38 = arith.constant 32 : i32
    %add3A_39 = arith.constant 0 : i32
    %add3A_40 = arith.addi %rem3A_4, %add3A_39 : i32
    %dma_start3A_41 = arith.constant 0 : i32
    %dma_start3A_42 = tpu.memref_slice %arg5[%div3A_3, %add3A_40, %dma_start3A_41] : memref<4x2048x512xf32, #tpu.memory_space<hbm>> -> memref<1x32x512xf32, #tpu.memory_space<hbm>>
    %dma_start3A_43 = tpu.memref_squeeze %dma_start3A_42 : memref<1x32x512xf32, #tpu.memory_space<hbm>> -> memref<32x512xf32, #tpu.memory_space<hbm>>
    %dma_start3A_44 = arith.constant 0 : i32
    %dma_start3A_45 = tpu.memref_slice %arg5[%div3A_3, %add3A_40, %dma_start3A_44] : memref<4x2048x512xf32, #tpu.memory_space<hbm>> -> memref<1x32x512xf32, #tpu.memory_space<hbm>>
    %dma_start3A_46 = tpu.memref_squeeze %dma_start3A_45 : memref<1x32x512xf32, #tpu.memory_space<hbm>> -> memref<32x512xf32, #tpu.memory_space<hbm>>
    tpu.enqueue_dma source(%arg7 : memref<32x512xf32, #tpu.memory_space<vmem>>) target(%dma_start3A_46 : memref<32x512xf32, #tpu.memory_space<hbm>>) target_semaphore(%arg19 : memref<!tpu.dma_semaphore, #tpu.memory_space<semaphore_mem>>)
    %add3A_47 = arith.constant 64 : i32
    %add3A_48 = arith.addi %rem3A_4, %add3A_47 : i32
    %dma_start3A_49 = arith.constant 0 : i32
    %dma_start3A_50 = tpu.memref_slice %arg4[%add3A_48, %dma_start3A_49] : memref<2048x512xf32, #tpu.memory_space<hbm>> -> memref<32x512xf32, #tpu.memory_space<hbm>>
    %dma_start3A_51 = arith.constant 0 : i32
    %dma_start3A_52 = tpu.memref_slice %arg4[%add3A_48, %dma_start3A_51] : memref<2048x512xf32, #tpu.memory_space<hbm>> -> memref<32x512xf32, #tpu.memory_space<hbm>>
    tpu.enqueue_dma source(%dma_start3A_52 : memref<32x512xf32, #tpu.memory_space<hbm>>) target(%arg12 : memref<32x512xf32, #tpu.memory_space<vmem>>) target_semaphore(%arg18 : memref<!tpu.dma_semaphore, #tpu.memory_space<semaphore_mem>>)
    %dma_start3A_53 = arith.constant 64 : i32
    %dma_start3A_54 = tpu.memref_slice %arg6[%dma_start3A_53] : memref<256xi32, #tpu.memory_space<vmem>> -> memref<32xi32, #tpu.memory_space<vmem>>
    %dma_start3A_55 = arith.constant 0 : i32
    %dma_start3A_56 = arith.constant 0 : i32
    %dma_start3A_57 = tpu.memref_slice %arg3[%dma_start3A_55, %dma_start3A_56] : memref<774x512xf32, #tpu.memory_space<hbm>> -> memref<774x512xf32, #tpu.memory_space<hbm>>
    tpu.enqueue_indirect_dma source(%dma_start3A_57 : memref<774x512xf32, #tpu.memory_space<hbm>>) target(%arg9 : memref<32x512xf32, #tpu.memory_space<vmem>>) offsets(%dma_start3A_54 : memref<32xi32, #tpu.memory_space<vmem>>) semaphore(%arg15 : memref<!tpu.dma_semaphore, #tpu.memory_space<semaphore_mem>>)
    %dma_wait3A_58 = arith.constant 32 : i32
    %dma_wait3A_59 = tpu.memref_slice %arg6[%dma_wait3A_58] : memref<256xi32, #tpu.memory_space<vmem>> -> memref<32xi32, #tpu.memory_space<vmem>>
    %dma_wait3A_60 = arith.constant 0 : i32
    %dma_wait3A_61 = arith.constant 0 : i32
    %dma_wait3A_62 = tpu.memref_slice %arg3[%dma_wait3A_60, %dma_wait3A_61] : memref<774x512xf32, #tpu.memory_space<hbm>> -> memref<774x512xf32, #tpu.memory_space<hbm>>
    tpu.wait_indirect_dma semaphore(%arg14 : memref<!tpu.dma_semaphore, #tpu.memory_space<semaphore_mem>>) src(%dma_wait3A_62 : memref<774x512xf32, #tpu.memory_space<hbm>>) dst(%arg8 : memref<32x512xf32, #tpu.memory_space<vmem>>)
    %dma_wait3A_63 = arith.constant 0 : i32
    %dma_wait3A_64 = tpu.memref_slice %arg4[%add3A_16, %dma_wait3A_63] : memref<2048x512xf32, #tpu.memory_space<hbm>> -> memref<32x512xf32, #tpu.memory_space<hbm>>
    %dma_wait3A_65 = arith.constant 0 : i32
    %dma_wait3A_66 = tpu.memref_slice %arg4[%add3A_16, %dma_wait3A_65] : memref<2048x512xf32, #tpu.memory_space<hbm>> -> memref<32x512xf32, #tpu.memory_space<hbm>>
    tpu.wait_dma2 semaphore(%arg17 : memref<!tpu.dma_semaphore, #tpu.memory_space<semaphore_mem>>) src(%dma_wait3A_66 : memref<32x512xf32, #tpu.memory_space<hbm>>) dst(%arg11 : memref<32x512xf32, #tpu.memory_space<vmem>>)
    %scan3A_67 = arith.constant 0 : i32
    %scan3A_68 = arith.constant 0 : i32
    %scan3A_69 = arith.constant 32 : i32
    %scan3A_70 = arith.addi %scan3A_68, %scan3A_69 : i32
    %scan3A_71 = arith.constant 1 : i32
    scf.for %scan3A_322 = %scan3A_68 to %scan3A_70 step %scan3A_71  : i32 {
      %get3A = arith.index_cast %scan3A_322 : i32 to index
      %get3A_323 = arith.constant 0 : index
      %get3A_324 = tpu.vector_load %arg11[%get3A, %get3A_323] {strides = array<i32>} : memref<32x512xf32, #tpu.memory_space<vmem>>, vector<1x16xf32>,
      %get3A_325 = vector.shape_cast %get3A_324 : vector<1x16xf32> to vector<16xf32>
      %swap3A = arith.index_cast %scan3A_322 : i32 to index
      %swap3A_326 = arith.constant 0 : index
      %swap3A_327 = tpu.vector_load %arg8[%swap3A, %swap3A_326] {strides = array<i32>} : memref<32x512xf32, #tpu.memory_space<vmem>>, vector<1x16xf32>,
      %swap3A_328 = vector.shape_cast %swap3A_327 : vector<1x16xf32> to vector<16xf32>
      %swap3A_329 = vector.shape_cast %get3A_325 : vector<16xf32> to vector<1x16xf32>
      tpu.vector_store %arg8[%swap3A, %swap3A_326], %swap3A_329 {add = true, strides = array<i32>} : memref<32x512xf32, #tpu.memory_space<vmem>>, vector<1x16xf32>,
      %get3A_330 = arith.index_cast %scan3A_322 : i32 to index
      %get3A_331 = arith.constant 16 : index
      %get3A_332 = tpu.vector_load %arg11[%get3A_330, %get3A_331] {strides = array<i32>} : memref<32x512xf32, #tpu.memory_space<vmem>>, vector<1x16xf32>,
      %get3A_333 = vector.shape_cast %get3A_332 : vector<1x16xf32> to vector<16xf32>
      %swap3A_334 = arith.index_cast %scan3A_322 : i32 to index
      %swap3A_335 = arith.constant 16 : index
      %swap3A_336 = tpu.vector_load %arg8[%swap3A_334, %swap3A_335] {strides = array<i32>} : memref<32x512xf32, #tpu.memory_space<vmem>>, vector<1x16xf32>,
      %swap3A_337 = vector.shape_cast %swap3A_336 : vector<1x16xf32> to vector<16xf32>
      %swap3A_338 = vector.shape_cast %get3A_333 : vector<16xf32> to vector<1x16xf32>
      tpu.vector_store %arg8[%swap3A_334, %swap3A_335], %swap3A_338 {add = true, strides = array<i32>} : memref<32x512xf32, #tpu.memory_space<vmem>>, vector<1x16xf32>,
      %get3A_339 = arith.index_cast %scan3A_322 : i32 to index
      %get3A_340 = arith.constant 32 : index
      %get3A_341 = tpu.vector_load %arg11[%get3A_339, %get3A_340] {strides = array<i32>} : memref<32x512xf32, #tpu.memory_space<vmem>>, vector<1x16xf32>,
      %get3A_342 = vector.shape_cast %get3A_341 : vector<1x16xf32> to vector<16xf32>
      %swap3A_343 = arith.index_cast %scan3A_322 : i32 to index
      %swap3A_344 = arith.constant 32 : index
      %swap3A_345 = tpu.vector_load %arg8[%swap3A_343, %swap3A_344] {strides = array<i32>} : memref<32x512xf32, #tpu.memory_space<vmem>>, vector<1x16xf32>,
      %swap3A_346 = vector.shape_cast %swap3A_345 : vector<1x16xf32> to vector<16xf32>
      %swap3A_347 = vector.shape_cast %get3A_342 : vector<16xf32> to vector<1x16xf32>
      tpu.vector_store %arg8[%swap3A_343, %swap3A_344], %swap3A_347 {add = true, strides = array<i32>} : memref<32x512xf32, #tpu.memory_space<vmem>>, vector<1x16xf32>,
      %get3A_348 = arith.index_cast %scan3A_322 : i32 to index
      %get3A_349 = arith.constant 48 : index
      %get3A_350 = tpu.vector_load %arg11[%get3A_348, %get3A_349] {strides = array<i32>} : memref<32x512xf32, #tpu.memory_space<vmem>>, vector<1x16xf32>,
      %get3A_351 = vector.shape_cast %get3A_350 : vector<1x16xf32> to vector<16xf32>
      %swap3A_352 = arith.index_cast %scan3A_322 : i32 to index
      %swap3A_353 = arith.constant 48 : index
      %swap3A_354 = tpu.vector_load %arg8[%swap3A_352, %swap3A_353] {strides = array<i32>} : memref<32x512xf32, #tpu.memory_space<vmem>>, vector<1x16xf32>,
      %swap3A_355 = vector.shape_cast %swap3A_354 : vector<1x16xf32> to vector<16xf32>
      %swap3A_356 = vector.shape_cast %get3A_351 : vector<16xf32> to vector<1x16xf32>
      tpu.vector_store %arg8[%swap3A_352, %swap3A_353], %swap3A_356 {add = true, strides = array<i32>} : memref<32x512xf32, #tpu.memory_space<vmem>>, vector<1x16xf32>,
      %get3A_357 = arith.index_cast %scan3A_322 : i32 to index
      %get3A_358 = arith.constant 64 : index
      %get3A_359 = tpu.vector_load %arg11[%get3A_357, %get3A_358] {strides = array<i32>} : memref<32x512xf32, #tpu.memory_space<vmem>>, vector<1x16xf32>,
      %get3A_360 = vector.shape_cast %get3A_359 : vector<1x16xf32> to vector<16xf32>
      %swap3A_361 = arith.index_cast %scan3A_322 : i32 to index
      %swap3A_362 = arith.constant 64 : index
      %swap3A_363 = tpu.vector_load %arg8[%swap3A_361, %swap3A_362] {strides = array<i32>} : memref<32x512xf32, #tpu.memory_space<vmem>>, vector<1x16xf32>,
      %swap3A_364 = vector.shape_cast %swap3A_363 : vector<1x16xf32> to vector<16xf32>
      %swap3A_365 = vector.shape_cast %get3A_360 : vector<16xf32> to vector<1x16xf32>
      tpu.vector_store %arg8[%swap3A_361, %swap3A_362], %swap3A_365 {add = true, strides = array<i32>} : memref<32x512xf32, #tpu.memory_space<vmem>>, vector<1x16xf32>,
      %get3A_366 = arith.index_cast %scan3A_322 : i32 to index
      %get3A_367 = arith.constant 80 : index
      %get3A_368 = tpu.vector_load %arg11[%get3A_366, %get3A_367] {strides = array<i32>} : memref<32x512xf32, #tpu.memory_space<vmem>>, vector<1x16xf32>,
      %get3A_369 = vector.shape_cast %get3A_368 : vector<1x16xf32> to vector<16xf32>
      %swap3A_370 = arith.index_cast %scan3A_322 : i32 to index
      %swap3A_371 = arith.constant 80 : index
      %swap3A_372 = tpu.vector_load %arg8[%swap3A_370, %swap3A_371] {strides = array<i32>} : memref<32x512xf32, #tpu.memory_space<vmem>>, vector<1x16xf32>,
      %swap3A_373 = vector.shape_cast %swap3A_372 : vector<1x16xf32> to vector<16xf32>
      %swap3A_374 = vector.shape_cast %get3A_369 : vector<16xf32> to vector<1x16xf32>
      tpu.vector_store %arg8[%swap3A_370, %swap3A_371], %swap3A_374 {add = true, strides = array<i32>} : memref<32x512xf32, #tpu.memory_space<vmem>>, vector<1x16xf32>,
      %get3A_375 = arith.index_cast %scan3A_322 : i32 to index
      %get3A_376 = arith.constant 96 : index
      %get3A_377 = tpu.vector_load %arg11[%get3A_375, %get3A_376] {strides = array<i32>} : memref<32x512xf32, #tpu.memory_space<vmem>>, vector<1x16xf32>,
      %get3A_378 = vector.shape_cast %get3A_377 : vector<1x16xf32> to vector<16xf32>
      %swap3A_379 = arith.index_cast %scan3A_322 : i32 to index
      %swap3A_380 = arith.constant 96 : index
      %swap3A_381 = tpu.vector_load %arg8[%swap3A_379, %swap3A_380] {strides = array<i32>} : memref<32x512xf32, #tpu.memory_space<vmem>>, vector<1x16xf32>,
      %swap3A_382 = vector.shape_cast %swap3A_381 : vector<1x16xf32> to vector<16xf32>
      %swap3A_383 = vector.shape_cast %get3A_378 : vector<16xf32> to vector<1x16xf32>
      tpu.vector_store %arg8[%swap3A_379, %swap3A_380], %swap3A_383 {add = true, strides = array<i32>} : memref<32x512xf32, #tpu.memory_space<vmem>>, vector<1x16xf32>,
      %get3A_384 = arith.index_cast %scan3A_322 : i32 to index
      %get3A_385 = arith.constant 112 : index
      %get3A_386 = tpu.vector_load %arg11[%get3A_384, %get3A_385] {strides = array<i32>} : memref<32x512xf32, #tpu.memory_space<vmem>>, vector<1x16xf32>,
      %get3A_387 = vector.shape_cast %get3A_386 : vector<1x16xf32> to vector<16xf32>
      %swap3A_388 = arith.index_cast %scan3A_322 : i32 to index
      %swap3A_389 = arith.constant 112 : index
      %swap3A_390 = tpu.vector_load %arg8[%swap3A_388, %swap3A_389] {strides = array<i32>} : memref<32x512xf32, #tpu.memory_space<vmem>>, vector<1x16xf32>,
      %swap3A_391 = vector.shape_cast %swap3A_390 : vector<1x16xf32> to vector<16xf32>
      %swap3A_392 = vector.shape_cast %get3A_387 : vector<16xf32> to vector<1x16xf32>
      tpu.vector_store %arg8[%swap3A_388, %swap3A_389], %swap3A_392 {add = true, strides = array<i32>} : memref<32x512xf32, #tpu.memory_space<vmem>>, vector<1x16xf32>,
      %get3A_393 = arith.index_cast %scan3A_322 : i32 to index
      %get3A_394 = arith.constant 128 : index
      %get3A_395 = tpu.vector_load %arg11[%get3A_393, %get3A_394] {strides = array<i32>} : memref<32x512xf32, #tpu.memory_space<vmem>>, vector<1x16xf32>,
      %get3A_396 = vector.shape_cast %get3A_395 : vector<1x16xf32> to vector<16xf32>
      %swap3A_397 = arith.index_cast %scan3A_322 : i32 to index
      %swap3A_398 = arith.constant 128 : index
      %swap3A_399 = tpu.vector_load %arg8[%swap3A_397, %swap3A_398] {strides = array<i32>} : memref<32x512xf32, #tpu.memory_space<vmem>>, vector<1x16xf32>,
      %swap3A_400 = vector.shape_cast %swap3A_399 : vector<1x16xf32> to vector<16xf32>
      %swap3A_401 = vector.shape_cast %get3A_396 : vector<16xf32> to vector<1x16xf32>
      tpu.vector_store %arg8[%swap3A_397, %swap3A_398], %swap3A_401 {add = true, strides = array<i32>} : memref<32x512xf32, #tpu.memory_space<vmem>>, vector<1x16xf32>,
      %get3A_402 = arith.index_cast %scan3A_322 : i32 to index
      %get3A_403 = arith.constant 144 : index
      %get3A_404 = tpu.vector_load %arg11[%get3A_402, %get3A_403] {strides = array<i32>} : memref<32x512xf32, #tpu.memory_space<vmem>>, vector<1x16xf32>,
      %get3A_405 = vector.shape_cast %get3A_404 : vector<1x16xf32> to vector<16xf32>
      %swap3A_406 = arith.index_cast %scan3A_322 : i32 to index
      %swap3A_407 = arith.constant 144 : index
      %swap3A_408 = tpu.vector_load %arg8[%swap3A_406, %swap3A_407] {strides = array<i32>} : memref<32x512xf32, #tpu.memory_space<vmem>>, vector<1x16xf32>,
      %swap3A_409 = vector.shape_cast %swap3A_408 : vector<1x16xf32> to vector<16xf32>
      %swap3A_410 = vector.shape_cast %get3A_405 : vector<16xf32> to vector<1x16xf32>
      tpu.vector_store %arg8[%swap3A_406, %swap3A_407], %swap3A_410 {add = true, strides = array<i32>} : memref<32x512xf32, #tpu.memory_space<vmem>>, vector<1x16xf32>,
      %get3A_411 = arith.index_cast %scan3A_322 : i32 to index
      %get3A_412 = arith.constant 160 : index
      %get3A_413 = tpu.vector_load %arg11[%get3A_411, %get3A_412] {strides = array<i32>} : memref<32x512xf32, #tpu.memory_space<vmem>>, vector<1x16xf32>,
      %get3A_414 = vector.shape_cast %get3A_413 : vector<1x16xf32> to vector<16xf32>
      %swap3A_415 = arith.index_cast %scan3A_322 : i32 to index
      %swap3A_416 = arith.constant 160 : index
      %swap3A_417 = tpu.vector_load %arg8[%swap3A_415, %swap3A_416] {strides = array<i32>} : memref<32x512xf32, #tpu.memory_space<vmem>>, vector<1x16xf32>,
      %swap3A_418 = vector.shape_cast %swap3A_417 : vector<1x16xf32> to vector<16xf32>
      %swap3A_419 = vector.shape_cast %get3A_414 : vector<16xf32> to vector<1x16xf32>
      tpu.vector_store %arg8[%swap3A_415, %swap3A_416], %swap3A_419 {add = true, strides = array<i32>} : memref<32x512xf32, #tpu.memory_space<vmem>>, vector<1x16xf32>,
      %get3A_420 = arith.index_cast %scan3A_322 : i32 to index
      %get3A_421 = arith.constant 176 : index
      %get3A_422 = tpu.vector_load %arg11[%get3A_420, %get3A_421] {strides = array<i32>} : memref<32x512xf32, #tpu.memory_space<vmem>>, vector<1x16xf32>,
      %get3A_423 = vector.shape_cast %get3A_422 : vector<1x16xf32> to vector<16xf32>
      %swap3A_424 = arith.index_cast %scan3A_322 : i32 to index
      %swap3A_425 = arith.constant 176 : index
      %swap3A_426 = tpu.vector_load %arg8[%swap3A_424, %swap3A_425] {strides = array<i32>} : memref<32x512xf32, #tpu.memory_space<vmem>>, vector<1x16xf32>,
      %swap3A_427 = vector.shape_cast %swap3A_426 : vector<1x16xf32> to vector<16xf32>
      %swap3A_428 = vector.shape_cast %get3A_423 : vector<16xf32> to vector<1x16xf32>
      tpu.vector_store %arg8[%swap3A_424, %swap3A_425], %swap3A_428 {add = true, strides = array<i32>} : memref<32x512xf32, #tpu.memory_space<vmem>>, vector<1x16xf32>,
      %get3A_429 = arith.index_cast %scan3A_322 : i32 to index
      %get3A_430 = arith.constant 192 : index
      %get3A_431 = tpu.vector_load %arg11[%get3A_429, %get3A_430] {strides = array<i32>} : memref<32x512xf32, #tpu.memory_space<vmem>>, vector<1x16xf32>,
      %get3A_432 = vector.shape_cast %get3A_431 : vector<1x16xf32> to vector<16xf32>
      %swap3A_433 = arith.index_cast %scan3A_322 : i32 to index
      %swap3A_434 = arith.constant 192 : index
      %swap3A_435 = tpu.vector_load %arg8[%swap3A_433, %swap3A_434] {strides = array<i32>} : memref<32x512xf32, #tpu.memory_space<vmem>>, vector<1x16xf32>,
      %swap3A_436 = vector.shape_cast %swap3A_435 : vector<1x16xf32> to vector<16xf32>
      %swap3A_437 = vector.shape_cast %get3A_432 : vector<16xf32> to vector<1x16xf32>
      tpu.vector_store %arg8[%swap3A_433, %swap3A_434], %swap3A_437 {add = true, strides = array<i32>} : memref<32x512xf32, #tpu.memory_space<vmem>>, vector<1x16xf32>,
      %get3A_438 = arith.index_cast %scan3A_322 : i32 to index
      %get3A_439 = arith.constant 208 : index
      %get3A_440 = tpu.vector_load %arg11[%get3A_438, %get3A_439] {strides = array<i32>} : memref<32x512xf32, #tpu.memory_space<vmem>>, vector<1x16xf32>,
      %get3A_441 = vector.shape_cast %get3A_440 : vector<1x16xf32> to vector<16xf32>
      %swap3A_442 = arith.index_cast %scan3A_322 : i32 to index
      %swap3A_443 = arith.constant 208 : index
      %swap3A_444 = tpu.vector_load %arg8[%swap3A_442, %swap3A_443] {strides = array<i32>} : memref<32x512xf32, #tpu.memory_space<vmem>>, vector<1x16xf32>,
      %swap3A_445 = vector.shape_cast %swap3A_444 : vector<1x16xf32> to vector<16xf32>
      %swap3A_446 = vector.shape_cast %get3A_441 : vector<16xf32> to vector<1x16xf32>
      tpu.vector_store %arg8[%swap3A_442, %swap3A_443], %swap3A_446 {add = true, strides = array<i32>} : memref<32x512xf32, #tpu.memory_space<vmem>>, vector<1x16xf32>,
      %get3A_447 = arith.index_cast %scan3A_322 : i32 to index
      %get3A_448 = arith.constant 224 : index
      %get3A_449 = tpu.vector_load %arg11[%get3A_447, %get3A_448] {strides = array<i32>} : memref<32x512xf32, #tpu.memory_space<vmem>>, vector<1x16xf32>,
      %get3A_450 = vector.shape_cast %get3A_449 : vector<1x16xf32> to vector<16xf32>
      %swap3A_451 = arith.index_cast %scan3A_322 : i32 to index
      %swap3A_452 = arith.constant 224 : index
      %swap3A_453 = tpu.vector_load %arg8[%swap3A_451, %swap3A_452] {strides = array<i32>} : memref<32x512xf32, #tpu.memory_space<vmem>>, vector<1x16xf32>,
      %swap3A_454 = vector.shape_cast %swap3A_453 : vector<1x16xf32> to vector<16xf32>
      %swap3A_455 = vector.shape_cast %get3A_450 : vector<16xf32> to vector<1x16xf32>
      tpu.vector_store %arg8[%swap3A_451, %swap3A_452], %swap3A_455 {add = true, strides = array<i32>} : memref<32x512xf32, #tpu.memory_space<vmem>>, vector<1x16xf32>,
      %get3A_456 = arith.index_cast %scan3A_322 : i32 to index
      %get3A_457 = arith.constant 240 : index
      %get3A_458 = tpu.vector_load %arg11[%get3A_456, %get3A_457] {strides = array<i32>} : memref<32x512xf32, #tpu.memory_space<vmem>>, vector<1x16xf32>,
      %get3A_459 = vector.shape_cast %get3A_458 : vector<1x16xf32> to vector<16xf32>
      %swap3A_460 = arith.index_cast %scan3A_322 : i32 to index
      %swap3A_461 = arith.constant 240 : index
      %swap3A_462 = tpu.vector_load %arg8[%swap3A_460, %swap3A_461] {strides = array<i32>} : memref<32x512xf32, #tpu.memory_space<vmem>>, vector<1x16xf32>,
      %swap3A_463 = vector.shape_cast %swap3A_462 : vector<1x16xf32> to vector<16xf32>
      %swap3A_464 = vector.shape_cast %get3A_459 : vector<16xf32> to vector<1x16xf32>
      tpu.vector_store %arg8[%swap3A_460, %swap3A_461], %swap3A_464 {add = true, strides = array<i32>} : memref<32x512xf32, #tpu.memory_space<vmem>>, vector<1x16xf32>,
      %get3A_465 = arith.index_cast %scan3A_322 : i32 to index
      %get3A_466 = arith.constant 256 : index
      %get3A_467 = tpu.vector_load %arg11[%get3A_465, %get3A_466] {strides = array<i32>} : memref<32x512xf32, #tpu.memory_space<vmem>>, vector<1x16xf32>,
      %get3A_468 = vector.shape_cast %get3A_467 : vector<1x16xf32> to vector<16xf32>
      %swap3A_469 = arith.index_cast %scan3A_322 : i32 to index
      %swap3A_470 = arith.constant 256 : index
      %swap3A_471 = tpu.vector_load %arg8[%swap3A_469, %swap3A_470] {strides = array<i32>} : memref<32x512xf32, #tpu.memory_space<vmem>>, vector<1x16xf32>,
      %swap3A_472 = vector.shape_cast %swap3A_471 : vector<1x16xf32> to vector<16xf32>
      %swap3A_473 = vector.shape_cast %get3A_468 : vector<16xf32> to vector<1x16xf32>
      tpu.vector_store %arg8[%swap3A_469, %swap3A_470], %swap3A_473 {add = true, strides = array<i32>} : memref<32x512xf32, #tpu.memory_space<vmem>>, vector<1x16xf32>,
      %get3A_474 = arith.index_cast %scan3A_322 : i32 to index
      %get3A_475 = arith.constant 272 : index
      %get3A_476 = tpu.vector_load %arg11[%get3A_474, %get3A_475] {strides = array<i32>} : memref<32x512xf32, #tpu.memory_space<vmem>>, vector<1x16xf32>,
      %get3A_477 = vector.shape_cast %get3A_476 : vector<1x16xf32> to vector<16xf32>
      %swap3A_478 = arith.index_cast %scan3A_322 : i32 to index
      %swap3A_479 = arith.constant 272 : index
      %swap3A_480 = tpu.vector_load %arg8[%swap3A_478, %swap3A_479] {strides = array<i32>} : memref<32x512xf32, #tpu.memory_space<vmem>>, vector<1x16xf32>,
      %swap3A_481 = vector.shape_cast %swap3A_480 : vector<1x16xf32> to vector<16xf32>
      %swap3A_482 = vector.shape_cast %get3A_477 : vector<16xf32> to vector<1x16xf32>
      tpu.vector_store %arg8[%swap3A_478, %swap3A_479], %swap3A_482 {add = true, strides = array<i32>} : memref<32x512xf32, #tpu.memory_space<vmem>>, vector<1x16xf32>,
      %get3A_483 = arith.index_cast %scan3A_322 : i32 to index
      %get3A_484 = arith.constant 288 : index
      %get3A_485 = tpu.vector_load %arg11[%get3A_483, %get3A_484] {strides = array<i32>} : memref<32x512xf32, #tpu.memory_space<vmem>>, vector<1x16xf32>,
      %get3A_486 = vector.shape_cast %get3A_485 : vector<1x16xf32> to vector<16xf32>
      %swap3A_487 = arith.index_cast %scan3A_322 : i32 to index
      %swap3A_488 = arith.constant 288 : index
      %swap3A_489 = tpu.vector_load %arg8[%swap3A_487, %swap3A_488] {strides = array<i32>} : memref<32x512xf32, #tpu.memory_space<vmem>>, vector<1x16xf32>,
      %swap3A_490 = vector.shape_cast %swap3A_489 : vector<1x16xf32> to vector<16xf32>
      %swap3A_491 = vector.shape_cast %get3A_486 : vector<16xf32> to vector<1x16xf32>
      tpu.vector_store %arg8[%swap3A_487, %swap3A_488], %swap3A_491 {add = true, strides = array<i32>} : memref<32x512xf32, #tpu.memory_space<vmem>>, vector<1x16xf32>,
      %get3A_492 = arith.index_cast %scan3A_322 : i32 to index
      %get3A_493 = arith.constant 304 : index
      %get3A_494 = tpu.vector_load %arg11[%get3A_492, %get3A_493] {strides = array<i32>} : memref<32x512xf32, #tpu.memory_space<vmem>>, vector<1x16xf32>,
      %get3A_495 = vector.shape_cast %get3A_494 : vector<1x16xf32> to vector<16xf32>
      %swap3A_496 = arith.index_cast %scan3A_322 : i32 to index
      %swap3A_497 = arith.constant 304 : index
      %swap3A_498 = tpu.vector_load %arg8[%swap3A_496, %swap3A_497] {strides = array<i32>} : memref<32x512xf32, #tpu.memory_space<vmem>>, vector<1x16xf32>,
      %swap3A_499 = vector.shape_cast %swap3A_498 : vector<1x16xf32> to vector<16xf32>
      %swap3A_500 = vector.shape_cast %get3A_495 : vector<16xf32> to vector<1x16xf32>
      tpu.vector_store %arg8[%swap3A_496, %swap3A_497], %swap3A_500 {add = true, strides = array<i32>} : memref<32x512xf32, #tpu.memory_space<vmem>>, vector<1x16xf32>,
      %get3A_501 = arith.index_cast %scan3A_322 : i32 to index
      %get3A_502 = arith.constant 320 : index
      %get3A_503 = tpu.vector_load %arg11[%get3A_501, %get3A_502] {strides = array<i32>} : memref<32x512xf32, #tpu.memory_space<vmem>>, vector<1x16xf32>,
      %get3A_504 = vector.shape_cast %get3A_503 : vector<1x16xf32> to vector<16xf32>
      %swap3A_505 = arith.index_cast %scan3A_322 : i32 to index
      %swap3A_506 = arith.constant 320 : index
      %swap3A_507 = tpu.vector_load %arg8[%swap3A_505, %swap3A_506] {strides = array<i32>} : memref<32x512xf32, #tpu.memory_space<vmem>>, vector<1x16xf32>,
      %swap3A_508 = vector.shape_cast %swap3A_507 : vector<1x16xf32> to vector<16xf32>
      %swap3A_509 = vector.shape_cast %get3A_504 : vector<16xf32> to vector<1x16xf32>
      tpu.vector_store %arg8[%swap3A_505, %swap3A_506], %swap3A_509 {add = true, strides = array<i32>} : memref<32x512xf32, #tpu.memory_space<vmem>>, vector<1x16xf32>,
      %get3A_510 = arith.index_cast %scan3A_322 : i32 to index
      %get3A_511 = arith.constant 336 : index
      %get3A_512 = tpu.vector_load %arg11[%get3A_510, %get3A_511] {strides = array<i32>} : memref<32x512xf32, #tpu.memory_space<vmem>>, vector<1x16xf32>,
      %get3A_513 = vector.shape_cast %get3A_512 : vector<1x16xf32> to vector<16xf32>
      %swap3A_514 = arith.index_cast %scan3A_322 : i32 to index
      %swap3A_515 = arith.constant 336 : index
      %swap3A_516 = tpu.vector_load %arg8[%swap3A_514, %swap3A_515] {strides = array<i32>} : memref<32x512xf32, #tpu.memory_space<vmem>>, vector<1x16xf32>,
      %swap3A_517 = vector.shape_cast %swap3A_516 : vector<1x16xf32> to vector<16xf32>
      %swap3A_518 = vector.shape_cast %get3A_513 : vector<16xf32> to vector<1x16xf32>
      tpu.vector_store %arg8[%swap3A_514, %swap3A_515], %swap3A_518 {add = true, strides = array<i32>} : memref<32x512xf32, #tpu.memory_space<vmem>>, vector<1x16xf32>,
      %get3A_519 = arith.index_cast %scan3A_322 : i32 to index
      %get3A_520 = arith.constant 352 : index
      %get3A_521 = tpu.vector_load %arg11[%get3A_519, %get3A_520] {strides = array<i32>} : memref<32x512xf32, #tpu.memory_space<vmem>>, vector<1x16xf32>,
      %get3A_522 = vector.shape_cast %get3A_521 : vector<1x16xf32> to vector<16xf32>
      %swap3A_523 = arith.index_cast %scan3A_322 : i32 to index
      %swap3A_524 = arith.constant 352 : index
      %swap3A_525 = tpu.vector_load %arg8[%swap3A_523, %swap3A_524] {strides = array<i32>} : memref<32x512xf32, #tpu.memory_space<vmem>>, vector<1x16xf32>,
      %swap3A_526 = vector.shape_cast %swap3A_525 : vector<1x16xf32> to vector<16xf32>
      %swap3A_527 = vector.shape_cast %get3A_522 : vector<16xf32> to vector<1x16xf32>
      tpu.vector_store %arg8[%swap3A_523, %swap3A_524], %swap3A_527 {add = true, strides = array<i32>} : memref<32x512xf32, #tpu.memory_space<vmem>>, vector<1x16xf32>,
      %get3A_528 = arith.index_cast %scan3A_322 : i32 to index
      %get3A_529 = arith.constant 368 : index
      %get3A_530 = tpu.vector_load %arg11[%get3A_528, %get3A_529] {strides = array<i32>} : memref<32x512xf32, #tpu.memory_space<vmem>>, vector<1x16xf32>,
      %get3A_531 = vector.shape_cast %get3A_530 : vector<1x16xf32> to vector<16xf32>
      %swap3A_532 = arith.index_cast %scan3A_322 : i32 to index
      %swap3A_533 = arith.constant 368 : index
      %swap3A_534 = tpu.vector_load %arg8[%swap3A_532, %swap3A_533] {strides = array<i32>} : memref<32x512xf32, #tpu.memory_space<vmem>>, vector<1x16xf32>,
      %swap3A_535 = vector.shape_cast %swap3A_534 : vector<1x16xf32> to vector<16xf32>
      %swap3A_536 = vector.shape_cast %get3A_531 : vector<16xf32> to vector<1x16xf32>
      tpu.vector_store %arg8[%swap3A_532, %swap3A_533], %swap3A_536 {add = true, strides = array<i32>} : memref<32x512xf32, #tpu.memory_space<vmem>>, vector<1x16xf32>,
      %get3A_537 = arith.index_cast %scan3A_322 : i32 to index
      %get3A_538 = arith.constant 384 : index
      %get3A_539 = tpu.vector_load %arg11[%get3A_537, %get3A_538] {strides = array<i32>} : memref<32x512xf32, #tpu.memory_space<vmem>>, vector<1x16xf32>,
      %get3A_540 = vector.shape_cast %get3A_539 : vector<1x16xf32> to vector<16xf32>
      %swap3A_541 = arith.index_cast %scan3A_322 : i32 to index
      %swap3A_542 = arith.constant 384 : index
      %swap3A_543 = tpu.vector_load %arg8[%swap3A_541, %swap3A_542] {strides = array<i32>} : memref<32x512xf32, #tpu.memory_space<vmem>>, vector<1x16xf32>,
      %swap3A_544 = vector.shape_cast %swap3A_543 : vector<1x16xf32> to vector<16xf32>
      %swap3A_545 = vector.shape_cast %get3A_540 : vector<16xf32> to vector<1x16xf32>
      tpu.vector_store %arg8[%swap3A_541, %swap3A_542], %swap3A_545 {add = true, strides = array<i32>} : memref<32x512xf32, #tpu.memory_space<vmem>>, vector<1x16xf32>,
      %get3A_546 = arith.index_cast %scan3A_322 : i32 to index
      %get3A_547 = arith.constant 400 : index
      %get3A_548 = tpu.vector_load %arg11[%get3A_546, %get3A_547] {strides = array<i32>} : memref<32x512xf32, #tpu.memory_space<vmem>>, vector<1x16xf32>,
      %get3A_549 = vector.shape_cast %get3A_548 : vector<1x16xf32> to vector<16xf32>
      %swap3A_550 = arith.index_cast %scan3A_322 : i32 to index
      %swap3A_551 = arith.constant 400 : index
      %swap3A_552 = tpu.vector_load %arg8[%swap3A_550, %swap3A_551] {strides = array<i32>} : memref<32x512xf32, #tpu.memory_space<vmem>>, vector<1x16xf32>,
      %swap3A_553 = vector.shape_cast %swap3A_552 : vector<1x16xf32> to vector<16xf32>
      %swap3A_554 = vector.shape_cast %get3A_549 : vector<16xf32> to vector<1x16xf32>
      tpu.vector_store %arg8[%swap3A_550, %swap3A_551], %swap3A_554 {add = true, strides = array<i32>} : memref<32x512xf32, #tpu.memory_space<vmem>>, vector<1x16xf32>,
      %get3A_555 = arith.index_cast %scan3A_322 : i32 to index
      %get3A_556 = arith.constant 416 : index
      %get3A_557 = tpu.vector_load %arg11[%get3A_555, %get3A_556] {strides = array<i32>} : memref<32x512xf32, #tpu.memory_space<vmem>>, vector<1x16xf32>,
      %get3A_558 = vector.shape_cast %get3A_557 : vector<1x16xf32> to vector<16xf32>
      %swap3A_559 = arith.index_cast %scan3A_322 : i32 to index
      %swap3A_560 = arith.constant 416 : index
      %swap3A_561 = tpu.vector_load %arg8[%swap3A_559, %swap3A_560] {strides = array<i32>} : memref<32x512xf32, #tpu.memory_space<vmem>>, vector<1x16xf32>,
      %swap3A_562 = vector.shape_cast %swap3A_561 : vector<1x16xf32> to vector<16xf32>
      %swap3A_563 = vector.shape_cast %get3A_558 : vector<16xf32> to vector<1x16xf32>
      tpu.vector_store %arg8[%swap3A_559, %swap3A_560], %swap3A_563 {add = true, strides = array<i32>} : memref<32x512xf32, #tpu.memory_space<vmem>>, vector<1x16xf32>,
      %get3A_564 = arith.index_cast %scan3A_322 : i32 to index
      %get3A_565 = arith.constant 432 : index
      %get3A_566 = tpu.vector_load %arg11[%get3A_564, %get3A_565] {strides = array<i32>} : memref<32x512xf32, #tpu.memory_space<vmem>>, vector<1x16xf32>,
      %get3A_567 = vector.shape_cast %get3A_566 : vector<1x16xf32> to vector<16xf32>
      %swap3A_568 = arith.index_cast %scan3A_322 : i32 to index
      %swap3A_569 = arith.constant 432 : index
      %swap3A_570 = tpu.vector_load %arg8[%swap3A_568, %swap3A_569] {strides = array<i32>} : memref<32x512xf32, #tpu.memory_space<vmem>>, vector<1x16xf32>,
      %swap3A_571 = vector.shape_cast %swap3A_570 : vector<1x16xf32> to vector<16xf32>
      %swap3A_572 = vector.shape_cast %get3A_567 : vector<16xf32> to vector<1x16xf32>
      tpu.vector_store %arg8[%swap3A_568, %swap3A_569], %swap3A_572 {add = true, strides = array<i32>} : memref<32x512xf32, #tpu.memory_space<vmem>>, vector<1x16xf32>,
      %get3A_573 = arith.index_cast %scan3A_322 : i32 to index
      %get3A_574 = arith.constant 448 : index
      %get3A_575 = tpu.vector_load %arg11[%get3A_573, %get3A_574] {strides = array<i32>} : memref<32x512xf32, #tpu.memory_space<vmem>>, vector<1x16xf32>,
      %get3A_576 = vector.shape_cast %get3A_575 : vector<1x16xf32> to vector<16xf32>
      %swap3A_577 = arith.index_cast %scan3A_322 : i32 to index
      %swap3A_578 = arith.constant 448 : index
      %swap3A_579 = tpu.vector_load %arg8[%swap3A_577, %swap3A_578] {strides = array<i32>} : memref<32x512xf32, #tpu.memory_space<vmem>>, vector<1x16xf32>,
      %swap3A_580 = vector.shape_cast %swap3A_579 : vector<1x16xf32> to vector<16xf32>
      %swap3A_581 = vector.shape_cast %get3A_576 : vector<16xf32> to vector<1x16xf32>
      tpu.vector_store %arg8[%swap3A_577, %swap3A_578], %swap3A_581 {add = true, strides = array<i32>} : memref<32x512xf32, #tpu.memory_space<vmem>>, vector<1x16xf32>,
      %get3A_582 = arith.index_cast %scan3A_322 : i32 to index
      %get3A_583 = arith.constant 464 : index
      %get3A_584 = tpu.vector_load %arg11[%get3A_582, %get3A_583] {strides = array<i32>} : memref<32x512xf32, #tpu.memory_space<vmem>>, vector<1x16xf32>,
      %get3A_585 = vector.shape_cast %get3A_584 : vector<1x16xf32> to vector<16xf32>
      %swap3A_586 = arith.index_cast %scan3A_322 : i32 to index
      %swap3A_587 = arith.constant 464 : index
      %swap3A_588 = tpu.vector_load %arg8[%swap3A_586, %swap3A_587] {strides = array<i32>} : memref<32x512xf32, #tpu.memory_space<vmem>>, vector<1x16xf32>,
      %swap3A_589 = vector.shape_cast %swap3A_588 : vector<1x16xf32> to vector<16xf32>
      %swap3A_590 = vector.shape_cast %get3A_585 : vector<16xf32> to vector<1x16xf32>
      tpu.vector_store %arg8[%swap3A_586, %swap3A_587], %swap3A_590 {add = true, strides = array<i32>} : memref<32x512xf32, #tpu.memory_space<vmem>>, vector<1x16xf32>,
      %get3A_591 = arith.index_cast %scan3A_322 : i32 to index
      %get3A_592 = arith.constant 480 : index
      %get3A_593 = tpu.vector_load %arg11[%get3A_591, %get3A_592] {strides = array<i32>} : memref<32x512xf32, #tpu.memory_space<vmem>>, vector<1x16xf32>,
      %get3A_594 = vector.shape_cast %get3A_593 : vector<1x16xf32> to vector<16xf32>
      %swap3A_595 = arith.index_cast %scan3A_322 : i32 to index
      %swap3A_596 = arith.constant 480 : index
      %swap3A_597 = tpu.vector_load %arg8[%swap3A_595, %swap3A_596] {strides = array<i32>} : memref<32x512xf32, #tpu.memory_space<vmem>>, vector<1x16xf32>,
      %swap3A_598 = vector.shape_cast %swap3A_597 : vector<1x16xf32> to vector<16xf32>
      %swap3A_599 = vector.shape_cast %get3A_594 : vector<16xf32> to vector<1x16xf32>
      tpu.vector_store %arg8[%swap3A_595, %swap3A_596], %swap3A_599 {add = true, strides = array<i32>} : memref<32x512xf32, #tpu.memory_space<vmem>>, vector<1x16xf32>,
      %get3A_600 = arith.index_cast %scan3A_322 : i32 to index
      %get3A_601 = arith.constant 496 : index
      %get3A_602 = tpu.vector_load %arg11[%get3A_600, %get3A_601] {strides = array<i32>} : memref<32x512xf32, #tpu.memory_space<vmem>>, vector<1x16xf32>,
      %get3A_603 = vector.shape_cast %get3A_602 : vector<1x16xf32> to vector<16xf32>
      %swap3A_604 = arith.index_cast %scan3A_322 : i32 to index
      %swap3A_605 = arith.constant 496 : index
      %swap3A_606 = tpu.vector_load %arg8[%swap3A_604, %swap3A_605] {strides = array<i32>} : memref<32x512xf32, #tpu.memory_space<vmem>>, vector<1x16xf32>,
      %swap3A_607 = vector.shape_cast %swap3A_606 : vector<1x16xf32> to vector<16xf32>
      %swap3A_608 = vector.shape_cast %get3A_603 : vector<16xf32> to vector<1x16xf32>
      tpu.vector_store %arg8[%swap3A_604, %swap3A_605], %swap3A_608 {add = true, strides = array<i32>} : memref<32x512xf32, #tpu.memory_space<vmem>>, vector<1x16xf32>,
    }
    %scan3A_72 = arith.constant 32 : i32
    %add3A_73 = arith.constant 32 : i32
    %add3A_74 = arith.addi %rem3A_4, %add3A_73 : i32
    %dma_start3A_75 = arith.constant 0 : i32
    %dma_start3A_76 = tpu.memref_slice %arg5[%div3A_3, %add3A_74, %dma_start3A_75] : memref<4x2048x512xf32, #tpu.memory_space<hbm>> -> memref<1x32x512xf32, #tpu.memory_space<hbm>>
    %dma_start3A_77 = tpu.memref_squeeze %dma_start3A_76 : memref<1x32x512xf32, #tpu.memory_space<hbm>> -> memref<32x512xf32, #tpu.memory_space<hbm>>
    %dma_start3A_78 = arith.constant 0 : i32
    %dma_start3A_79 = tpu.memref_slice %arg5[%div3A_3, %add3A_74, %dma_start3A_78] : memref<4x2048x512xf32, #tpu.memory_space<hbm>> -> memref<1x32x512xf32, #tpu.memory_space<hbm>>
    %dma_start3A_80 = tpu.memref_squeeze %dma_start3A_79 : memref<1x32x512xf32, #tpu.memory_space<hbm>> -> memref<32x512xf32, #tpu.memory_space<hbm>>
    tpu.enqueue_dma source(%arg8 : memref<32x512xf32, #tpu.memory_space<vmem>>) target(%dma_start3A_80 : memref<32x512xf32, #tpu.memory_space<hbm>>) target_semaphore(%arg20 : memref<!tpu.dma_semaphore, #tpu.memory_space<semaphore_mem>>)
    %add3A_81 = arith.constant 96 : i32
    %add3A_82 = arith.addi %rem3A_4, %add3A_81 : i32
    %dma_start3A_83 = arith.constant 0 : i32
    %dma_start3A_84 = tpu.memref_slice %arg4[%add3A_82, %dma_start3A_83] : memref<2048x512xf32, #tpu.memory_space<hbm>> -> memref<32x512xf32, #tpu.memory_space<hbm>>
    %dma_start3A_85 = arith.constant 0 : i32
    %dma_start3A_86 = tpu.memref_slice %arg4[%add3A_82, %dma_start3A_85] : memref<2048x512xf32, #tpu.memory_space<hbm>> -> memref<32x512xf32, #tpu.memory_space<hbm>>
    tpu.enqueue_dma source(%dma_start3A_86 : memref<32x512xf32, #tpu.memory_space<hbm>>) target(%arg10 : memref<32x512xf32, #tpu.memory_space<vmem>>) target_semaphore(%arg16 : memref<!tpu.dma_semaphore, #tpu.memory_space<semaphore_mem>>)
    %dma_wait3A_87 = arith.constant 0 : i32
    %dma_wait3A_88 = tpu.memref_slice %arg5[%div3A_3, %add3A_40, %dma_wait3A_87] : memref<4x2048x512xf32, #tpu.memory_space<hbm>> -> memref<1x32x512xf32, #tpu.memory_space<hbm>>
    %dma_wait3A_89 = tpu.memref_squeeze %dma_wait3A_88 : memref<1x32x512xf32, #tpu.memory_space<hbm>> -> memref<32x512xf32, #tpu.memory_space<hbm>>
    %dma_wait3A_90 = arith.constant 0 : i32
    %dma_wait3A_91 = tpu.memref_slice %arg5[%div3A_3, %add3A_40, %dma_wait3A_90] : memref<4x2048x512xf32, #tpu.memory_space<hbm>> -> memref<1x32x512xf32, #tpu.memory_space<hbm>>
    %dma_wait3A_92 = tpu.memref_squeeze %dma_wait3A_91 : memref<1x32x512xf32, #tpu.memory_space<hbm>> -> memref<32x512xf32, #tpu.memory_space<hbm>>
    tpu.wait_dma2 semaphore(%arg19 : memref<!tpu.dma_semaphore, #tpu.memory_space<semaphore_mem>>) src(%arg7 : memref<32x512xf32, #tpu.memory_space<vmem>>) dst(%dma_wait3A_92 : memref<32x512xf32, #tpu.memory_space<hbm>>)
    %dma_start3A_93 = arith.constant 96 : i32
    %dma_start3A_94 = tpu.memref_slice %arg6[%dma_start3A_93] : memref<256xi32, #tpu.memory_space<vmem>> -> memref<32xi32, #tpu.memory_space<vmem>>
    %dma_start3A_95 = arith.constant 0 : i32
    %dma_start3A_96 = arith.constant 0 : i32
    %dma_start3A_97 = tpu.memref_slice %arg3[%dma_start3A_95, %dma_start3A_96] : memref<774x512xf32, #tpu.memory_space<hbm>> -> memref<774x512xf32, #tpu.memory_space<hbm>>
    tpu.enqueue_indirect_dma source(%dma_start3A_97 : memref<774x512xf32, #tpu.memory_space<hbm>>) target(%arg7 : memref<32x512xf32, #tpu.memory_space<vmem>>) offsets(%dma_start3A_94 : memref<32xi32, #tpu.memory_space<vmem>>) semaphore(%arg13 : memref<!tpu.dma_semaphore, #tpu.memory_space<semaphore_mem>>)
    %dma_wait3A_98 = arith.constant 64 : i32
    %dma_wait3A_99 = tpu.memref_slice %arg6[%dma_wait3A_98] : memref<256xi32, #tpu.memory_space<vmem>> -> memref<32xi32, #tpu.memory_space<vmem>>
    %dma_wait3A_100 = arith.constant 0 : i32
    %dma_wait3A_101 = arith.constant 0 : i32
    %dma_wait3A_102 = tpu.memref_slice %arg3[%dma_wait3A_100, %dma_wait3A_101] : memref<774x512xf32, #tpu.memory_space<hbm>> -> memref<774x512xf32, #tpu.memory_space<hbm>>
    tpu.wait_indirect_dma semaphore(%arg15 : memref<!tpu.dma_semaphore, #tpu.memory_space<semaphore_mem>>) src(%dma_wait3A_102 : memref<774x512xf32, #tpu.memory_space<hbm>>) dst(%arg9 : memref<32x512xf32, #tpu.memory_space<vmem>>)
    %dma_wait3A_103 = arith.constant 0 : i32
    %dma_wait3A_104 = tpu.memref_slice %arg4[%add3A_48, %dma_wait3A_103] : memref<2048x512xf32, #tpu.memory_space<hbm>> -> memref<32x512xf32, #tpu.memory_space<hbm>>
    %dma_wait3A_105 = arith.constant 0 : i32
    %dma_wait3A_106 = tpu.memref_slice %arg4[%add3A_48, %dma_wait3A_105] : memref<2048x512xf32, #tpu.memory_space<hbm>> -> memref<32x512xf32, #tpu.memory_space<hbm>>
    tpu.wait_dma2 semaphore(%arg18 : memref<!tpu.dma_semaphore, #tpu.memory_space<semaphore_mem>>) src(%dma_wait3A_106 : memref<32x512xf32, #tpu.memory_space<hbm>>) dst(%arg12 : memref<32x512xf32, #tpu.memory_space<vmem>>)
    %scan3A_107 = arith.constant 0 : i32
    %scan3A_108 = arith.constant 0 : i32
    %scan3A_109 = arith.constant 32 : i32
    %scan3A_110 = arith.addi %scan3A_108, %scan3A_109 : i32
    %scan3A_111 = arith.constant 1 : i32
    scf.for %scan3A_322 = %scan3A_108 to %scan3A_110 step %scan3A_111  : i32 {
      %get3A = arith.index_cast %scan3A_322 : i32 to index
      %get3A_323 = arith.constant 0 : index
      %get3A_324 = tpu.vector_load %arg12[%get3A, %get3A_323] {strides = array<i32>} : memref<32x512xf32, #tpu.memory_space<vmem>>, vector<1x16xf32>,
      %get3A_325 = vector.shape_cast %get3A_324 : vector<1x16xf32> to vector<16xf32>
      %swap3A = arith.index_cast %scan3A_322 : i32 to index
      %swap3A_326 = arith.constant 0 : index
      %swap3A_327 = tpu.vector_load %arg9[%swap3A, %swap3A_326] {strides = array<i32>} : memref<32x512xf32, #tpu.memory_space<vmem>>, vector<1x16xf32>,
      %swap3A_328 = vector.shape_cast %swap3A_327 : vector<1x16xf32> to vector<16xf32>
      %swap3A_329 = vector.shape_cast %get3A_325 : vector<16xf32> to vector<1x16xf32>
      tpu.vector_store %arg9[%swap3A, %swap3A_326], %swap3A_329 {add = true, strides = array<i32>} : memref<32x512xf32, #tpu.memory_space<vmem>>, vector<1x16xf32>,
      %get3A_330 = arith.index_cast %scan3A_322 : i32 to index
      %get3A_331 = arith.constant 16 : index
      %get3A_332 = tpu.vector_load %arg12[%get3A_330, %get3A_331] {strides = array<i32>} : memref<32x512xf32, #tpu.memory_space<vmem>>, vector<1x16xf32>,
      %get3A_333 = vector.shape_cast %get3A_332 : vector<1x16xf32> to vector<16xf32>
      %swap3A_334 = arith.index_cast %scan3A_322 : i32 to index
      %swap3A_335 = arith.constant 16 : index
      %swap3A_336 = tpu.vector_load %arg9[%swap3A_334, %swap3A_335] {strides = array<i32>} : memref<32x512xf32, #tpu.memory_space<vmem>>, vector<1x16xf32>,
      %swap3A_337 = vector.shape_cast %swap3A_336 : vector<1x16xf32> to vector<16xf32>
      %swap3A_338 = vector.shape_cast %get3A_333 : vector<16xf32> to vector<1x16xf32>
      tpu.vector_store %arg9[%swap3A_334, %swap3A_335], %swap3A_338 {add = true, strides = array<i32>} : memref<32x512xf32, #tpu.memory_space<vmem>>, vector<1x16xf32>,
      %get3A_339 = arith.index_cast %scan3A_322 : i32 to index
      %get3A_340 = arith.constant 32 : index
      %get3A_341 = tpu.vector_load %arg12[%get3A_339, %get3A_340] {strides = array<i32>} : memref<32x512xf32, #tpu.memory_space<vmem>>, vector<1x16xf32>,
      %get3A_342 = vector.shape_cast %get3A_341 : vector<1x16xf32> to vector<16xf32>
      %swap3A_343 = arith.index_cast %scan3A_322 : i32 to index
      %swap3A_344 = arith.constant 32 : index
      %swap3A_345 = tpu.vector_load %arg9[%swap3A_343, %swap3A_344] {strides = array<i32>} : memref<32x512xf32, #tpu.memory_space<vmem>>, vector<1x16xf32>,
      %swap3A_346 = vector.shape_cast %swap3A_345 : vector<1x16xf32> to vector<16xf32>
      %swap3A_347 = vector.shape_cast %get3A_342 : vector<16xf32> to vector<1x16xf32>
      tpu.vector_store %arg9[%swap3A_343, %swap3A_344], %swap3A_347 {add = true, strides = array<i32>} : memref<32x512xf32, #tpu.memory_space<vmem>>, vector<1x16xf32>,
      %get3A_348 = arith.index_cast %scan3A_322 : i32 to index
      %get3A_349 = arith.constant 48 : index
      %get3A_350 = tpu.vector_load %arg12[%get3A_348, %get3A_349] {strides = array<i32>} : memref<32x512xf32, #tpu.memory_space<vmem>>, vector<1x16xf32>,
      %get3A_351 = vector.shape_cast %get3A_350 : vector<1x16xf32> to vector<16xf32>
      %swap3A_352 = arith.index_cast %scan3A_322 : i32 to index
      %swap3A_353 = arith.constant 48 : index
      %swap3A_354 = tpu.vector_load %arg9[%swap3A_352, %swap3A_353] {strides = array<i32>} : memref<32x512xf32, #tpu.memory_space<vmem>>, vector<1x16xf32>,
      %swap3A_355 = vector.shape_cast %swap3A_354 : vector<1x16xf32> to vector<16xf32>
      %swap3A_356 = vector.shape_cast %get3A_351 : vector<16xf32> to vector<1x16xf32>
      tpu.vector_store %arg9[%swap3A_352, %swap3A_353], %swap3A_356 {add = true, strides = array<i32>} : memref<32x512xf32, #tpu.memory_space<vmem>>, vector<1x16xf32>,
      %get3A_357 = arith.index_cast %scan3A_322 : i32 to index
      %get3A_358 = arith.constant 64 : index
      %get3A_359 = tpu.vector_load %arg12[%get3A_357, %get3A_358] {strides = array<i32>} : memref<32x512xf32, #tpu.memory_space<vmem>>, vector<1x16xf32>,
      %get3A_360 = vector.shape_cast %get3A_359 : vector<1x16xf32> to vector<16xf32>
      %swap3A_361 = arith.index_cast %scan3A_322 : i32 to index
      %swap3A_362 = arith.constant 64 : index
      %swap3A_363 = tpu.vector_load %arg9[%swap3A_361, %swap3A_362] {strides = array<i32>} : memref<32x512xf32, #tpu.memory_space<vmem>>, vector<1x16xf32>,
      %swap3A_364 = vector.shape_cast %swap3A_363 : vector<1x16xf32> to vector<16xf32>
      %swap3A_365 = vector.shape_cast %get3A_360 : vector<16xf32> to vector<1x16xf32>
      tpu.vector_store %arg9[%swap3A_361, %swap3A_362], %swap3A_365 {add = true, strides = array<i32>} : memref<32x512xf32, #tpu.memory_space<vmem>>, vector<1x16xf32>,
      %get3A_366 = arith.index_cast %scan3A_322 : i32 to index
      %get3A_367 = arith.constant 80 : index
      %get3A_368 = tpu.vector_load %arg12[%get3A_366, %get3A_367] {strides = array<i32>} : memref<32x512xf32, #tpu.memory_space<vmem>>, vector<1x16xf32>,
      %get3A_369 = vector.shape_cast %get3A_368 : vector<1x16xf32> to vector<16xf32>
      %swap3A_370 = arith.index_cast %scan3A_322 : i32 to index
      %swap3A_371 = arith.constant 80 : index
      %swap3A_372 = tpu.vector_load %arg9[%swap3A_370, %swap3A_371] {strides = array<i32>} : memref<32x512xf32, #tpu.memory_space<vmem>>, vector<1x16xf32>,
      %swap3A_373 = vector.shape_cast %swap3A_372 : vector<1x16xf32> to vector<16xf32>
      %swap3A_374 = vector.shape_cast %get3A_369 : vector<16xf32> to vector<1x16xf32>
      tpu.vector_store %arg9[%swap3A_370, %swap3A_371], %swap3A_374 {add = true, strides = array<i32>} : memref<32x512xf32, #tpu.memory_space<vmem>>, vector<1x16xf32>,
      %get3A_375 = arith.index_cast %scan3A_322 : i32 to index
      %get3A_376 = arith.constant 96 : index
      %get3A_377 = tpu.vector_load %arg12[%get3A_375, %get3A_376] {strides = array<i32>} : memref<32x512xf32, #tpu.memory_space<vmem>>, vector<1x16xf32>,
      %get3A_378 = vector.shape_cast %get3A_377 : vector<1x16xf32> to vector<16xf32>
      %swap3A_379 = arith.index_cast %scan3A_322 : i32 to index
      %swap3A_380 = arith.constant 96 : index
      %swap3A_381 = tpu.vector_load %arg9[%swap3A_379, %swap3A_380] {strides = array<i32>} : memref<32x512xf32, #tpu.memory_space<vmem>>, vector<1x16xf32>,
      %swap3A_382 = vector.shape_cast %swap3A_381 : vector<1x16xf32> to vector<16xf32>
      %swap3A_383 = vector.shape_cast %get3A_378 : vector<16xf32> to vector<1x16xf32>
      tpu.vector_store %arg9[%swap3A_379, %swap3A_380], %swap3A_383 {add = true, strides = array<i32>} : memref<32x512xf32, #tpu.memory_space<vmem>>, vector<1x16xf32>,
      %get3A_384 = arith.index_cast %scan3A_322 : i32 to index
      %get3A_385 = arith.constant 112 : index
      %get3A_386 = tpu.vector_load %arg12[%get3A_384, %get3A_385] {strides = array<i32>} : memref<32x512xf32, #tpu.memory_space<vmem>>, vector<1x16xf32>,
      %get3A_387 = vector.shape_cast %get3A_386 : vector<1x16xf32> to vector<16xf32>
      %swap3A_388 = arith.index_cast %scan3A_322 : i32 to index
      %swap3A_389 = arith.constant 112 : index
      %swap3A_390 = tpu.vector_load %arg9[%swap3A_388, %swap3A_389] {strides = array<i32>} : memref<32x512xf32, #tpu.memory_space<vmem>>, vector<1x16xf32>,
      %swap3A_391 = vector.shape_cast %swap3A_390 : vector<1x16xf32> to vector<16xf32>
      %swap3A_392 = vector.shape_cast %get3A_387 : vector<16xf32> to vector<1x16xf32>
      tpu.vector_store %arg9[%swap3A_388, %swap3A_389], %swap3A_392 {add = true, strides = array<i32>} : memref<32x512xf32, #tpu.memory_space<vmem>>, vector<1x16xf32>,
      %get3A_393 = arith.index_cast %scan3A_322 : i32 to index
      %get3A_394 = arith.constant 128 : index
      %get3A_395 = tpu.vector_load %arg12[%get3A_393, %get3A_394] {strides = array<i32>} : memref<32x512xf32, #tpu.memory_space<vmem>>, vector<1x16xf32>,
      %get3A_396 = vector.shape_cast %get3A_395 : vector<1x16xf32> to vector<16xf32>
      %swap3A_397 = arith.index_cast %scan3A_322 : i32 to index
      %swap3A_398 = arith.constant 128 : index
      %swap3A_399 = tpu.vector_load %arg9[%swap3A_397, %swap3A_398] {strides = array<i32>} : memref<32x512xf32, #tpu.memory_space<vmem>>, vector<1x16xf32>,
      %swap3A_400 = vector.shape_cast %swap3A_399 : vector<1x16xf32> to vector<16xf32>
      %swap3A_401 = vector.shape_cast %get3A_396 : vector<16xf32> to vector<1x16xf32>
      tpu.vector_store %arg9[%swap3A_397, %swap3A_398], %swap3A_401 {add = true, strides = array<i32>} : memref<32x512xf32, #tpu.memory_space<vmem>>, vector<1x16xf32>,
      %get3A_402 = arith.index_cast %scan3A_322 : i32 to index
      %get3A_403 = arith.constant 144 : index
      %get3A_404 = tpu.vector_load %arg12[%get3A_402, %get3A_403] {strides = array<i32>} : memref<32x512xf32, #tpu.memory_space<vmem>>, vector<1x16xf32>,
      %get3A_405 = vector.shape_cast %get3A_404 : vector<1x16xf32> to vector<16xf32>
      %swap3A_406 = arith.index_cast %scan3A_322 : i32 to index
      %swap3A_407 = arith.constant 144 : index
      %swap3A_408 = tpu.vector_load %arg9[%swap3A_406, %swap3A_407] {strides = array<i32>} : memref<32x512xf32, #tpu.memory_space<vmem>>, vector<1x16xf32>,
      %swap3A_409 = vector.shape_cast %swap3A_408 : vector<1x16xf32> to vector<16xf32>
      %swap3A_410 = vector.shape_cast %get3A_405 : vector<16xf32> to vector<1x16xf32>
      tpu.vector_store %arg9[%swap3A_406, %swap3A_407], %swap3A_410 {add = true, strides = array<i32>} : memref<32x512xf32, #tpu.memory_space<vmem>>, vector<1x16xf32>,
      %get3A_411 = arith.index_cast %scan3A_322 : i32 to index
      %get3A_412 = arith.constant 160 : index
      %get3A_413 = tpu.vector_load %arg12[%get3A_411, %get3A_412] {strides = array<i32>} : memref<32x512xf32, #tpu.memory_space<vmem>>, vector<1x16xf32>,
      %get3A_414 = vector.shape_cast %get3A_413 : vector<1x16xf32> to vector<16xf32>
      %swap3A_415 = arith.index_cast %scan3A_322 : i32 to index
      %swap3A_416 = arith.constant 160 : index
      %swap3A_417 = tpu.vector_load %arg9[%swap3A_415, %swap3A_416] {strides = array<i32>} : memref<32x512xf32, #tpu.memory_space<vmem>>, vector<1x16xf32>,
      %swap3A_418 = vector.shape_cast %swap3A_417 : vector<1x16xf32> to vector<16xf32>
      %swap3A_419 = vector.shape_cast %get3A_414 : vector<16xf32> to vector<1x16xf32>
      tpu.vector_store %arg9[%swap3A_415, %swap3A_416], %swap3A_419 {add = true, strides = array<i32>} : memref<32x512xf32, #tpu.memory_space<vmem>>, vector<1x16xf32>,
      %get3A_420 = arith.index_cast %scan3A_322 : i32 to index
      %get3A_421 = arith.constant 176 : index
      %get3A_422 = tpu.vector_load %arg12[%get3A_420, %get3A_421] {strides = array<i32>} : memref<32x512xf32, #tpu.memory_space<vmem>>, vector<1x16xf32>,
      %get3A_423 = vector.shape_cast %get3A_422 : vector<1x16xf32> to vector<16xf32>
      %swap3A_424 = arith.index_cast %scan3A_322 : i32 to index
      %swap3A_425 = arith.constant 176 : index
      %swap3A_426 = tpu.vector_load %arg9[%swap3A_424, %swap3A_425] {strides = array<i32>} : memref<32x512xf32, #tpu.memory_space<vmem>>, vector<1x16xf32>,
      %swap3A_427 = vector.shape_cast %swap3A_426 : vector<1x16xf32> to vector<16xf32>
      %swap3A_428 = vector.shape_cast %get3A_423 : vector<16xf32> to vector<1x16xf32>
      tpu.vector_store %arg9[%swap3A_424, %swap3A_425], %swap3A_428 {add = true, strides = array<i32>} : memref<32x512xf32, #tpu.memory_space<vmem>>, vector<1x16xf32>,
      %get3A_429 = arith.index_cast %scan3A_322 : i32 to index
      %get3A_430 = arith.constant 192 : index
      %get3A_431 = tpu.vector_load %arg12[%get3A_429, %get3A_430] {strides = array<i32>} : memref<32x512xf32, #tpu.memory_space<vmem>>, vector<1x16xf32>,
      %get3A_432 = vector.shape_cast %get3A_431 : vector<1x16xf32> to vector<16xf32>
      %swap3A_433 = arith.index_cast %scan3A_322 : i32 to index
      %swap3A_434 = arith.constant 192 : index
      %swap3A_435 = tpu.vector_load %arg9[%swap3A_433, %swap3A_434] {strides = array<i32>} : memref<32x512xf32, #tpu.memory_space<vmem>>, vector<1x16xf32>,
      %swap3A_436 = vector.shape_cast %swap3A_435 : vector<1x16xf32> to vector<16xf32>
      %swap3A_437 = vector.shape_cast %get3A_432 : vector<16xf32> to vector<1x16xf32>
      tpu.vector_store %arg9[%swap3A_433, %swap3A_434], %swap3A_437 {add = true, strides = array<i32>} : memref<32x512xf32, #tpu.memory_space<vmem>>, vector<1x16xf32>,
      %get3A_438 = arith.index_cast %scan3A_322 : i32 to index
      %get3A_439 = arith.constant 208 : index
      %get3A_440 = tpu.vector_load %arg12[%get3A_438, %get3A_439] {strides = array<i32>} : memref<32x512xf32, #tpu.memory_space<vmem>>, vector<1x16xf32>,
      %get3A_441 = vector.shape_cast %get3A_440 : vector<1x16xf32> to vector<16xf32>
      %swap3A_442 = arith.index_cast %scan3A_322 : i32 to index
      %swap3A_443 = arith.constant 208 : index
      %swap3A_444 = tpu.vector_load %arg9[%swap3A_442, %swap3A_443] {strides = array<i32>} : memref<32x512xf32, #tpu.memory_space<vmem>>, vector<1x16xf32>,
      %swap3A_445 = vector.shape_cast %swap3A_444 : vector<1x16xf32> to vector<16xf32>
      %swap3A_446 = vector.shape_cast %get3A_441 : vector<16xf32> to vector<1x16xf32>
      tpu.vector_store %arg9[%swap3A_442, %swap3A_443], %swap3A_446 {add = true, strides = array<i32>} : memref<32x512xf32, #tpu.memory_space<vmem>>, vector<1x16xf32>,
      %get3A_447 = arith.index_cast %scan3A_322 : i32 to index
      %get3A_448 = arith.constant 224 : index
      %get3A_449 = tpu.vector_load %arg12[%get3A_447, %get3A_448] {strides = array<i32>} : memref<32x512xf32, #tpu.memory_space<vmem>>, vector<1x16xf32>,
      %get3A_450 = vector.shape_cast %get3A_449 : vector<1x16xf32> to vector<16xf32>
      %swap3A_451 = arith.index_cast %scan3A_322 : i32 to index
      %swap3A_452 = arith.constant 224 : index
      %swap3A_453 = tpu.vector_load %arg9[%swap3A_451, %swap3A_452] {strides = array<i32>} : memref<32x512xf32, #tpu.memory_space<vmem>>, vector<1x16xf32>,
      %swap3A_454 = vector.shape_cast %swap3A_453 : vector<1x16xf32> to vector<16xf32>
      %swap3A_455 = vector.shape_cast %get3A_450 : vector<16xf32> to vector<1x16xf32>
      tpu.vector_store %arg9[%swap3A_451, %swap3A_452], %swap3A_455 {add = true, strides = array<i32>} : memref<32x512xf32, #tpu.memory_space<vmem>>, vector<1x16xf32>,
      %get3A_456 = arith.index_cast %scan3A_322 : i32 to index
      %get3A_457 = arith.constant 240 : index
      %get3A_458 = tpu.vector_load %arg12[%get3A_456, %get3A_457] {strides = array<i32>} : memref<32x512xf32, #tpu.memory_space<vmem>>, vector<1x16xf32>,
      %get3A_459 = vector.shape_cast %get3A_458 : vector<1x16xf32> to vector<16xf32>
      %swap3A_460 = arith.index_cast %scan3A_322 : i32 to index
      %swap3A_461 = arith.constant 240 : index
      %swap3A_462 = tpu.vector_load %arg9[%swap3A_460, %swap3A_461] {strides = array<i32>} : memref<32x512xf32, #tpu.memory_space<vmem>>, vector<1x16xf32>,
      %swap3A_463 = vector.shape_cast %swap3A_462 : vector<1x16xf32> to vector<16xf32>
      %swap3A_464 = vector.shape_cast %get3A_459 : vector<16xf32> to vector<1x16xf32>
      tpu.vector_store %arg9[%swap3A_460, %swap3A_461], %swap3A_464 {add = true, strides = array<i32>} : memref<32x512xf32, #tpu.memory_space<vmem>>, vector<1x16xf32>,
      %get3A_465 = arith.index_cast %scan3A_322 : i32 to index
      %get3A_466 = arith.constant 256 : index
      %get3A_467 = tpu.vector_load %arg12[%get3A_465, %get3A_466] {strides = array<i32>} : memref<32x512xf32, #tpu.memory_space<vmem>>, vector<1x16xf32>,
      %get3A_468 = vector.shape_cast %get3A_467 : vector<1x16xf32> to vector<16xf32>
      %swap3A_469 = arith.index_cast %scan3A_322 : i32 to index
      %swap3A_470 = arith.constant 256 : index
      %swap3A_471 = tpu.vector_load %arg9[%swap3A_469, %swap3A_470] {strides = array<i32>} : memref<32x512xf32, #tpu.memory_space<vmem>>, vector<1x16xf32>,
      %swap3A_472 = vector.shape_cast %swap3A_471 : vector<1x16xf32> to vector<16xf32>
      %swap3A_473 = vector.shape_cast %get3A_468 : vector<16xf32> to vector<1x16xf32>
      tpu.vector_store %arg9[%swap3A_469, %swap3A_470], %swap3A_473 {add = true, strides = array<i32>} : memref<32x512xf32, #tpu.memory_space<vmem>>, vector<1x16xf32>,
      %get3A_474 = arith.index_cast %scan3A_322 : i32 to index
      %get3A_475 = arith.constant 272 : index
      %get3A_476 = tpu.vector_load %arg12[%get3A_474, %get3A_475] {strides = array<i32>} : memref<32x512xf32, #tpu.memory_space<vmem>>, vector<1x16xf32>,
      %get3A_477 = vector.shape_cast %get3A_476 : vector<1x16xf32> to vector<16xf32>
      %swap3A_478 = arith.index_cast %scan3A_322 : i32 to index
      %swap3A_479 = arith.constant 272 : index
      %swap3A_480 = tpu.vector_load %arg9[%swap3A_478, %swap3A_479] {strides = array<i32>} : memref<32x512xf32, #tpu.memory_space<vmem>>, vector<1x16xf32>,
      %swap3A_481 = vector.shape_cast %swap3A_480 : vector<1x16xf32> to vector<16xf32>
      %swap3A_482 = vector.shape_cast %get3A_477 : vector<16xf32> to vector<1x16xf32>
      tpu.vector_store %arg9[%swap3A_478, %swap3A_479], %swap3A_482 {add = true, strides = array<i32>} : memref<32x512xf32, #tpu.memory_space<vmem>>, vector<1x16xf32>,
      %get3A_483 = arith.index_cast %scan3A_322 : i32 to index
      %get3A_484 = arith.constant 288 : index
      %get3A_485 = tpu.vector_load %arg12[%get3A_483, %get3A_484] {strides = array<i32>} : memref<32x512xf32, #tpu.memory_space<vmem>>, vector<1x16xf32>,
      %get3A_486 = vector.shape_cast %get3A_485 : vector<1x16xf32> to vector<16xf32>
      %swap3A_487 = arith.index_cast %scan3A_322 : i32 to index
      %swap3A_488 = arith.constant 288 : index
      %swap3A_489 = tpu.vector_load %arg9[%swap3A_487, %swap3A_488] {strides = array<i32>} : memref<32x512xf32, #tpu.memory_space<vmem>>, vector<1x16xf32>,
      %swap3A_490 = vector.shape_cast %swap3A_489 : vector<1x16xf32> to vector<16xf32>
      %swap3A_491 = vector.shape_cast %get3A_486 : vector<16xf32> to vector<1x16xf32>
      tpu.vector_store %arg9[%swap3A_487, %swap3A_488], %swap3A_491 {add = true, strides = array<i32>} : memref<32x512xf32, #tpu.memory_space<vmem>>, vector<1x16xf32>,
      %get3A_492 = arith.index_cast %scan3A_322 : i32 to index
      %get3A_493 = arith.constant 304 : index
      %get3A_494 = tpu.vector_load %arg12[%get3A_492, %get3A_493] {strides = array<i32>} : memref<32x512xf32, #tpu.memory_space<vmem>>, vector<1x16xf32>,
      %get3A_495 = vector.shape_cast %get3A_494 : vector<1x16xf32> to vector<16xf32>
      %swap3A_496 = arith.index_cast %scan3A_322 : i32 to index
      %swap3A_497 = arith.constant 304 : index
      %swap3A_498 = tpu.vector_load %arg9[%swap3A_496, %swap3A_497] {strides = array<i32>} : memref<32x512xf32, #tpu.memory_space<vmem>>, vector<1x16xf32>,
      %swap3A_499 = vector.shape_cast %swap3A_498 : vector<1x16xf32> to vector<16xf32>
      %swap3A_500 = vector.shape_cast %get3A_495 : vector<16xf32> to vector<1x16xf32>
      tpu.vector_store %arg9[%swap3A_496, %swap3A_497], %swap3A_500 {add = true, strides = array<i32>} : memref<32x512xf32, #tpu.memory_space<vmem>>, vector<1x16xf32>,
      %get3A_501 = arith.index_cast %scan3A_322 : i32 to index
      %get3A_502 = arith.constant 320 : index
      %get3A_503 = tpu.vector_load %arg12[%get3A_501, %get3A_502] {strides = array<i32>} : memref<32x512xf32, #tpu.memory_space<vmem>>, vector<1x16xf32>,
      %get3A_504 = vector.shape_cast %get3A_503 : vector<1x16xf32> to vector<16xf32>
      %swap3A_505 = arith.index_cast %scan3A_322 : i32 to index
      %swap3A_506 = arith.constant 320 : index
      %swap3A_507 = tpu.vector_load %arg9[%swap3A_505, %swap3A_506] {strides = array<i32>} : memref<32x512xf32, #tpu.memory_space<vmem>>, vector<1x16xf32>,
      %swap3A_508 = vector.shape_cast %swap3A_507 : vector<1x16xf32> to vector<16xf32>
      %swap3A_509 = vector.shape_cast %get3A_504 : vector<16xf32> to vector<1x16xf32>
      tpu.vector_store %arg9[%swap3A_505, %swap3A_506], %swap3A_509 {add = true, strides = array<i32>} : memref<32x512xf32, #tpu.memory_space<vmem>>, vector<1x16xf32>,
      %get3A_510 = arith.index_cast %scan3A_322 : i32 to index
      %get3A_511 = arith.constant 336 : index
      %get3A_512 = tpu.vector_load %arg12[%get3A_510, %get3A_511] {strides = array<i32>} : memref<32x512xf32, #tpu.memory_space<vmem>>, vector<1x16xf32>,
      %get3A_513 = vector.shape_cast %get3A_512 : vector<1x16xf32> to vector<16xf32>
      %swap3A_514 = arith.index_cast %scan3A_322 : i32 to index
      %swap3A_515 = arith.constant 336 : index
      %swap3A_516 = tpu.vector_load %arg9[%swap3A_514, %swap3A_515] {strides = array<i32>} : memref<32x512xf32, #tpu.memory_space<vmem>>, vector<1x16xf32>,
      %swap3A_517 = vector.shape_cast %swap3A_516 : vector<1x16xf32> to vector<16xf32>
      %swap3A_518 = vector.shape_cast %get3A_513 : vector<16xf32> to vector<1x16xf32>
      tpu.vector_store %arg9[%swap3A_514, %swap3A_515], %swap3A_518 {add = true, strides = array<i32>} : memref<32x512xf32, #tpu.memory_space<vmem>>, vector<1x16xf32>,
      %get3A_519 = arith.index_cast %scan3A_322 : i32 to index
      %get3A_520 = arith.constant 352 : index
      %get3A_521 = tpu.vector_load %arg12[%get3A_519, %get3A_520] {strides = array<i32>} : memref<32x512xf32, #tpu.memory_space<vmem>>, vector<1x16xf32>,
      %get3A_522 = vector.shape_cast %get3A_521 : vector<1x16xf32> to vector<16xf32>
      %swap3A_523 = arith.index_cast %scan3A_322 : i32 to index
      %swap3A_524 = arith.constant 352 : index
      %swap3A_525 = tpu.vector_load %arg9[%swap3A_523, %swap3A_524] {strides = array<i32>} : memref<32x512xf32, #tpu.memory_space<vmem>>, vector<1x16xf32>,
      %swap3A_526 = vector.shape_cast %swap3A_525 : vector<1x16xf32> to vector<16xf32>
      %swap3A_527 = vector.shape_cast %get3A_522 : vector<16xf32> to vector<1x16xf32>
      tpu.vector_store %arg9[%swap3A_523, %swap3A_524], %swap3A_527 {add = true, strides = array<i32>} : memref<32x512xf32, #tpu.memory_space<vmem>>, vector<1x16xf32>,
      %get3A_528 = arith.index_cast %scan3A_322 : i32 to index
      %get3A_529 = arith.constant 368 : index
      %get3A_530 = tpu.vector_load %arg12[%get3A_528, %get3A_529] {strides = array<i32>} : memref<32x512xf32, #tpu.memory_space<vmem>>, vector<1x16xf32>,
      %get3A_531 = vector.shape_cast %get3A_530 : vector<1x16xf32> to vector<16xf32>
      %swap3A_532 = arith.index_cast %scan3A_322 : i32 to index
      %swap3A_533 = arith.constant 368 : index
      %swap3A_534 = tpu.vector_load %arg9[%swap3A_532, %swap3A_533] {strides = array<i32>} : memref<32x512xf32, #tpu.memory_space<vmem>>, vector<1x16xf32>,
      %swap3A_535 = vector.shape_cast %swap3A_534 : vector<1x16xf32> to vector<16xf32>
      %swap3A_536 = vector.shape_cast %get3A_531 : vector<16xf32> to vector<1x16xf32>
      tpu.vector_store %arg9[%swap3A_532, %swap3A_533], %swap3A_536 {add = true, strides = array<i32>} : memref<32x512xf32, #tpu.memory_space<vmem>>, vector<1x16xf32>,
      %get3A_537 = arith.index_cast %scan3A_322 : i32 to index
      %get3A_538 = arith.constant 384 : index
      %get3A_539 = tpu.vector_load %arg12[%get3A_537, %get3A_538] {strides = array<i32>} : memref<32x512xf32, #tpu.memory_space<vmem>>, vector<1x16xf32>,
      %get3A_540 = vector.shape_cast %get3A_539 : vector<1x16xf32> to vector<16xf32>
      %swap3A_541 = arith.index_cast %scan3A_322 : i32 to index
      %swap3A_542 = arith.constant 384 : index
      %swap3A_543 = tpu.vector_load %arg9[%swap3A_541, %swap3A_542] {strides = array<i32>} : memref<32x512xf32, #tpu.memory_space<vmem>>, vector<1x16xf32>,
      %swap3A_544 = vector.shape_cast %swap3A_543 : vector<1x16xf32> to vector<16xf32>
      %swap3A_545 = vector.shape_cast %get3A_540 : vector<16xf32> to vector<1x16xf32>
      tpu.vector_store %arg9[%swap3A_541, %swap3A_542], %swap3A_545 {add = true, strides = array<i32>} : memref<32x512xf32, #tpu.memory_space<vmem>>, vector<1x16xf32>,
      %get3A_546 = arith.index_cast %scan3A_322 : i32 to index
      %get3A_547 = arith.constant 400 : index
      %get3A_548 = tpu.vector_load %arg12[%get3A_546, %get3A_547] {strides = array<i32>} : memref<32x512xf32, #tpu.memory_space<vmem>>, vector<1x16xf32>,
      %get3A_549 = vector.shape_cast %get3A_548 : vector<1x16xf32> to vector<16xf32>
      %swap3A_550 = arith.index_cast %scan3A_322 : i32 to index
      %swap3A_551 = arith.constant 400 : index
      %swap3A_552 = tpu.vector_load %arg9[%swap3A_550, %swap3A_551] {strides = array<i32>} : memref<32x512xf32, #tpu.memory_space<vmem>>, vector<1x16xf32>,
      %swap3A_553 = vector.shape_cast %swap3A_552 : vector<1x16xf32> to vector<16xf32>
      %swap3A_554 = vector.shape_cast %get3A_549 : vector<16xf32> to vector<1x16xf32>
      tpu.vector_store %arg9[%swap3A_550, %swap3A_551], %swap3A_554 {add = true, strides = array<i32>} : memref<32x512xf32, #tpu.memory_space<vmem>>, vector<1x16xf32>,
      %get3A_555 = arith.index_cast %scan3A_322 : i32 to index
      %get3A_556 = arith.constant 416 : index
      %get3A_557 = tpu.vector_load %arg12[%get3A_555, %get3A_556] {strides = array<i32>} : memref<32x512xf32, #tpu.memory_space<vmem>>, vector<1x16xf32>,
      %get3A_558 = vector.shape_cast %get3A_557 : vector<1x16xf32> to vector<16xf32>
      %swap3A_559 = arith.index_cast %scan3A_322 : i32 to index
      %swap3A_560 = arith.constant 416 : index
      %swap3A_561 = tpu.vector_load %arg9[%swap3A_559, %swap3A_560] {strides = array<i32>} : memref<32x512xf32, #tpu.memory_space<vmem>>, vector<1x16xf32>,
      %swap3A_562 = vector.shape_cast %swap3A_561 : vector<1x16xf32> to vector<16xf32>
      %swap3A_563 = vector.shape_cast %get3A_558 : vector<16xf32> to vector<1x16xf32>
      tpu.vector_store %arg9[%swap3A_559, %swap3A_560], %swap3A_563 {add = true, strides = array<i32>} : memref<32x512xf32, #tpu.memory_space<vmem>>, vector<1x16xf32>,
      %get3A_564 = arith.index_cast %scan3A_322 : i32 to index
      %get3A_565 = arith.constant 432 : index
      %get3A_566 = tpu.vector_load %arg12[%get3A_564, %get3A_565] {strides = array<i32>} : memref<32x512xf32, #tpu.memory_space<vmem>>, vector<1x16xf32>,
      %get3A_567 = vector.shape_cast %get3A_566 : vector<1x16xf32> to vector<16xf32>
      %swap3A_568 = arith.index_cast %scan3A_322 : i32 to index
      %swap3A_569 = arith.constant 432 : index
      %swap3A_570 = tpu.vector_load %arg9[%swap3A_568, %swap3A_569] {strides = array<i32>} : memref<32x512xf32, #tpu.memory_space<vmem>>, vector<1x16xf32>,
      %swap3A_571 = vector.shape_cast %swap3A_570 : vector<1x16xf32> to vector<16xf32>
      %swap3A_572 = vector.shape_cast %get3A_567 : vector<16xf32> to vector<1x16xf32>
      tpu.vector_store %arg9[%swap3A_568, %swap3A_569], %swap3A_572 {add = true, strides = array<i32>} : memref<32x512xf32, #tpu.memory_space<vmem>>, vector<1x16xf32>,
      %get3A_573 = arith.index_cast %scan3A_322 : i32 to index
      %get3A_574 = arith.constant 448 : index
      %get3A_575 = tpu.vector_load %arg12[%get3A_573, %get3A_574] {strides = array<i32>} : memref<32x512xf32, #tpu.memory_space<vmem>>, vector<1x16xf32>,
      %get3A_576 = vector.shape_cast %get3A_575 : vector<1x16xf32> to vector<16xf32>
      %swap3A_577 = arith.index_cast %scan3A_322 : i32 to index
      %swap3A_578 = arith.constant 448 : index
      %swap3A_579 = tpu.vector_load %arg9[%swap3A_577, %swap3A_578] {strides = array<i32>} : memref<32x512xf32, #tpu.memory_space<vmem>>, vector<1x16xf32>,
      %swap3A_580 = vector.shape_cast %swap3A_579 : vector<1x16xf32> to vector<16xf32>
      %swap3A_581 = vector.shape_cast %get3A_576 : vector<16xf32> to vector<1x16xf32>
      tpu.vector_store %arg9[%swap3A_577, %swap3A_578], %swap3A_581 {add = true, strides = array<i32>} : memref<32x512xf32, #tpu.memory_space<vmem>>, vector<1x16xf32>,
      %get3A_582 = arith.index_cast %scan3A_322 : i32 to index
      %get3A_583 = arith.constant 464 : index
      %get3A_584 = tpu.vector_load %arg12[%get3A_582, %get3A_583] {strides = array<i32>} : memref<32x512xf32, #tpu.memory_space<vmem>>, vector<1x16xf32>,
      %get3A_585 = vector.shape_cast %get3A_584 : vector<1x16xf32> to vector<16xf32>
      %swap3A_586 = arith.index_cast %scan3A_322 : i32 to index
      %swap3A_587 = arith.constant 464 : index
      %swap3A_588 = tpu.vector_load %arg9[%swap3A_586, %swap3A_587] {strides = array<i32>} : memref<32x512xf32, #tpu.memory_space<vmem>>, vector<1x16xf32>,
      %swap3A_589 = vector.shape_cast %swap3A_588 : vector<1x16xf32> to vector<16xf32>
      %swap3A_590 = vector.shape_cast %get3A_585 : vector<16xf32> to vector<1x16xf32>
      tpu.vector_store %arg9[%swap3A_586, %swap3A_587], %swap3A_590 {add = true, strides = array<i32>} : memref<32x512xf32, #tpu.memory_space<vmem>>, vector<1x16xf32>,
      %get3A_591 = arith.index_cast %scan3A_322 : i32 to index
      %get3A_592 = arith.constant 480 : index
      %get3A_593 = tpu.vector_load %arg12[%get3A_591, %get3A_592] {strides = array<i32>} : memref<32x512xf32, #tpu.memory_space<vmem>>, vector<1x16xf32>,
      %get3A_594 = vector.shape_cast %get3A_593 : vector<1x16xf32> to vector<16xf32>
      %swap3A_595 = arith.index_cast %scan3A_322 : i32 to index
      %swap3A_596 = arith.constant 480 : index
      %swap3A_597 = tpu.vector_load %arg9[%swap3A_595, %swap3A_596] {strides = array<i32>} : memref<32x512xf32, #tpu.memory_space<vmem>>, vector<1x16xf32>,
      %swap3A_598 = vector.shape_cast %swap3A_597 : vector<1x16xf32> to vector<16xf32>
      %swap3A_599 = vector.shape_cast %get3A_594 : vector<16xf32> to vector<1x16xf32>
      tpu.vector_store %arg9[%swap3A_595, %swap3A_596], %swap3A_599 {add = true, strides = array<i32>} : memref<32x512xf32, #tpu.memory_space<vmem>>, vector<1x16xf32>,
      %get3A_600 = arith.index_cast %scan3A_322 : i32 to index
      %get3A_601 = arith.constant 496 : index
      %get3A_602 = tpu.vector_load %arg12[%get3A_600, %get3A_601] {strides = array<i32>} : memref<32x512xf32, #tpu.memory_space<vmem>>, vector<1x16xf32>,
      %get3A_603 = vector.shape_cast %get3A_602 : vector<1x16xf32> to vector<16xf32>
      %swap3A_604 = arith.index_cast %scan3A_322 : i32 to index
      %swap3A_605 = arith.constant 496 : index
      %swap3A_606 = tpu.vector_load %arg9[%swap3A_604, %swap3A_605] {strides = array<i32>} : memref<32x512xf32, #tpu.memory_space<vmem>>, vector<1x16xf32>,
      %swap3A_607 = vector.shape_cast %swap3A_606 : vector<1x16xf32> to vector<16xf32>
      %swap3A_608 = vector.shape_cast %get3A_603 : vector<16xf32> to vector<1x16xf32>
      tpu.vector_store %arg9[%swap3A_604, %swap3A_605], %swap3A_608 {add = true, strides = array<i32>} : memref<32x512xf32, #tpu.memory_space<vmem>>, vector<1x16xf32>,
    }
    %scan3A_112 = arith.constant 32 : i32
    %add3A_113 = arith.constant 64 : i32
    %add3A_114 = arith.addi %rem3A_4, %add3A_113 : i32
    %dma_start3A_115 = arith.constant 0 : i32
    %dma_start3A_116 = tpu.memref_slice %arg5[%div3A_3, %add3A_114, %dma_start3A_115] : memref<4x2048x512xf32, #tpu.memory_space<hbm>> -> memref<1x32x512xf32, #tpu.memory_space<hbm>>
    %dma_start3A_117 = tpu.memref_squeeze %dma_start3A_116 : memref<1x32x512xf32, #tpu.memory_space<hbm>> -> memref<32x512xf32, #tpu.memory_space<hbm>>
    %dma_start3A_118 = arith.constant 0 : i32
    %dma_start3A_119 = tpu.memref_slice %arg5[%div3A_3, %add3A_114, %dma_start3A_118] : memref<4x2048x512xf32, #tpu.memory_space<hbm>> -> memref<1x32x512xf32, #tpu.memory_space<hbm>>
    %dma_start3A_120 = tpu.memref_squeeze %dma_start3A_119 : memref<1x32x512xf32, #tpu.memory_space<hbm>> -> memref<32x512xf32, #tpu.memory_space<hbm>>
    tpu.enqueue_dma source(%arg9 : memref<32x512xf32, #tpu.memory_space<vmem>>) target(%dma_start3A_120 : memref<32x512xf32, #tpu.memory_space<hbm>>) target_semaphore(%arg21 : memref<!tpu.dma_semaphore, #tpu.memory_space<semaphore_mem>>)
    %add3A_121 = arith.constant 128 : i32
    %add3A_122 = arith.addi %rem3A_4, %add3A_121 : i32
    %dma_start3A_123 = arith.constant 0 : i32
    %dma_start3A_124 = tpu.memref_slice %arg4[%add3A_122, %dma_start3A_123] : memref<2048x512xf32, #tpu.memory_space<hbm>> -> memref<32x512xf32, #tpu.memory_space<hbm>>
    %dma_start3A_125 = arith.constant 0 : i32
    %dma_start3A_126 = tpu.memref_slice %arg4[%add3A_122, %dma_start3A_125] : memref<2048x512xf32, #tpu.memory_space<hbm>> -> memref<32x512xf32, #tpu.memory_space<hbm>>
    tpu.enqueue_dma source(%dma_start3A_126 : memref<32x512xf32, #tpu.memory_space<hbm>>) target(%arg11 : memref<32x512xf32, #tpu.memory_space<vmem>>) target_semaphore(%arg17 : memref<!tpu.dma_semaphore, #tpu.memory_space<semaphore_mem>>)
    %dma_wait3A_127 = arith.constant 0 : i32
    %dma_wait3A_128 = tpu.memref_slice %arg5[%div3A_3, %add3A_74, %dma_wait3A_127] : memref<4x2048x512xf32, #tpu.memory_space<hbm>> -> memref<1x32x512xf32, #tpu.memory_space<hbm>>
    %dma_wait3A_129 = tpu.memref_squeeze %dma_wait3A_128 : memref<1x32x512xf32, #tpu.memory_space<hbm>> -> memref<32x512xf32, #tpu.memory_space<hbm>>
    %dma_wait3A_130 = arith.constant 0 : i32
    %dma_wait3A_131 = tpu.memref_slice %arg5[%div3A_3, %add3A_74, %dma_wait3A_130] : memref<4x2048x512xf32, #tpu.memory_space<hbm>> -> memref<1x32x512xf32, #tpu.memory_space<hbm>>
    %dma_wait3A_132 = tpu.memref_squeeze %dma_wait3A_131 : memref<1x32x512xf32, #tpu.memory_space<hbm>> -> memref<32x512xf32, #tpu.memory_space<hbm>>
    tpu.wait_dma2 semaphore(%arg20 : memref<!tpu.dma_semaphore, #tpu.memory_space<semaphore_mem>>) src(%arg8 : memref<32x512xf32, #tpu.memory_space<vmem>>) dst(%dma_wait3A_132 : memref<32x512xf32, #tpu.memory_space<hbm>>)
    %dma_start3A_133 = arith.constant 128 : i32
    %dma_start3A_134 = tpu.memref_slice %arg6[%dma_start3A_133] : memref<256xi32, #tpu.memory_space<vmem>> -> memref<32xi32, #tpu.memory_space<vmem>>
    %dma_start3A_135 = arith.constant 0 : i32
    %dma_start3A_136 = arith.constant 0 : i32
    %dma_start3A_137 = tpu.memref_slice %arg3[%dma_start3A_135, %dma_start3A_136] : memref<774x512xf32, #tpu.memory_space<hbm>> -> memref<774x512xf32, #tpu.memory_space<hbm>>
    tpu.enqueue_indirect_dma source(%dma_start3A_137 : memref<774x512xf32, #tpu.memory_space<hbm>>) target(%arg8 : memref<32x512xf32, #tpu.memory_space<vmem>>) offsets(%dma_start3A_134 : memref<32xi32, #tpu.memory_space<vmem>>) semaphore(%arg14 : memref<!tpu.dma_semaphore, #tpu.memory_space<semaphore_mem>>)
    %dma_wait3A_138 = arith.constant 96 : i32
    %dma_wait3A_139 = tpu.memref_slice %arg6[%dma_wait3A_138] : memref<256xi32, #tpu.memory_space<vmem>> -> memref<32xi32, #tpu.memory_space<vmem>>
    %dma_wait3A_140 = arith.constant 0 : i32
    %dma_wait3A_141 = arith.constant 0 : i32
    %dma_wait3A_142 = tpu.memref_slice %arg3[%dma_wait3A_140, %dma_wait3A_141] : memref<774x512xf32, #tpu.memory_space<hbm>> -> memref<774x512xf32, #tpu.memory_space<hbm>>
    tpu.wait_indirect_dma semaphore(%arg13 : memref<!tpu.dma_semaphore, #tpu.memory_space<semaphore_mem>>) src(%dma_wait3A_142 : memref<774x512xf32, #tpu.memory_space<hbm>>) dst(%arg7 : memref<32x512xf32, #tpu.memory_space<vmem>>)
    %dma_wait3A_143 = arith.constant 0 : i32
    %dma_wait3A_144 = tpu.memref_slice %arg4[%add3A_82, %dma_wait3A_143] : memref<2048x512xf32, #tpu.memory_space<hbm>> -> memref<32x512xf32, #tpu.memory_space<hbm>>
    %dma_wait3A_145 = arith.constant 0 : i32
    %dma_wait3A_146 = tpu.memref_slice %arg4[%add3A_82, %dma_wait3A_145] : memref<2048x512xf32, #tpu.memory_space<hbm>> -> memref<32x512xf32, #tpu.memory_space<hbm>>
    tpu.wait_dma2 semaphore(%arg16 : memref<!tpu.dma_semaphore, #tpu.memory_space<semaphore_mem>>) src(%dma_wait3A_146 : memref<32x512xf32, #tpu.memory_space<hbm>>) dst(%arg10 : memref<32x512xf32, #tpu.memory_space<vmem>>)
    %scan3A_147 = arith.constant 0 : i32
    %scan3A_148 = arith.constant 0 : i32
    %scan3A_149 = arith.constant 32 : i32
    %scan3A_150 = arith.addi %scan3A_148, %scan3A_149 : i32
    %scan3A_151 = arith.constant 1 : i32
    scf.for %scan3A_322 = %scan3A_148 to %scan3A_150 step %scan3A_151  : i32 {
      %get3A = arith.index_cast %scan3A_322 : i32 to index
      %get3A_323 = arith.constant 0 : index
      %get3A_324 = tpu.vector_load %arg10[%get3A, %get3A_323] {strides = array<i32>} : memref<32x512xf32, #tpu.memory_space<vmem>>, vector<1x16xf32>,
      %get3A_325 = vector.shape_cast %get3A_324 : vector<1x16xf32> to vector<16xf32>
      %swap3A = arith.index_cast %scan3A_322 : i32 to index
      %swap3A_326 = arith.constant 0 : index
      %swap3A_327 = tpu.vector_load %arg7[%swap3A, %swap3A_326] {strides = array<i32>} : memref<32x512xf32, #tpu.memory_space<vmem>>, vector<1x16xf32>,
      %swap3A_328 = vector.shape_cast %swap3A_327 : vector<1x16xf32> to vector<16xf32>
      %swap3A_329 = vector.shape_cast %get3A_325 : vector<16xf32> to vector<1x16xf32>
      tpu.vector_store %arg7[%swap3A, %swap3A_326], %swap3A_329 {add = true, strides = array<i32>} : memref<32x512xf32, #tpu.memory_space<vmem>>, vector<1x16xf32>,
      %get3A_330 = arith.index_cast %scan3A_322 : i32 to index
      %get3A_331 = arith.constant 16 : index
      %get3A_332 = tpu.vector_load %arg10[%get3A_330, %get3A_331] {strides = array<i32>} : memref<32x512xf32, #tpu.memory_space<vmem>>, vector<1x16xf32>,
      %get3A_333 = vector.shape_cast %get3A_332 : vector<1x16xf32> to vector<16xf32>
      %swap3A_334 = arith.index_cast %scan3A_322 : i32 to index
      %swap3A_335 = arith.constant 16 : index
      %swap3A_336 = tpu.vector_load %arg7[%swap3A_334, %swap3A_335] {strides = array<i32>} : memref<32x512xf32, #tpu.memory_space<vmem>>, vector<1x16xf32>,
      %swap3A_337 = vector.shape_cast %swap3A_336 : vector<1x16xf32> to vector<16xf32>
      %swap3A_338 = vector.shape_cast %get3A_333 : vector<16xf32> to vector<1x16xf32>
      tpu.vector_store %arg7[%swap3A_334, %swap3A_335], %swap3A_338 {add = true, strides = array<i32>} : memref<32x512xf32, #tpu.memory_space<vmem>>, vector<1x16xf32>,
      %get3A_339 = arith.index_cast %scan3A_322 : i32 to index
      %get3A_340 = arith.constant 32 : index
      %get3A_341 = tpu.vector_load %arg10[%get3A_339, %get3A_340] {strides = array<i32>} : memref<32x512xf32, #tpu.memory_space<vmem>>, vector<1x16xf32>,
      %get3A_342 = vector.shape_cast %get3A_341 : vector<1x16xf32> to vector<16xf32>
      %swap3A_343 = arith.index_cast %scan3A_322 : i32 to index
      %swap3A_344 = arith.constant 32 : index
      %swap3A_345 = tpu.vector_load %arg7[%swap3A_343, %swap3A_344] {strides = array<i32>} : memref<32x512xf32, #tpu.memory_space<vmem>>, vector<1x16xf32>,
      %swap3A_346 = vector.shape_cast %swap3A_345 : vector<1x16xf32> to vector<16xf32>
      %swap3A_347 = vector.shape_cast %get3A_342 : vector<16xf32> to vector<1x16xf32>
      tpu.vector_store %arg7[%swap3A_343, %swap3A_344], %swap3A_347 {add = true, strides = array<i32>} : memref<32x512xf32, #tpu.memory_space<vmem>>, vector<1x16xf32>,
      %get3A_348 = arith.index_cast %scan3A_322 : i32 to index
      %get3A_349 = arith.constant 48 : index
      %get3A_350 = tpu.vector_load %arg10[%get3A_348, %get3A_349] {strides = array<i32>} : memref<32x512xf32, #tpu.memory_space<vmem>>, vector<1x16xf32>,
      %get3A_351 = vector.shape_cast %get3A_350 : vector<1x16xf32> to vector<16xf32>
      %swap3A_352 = arith.index_cast %scan3A_322 : i32 to index
      %swap3A_353 = arith.constant 48 : index
      %swap3A_354 = tpu.vector_load %arg7[%swap3A_352, %swap3A_353] {strides = array<i32>} : memref<32x512xf32, #tpu.memory_space<vmem>>, vector<1x16xf32>,
      %swap3A_355 = vector.shape_cast %swap3A_354 : vector<1x16xf32> to vector<16xf32>
      %swap3A_356 = vector.shape_cast %get3A_351 : vector<16xf32> to vector<1x16xf32>
      tpu.vector_store %arg7[%swap3A_352, %swap3A_353], %swap3A_356 {add = true, strides = array<i32>} : memref<32x512xf32, #tpu.memory_space<vmem>>, vector<1x16xf32>,
      %get3A_357 = arith.index_cast %scan3A_322 : i32 to index
      %get3A_358 = arith.constant 64 : index
      %get3A_359 = tpu.vector_load %arg10[%get3A_357, %get3A_358] {strides = array<i32>} : memref<32x512xf32, #tpu.memory_space<vmem>>, vector<1x16xf32>,
      %get3A_360 = vector.shape_cast %get3A_359 : vector<1x16xf32> to vector<16xf32>
      %swap3A_361 = arith.index_cast %scan3A_322 : i32 to index
      %swap3A_362 = arith.constant 64 : index
      %swap3A_363 = tpu.vector_load %arg7[%swap3A_361, %swap3A_362] {strides = array<i32>} : memref<32x512xf32, #tpu.memory_space<vmem>>, vector<1x16xf32>,
      %swap3A_364 = vector.shape_cast %swap3A_363 : vector<1x16xf32> to vector<16xf32>
      %swap3A_365 = vector.shape_cast %get3A_360 : vector<16xf32> to vector<1x16xf32>
      tpu.vector_store %arg7[%swap3A_361, %swap3A_362], %swap3A_365 {add = true, strides = array<i32>} : memref<32x512xf32, #tpu.memory_space<vmem>>, vector<1x16xf32>,
      %get3A_366 = arith.index_cast %scan3A_322 : i32 to index
      %get3A_367 = arith.constant 80 : index
      %get3A_368 = tpu.vector_load %arg10[%get3A_366, %get3A_367] {strides = array<i32>} : memref<32x512xf32, #tpu.memory_space<vmem>>, vector<1x16xf32>,
      %get3A_369 = vector.shape_cast %get3A_368 : vector<1x16xf32> to vector<16xf32>
      %swap3A_370 = arith.index_cast %scan3A_322 : i32 to index
      %swap3A_371 = arith.constant 80 : index
      %swap3A_372 = tpu.vector_load %arg7[%swap3A_370, %swap3A_371] {strides = array<i32>} : memref<32x512xf32, #tpu.memory_space<vmem>>, vector<1x16xf32>,
      %swap3A_373 = vector.shape_cast %swap3A_372 : vector<1x16xf32> to vector<16xf32>
      %swap3A_374 = vector.shape_cast %get3A_369 : vector<16xf32> to vector<1x16xf32>
      tpu.vector_store %arg7[%swap3A_370, %swap3A_371], %swap3A_374 {add = true, strides = array<i32>} : memref<32x512xf32, #tpu.memory_space<vmem>>, vector<1x16xf32>,
      %get3A_375 = arith.index_cast %scan3A_322 : i32 to index
      %get3A_376 = arith.constant 96 : index
      %get3A_377 = tpu.vector_load %arg10[%get3A_375, %get3A_376] {strides = array<i32>} : memref<32x512xf32, #tpu.memory_space<vmem>>, vector<1x16xf32>,
      %get3A_378 = vector.shape_cast %get3A_377 : vector<1x16xf32> to vector<16xf32>
      %swap3A_379 = arith.index_cast %scan3A_322 : i32 to index
      %swap3A_380 = arith.constant 96 : index
      %swap3A_381 = tpu.vector_load %arg7[%swap3A_379, %swap3A_380] {strides = array<i32>} : memref<32x512xf32, #tpu.memory_space<vmem>>, vector<1x16xf32>,
      %swap3A_382 = vector.shape_cast %swap3A_381 : vector<1x16xf32> to vector<16xf32>
      %swap3A_383 = vector.shape_cast %get3A_378 : vector<16xf32> to vector<1x16xf32>
      tpu.vector_store %arg7[%swap3A_379, %swap3A_380], %swap3A_383 {add = true, strides = array<i32>} : memref<32x512xf32, #tpu.memory_space<vmem>>, vector<1x16xf32>,
      %get3A_384 = arith.index_cast %scan3A_322 : i32 to index
      %get3A_385 = arith.constant 112 : index
      %get3A_386 = tpu.vector_load %arg10[%get3A_384, %get3A_385] {strides = array<i32>} : memref<32x512xf32, #tpu.memory_space<vmem>>, vector<1x16xf32>,
      %get3A_387 = vector.shape_cast %get3A_386 : vector<1x16xf32> to vector<16xf32>
      %swap3A_388 = arith.index_cast %scan3A_322 : i32 to index
      %swap3A_389 = arith.constant 112 : index
      %swap3A_390 = tpu.vector_load %arg7[%swap3A_388, %swap3A_389] {strides = array<i32>} : memref<32x512xf32, #tpu.memory_space<vmem>>, vector<1x16xf32>,
      %swap3A_391 = vector.shape_cast %swap3A_390 : vector<1x16xf32> to vector<16xf32>
      %swap3A_392 = vector.shape_cast %get3A_387 : vector<16xf32> to vector<1x16xf32>
      tpu.vector_store %arg7[%swap3A_388, %swap3A_389], %swap3A_392 {add = true, strides = array<i32>} : memref<32x512xf32, #tpu.memory_space<vmem>>, vector<1x16xf32>,
      %get3A_393 = arith.index_cast %scan3A_322 : i32 to index
      %get3A_394 = arith.constant 128 : index
      %get3A_395 = tpu.vector_load %arg10[%get3A_393, %get3A_394] {strides = array<i32>} : memref<32x512xf32, #tpu.memory_space<vmem>>, vector<1x16xf32>,
      %get3A_396 = vector.shape_cast %get3A_395 : vector<1x16xf32> to vector<16xf32>
      %swap3A_397 = arith.index_cast %scan3A_322 : i32 to index
      %swap3A_398 = arith.constant 128 : index
      %swap3A_399 = tpu.vector_load %arg7[%swap3A_397, %swap3A_398] {strides = array<i32>} : memref<32x512xf32, #tpu.memory_space<vmem>>, vector<1x16xf32>,
      %swap3A_400 = vector.shape_cast %swap3A_399 : vector<1x16xf32> to vector<16xf32>
      %swap3A_401 = vector.shape_cast %get3A_396 : vector<16xf32> to vector<1x16xf32>
      tpu.vector_store %arg7[%swap3A_397, %swap3A_398], %swap3A_401 {add = true, strides = array<i32>} : memref<32x512xf32, #tpu.memory_space<vmem>>, vector<1x16xf32>,
      %get3A_402 = arith.index_cast %scan3A_322 : i32 to index
      %get3A_403 = arith.constant 144 : index
      %get3A_404 = tpu.vector_load %arg10[%get3A_402, %get3A_403] {strides = array<i32>} : memref<32x512xf32, #tpu.memory_space<vmem>>, vector<1x16xf32>,
      %get3A_405 = vector.shape_cast %get3A_404 : vector<1x16xf32> to vector<16xf32>
      %swap3A_406 = arith.index_cast %scan3A_322 : i32 to index
      %swap3A_407 = arith.constant 144 : index
      %swap3A_408 = tpu.vector_load %arg7[%swap3A_406, %swap3A_407] {strides = array<i32>} : memref<32x512xf32, #tpu.memory_space<vmem>>, vector<1x16xf32>,
      %swap3A_409 = vector.shape_cast %swap3A_408 : vector<1x16xf32> to vector<16xf32>
      %swap3A_410 = vector.shape_cast %get3A_405 : vector<16xf32> to vector<1x16xf32>
      tpu.vector_store %arg7[%swap3A_406, %swap3A_407], %swap3A_410 {add = true, strides = array<i32>} : memref<32x512xf32, #tpu.memory_space<vmem>>, vector<1x16xf32>,
      %get3A_411 = arith.index_cast %scan3A_322 : i32 to index
      %get3A_412 = arith.constant 160 : index
      %get3A_413 = tpu.vector_load %arg10[%get3A_411, %get3A_412] {strides = array<i32>} : memref<32x512xf32, #tpu.memory_space<vmem>>, vector<1x16xf32>,
      %get3A_414 = vector.shape_cast %get3A_413 : vector<1x16xf32> to vector<16xf32>
      %swap3A_415 = arith.index_cast %scan3A_322 : i32 to index
      %swap3A_416 = arith.constant 160 : index
      %swap3A_417 = tpu.vector_load %arg7[%swap3A_415, %swap3A_416] {strides = array<i32>} : memref<32x512xf32, #tpu.memory_space<vmem>>, vector<1x16xf32>,
      %swap3A_418 = vector.shape_cast %swap3A_417 : vector<1x16xf32> to vector<16xf32>
      %swap3A_419 = vector.shape_cast %get3A_414 : vector<16xf32> to vector<1x16xf32>
      tpu.vector_store %arg7[%swap3A_415, %swap3A_416], %swap3A_419 {add = true, strides = array<i32>} : memref<32x512xf32, #tpu.memory_space<vmem>>, vector<1x16xf32>,
      %get3A_420 = arith.index_cast %scan3A_322 : i32 to index
      %get3A_421 = arith.constant 176 : index
      %get3A_422 = tpu.vector_load %arg10[%get3A_420, %get3A_421] {strides = array<i32>} : memref<32x512xf32, #tpu.memory_space<vmem>>, vector<1x16xf32>,
      %get3A_423 = vector.shape_cast %get3A_422 : vector<1x16xf32> to vector<16xf32>
      %swap3A_424 = arith.index_cast %scan3A_322 : i32 to index
      %swap3A_425 = arith.constant 176 : index
      %swap3A_426 = tpu.vector_load %arg7[%swap3A_424, %swap3A_425] {strides = array<i32>} : memref<32x512xf32, #tpu.memory_space<vmem>>, vector<1x16xf32>,
      %swap3A_427 = vector.shape_cast %swap3A_426 : vector<1x16xf32> to vector<16xf32>
      %swap3A_428 = vector.shape_cast %get3A_423 : vector<16xf32> to vector<1x16xf32>
      tpu.vector_store %arg7[%swap3A_424, %swap3A_425], %swap3A_428 {add = true, strides = array<i32>} : memref<32x512xf32, #tpu.memory_space<vmem>>, vector<1x16xf32>,
      %get3A_429 = arith.index_cast %scan3A_322 : i32 to index
      %get3A_430 = arith.constant 192 : index
      %get3A_431 = tpu.vector_load %arg10[%get3A_429, %get3A_430] {strides = array<i32>} : memref<32x512xf32, #tpu.memory_space<vmem>>, vector<1x16xf32>,
      %get3A_432 = vector.shape_cast %get3A_431 : vector<1x16xf32> to vector<16xf32>
      %swap3A_433 = arith.index_cast %scan3A_322 : i32 to index
      %swap3A_434 = arith.constant 192 : index
      %swap3A_435 = tpu.vector_load %arg7[%swap3A_433, %swap3A_434] {strides = array<i32>} : memref<32x512xf32, #tpu.memory_space<vmem>>, vector<1x16xf32>,
      %swap3A_436 = vector.shape_cast %swap3A_435 : vector<1x16xf32> to vector<16xf32>
      %swap3A_437 = vector.shape_cast %get3A_432 : vector<16xf32> to vector<1x16xf32>
      tpu.vector_store %arg7[%swap3A_433, %swap3A_434], %swap3A_437 {add = true, strides = array<i32>} : memref<32x512xf32, #tpu.memory_space<vmem>>, vector<1x16xf32>,
      %get3A_438 = arith.index_cast %scan3A_322 : i32 to index
      %get3A_439 = arith.constant 208 : index
      %get3A_440 = tpu.vector_load %arg10[%get3A_438, %get3A_439] {strides = array<i32>} : memref<32x512xf32, #tpu.memory_space<vmem>>, vector<1x16xf32>,
      %get3A_441 = vector.shape_cast %get3A_440 : vector<1x16xf32> to vector<16xf32>
      %swap3A_442 = arith.index_cast %scan3A_322 : i32 to index
      %swap3A_443 = arith.constant 208 : index
      %swap3A_444 = tpu.vector_load %arg7[%swap3A_442, %swap3A_443] {strides = array<i32>} : memref<32x512xf32, #tpu.memory_space<vmem>>, vector<1x16xf32>,
      %swap3A_445 = vector.shape_cast %swap3A_444 : vector<1x16xf32> to vector<16xf32>
      %swap3A_446 = vector.shape_cast %get3A_441 : vector<16xf32> to vector<1x16xf32>
      tpu.vector_store %arg7[%swap3A_442, %swap3A_443], %swap3A_446 {add = true, strides = array<i32>} : memref<32x512xf32, #tpu.memory_space<vmem>>, vector<1x16xf32>,
      %get3A_447 = arith.index_cast %scan3A_322 : i32 to index
      %get3A_448 = arith.constant 224 : index
      %get3A_449 = tpu.vector_load %arg10[%get3A_447, %get3A_448] {strides = array<i32>} : memref<32x512xf32, #tpu.memory_space<vmem>>, vector<1x16xf32>,
      %get3A_450 = vector.shape_cast %get3A_449 : vector<1x16xf32> to vector<16xf32>
      %swap3A_451 = arith.index_cast %scan3A_322 : i32 to index
      %swap3A_452 = arith.constant 224 : index
      %swap3A_453 = tpu.vector_load %arg7[%swap3A_451, %swap3A_452] {strides = array<i32>} : memref<32x512xf32, #tpu.memory_space<vmem>>, vector<1x16xf32>,
      %swap3A_454 = vector.shape_cast %swap3A_453 : vector<1x16xf32> to vector<16xf32>
      %swap3A_455 = vector.shape_cast %get3A_450 : vector<16xf32> to vector<1x16xf32>
      tpu.vector_store %arg7[%swap3A_451, %swap3A_452], %swap3A_455 {add = true, strides = array<i32>} : memref<32x512xf32, #tpu.memory_space<vmem>>, vector<1x16xf32>,
      %get3A_456 = arith.index_cast %scan3A_322 : i32 to index
      %get3A_457 = arith.constant 240 : index
      %get3A_458 = tpu.vector_load %arg10[%get3A_456, %get3A_457] {strides = array<i32>} : memref<32x512xf32, #tpu.memory_space<vmem>>, vector<1x16xf32>,
      %get3A_459 = vector.shape_cast %get3A_458 : vector<1x16xf32> to vector<16xf32>
      %swap3A_460 = arith.index_cast %scan3A_322 : i32 to index
      %swap3A_461 = arith.constant 240 : index
      %swap3A_462 = tpu.vector_load %arg7[%swap3A_460, %swap3A_461] {strides = array<i32>} : memref<32x512xf32, #tpu.memory_space<vmem>>, vector<1x16xf32>,
      %swap3A_463 = vector.shape_cast %swap3A_462 : vector<1x16xf32> to vector<16xf32>
      %swap3A_464 = vector.shape_cast %get3A_459 : vector<16xf32> to vector<1x16xf32>
      tpu.vector_store %arg7[%swap3A_460, %swap3A_461], %swap3A_464 {add = true, strides = array<i32>} : memref<32x512xf32, #tpu.memory_space<vmem>>, vector<1x16xf32>,
      %get3A_465 = arith.index_cast %scan3A_322 : i32 to index
      %get3A_466 = arith.constant 256 : index
      %get3A_467 = tpu.vector_load %arg10[%get3A_465, %get3A_466] {strides = array<i32>} : memref<32x512xf32, #tpu.memory_space<vmem>>, vector<1x16xf32>,
      %get3A_468 = vector.shape_cast %get3A_467 : vector<1x16xf32> to vector<16xf32>
      %swap3A_469 = arith.index_cast %scan3A_322 : i32 to index
      %swap3A_470 = arith.constant 256 : index
      %swap3A_471 = tpu.vector_load %arg7[%swap3A_469, %swap3A_470] {strides = array<i32>} : memref<32x512xf32, #tpu.memory_space<vmem>>, vector<1x16xf32>,
      %swap3A_472 = vector.shape_cast %swap3A_471 : vector<1x16xf32> to vector<16xf32>
      %swap3A_473 = vector.shape_cast %get3A_468 : vector<16xf32> to vector<1x16xf32>
      tpu.vector_store %arg7[%swap3A_469, %swap3A_470], %swap3A_473 {add = true, strides = array<i32>} : memref<32x512xf32, #tpu.memory_space<vmem>>, vector<1x16xf32>,
      %get3A_474 = arith.index_cast %scan3A_322 : i32 to index
      %get3A_475 = arith.constant 272 : index
      %get3A_476 = tpu.vector_load %arg10[%get3A_474, %get3A_475] {strides = array<i32>} : memref<32x512xf32, #tpu.memory_space<vmem>>, vector<1x16xf32>,
      %get3A_477 = vector.shape_cast %get3A_476 : vector<1x16xf32> to vector<16xf32>
      %swap3A_478 = arith.index_cast %scan3A_322 : i32 to index
      %swap3A_479 = arith.constant 272 : index
      %swap3A_480 = tpu.vector_load %arg7[%swap3A_478, %swap3A_479] {strides = array<i32>} : memref<32x512xf32, #tpu.memory_space<vmem>>, vector<1x16xf32>,
      %swap3A_481 = vector.shape_cast %swap3A_480 : vector<1x16xf32> to vector<16xf32>
      %swap3A_482 = vector.shape_cast %get3A_477 : vector<16xf32> to vector<1x16xf32>
      tpu.vector_store %arg7[%swap3A_478, %swap3A_479], %swap3A_482 {add = true, strides = array<i32>} : memref<32x512xf32, #tpu.memory_space<vmem>>, vector<1x16xf32>,
      %get3A_483 = arith.index_cast %scan3A_322 : i32 to index
      %get3A_484 = arith.constant 288 : index
      %get3A_485 = tpu.vector_load %arg10[%get3A_483, %get3A_484] {strides = array<i32>} : memref<32x512xf32, #tpu.memory_space<vmem>>, vector<1x16xf32>,
      %get3A_486 = vector.shape_cast %get3A_485 : vector<1x16xf32> to vector<16xf32>
      %swap3A_487 = arith.index_cast %scan3A_322 : i32 to index
      %swap3A_488 = arith.constant 288 : index
      %swap3A_489 = tpu.vector_load %arg7[%swap3A_487, %swap3A_488] {strides = array<i32>} : memref<32x512xf32, #tpu.memory_space<vmem>>, vector<1x16xf32>,
      %swap3A_490 = vector.shape_cast %swap3A_489 : vector<1x16xf32> to vector<16xf32>
      %swap3A_491 = vector.shape_cast %get3A_486 : vector<16xf32> to vector<1x16xf32>
      tpu.vector_store %arg7[%swap3A_487, %swap3A_488], %swap3A_491 {add = true, strides = array<i32>} : memref<32x512xf32, #tpu.memory_space<vmem>>, vector<1x16xf32>,
      %get3A_492 = arith.index_cast %scan3A_322 : i32 to index
      %get3A_493 = arith.constant 304 : index
      %get3A_494 = tpu.vector_load %arg10[%get3A_492, %get3A_493] {strides = array<i32>} : memref<32x512xf32, #tpu.memory_space<vmem>>, vector<1x16xf32>,
      %get3A_495 = vector.shape_cast %get3A_494 : vector<1x16xf32> to vector<16xf32>
      %swap3A_496 = arith.index_cast %scan3A_322 : i32 to index
      %swap3A_497 = arith.constant 304 : index
      %swap3A_498 = tpu.vector_load %arg7[%swap3A_496, %swap3A_497] {strides = array<i32>} : memref<32x512xf32, #tpu.memory_space<vmem>>, vector<1x16xf32>,
      %swap3A_499 = vector.shape_cast %swap3A_498 : vector<1x16xf32> to vector<16xf32>
      %swap3A_500 = vector.shape_cast %get3A_495 : vector<16xf32> to vector<1x16xf32>
      tpu.vector_store %arg7[%swap3A_496, %swap3A_497], %swap3A_500 {add = true, strides = array<i32>} : memref<32x512xf32, #tpu.memory_space<vmem>>, vector<1x16xf32>,
      %get3A_501 = arith.index_cast %scan3A_322 : i32 to index
      %get3A_502 = arith.constant 320 : index
      %get3A_503 = tpu.vector_load %arg10[%get3A_501, %get3A_502] {strides = array<i32>} : memref<32x512xf32, #tpu.memory_space<vmem>>, vector<1x16xf32>,
      %get3A_504 = vector.shape_cast %get3A_503 : vector<1x16xf32> to vector<16xf32>
      %swap3A_505 = arith.index_cast %scan3A_322 : i32 to index
      %swap3A_506 = arith.constant 320 : index
      %swap3A_507 = tpu.vector_load %arg7[%swap3A_505, %swap3A_506] {strides = array<i32>} : memref<32x512xf32, #tpu.memory_space<vmem>>, vector<1x16xf32>,
      %swap3A_508 = vector.shape_cast %swap3A_507 : vector<1x16xf32> to vector<16xf32>
      %swap3A_509 = vector.shape_cast %get3A_504 : vector<16xf32> to vector<1x16xf32>
      tpu.vector_store %arg7[%swap3A_505, %swap3A_506], %swap3A_509 {add = true, strides = array<i32>} : memref<32x512xf32, #tpu.memory_space<vmem>>, vector<1x16xf32>,
      %get3A_510 = arith.index_cast %scan3A_322 : i32 to index
      %get3A_511 = arith.constant 336 : index
      %get3A_512 = tpu.vector_load %arg10[%get3A_510, %get3A_511] {strides = array<i32>} : memref<32x512xf32, #tpu.memory_space<vmem>>, vector<1x16xf32>,
      %get3A_513 = vector.shape_cast %get3A_512 : vector<1x16xf32> to vector<16xf32>
      %swap3A_514 = arith.index_cast %scan3A_322 : i32 to index
      %swap3A_515 = arith.constant 336 : index
      %swap3A_516 = tpu.vector_load %arg7[%swap3A_514, %swap3A_515] {strides = array<i32>} : memref<32x512xf32, #tpu.memory_space<vmem>>, vector<1x16xf32>,
      %swap3A_517 = vector.shape_cast %swap3A_516 : vector<1x16xf32> to vector<16xf32>
      %swap3A_518 = vector.shape_cast %get3A_513 : vector<16xf32> to vector<1x16xf32>
      tpu.vector_store %arg7[%swap3A_514, %swap3A_515], %swap3A_518 {add = true, strides = array<i32>} : memref<32x512xf32, #tpu.memory_space<vmem>>, vector<1x16xf32>,
      %get3A_519 = arith.index_cast %scan3A_322 : i32 to index
      %get3A_520 = arith.constant 352 : index
      %get3A_521 = tpu.vector_load %arg10[%get3A_519, %get3A_520] {strides = array<i32>} : memref<32x512xf32, #tpu.memory_space<vmem>>, vector<1x16xf32>,
      %get3A_522 = vector.shape_cast %get3A_521 : vector<1x16xf32> to vector<16xf32>
      %swap3A_523 = arith.index_cast %scan3A_322 : i32 to index
      %swap3A_524 = arith.constant 352 : index
      %swap3A_525 = tpu.vector_load %arg7[%swap3A_523, %swap3A_524] {strides = array<i32>} : memref<32x512xf32, #tpu.memory_space<vmem>>, vector<1x16xf32>,
      %swap3A_526 = vector.shape_cast %swap3A_525 : vector<1x16xf32> to vector<16xf32>
      %swap3A_527 = vector.shape_cast %get3A_522 : vector<16xf32> to vector<1x16xf32>
      tpu.vector_store %arg7[%swap3A_523, %swap3A_524], %swap3A_527 {add = true, strides = array<i32>} : memref<32x512xf32, #tpu.memory_space<vmem>>, vector<1x16xf32>,
      %get3A_528 = arith.index_cast %scan3A_322 : i32 to index
      %get3A_529 = arith.constant 368 : index
      %get3A_530 = tpu.vector_load %arg10[%get3A_528, %get3A_529] {strides = array<i32>} : memref<32x512xf32, #tpu.memory_space<vmem>>, vector<1x16xf32>,
      %get3A_531 = vector.shape_cast %get3A_530 : vector<1x16xf32> to vector<16xf32>
      %swap3A_532 = arith.index_cast %scan3A_322 : i32 to index
      %swap3A_533 = arith.constant 368 : index
      %swap3A_534 = tpu.vector_load %arg7[%swap3A_532, %swap3A_533] {strides = array<i32>} : memref<32x512xf32, #tpu.memory_space<vmem>>, vector<1x16xf32>,
      %swap3A_535 = vector.shape_cast %swap3A_534 : vector<1x16xf32> to vector<16xf32>
      %swap3A_536 = vector.shape_cast %get3A_531 : vector<16xf32> to vector<1x16xf32>
      tpu.vector_store %arg7[%swap3A_532, %swap3A_533], %swap3A_536 {add = true, strides = array<i32>} : memref<32x512xf32, #tpu.memory_space<vmem>>, vector<1x16xf32>,
      %get3A_537 = arith.index_cast %scan3A_322 : i32 to index
      %get3A_538 = arith.constant 384 : index
      %get3A_539 = tpu.vector_load %arg10[%get3A_537, %get3A_538] {strides = array<i32>} : memref<32x512xf32, #tpu.memory_space<vmem>>, vector<1x16xf32>,
      %get3A_540 = vector.shape_cast %get3A_539 : vector<1x16xf32> to vector<16xf32>
      %swap3A_541 = arith.index_cast %scan3A_322 : i32 to index
      %swap3A_542 = arith.constant 384 : index
      %swap3A_543 = tpu.vector_load %arg7[%swap3A_541, %swap3A_542] {strides = array<i32>} : memref<32x512xf32, #tpu.memory_space<vmem>>, vector<1x16xf32>,
      %swap3A_544 = vector.shape_cast %swap3A_543 : vector<1x16xf32> to vector<16xf32>
      %swap3A_545 = vector.shape_cast %get3A_540 : vector<16xf32> to vector<1x16xf32>
      tpu.vector_store %arg7[%swap3A_541, %swap3A_542], %swap3A_545 {add = true, strides = array<i32>} : memref<32x512xf32, #tpu.memory_space<vmem>>, vector<1x16xf32>,
      %get3A_546 = arith.index_cast %scan3A_322 : i32 to index
      %get3A_547 = arith.constant 400 : index
      %get3A_548 = tpu.vector_load %arg10[%get3A_546, %get3A_547] {strides = array<i32>} : memref<32x512xf32, #tpu.memory_space<vmem>>, vector<1x16xf32>,
      %get3A_549 = vector.shape_cast %get3A_548 : vector<1x16xf32> to vector<16xf32>
      %swap3A_550 = arith.index_cast %scan3A_322 : i32 to index
      %swap3A_551 = arith.constant 400 : index
      %swap3A_552 = tpu.vector_load %arg7[%swap3A_550, %swap3A_551] {strides = array<i32>} : memref<32x512xf32, #tpu.memory_space<vmem>>, vector<1x16xf32>,
      %swap3A_553 = vector.shape_cast %swap3A_552 : vector<1x16xf32> to vector<16xf32>
      %swap3A_554 = vector.shape_cast %get3A_549 : vector<16xf32> to vector<1x16xf32>
      tpu.vector_store %arg7[%swap3A_550, %swap3A_551], %swap3A_554 {add = true, strides = array<i32>} : memref<32x512xf32, #tpu.memory_space<vmem>>, vector<1x16xf32>,
      %get3A_555 = arith.index_cast %scan3A_322 : i32 to index
      %get3A_556 = arith.constant 416 : index
      %get3A_557 = tpu.vector_load %arg10[%get3A_555, %get3A_556] {strides = array<i32>} : memref<32x512xf32, #tpu.memory_space<vmem>>, vector<1x16xf32>,
      %get3A_558 = vector.shape_cast %get3A_557 : vector<1x16xf32> to vector<16xf32>
      %swap3A_559 = arith.index_cast %scan3A_322 : i32 to index
      %swap3A_560 = arith.constant 416 : index
      %swap3A_561 = tpu.vector_load %arg7[%swap3A_559, %swap3A_560] {strides = array<i32>} : memref<32x512xf32, #tpu.memory_space<vmem>>, vector<1x16xf32>,
      %swap3A_562 = vector.shape_cast %swap3A_561 : vector<1x16xf32> to vector<16xf32>
      %swap3A_563 = vector.shape_cast %get3A_558 : vector<16xf32> to vector<1x16xf32>
      tpu.vector_store %arg7[%swap3A_559, %swap3A_560], %swap3A_563 {add = true, strides = array<i32>} : memref<32x512xf32, #tpu.memory_space<vmem>>, vector<1x16xf32>,
      %get3A_564 = arith.index_cast %scan3A_322 : i32 to index
      %get3A_565 = arith.constant 432 : index
      %get3A_566 = tpu.vector_load %arg10[%get3A_564, %get3A_565] {strides = array<i32>} : memref<32x512xf32, #tpu.memory_space<vmem>>, vector<1x16xf32>,
      %get3A_567 = vector.shape_cast %get3A_566 : vector<1x16xf32> to vector<16xf32>
      %swap3A_568 = arith.index_cast %scan3A_322 : i32 to index
      %swap3A_569 = arith.constant 432 : index
      %swap3A_570 = tpu.vector_load %arg7[%swap3A_568, %swap3A_569] {strides = array<i32>} : memref<32x512xf32, #tpu.memory_space<vmem>>, vector<1x16xf32>,
      %swap3A_571 = vector.shape_cast %swap3A_570 : vector<1x16xf32> to vector<16xf32>
      %swap3A_572 = vector.shape_cast %get3A_567 : vector<16xf32> to vector<1x16xf32>
      tpu.vector_store %arg7[%swap3A_568, %swap3A_569], %swap3A_572 {add = true, strides = array<i32>} : memref<32x512xf32, #tpu.memory_space<vmem>>, vector<1x16xf32>,
      %get3A_573 = arith.index_cast %scan3A_322 : i32 to index
      %get3A_574 = arith.constant 448 : index
      %get3A_575 = tpu.vector_load %arg10[%get3A_573, %get3A_574] {strides = array<i32>} : memref<32x512xf32, #tpu.memory_space<vmem>>, vector<1x16xf32>,
      %get3A_576 = vector.shape_cast %get3A_575 : vector<1x16xf32> to vector<16xf32>
      %swap3A_577 = arith.index_cast %scan3A_322 : i32 to index
      %swap3A_578 = arith.constant 448 : index
      %swap3A_579 = tpu.vector_load %arg7[%swap3A_577, %swap3A_578] {strides = array<i32>} : memref<32x512xf32, #tpu.memory_space<vmem>>, vector<1x16xf32>,
      %swap3A_580 = vector.shape_cast %swap3A_579 : vector<1x16xf32> to vector<16xf32>
      %swap3A_581 = vector.shape_cast %get3A_576 : vector<16xf32> to vector<1x16xf32>
      tpu.vector_store %arg7[%swap3A_577, %swap3A_578], %swap3A_581 {add = true, strides = array<i32>} : memref<32x512xf32, #tpu.memory_space<vmem>>, vector<1x16xf32>,
      %get3A_582 = arith.index_cast %scan3A_322 : i32 to index
      %get3A_583 = arith.constant 464 : index
      %get3A_584 = tpu.vector_load %arg10[%get3A_582, %get3A_583] {strides = array<i32>} : memref<32x512xf32, #tpu.memory_space<vmem>>, vector<1x16xf32>,
      %get3A_585 = vector.shape_cast %get3A_584 : vector<1x16xf32> to vector<16xf32>
      %swap3A_586 = arith.index_cast %scan3A_322 : i32 to index
      %swap3A_587 = arith.constant 464 : index
      %swap3A_588 = tpu.vector_load %arg7[%swap3A_586, %swap3A_587] {strides = array<i32>} : memref<32x512xf32, #tpu.memory_space<vmem>>, vector<1x16xf32>,
      %swap3A_589 = vector.shape_cast %swap3A_588 : vector<1x16xf32> to vector<16xf32>
      %swap3A_590 = vector.shape_cast %get3A_585 : vector<16xf32> to vector<1x16xf32>
      tpu.vector_store %arg7[%swap3A_586, %swap3A_587], %swap3A_590 {add = true, strides = array<i32>} : memref<32x512xf32, #tpu.memory_space<vmem>>, vector<1x16xf32>,
      %get3A_591 = arith.index_cast %scan3A_322 : i32 to index
      %get3A_592 = arith.constant 480 : index
      %get3A_593 = tpu.vector_load %arg10[%get3A_591, %get3A_592] {strides = array<i32>} : memref<32x512xf32, #tpu.memory_space<vmem>>, vector<1x16xf32>,
      %get3A_594 = vector.shape_cast %get3A_593 : vector<1x16xf32> to vector<16xf32>
      %swap3A_595 = arith.index_cast %scan3A_322 : i32 to index
      %swap3A_596 = arith.constant 480 : index
      %swap3A_597 = tpu.vector_load %arg7[%swap3A_595, %swap3A_596] {strides = array<i32>} : memref<32x512xf32, #tpu.memory_space<vmem>>, vector<1x16xf32>,
      %swap3A_598 = vector.shape_cast %swap3A_597 : vector<1x16xf32> to vector<16xf32>
      %swap3A_599 = vector.shape_cast %get3A_594 : vector<16xf32> to vector<1x16xf32>
      tpu.vector_store %arg7[%swap3A_595, %swap3A_596], %swap3A_599 {add = true, strides = array<i32>} : memref<32x512xf32, #tpu.memory_space<vmem>>, vector<1x16xf32>,
      %get3A_600 = arith.index_cast %scan3A_322 : i32 to index
      %get3A_601 = arith.constant 496 : index
      %get3A_602 = tpu.vector_load %arg10[%get3A_600, %get3A_601] {strides = array<i32>} : memref<32x512xf32, #tpu.memory_space<vmem>>, vector<1x16xf32>,
      %get3A_603 = vector.shape_cast %get3A_602 : vector<1x16xf32> to vector<16xf32>
      %swap3A_604 = arith.index_cast %scan3A_322 : i32 to index
      %swap3A_605 = arith.constant 496 : index
      %swap3A_606 = tpu.vector_load %arg7[%swap3A_604, %swap3A_605] {strides = array<i32>} : memref<32x512xf32, #tpu.memory_space<vmem>>, vector<1x16xf32>,
      %swap3A_607 = vector.shape_cast %swap3A_606 : vector<1x16xf32> to vector<16xf32>
      %swap3A_608 = vector.shape_cast %get3A_603 : vector<16xf32> to vector<1x16xf32>
      tpu.vector_store %arg7[%swap3A_604, %swap3A_605], %swap3A_608 {add = true, strides = array<i32>} : memref<32x512xf32, #tpu.memory_space<vmem>>, vector<1x16xf32>,
    }
    %scan3A_152 = arith.constant 32 : i32
    %add3A_153 = arith.constant 96 : i32
    %add3A_154 = arith.addi %rem3A_4, %add3A_153 : i32
    %dma_start3A_155 = arith.constant 0 : i32
    %dma_start3A_156 = tpu.memref_slice %arg5[%div3A_3, %add3A_154, %dma_start3A_155] : memref<4x2048x512xf32, #tpu.memory_space<hbm>> -> memref<1x32x512xf32, #tpu.memory_space<hbm>>
    %dma_start3A_157 = tpu.memref_squeeze %dma_start3A_156 : memref<1x32x512xf32, #tpu.memory_space<hbm>> -> memref<32x512xf32, #tpu.memory_space<hbm>>
    %dma_start3A_158 = arith.constant 0 : i32
    %dma_start3A_159 = tpu.memref_slice %arg5[%div3A_3, %add3A_154, %dma_start3A_158] : memref<4x2048x512xf32, #tpu.memory_space<hbm>> -> memref<1x32x512xf32, #tpu.memory_space<hbm>>
    %dma_start3A_160 = tpu.memref_squeeze %dma_start3A_159 : memref<1x32x512xf32, #tpu.memory_space<hbm>> -> memref<32x512xf32, #tpu.memory_space<hbm>>
    tpu.enqueue_dma source(%arg7 : memref<32x512xf32, #tpu.memory_space<vmem>>) target(%dma_start3A_160 : memref<32x512xf32, #tpu.memory_space<hbm>>) target_semaphore(%arg19 : memref<!tpu.dma_semaphore, #tpu.memory_space<semaphore_mem>>)
    %add3A_161 = arith.constant 160 : i32
    %add3A_162 = arith.addi %rem3A_4, %add3A_161 : i32
    %dma_start3A_163 = arith.constant 0 : i32
    %dma_start3A_164 = tpu.memref_slice %arg4[%add3A_162, %dma_start3A_163] : memref<2048x512xf32, #tpu.memory_space<hbm>> -> memref<32x512xf32, #tpu.memory_space<hbm>>
    %dma_start3A_165 = arith.constant 0 : i32
    %dma_start3A_166 = tpu.memref_slice %arg4[%add3A_162, %dma_start3A_165] : memref<2048x512xf32, #tpu.memory_space<hbm>> -> memref<32x512xf32, #tpu.memory_space<hbm>>
    tpu.enqueue_dma source(%dma_start3A_166 : memref<32x512xf32, #tpu.memory_space<hbm>>) target(%arg12 : memref<32x512xf32, #tpu.memory_space<vmem>>) target_semaphore(%arg18 : memref<!tpu.dma_semaphore, #tpu.memory_space<semaphore_mem>>)
    %dma_wait3A_167 = arith.constant 0 : i32
    %dma_wait3A_168 = tpu.memref_slice %arg5[%div3A_3, %add3A_114, %dma_wait3A_167] : memref<4x2048x512xf32, #tpu.memory_space<hbm>> -> memref<1x32x512xf32, #tpu.memory_space<hbm>>
    %dma_wait3A_169 = tpu.memref_squeeze %dma_wait3A_168 : memref<1x32x512xf32, #tpu.memory_space<hbm>> -> memref<32x512xf32, #tpu.memory_space<hbm>>
    %dma_wait3A_170 = arith.constant 0 : i32
    %dma_wait3A_171 = tpu.memref_slice %arg5[%div3A_3, %add3A_114, %dma_wait3A_170] : memref<4x2048x512xf32, #tpu.memory_space<hbm>> -> memref<1x32x512xf32, #tpu.memory_space<hbm>>
    %dma_wait3A_172 = tpu.memref_squeeze %dma_wait3A_171 : memref<1x32x512xf32, #tpu.memory_space<hbm>> -> memref<32x512xf32, #tpu.memory_space<hbm>>
    tpu.wait_dma2 semaphore(%arg21 : memref<!tpu.dma_semaphore, #tpu.memory_space<semaphore_mem>>) src(%arg9 : memref<32x512xf32, #tpu.memory_space<vmem>>) dst(%dma_wait3A_172 : memref<32x512xf32, #tpu.memory_space<hbm>>)
    %dma_start3A_173 = arith.constant 160 : i32
    %dma_start3A_174 = tpu.memref_slice %arg6[%dma_start3A_173] : memref<256xi32, #tpu.memory_space<vmem>> -> memref<32xi32, #tpu.memory_space<vmem>>
    %dma_start3A_175 = arith.constant 0 : i32
    %dma_start3A_176 = arith.constant 0 : i32
    %dma_start3A_177 = tpu.memref_slice %arg3[%dma_start3A_175, %dma_start3A_176] : memref<774x512xf32, #tpu.memory_space<hbm>> -> memref<774x512xf32, #tpu.memory_space<hbm>>
    tpu.enqueue_indirect_dma source(%dma_start3A_177 : memref<774x512xf32, #tpu.memory_space<hbm>>) target(%arg9 : memref<32x512xf32, #tpu.memory_space<vmem>>) offsets(%dma_start3A_174 : memref<32xi32, #tpu.memory_space<vmem>>) semaphore(%arg15 : memref<!tpu.dma_semaphore, #tpu.memory_space<semaphore_mem>>)
    %dma_wait3A_178 = arith.constant 128 : i32
    %dma_wait3A_179 = tpu.memref_slice %arg6[%dma_wait3A_178] : memref<256xi32, #tpu.memory_space<vmem>> -> memref<32xi32, #tpu.memory_space<vmem>>
    %dma_wait3A_180 = arith.constant 0 : i32
    %dma_wait3A_181 = arith.constant 0 : i32
    %dma_wait3A_182 = tpu.memref_slice %arg3[%dma_wait3A_180, %dma_wait3A_181] : memref<774x512xf32, #tpu.memory_space<hbm>> -> memref<774x512xf32, #tpu.memory_space<hbm>>
    tpu.wait_indirect_dma semaphore(%arg14 : memref<!tpu.dma_semaphore, #tpu.memory_space<semaphore_mem>>) src(%dma_wait3A_182 : memref<774x512xf32, #tpu.memory_space<hbm>>) dst(%arg8 : memref<32x512xf32, #tpu.memory_space<vmem>>)
    %dma_wait3A_183 = arith.constant 0 : i32
    %dma_wait3A_184 = tpu.memref_slice %arg4[%add3A_122, %dma_wait3A_183] : memref<2048x512xf32, #tpu.memory_space<hbm>> -> memref<32x512xf32, #tpu.memory_space<hbm>>
    %dma_wait3A_185 = arith.constant 0 : i32
    %dma_wait3A_186 = tpu.memref_slice %arg4[%add3A_122, %dma_wait3A_185] : memref<2048x512xf32, #tpu.memory_space<hbm>> -> memref<32x512xf32, #tpu.memory_space<hbm>>
    tpu.wait_dma2 semaphore(%arg17 : memref<!tpu.dma_semaphore, #tpu.memory_space<semaphore_mem>>) src(%dma_wait3A_186 : memref<32x512xf32, #tpu.memory_space<hbm>>) dst(%arg11 : memref<32x512xf32, #tpu.memory_space<vmem>>)
    %scan3A_187 = arith.constant 0 : i32
    %scan3A_188 = arith.constant 0 : i32
    %scan3A_189 = arith.constant 32 : i32
    %scan3A_190 = arith.addi %scan3A_188, %scan3A_189 : i32
    %scan3A_191 = arith.constant 1 : i32
    scf.for %scan3A_322 = %scan3A_188 to %scan3A_190 step %scan3A_191  : i32 {
      %get3A = arith.index_cast %scan3A_322 : i32 to index
      %get3A_323 = arith.constant 0 : index
      %get3A_324 = tpu.vector_load %arg11[%get3A, %get3A_323] {strides = array<i32>} : memref<32x512xf32, #tpu.memory_space<vmem>>, vector<1x16xf32>,
      %get3A_325 = vector.shape_cast %get3A_324 : vector<1x16xf32> to vector<16xf32>
      %swap3A = arith.index_cast %scan3A_322 : i32 to index
      %swap3A_326 = arith.constant 0 : index
      %swap3A_327 = tpu.vector_load %arg8[%swap3A, %swap3A_326] {strides = array<i32>} : memref<32x512xf32, #tpu.memory_space<vmem>>, vector<1x16xf32>,
      %swap3A_328 = vector.shape_cast %swap3A_327 : vector<1x16xf32> to vector<16xf32>
      %swap3A_329 = vector.shape_cast %get3A_325 : vector<16xf32> to vector<1x16xf32>
      tpu.vector_store %arg8[%swap3A, %swap3A_326], %swap3A_329 {add = true, strides = array<i32>} : memref<32x512xf32, #tpu.memory_space<vmem>>, vector<1x16xf32>,
      %get3A_330 = arith.index_cast %scan3A_322 : i32 to index
      %get3A_331 = arith.constant 16 : index
      %get3A_332 = tpu.vector_load %arg11[%get3A_330, %get3A_331] {strides = array<i32>} : memref<32x512xf32, #tpu.memory_space<vmem>>, vector<1x16xf32>,
      %get3A_333 = vector.shape_cast %get3A_332 : vector<1x16xf32> to vector<16xf32>
      %swap3A_334 = arith.index_cast %scan3A_322 : i32 to index
      %swap3A_335 = arith.constant 16 : index
      %swap3A_336 = tpu.vector_load %arg8[%swap3A_334, %swap3A_335] {strides = array<i32>} : memref<32x512xf32, #tpu.memory_space<vmem>>, vector<1x16xf32>,
      %swap3A_337 = vector.shape_cast %swap3A_336 : vector<1x16xf32> to vector<16xf32>
      %swap3A_338 = vector.shape_cast %get3A_333 : vector<16xf32> to vector<1x16xf32>
      tpu.vector_store %arg8[%swap3A_334, %swap3A_335], %swap3A_338 {add = true, strides = array<i32>} : memref<32x512xf32, #tpu.memory_space<vmem>>, vector<1x16xf32>,
      %get3A_339 = arith.index_cast %scan3A_322 : i32 to index
      %get3A_340 = arith.constant 32 : index
      %get3A_341 = tpu.vector_load %arg11[%get3A_339, %get3A_340] {strides = array<i32>} : memref<32x512xf32, #tpu.memory_space<vmem>>, vector<1x16xf32>,
      %get3A_342 = vector.shape_cast %get3A_341 : vector<1x16xf32> to vector<16xf32>
      %swap3A_343 = arith.index_cast %scan3A_322 : i32 to index
      %swap3A_344 = arith.constant 32 : index
      %swap3A_345 = tpu.vector_load %arg8[%swap3A_343, %swap3A_344] {strides = array<i32>} : memref<32x512xf32, #tpu.memory_space<vmem>>, vector<1x16xf32>,
      %swap3A_346 = vector.shape_cast %swap3A_345 : vector<1x16xf32> to vector<16xf32>
      %swap3A_347 = vector.shape_cast %get3A_342 : vector<16xf32> to vector<1x16xf32>
      tpu.vector_store %arg8[%swap3A_343, %swap3A_344], %swap3A_347 {add = true, strides = array<i32>} : memref<32x512xf32, #tpu.memory_space<vmem>>, vector<1x16xf32>,
      %get3A_348 = arith.index_cast %scan3A_322 : i32 to index
      %get3A_349 = arith.constant 48 : index
      %get3A_350 = tpu.vector_load %arg11[%get3A_348, %get3A_349] {strides = array<i32>} : memref<32x512xf32, #tpu.memory_space<vmem>>, vector<1x16xf32>,
      %get3A_351 = vector.shape_cast %get3A_350 : vector<1x16xf32> to vector<16xf32>
      %swap3A_352 = arith.index_cast %scan3A_322 : i32 to index
      %swap3A_353 = arith.constant 48 : index
      %swap3A_354 = tpu.vector_load %arg8[%swap3A_352, %swap3A_353] {strides = array<i32>} : memref<32x512xf32, #tpu.memory_space<vmem>>, vector<1x16xf32>,
      %swap3A_355 = vector.shape_cast %swap3A_354 : vector<1x16xf32> to vector<16xf32>
      %swap3A_356 = vector.shape_cast %get3A_351 : vector<16xf32> to vector<1x16xf32>
      tpu.vector_store %arg8[%swap3A_352, %swap3A_353], %swap3A_356 {add = true, strides = array<i32>} : memref<32x512xf32, #tpu.memory_space<vmem>>, vector<1x16xf32>,
      %get3A_357 = arith.index_cast %scan3A_322 : i32 to index
      %get3A_358 = arith.constant 64 : index
      %get3A_359 = tpu.vector_load %arg11[%get3A_357, %get3A_358] {strides = array<i32>} : memref<32x512xf32, #tpu.memory_space<vmem>>, vector<1x16xf32>,
      %get3A_360 = vector.shape_cast %get3A_359 : vector<1x16xf32> to vector<16xf32>
      %swap3A_361 = arith.index_cast %scan3A_322 : i32 to index
      %swap3A_362 = arith.constant 64 : index
      %swap3A_363 = tpu.vector_load %arg8[%swap3A_361, %swap3A_362] {strides = array<i32>} : memref<32x512xf32, #tpu.memory_space<vmem>>, vector<1x16xf32>,
      %swap3A_364 = vector.shape_cast %swap3A_363 : vector<1x16xf32> to vector<16xf32>
      %swap3A_365 = vector.shape_cast %get3A_360 : vector<16xf32> to vector<1x16xf32>
      tpu.vector_store %arg8[%swap3A_361, %swap3A_362], %swap3A_365 {add = true, strides = array<i32>} : memref<32x512xf32, #tpu.memory_space<vmem>>, vector<1x16xf32>,
      %get3A_366 = arith.index_cast %scan3A_322 : i32 to index
      %get3A_367 = arith.constant 80 : index
      %get3A_368 = tpu.vector_load %arg11[%get3A_366, %get3A_367] {strides = array<i32>} : memref<32x512xf32, #tpu.memory_space<vmem>>, vector<1x16xf32>,
      %get3A_369 = vector.shape_cast %get3A_368 : vector<1x16xf32> to vector<16xf32>
      %swap3A_370 = arith.index_cast %scan3A_322 : i32 to index
      %swap3A_371 = arith.constant 80 : index
      %swap3A_372 = tpu.vector_load %arg8[%swap3A_370, %swap3A_371] {strides = array<i32>} : memref<32x512xf32, #tpu.memory_space<vmem>>, vector<1x16xf32>,
      %swap3A_373 = vector.shape_cast %swap3A_372 : vector<1x16xf32> to vector<16xf32>
      %swap3A_374 = vector.shape_cast %get3A_369 : vector<16xf32> to vector<1x16xf32>
      tpu.vector_store %arg8[%swap3A_370, %swap3A_371], %swap3A_374 {add = true, strides = array<i32>} : memref<32x512xf32, #tpu.memory_space<vmem>>, vector<1x16xf32>,
      %get3A_375 = arith.index_cast %scan3A_322 : i32 to index
      %get3A_376 = arith.constant 96 : index
      %get3A_377 = tpu.vector_load %arg11[%get3A_375, %get3A_376] {strides = array<i32>} : memref<32x512xf32, #tpu.memory_space<vmem>>, vector<1x16xf32>,
      %get3A_378 = vector.shape_cast %get3A_377 : vector<1x16xf32> to vector<16xf32>
      %swap3A_379 = arith.index_cast %scan3A_322 : i32 to index
      %swap3A_380 = arith.constant 96 : index
      %swap3A_381 = tpu.vector_load %arg8[%swap3A_379, %swap3A_380] {strides = array<i32>} : memref<32x512xf32, #tpu.memory_space<vmem>>, vector<1x16xf32>,
      %swap3A_382 = vector.shape_cast %swap3A_381 : vector<1x16xf32> to vector<16xf32>
      %swap3A_383 = vector.shape_cast %get3A_378 : vector<16xf32> to vector<1x16xf32>
      tpu.vector_store %arg8[%swap3A_379, %swap3A_380], %swap3A_383 {add = true, strides = array<i32>} : memref<32x512xf32, #tpu.memory_space<vmem>>, vector<1x16xf32>,
      %get3A_384 = arith.index_cast %scan3A_322 : i32 to index
      %get3A_385 = arith.constant 112 : index
      %get3A_386 = tpu.vector_load %arg11[%get3A_384, %get3A_385] {strides = array<i32>} : memref<32x512xf32, #tpu.memory_space<vmem>>, vector<1x16xf32>,
      %get3A_387 = vector.shape_cast %get3A_386 : vector<1x16xf32> to vector<16xf32>
      %swap3A_388 = arith.index_cast %scan3A_322 : i32 to index
      %swap3A_389 = arith.constant 112 : index
      %swap3A_390 = tpu.vector_load %arg8[%swap3A_388, %swap3A_389] {strides = array<i32>} : memref<32x512xf32, #tpu.memory_space<vmem>>, vector<1x16xf32>,
      %swap3A_391 = vector.shape_cast %swap3A_390 : vector<1x16xf32> to vector<16xf32>
      %swap3A_392 = vector.shape_cast %get3A_387 : vector<16xf32> to vector<1x16xf32>
      tpu.vector_store %arg8[%swap3A_388, %swap3A_389], %swap3A_392 {add = true, strides = array<i32>} : memref<32x512xf32, #tpu.memory_space<vmem>>, vector<1x16xf32>,
      %get3A_393 = arith.index_cast %scan3A_322 : i32 to index
      %get3A_394 = arith.constant 128 : index
      %get3A_395 = tpu.vector_load %arg11[%get3A_393, %get3A_394] {strides = array<i32>} : memref<32x512xf32, #tpu.memory_space<vmem>>, vector<1x16xf32>,
      %get3A_396 = vector.shape_cast %get3A_395 : vector<1x16xf32> to vector<16xf32>
      %swap3A_397 = arith.index_cast %scan3A_322 : i32 to index
      %swap3A_398 = arith.constant 128 : index
      %swap3A_399 = tpu.vector_load %arg8[%swap3A_397, %swap3A_398] {strides = array<i32>} : memref<32x512xf32, #tpu.memory_space<vmem>>, vector<1x16xf32>,
      %swap3A_400 = vector.shape_cast %swap3A_399 : vector<1x16xf32> to vector<16xf32>
      %swap3A_401 = vector.shape_cast %get3A_396 : vector<16xf32> to vector<1x16xf32>
      tpu.vector_store %arg8[%swap3A_397, %swap3A_398], %swap3A_401 {add = true, strides = array<i32>} : memref<32x512xf32, #tpu.memory_space<vmem>>, vector<1x16xf32>,
      %get3A_402 = arith.index_cast %scan3A_322 : i32 to index
      %get3A_403 = arith.constant 144 : index
      %get3A_404 = tpu.vector_load %arg11[%get3A_402, %get3A_403] {strides = array<i32>} : memref<32x512xf32, #tpu.memory_space<vmem>>, vector<1x16xf32>,
      %get3A_405 = vector.shape_cast %get3A_404 : vector<1x16xf32> to vector<16xf32>
      %swap3A_406 = arith.index_cast %scan3A_322 : i32 to index
      %swap3A_407 = arith.constant 144 : index
      %swap3A_408 = tpu.vector_load %arg8[%swap3A_406, %swap3A_407] {strides = array<i32>} : memref<32x512xf32, #tpu.memory_space<vmem>>, vector<1x16xf32>,
      %swap3A_409 = vector.shape_cast %swap3A_408 : vector<1x16xf32> to vector<16xf32>
      %swap3A_410 = vector.shape_cast %get3A_405 : vector<16xf32> to vector<1x16xf32>
      tpu.vector_store %arg8[%swap3A_406, %swap3A_407], %swap3A_410 {add = true, strides = array<i32>} : memref<32x512xf32, #tpu.memory_space<vmem>>, vector<1x16xf32>,
      %get3A_411 = arith.index_cast %scan3A_322 : i32 to index
      %get3A_412 = arith.constant 160 : index
      %get3A_413 = tpu.vector_load %arg11[%get3A_411, %get3A_412] {strides = array<i32>} : memref<32x512xf32, #tpu.memory_space<vmem>>, vector<1x16xf32>,
      %get3A_414 = vector.shape_cast %get3A_413 : vector<1x16xf32> to vector<16xf32>
      %swap3A_415 = arith.index_cast %scan3A_322 : i32 to index
      %swap3A_416 = arith.constant 160 : index
      %swap3A_417 = tpu.vector_load %arg8[%swap3A_415, %swap3A_416] {strides = array<i32>} : memref<32x512xf32, #tpu.memory_space<vmem>>, vector<1x16xf32>,
      %swap3A_418 = vector.shape_cast %swap3A_417 : vector<1x16xf32> to vector<16xf32>
      %swap3A_419 = vector.shape_cast %get3A_414 : vector<16xf32> to vector<1x16xf32>
      tpu.vector_store %arg8[%swap3A_415, %swap3A_416], %swap3A_419 {add = true, strides = array<i32>} : memref<32x512xf32, #tpu.memory_space<vmem>>, vector<1x16xf32>,
      %get3A_420 = arith.index_cast %scan3A_322 : i32 to index
      %get3A_421 = arith.constant 176 : index
      %get3A_422 = tpu.vector_load %arg11[%get3A_420, %get3A_421] {strides = array<i32>} : memref<32x512xf32, #tpu.memory_space<vmem>>, vector<1x16xf32>,
      %get3A_423 = vector.shape_cast %get3A_422 : vector<1x16xf32> to vector<16xf32>
      %swap3A_424 = arith.index_cast %scan3A_322 : i32 to index
      %swap3A_425 = arith.constant 176 : index
      %swap3A_426 = tpu.vector_load %arg8[%swap3A_424, %swap3A_425] {strides = array<i32>} : memref<32x512xf32, #tpu.memory_space<vmem>>, vector<1x16xf32>,
      %swap3A_427 = vector.shape_cast %swap3A_426 : vector<1x16xf32> to vector<16xf32>
      %swap3A_428 = vector.shape_cast %get3A_423 : vector<16xf32> to vector<1x16xf32>
      tpu.vector_store %arg8[%swap3A_424, %swap3A_425], %swap3A_428 {add = true, strides = array<i32>} : memref<32x512xf32, #tpu.memory_space<vmem>>, vector<1x16xf32>,
      %get3A_429 = arith.index_cast %scan3A_322 : i32 to index
      %get3A_430 = arith.constant 192 : index
      %get3A_431 = tpu.vector_load %arg11[%get3A_429, %get3A_430] {strides = array<i32>} : memref<32x512xf32, #tpu.memory_space<vmem>>, vector<1x16xf32>,
      %get3A_432 = vector.shape_cast %get3A_431 : vector<1x16xf32> to vector<16xf32>
      %swap3A_433 = arith.index_cast %scan3A_322 : i32 to index
      %swap3A_434 = arith.constant 192 : index
      %swap3A_435 = tpu.vector_load %arg8[%swap3A_433, %swap3A_434] {strides = array<i32>} : memref<32x512xf32, #tpu.memory_space<vmem>>, vector<1x16xf32>,
      %swap3A_436 = vector.shape_cast %swap3A_435 : vector<1x16xf32> to vector<16xf32>
      %swap3A_437 = vector.shape_cast %get3A_432 : vector<16xf32> to vector<1x16xf32>
      tpu.vector_store %arg8[%swap3A_433, %swap3A_434], %swap3A_437 {add = true, strides = array<i32>} : memref<32x512xf32, #tpu.memory_space<vmem>>, vector<1x16xf32>,
      %get3A_438 = arith.index_cast %scan3A_322 : i32 to index
      %get3A_439 = arith.constant 208 : index
      %get3A_440 = tpu.vector_load %arg11[%get3A_438, %get3A_439] {strides = array<i32>} : memref<32x512xf32, #tpu.memory_space<vmem>>, vector<1x16xf32>,
      %get3A_441 = vector.shape_cast %get3A_440 : vector<1x16xf32> to vector<16xf32>
      %swap3A_442 = arith.index_cast %scan3A_322 : i32 to index
      %swap3A_443 = arith.constant 208 : index
      %swap3A_444 = tpu.vector_load %arg8[%swap3A_442, %swap3A_443] {strides = array<i32>} : memref<32x512xf32, #tpu.memory_space<vmem>>, vector<1x16xf32>,
      %swap3A_445 = vector.shape_cast %swap3A_444 : vector<1x16xf32> to vector<16xf32>
      %swap3A_446 = vector.shape_cast %get3A_441 : vector<16xf32> to vector<1x16xf32>
      tpu.vector_store %arg8[%swap3A_442, %swap3A_443], %swap3A_446 {add = true, strides = array<i32>} : memref<32x512xf32, #tpu.memory_space<vmem>>, vector<1x16xf32>,
      %get3A_447 = arith.index_cast %scan3A_322 : i32 to index
      %get3A_448 = arith.constant 224 : index
      %get3A_449 = tpu.vector_load %arg11[%get3A_447, %get3A_448] {strides = array<i32>} : memref<32x512xf32, #tpu.memory_space<vmem>>, vector<1x16xf32>,
      %get3A_450 = vector.shape_cast %get3A_449 : vector<1x16xf32> to vector<16xf32>
      %swap3A_451 = arith.index_cast %scan3A_322 : i32 to index
      %swap3A_452 = arith.constant 224 : index
      %swap3A_453 = tpu.vector_load %arg8[%swap3A_451, %swap3A_452] {strides = array<i32>} : memref<32x512xf32, #tpu.memory_space<vmem>>, vector<1x16xf32>,
      %swap3A_454 = vector.shape_cast %swap3A_453 : vector<1x16xf32> to vector<16xf32>
      %swap3A_455 = vector.shape_cast %get3A_450 : vector<16xf32> to vector<1x16xf32>
      tpu.vector_store %arg8[%swap3A_451, %swap3A_452], %swap3A_455 {add = true, strides = array<i32>} : memref<32x512xf32, #tpu.memory_space<vmem>>, vector<1x16xf32>,
      %get3A_456 = arith.index_cast %scan3A_322 : i32 to index
      %get3A_457 = arith.constant 240 : index
      %get3A_458 = tpu.vector_load %arg11[%get3A_456, %get3A_457] {strides = array<i32>} : memref<32x512xf32, #tpu.memory_space<vmem>>, vector<1x16xf32>,
      %get3A_459 = vector.shape_cast %get3A_458 : vector<1x16xf32> to vector<16xf32>
      %swap3A_460 = arith.index_cast %scan3A_322 : i32 to index
      %swap3A_461 = arith.constant 240 : index
      %swap3A_462 = tpu.vector_load %arg8[%swap3A_460, %swap3A_461] {strides = array<i32>} : memref<32x512xf32, #tpu.memory_space<vmem>>, vector<1x16xf32>,
      %swap3A_463 = vector.shape_cast %swap3A_462 : vector<1x16xf32> to vector<16xf32>
      %swap3A_464 = vector.shape_cast %get3A_459 : vector<16xf32> to vector<1x16xf32>
      tpu.vector_store %arg8[%swap3A_460, %swap3A_461], %swap3A_464 {add = true, strides = array<i32>} : memref<32x512xf32, #tpu.memory_space<vmem>>, vector<1x16xf32>,
      %get3A_465 = arith.index_cast %scan3A_322 : i32 to index
      %get3A_466 = arith.constant 256 : index
      %get3A_467 = tpu.vector_load %arg11[%get3A_465, %get3A_466] {strides = array<i32>} : memref<32x512xf32, #tpu.memory_space<vmem>>, vector<1x16xf32>,
      %get3A_468 = vector.shape_cast %get3A_467 : vector<1x16xf32> to vector<16xf32>
      %swap3A_469 = arith.index_cast %scan3A_322 : i32 to index
      %swap3A_470 = arith.constant 256 : index
      %swap3A_471 = tpu.vector_load %arg8[%swap3A_469, %swap3A_470] {strides = array<i32>} : memref<32x512xf32, #tpu.memory_space<vmem>>, vector<1x16xf32>,
      %swap3A_472 = vector.shape_cast %swap3A_471 : vector<1x16xf32> to vector<16xf32>
      %swap3A_473 = vector.shape_cast %get3A_468 : vector<16xf32> to vector<1x16xf32>
      tpu.vector_store %arg8[%swap3A_469, %swap3A_470], %swap3A_473 {add = true, strides = array<i32>} : memref<32x512xf32, #tpu.memory_space<vmem>>, vector<1x16xf32>,
      %get3A_474 = arith.index_cast %scan3A_322 : i32 to index
      %get3A_475 = arith.constant 272 : index
      %get3A_476 = tpu.vector_load %arg11[%get3A_474, %get3A_475] {strides = array<i32>} : memref<32x512xf32, #tpu.memory_space<vmem>>, vector<1x16xf32>,
      %get3A_477 = vector.shape_cast %get3A_476 : vector<1x16xf32> to vector<16xf32>
      %swap3A_478 = arith.index_cast %scan3A_322 : i32 to index
      %swap3A_479 = arith.constant 272 : index
      %swap3A_480 = tpu.vector_load %arg8[%swap3A_478, %swap3A_479] {strides = array<i32>} : memref<32x512xf32, #tpu.memory_space<vmem>>, vector<1x16xf32>,
      %swap3A_481 = vector.shape_cast %swap3A_480 : vector<1x16xf32> to vector<16xf32>
      %swap3A_482 = vector.shape_cast %get3A_477 : vector<16xf32> to vector<1x16xf32>
      tpu.vector_store %arg8[%swap3A_478, %swap3A_479], %swap3A_482 {add = true, strides = array<i32>} : memref<32x512xf32, #tpu.memory_space<vmem>>, vector<1x16xf32>,
      %get3A_483 = arith.index_cast %scan3A_322 : i32 to index
      %get3A_484 = arith.constant 288 : index
      %get3A_485 = tpu.vector_load %arg11[%get3A_483, %get3A_484] {strides = array<i32>} : memref<32x512xf32, #tpu.memory_space<vmem>>, vector<1x16xf32>,
      %get3A_486 = vector.shape_cast %get3A_485 : vector<1x16xf32> to vector<16xf32>
      %swap3A_487 = arith.index_cast %scan3A_322 : i32 to index
      %swap3A_488 = arith.constant 288 : index
      %swap3A_489 = tpu.vector_load %arg8[%swap3A_487, %swap3A_488] {strides = array<i32>} : memref<32x512xf32, #tpu.memory_space<vmem>>, vector<1x16xf32>,
      %swap3A_490 = vector.shape_cast %swap3A_489 : vector<1x16xf32> to vector<16xf32>
      %swap3A_491 = vector.shape_cast %get3A_486 : vector<16xf32> to vector<1x16xf32>
      tpu.vector_store %arg8[%swap3A_487, %swap3A_488], %swap3A_491 {add = true, strides = array<i32>} : memref<32x512xf32, #tpu.memory_space<vmem>>, vector<1x16xf32>,
      %get3A_492 = arith.index_cast %scan3A_322 : i32 to index
      %get3A_493 = arith.constant 304 : index
      %get3A_494 = tpu.vector_load %arg11[%get3A_492, %get3A_493] {strides = array<i32>} : memref<32x512xf32, #tpu.memory_space<vmem>>, vector<1x16xf32>,
      %get3A_495 = vector.shape_cast %get3A_494 : vector<1x16xf32> to vector<16xf32>
      %swap3A_496 = arith.index_cast %scan3A_322 : i32 to index
      %swap3A_497 = arith.constant 304 : index
      %swap3A_498 = tpu.vector_load %arg8[%swap3A_496, %swap3A_497] {strides = array<i32>} : memref<32x512xf32, #tpu.memory_space<vmem>>, vector<1x16xf32>,
      %swap3A_499 = vector.shape_cast %swap3A_498 : vector<1x16xf32> to vector<16xf32>
      %swap3A_500 = vector.shape_cast %get3A_495 : vector<16xf32> to vector<1x16xf32>
      tpu.vector_store %arg8[%swap3A_496, %swap3A_497], %swap3A_500 {add = true, strides = array<i32>} : memref<32x512xf32, #tpu.memory_space<vmem>>, vector<1x16xf32>,
      %get3A_501 = arith.index_cast %scan3A_322 : i32 to index
      %get3A_502 = arith.constant 320 : index
      %get3A_503 = tpu.vector_load %arg11[%get3A_501, %get3A_502] {strides = array<i32>} : memref<32x512xf32, #tpu.memory_space<vmem>>, vector<1x16xf32>,
      %get3A_504 = vector.shape_cast %get3A_503 : vector<1x16xf32> to vector<16xf32>
      %swap3A_505 = arith.index_cast %scan3A_322 : i32 to index
      %swap3A_506 = arith.constant 320 : index
      %swap3A_507 = tpu.vector_load %arg8[%swap3A_505, %swap3A_506] {strides = array<i32>} : memref<32x512xf32, #tpu.memory_space<vmem>>, vector<1x16xf32>,
      %swap3A_508 = vector.shape_cast %swap3A_507 : vector<1x16xf32> to vector<16xf32>
      %swap3A_509 = vector.shape_cast %get3A_504 : vector<16xf32> to vector<1x16xf32>
      tpu.vector_store %arg8[%swap3A_505, %swap3A_506], %swap3A_509 {add = true, strides = array<i32>} : memref<32x512xf32, #tpu.memory_space<vmem>>, vector<1x16xf32>,
      %get3A_510 = arith.index_cast %scan3A_322 : i32 to index
      %get3A_511 = arith.constant 336 : index
      %get3A_512 = tpu.vector_load %arg11[%get3A_510, %get3A_511] {strides = array<i32>} : memref<32x512xf32, #tpu.memory_space<vmem>>, vector<1x16xf32>,
      %get3A_513 = vector.shape_cast %get3A_512 : vector<1x16xf32> to vector<16xf32>
      %swap3A_514 = arith.index_cast %scan3A_322 : i32 to index
      %swap3A_515 = arith.constant 336 : index
      %swap3A_516 = tpu.vector_load %arg8[%swap3A_514, %swap3A_515] {strides = array<i32>} : memref<32x512xf32, #tpu.memory_space<vmem>>, vector<1x16xf32>,
      %swap3A_517 = vector.shape_cast %swap3A_516 : vector<1x16xf32> to vector<16xf32>
      %swap3A_518 = vector.shape_cast %get3A_513 : vector<16xf32> to vector<1x16xf32>
      tpu.vector_store %arg8[%swap3A_514, %swap3A_515], %swap3A_518 {add = true, strides = array<i32>} : memref<32x512xf32, #tpu.memory_space<vmem>>, vector<1x16xf32>,
      %get3A_519 = arith.index_cast %scan3A_322 : i32 to index
      %get3A_520 = arith.constant 352 : index
      %get3A_521 = tpu.vector_load %arg11[%get3A_519, %get3A_520] {strides = array<i32>} : memref<32x512xf32, #tpu.memory_space<vmem>>, vector<1x16xf32>,
      %get3A_522 = vector.shape_cast %get3A_521 : vector<1x16xf32> to vector<16xf32>
      %swap3A_523 = arith.index_cast %scan3A_322 : i32 to index
      %swap3A_524 = arith.constant 352 : index
      %swap3A_525 = tpu.vector_load %arg8[%swap3A_523, %swap3A_524] {strides = array<i32>} : memref<32x512xf32, #tpu.memory_space<vmem>>, vector<1x16xf32>,
      %swap3A_526 = vector.shape_cast %swap3A_525 : vector<1x16xf32> to vector<16xf32>
      %swap3A_527 = vector.shape_cast %get3A_522 : vector<16xf32> to vector<1x16xf32>
      tpu.vector_store %arg8[%swap3A_523, %swap3A_524], %swap3A_527 {add = true, strides = array<i32>} : memref<32x512xf32, #tpu.memory_space<vmem>>, vector<1x16xf32>,
      %get3A_528 = arith.index_cast %scan3A_322 : i32 to index
      %get3A_529 = arith.constant 368 : index
      %get3A_530 = tpu.vector_load %arg11[%get3A_528, %get3A_529] {strides = array<i32>} : memref<32x512xf32, #tpu.memory_space<vmem>>, vector<1x16xf32>,
      %get3A_531 = vector.shape_cast %get3A_530 : vector<1x16xf32> to vector<16xf32>
      %swap3A_532 = arith.index_cast %scan3A_322 : i32 to index
      %swap3A_533 = arith.constant 368 : index
      %swap3A_534 = tpu.vector_load %arg8[%swap3A_532, %swap3A_533] {strides = array<i32>} : memref<32x512xf32, #tpu.memory_space<vmem>>, vector<1x16xf32>,
      %swap3A_535 = vector.shape_cast %swap3A_534 : vector<1x16xf32> to vector<16xf32>
      %swap3A_536 = vector.shape_cast %get3A_531 : vector<16xf32> to vector<1x16xf32>
      tpu.vector_store %arg8[%swap3A_532, %swap3A_533], %swap3A_536 {add = true, strides = array<i32>} : memref<32x512xf32, #tpu.memory_space<vmem>>, vector<1x16xf32>,
      %get3A_537 = arith.index_cast %scan3A_322 : i32 to index
      %get3A_538 = arith.constant 384 : index
      %get3A_539 = tpu.vector_load %arg11[%get3A_537, %get3A_538] {strides = array<i32>} : memref<32x512xf32, #tpu.memory_space<vmem>>, vector<1x16xf32>,
      %get3A_540 = vector.shape_cast %get3A_539 : vector<1x16xf32> to vector<16xf32>
      %swap3A_541 = arith.index_cast %scan3A_322 : i32 to index
      %swap3A_542 = arith.constant 384 : index
      %swap3A_543 = tpu.vector_load %arg8[%swap3A_541, %swap3A_542] {strides = array<i32>} : memref<32x512xf32, #tpu.memory_space<vmem>>, vector<1x16xf32>,
      %swap3A_544 = vector.shape_cast %swap3A_543 : vector<1x16xf32> to vector<16xf32>
      %swap3A_545 = vector.shape_cast %get3A_540 : vector<16xf32> to vector<1x16xf32>
      tpu.vector_store %arg8[%swap3A_541, %swap3A_542], %swap3A_545 {add = true, strides = array<i32>} : memref<32x512xf32, #tpu.memory_space<vmem>>, vector<1x16xf32>,
      %get3A_546 = arith.index_cast %scan3A_322 : i32 to index
      %get3A_547 = arith.constant 400 : index
      %get3A_548 = tpu.vector_load %arg11[%get3A_546, %get3A_547] {strides = array<i32>} : memref<32x512xf32, #tpu.memory_space<vmem>>, vector<1x16xf32>,
      %get3A_549 = vector.shape_cast %get3A_548 : vector<1x16xf32> to vector<16xf32>
      %swap3A_550 = arith.index_cast %scan3A_322 : i32 to index
      %swap3A_551 = arith.constant 400 : index
      %swap3A_552 = tpu.vector_load %arg8[%swap3A_550, %swap3A_551] {strides = array<i32>} : memref<32x512xf32, #tpu.memory_space<vmem>>, vector<1x16xf32>,
      %swap3A_553 = vector.shape_cast %swap3A_552 : vector<1x16xf32> to vector<16xf32>
      %swap3A_554 = vector.shape_cast %get3A_549 : vector<16xf32> to vector<1x16xf32>
      tpu.vector_store %arg8[%swap3A_550, %swap3A_551], %swap3A_554 {add = true, strides = array<i32>} : memref<32x512xf32, #tpu.memory_space<vmem>>, vector<1x16xf32>,
      %get3A_555 = arith.index_cast %scan3A_322 : i32 to index
      %get3A_556 = arith.constant 416 : index
      %get3A_557 = tpu.vector_load %arg11[%get3A_555, %get3A_556] {strides = array<i32>} : memref<32x512xf32, #tpu.memory_space<vmem>>, vector<1x16xf32>,
      %get3A_558 = vector.shape_cast %get3A_557 : vector<1x16xf32> to vector<16xf32>
      %swap3A_559 = arith.index_cast %scan3A_322 : i32 to index
      %swap3A_560 = arith.constant 416 : index
      %swap3A_561 = tpu.vector_load %arg8[%swap3A_559, %swap3A_560] {strides = array<i32>} : memref<32x512xf32, #tpu.memory_space<vmem>>, vector<1x16xf32>,
      %swap3A_562 = vector.shape_cast %swap3A_561 : vector<1x16xf32> to vector<16xf32>
      %swap3A_563 = vector.shape_cast %get3A_558 : vector<16xf32> to vector<1x16xf32>
      tpu.vector_store %arg8[%swap3A_559, %swap3A_560], %swap3A_563 {add = true, strides = array<i32>} : memref<32x512xf32, #tpu.memory_space<vmem>>, vector<1x16xf32>,
      %get3A_564 = arith.index_cast %scan3A_322 : i32 to index
      %get3A_565 = arith.constant 432 : index
      %get3A_566 = tpu.vector_load %arg11[%get3A_564, %get3A_565] {strides = array<i32>} : memref<32x512xf32, #tpu.memory_space<vmem>>, vector<1x16xf32>,
      %get3A_567 = vector.shape_cast %get3A_566 : vector<1x16xf32> to vector<16xf32>
      %swap3A_568 = arith.index_cast %scan3A_322 : i32 to index
      %swap3A_569 = arith.constant 432 : index
      %swap3A_570 = tpu.vector_load %arg8[%swap3A_568, %swap3A_569] {strides = array<i32>} : memref<32x512xf32, #tpu.memory_space<vmem>>, vector<1x16xf32>,
      %swap3A_571 = vector.shape_cast %swap3A_570 : vector<1x16xf32> to vector<16xf32>
      %swap3A_572 = vector.shape_cast %get3A_567 : vector<16xf32> to vector<1x16xf32>
      tpu.vector_store %arg8[%swap3A_568, %swap3A_569], %swap3A_572 {add = true, strides = array<i32>} : memref<32x512xf32, #tpu.memory_space<vmem>>, vector<1x16xf32>,
      %get3A_573 = arith.index_cast %scan3A_322 : i32 to index
      %get3A_574 = arith.constant 448 : index
      %get3A_575 = tpu.vector_load %arg11[%get3A_573, %get3A_574] {strides = array<i32>} : memref<32x512xf32, #tpu.memory_space<vmem>>, vector<1x16xf32>,
      %get3A_576 = vector.shape_cast %get3A_575 : vector<1x16xf32> to vector<16xf32>
      %swap3A_577 = arith.index_cast %scan3A_322 : i32 to index
      %swap3A_578 = arith.constant 448 : index
      %swap3A_579 = tpu.vector_load %arg8[%swap3A_577, %swap3A_578] {strides = array<i32>} : memref<32x512xf32, #tpu.memory_space<vmem>>, vector<1x16xf32>,
      %swap3A_580 = vector.shape_cast %swap3A_579 : vector<1x16xf32> to vector<16xf32>
      %swap3A_581 = vector.shape_cast %get3A_576 : vector<16xf32> to vector<1x16xf32>
      tpu.vector_store %arg8[%swap3A_577, %swap3A_578], %swap3A_581 {add = true, strides = array<i32>} : memref<32x512xf32, #tpu.memory_space<vmem>>, vector<1x16xf32>,
      %get3A_582 = arith.index_cast %scan3A_322 : i32 to index
      %get3A_583 = arith.constant 464 : index
      %get3A_584 = tpu.vector_load %arg11[%get3A_582, %get3A_583] {strides = array<i32>} : memref<32x512xf32, #tpu.memory_space<vmem>>, vector<1x16xf32>,
      %get3A_585 = vector.shape_cast %get3A_584 : vector<1x16xf32> to vector<16xf32>
      %swap3A_586 = arith.index_cast %scan3A_322 : i32 to index
      %swap3A_587 = arith.constant 464 : index
      %swap3A_588 = tpu.vector_load %arg8[%swap3A_586, %swap3A_587] {strides = array<i32>} : memref<32x512xf32, #tpu.memory_space<vmem>>, vector<1x16xf32>,
      %swap3A_589 = vector.shape_cast %swap3A_588 : vector<1x16xf32> to vector<16xf32>
      %swap3A_590 = vector.shape_cast %get3A_585 : vector<16xf32> to vector<1x16xf32>
      tpu.vector_store %arg8[%swap3A_586, %swap3A_587], %swap3A_590 {add = true, strides = array<i32>} : memref<32x512xf32, #tpu.memory_space<vmem>>, vector<1x16xf32>,
      %get3A_591 = arith.index_cast %scan3A_322 : i32 to index
      %get3A_592 = arith.constant 480 : index
      %get3A_593 = tpu.vector_load %arg11[%get3A_591, %get3A_592] {strides = array<i32>} : memref<32x512xf32, #tpu.memory_space<vmem>>, vector<1x16xf32>,
      %get3A_594 = vector.shape_cast %get3A_593 : vector<1x16xf32> to vector<16xf32>
      %swap3A_595 = arith.index_cast %scan3A_322 : i32 to index
      %swap3A_596 = arith.constant 480 : index
      %swap3A_597 = tpu.vector_load %arg8[%swap3A_595, %swap3A_596] {strides = array<i32>} : memref<32x512xf32, #tpu.memory_space<vmem>>, vector<1x16xf32>,
      %swap3A_598 = vector.shape_cast %swap3A_597 : vector<1x16xf32> to vector<16xf32>
      %swap3A_599 = vector.shape_cast %get3A_594 : vector<16xf32> to vector<1x16xf32>
      tpu.vector_store %arg8[%swap3A_595, %swap3A_596], %swap3A_599 {add = true, strides = array<i32>} : memref<32x512xf32, #tpu.memory_space<vmem>>, vector<1x16xf32>,
      %get3A_600 = arith.index_cast %scan3A_322 : i32 to index
      %get3A_601 = arith.constant 496 : index
      %get3A_602 = tpu.vector_load %arg11[%get3A_600, %get3A_601] {strides = array<i32>} : memref<32x512xf32, #tpu.memory_space<vmem>>, vector<1x16xf32>,
      %get3A_603 = vector.shape_cast %get3A_602 : vector<1x16xf32> to vector<16xf32>
      %swap3A_604 = arith.index_cast %scan3A_322 : i32 to index
      %swap3A_605 = arith.constant 496 : index
      %swap3A_606 = tpu.vector_load %arg8[%swap3A_604, %swap3A_605] {strides = array<i32>} : memref<32x512xf32, #tpu.memory_space<vmem>>, vector<1x16xf32>,
      %swap3A_607 = vector.shape_cast %swap3A_606 : vector<1x16xf32> to vector<16xf32>
      %swap3A_608 = vector.shape_cast %get3A_603 : vector<16xf32> to vector<1x16xf32>
      tpu.vector_store %arg8[%swap3A_604, %swap3A_605], %swap3A_608 {add = true, strides = array<i32>} : memref<32x512xf32, #tpu.memory_space<vmem>>, vector<1x16xf32>,
    }
    %scan3A_192 = arith.constant 32 : i32
    %add3A_193 = arith.constant 128 : i32
    %add3A_194 = arith.addi %rem3A_4, %add3A_193 : i32
    %dma_start3A_195 = arith.constant 0 : i32
    %dma_start3A_196 = tpu.memref_slice %arg5[%div3A_3, %add3A_194, %dma_start3A_195] : memref<4x2048x512xf32, #tpu.memory_space<hbm>> -> memref<1x32x512xf32, #tpu.memory_space<hbm>>
    %dma_start3A_197 = tpu.memref_squeeze %dma_start3A_196 : memref<1x32x512xf32, #tpu.memory_space<hbm>> -> memref<32x512xf32, #tpu.memory_space<hbm>>
    %dma_start3A_198 = arith.constant 0 : i32
    %dma_start3A_199 = tpu.memref_slice %arg5[%div3A_3, %add3A_194, %dma_start3A_198] : memref<4x2048x512xf32, #tpu.memory_space<hbm>> -> memref<1x32x512xf32, #tpu.memory_space<hbm>>
    %dma_start3A_200 = tpu.memref_squeeze %dma_start3A_199 : memref<1x32x512xf32, #tpu.memory_space<hbm>> -> memref<32x512xf32, #tpu.memory_space<hbm>>
    tpu.enqueue_dma source(%arg8 : memref<32x512xf32, #tpu.memory_space<vmem>>) target(%dma_start3A_200 : memref<32x512xf32, #tpu.memory_space<hbm>>) target_semaphore(%arg20 : memref<!tpu.dma_semaphore, #tpu.memory_space<semaphore_mem>>)
    %add3A_201 = arith.constant 192 : i32
    %add3A_202 = arith.addi %rem3A_4, %add3A_201 : i32
    %dma_start3A_203 = arith.constant 0 : i32
    %dma_start3A_204 = tpu.memref_slice %arg4[%add3A_202, %dma_start3A_203] : memref<2048x512xf32, #tpu.memory_space<hbm>> -> memref<32x512xf32, #tpu.memory_space<hbm>>
    %dma_start3A_205 = arith.constant 0 : i32
    %dma_start3A_206 = tpu.memref_slice %arg4[%add3A_202, %dma_start3A_205] : memref<2048x512xf32, #tpu.memory_space<hbm>> -> memref<32x512xf32, #tpu.memory_space<hbm>>
    tpu.enqueue_dma source(%dma_start3A_206 : memref<32x512xf32, #tpu.memory_space<hbm>>) target(%arg10 : memref<32x512xf32, #tpu.memory_space<vmem>>) target_semaphore(%arg16 : memref<!tpu.dma_semaphore, #tpu.memory_space<semaphore_mem>>)
    %dma_wait3A_207 = arith.constant 0 : i32
    %dma_wait3A_208 = tpu.memref_slice %arg5[%div3A_3, %add3A_154, %dma_wait3A_207] : memref<4x2048x512xf32, #tpu.memory_space<hbm>> -> memref<1x32x512xf32, #tpu.memory_space<hbm>>
    %dma_wait3A_209 = tpu.memref_squeeze %dma_wait3A_208 : memref<1x32x512xf32, #tpu.memory_space<hbm>> -> memref<32x512xf32, #tpu.memory_space<hbm>>
    %dma_wait3A_210 = arith.constant 0 : i32
    %dma_wait3A_211 = tpu.memref_slice %arg5[%div3A_3, %add3A_154, %dma_wait3A_210] : memref<4x2048x512xf32, #tpu.memory_space<hbm>> -> memref<1x32x512xf32, #tpu.memory_space<hbm>>
    %dma_wait3A_212 = tpu.memref_squeeze %dma_wait3A_211 : memref<1x32x512xf32, #tpu.memory_space<hbm>> -> memref<32x512xf32, #tpu.memory_space<hbm>>
    tpu.wait_dma2 semaphore(%arg19 : memref<!tpu.dma_semaphore, #tpu.memory_space<semaphore_mem>>) src(%arg7 : memref<32x512xf32, #tpu.memory_space<vmem>>) dst(%dma_wait3A_212 : memref<32x512xf32, #tpu.memory_space<hbm>>)
    %dma_start3A_213 = arith.constant 192 : i32
    %dma_start3A_214 = tpu.memref_slice %arg6[%dma_start3A_213] : memref<256xi32, #tpu.memory_space<vmem>> -> memref<32xi32, #tpu.memory_space<vmem>>
    %dma_start3A_215 = arith.constant 0 : i32
    %dma_start3A_216 = arith.constant 0 : i32
    %dma_start3A_217 = tpu.memref_slice %arg3[%dma_start3A_215, %dma_start3A_216] : memref<774x512xf32, #tpu.memory_space<hbm>> -> memref<774x512xf32, #tpu.memory_space<hbm>>
    tpu.enqueue_indirect_dma source(%dma_start3A_217 : memref<774x512xf32, #tpu.memory_space<hbm>>) target(%arg7 : memref<32x512xf32, #tpu.memory_space<vmem>>) offsets(%dma_start3A_214 : memref<32xi32, #tpu.memory_space<vmem>>) semaphore(%arg13 : memref<!tpu.dma_semaphore, #tpu.memory_space<semaphore_mem>>)
    %dma_wait3A_218 = arith.constant 160 : i32
    %dma_wait3A_219 = tpu.memref_slice %arg6[%dma_wait3A_218] : memref<256xi32, #tpu.memory_space<vmem>> -> memref<32xi32, #tpu.memory_space<vmem>>
    %dma_wait3A_220 = arith.constant 0 : i32
    %dma_wait3A_221 = arith.constant 0 : i32
    %dma_wait3A_222 = tpu.memref_slice %arg3[%dma_wait3A_220, %dma_wait3A_221] : memref<774x512xf32, #tpu.memory_space<hbm>> -> memref<774x512xf32, #tpu.memory_space<hbm>>
    tpu.wait_indirect_dma semaphore(%arg15 : memref<!tpu.dma_semaphore, #tpu.memory_space<semaphore_mem>>) src(%dma_wait3A_222 : memref<774x512xf32, #tpu.memory_space<hbm>>) dst(%arg9 : memref<32x512xf32, #tpu.memory_space<vmem>>)
    %dma_wait3A_223 = arith.constant 0 : i32
    %dma_wait3A_224 = tpu.memref_slice %arg4[%add3A_162, %dma_wait3A_223] : memref<2048x512xf32, #tpu.memory_space<hbm>> -> memref<32x512xf32, #tpu.memory_space<hbm>>
    %dma_wait3A_225 = arith.constant 0 : i32
    %dma_wait3A_226 = tpu.memref_slice %arg4[%add3A_162, %dma_wait3A_225] : memref<2048x512xf32, #tpu.memory_space<hbm>> -> memref<32x512xf32, #tpu.memory_space<hbm>>
    tpu.wait_dma2 semaphore(%arg18 : memref<!tpu.dma_semaphore, #tpu.memory_space<semaphore_mem>>) src(%dma_wait3A_226 : memref<32x512xf32, #tpu.memory_space<hbm>>) dst(%arg12 : memref<32x512xf32, #tpu.memory_space<vmem>>)
    %scan3A_227 = arith.constant 0 : i32
    %scan3A_228 = arith.constant 0 : i32
    %scan3A_229 = arith.constant 32 : i32
    %scan3A_230 = arith.addi %scan3A_228, %scan3A_229 : i32
    %scan3A_231 = arith.constant 1 : i32
    scf.for %scan3A_322 = %scan3A_228 to %scan3A_230 step %scan3A_231  : i32 {
      %get3A = arith.index_cast %scan3A_322 : i32 to index
      %get3A_323 = arith.constant 0 : index
      %get3A_324 = tpu.vector_load %arg12[%get3A, %get3A_323] {strides = array<i32>} : memref<32x512xf32, #tpu.memory_space<vmem>>, vector<1x16xf32>,
      %get3A_325 = vector.shape_cast %get3A_324 : vector<1x16xf32> to vector<16xf32>
      %swap3A = arith.index_cast %scan3A_322 : i32 to index
      %swap3A_326 = arith.constant 0 : index
      %swap3A_327 = tpu.vector_load %arg9[%swap3A, %swap3A_326] {strides = array<i32>} : memref<32x512xf32, #tpu.memory_space<vmem>>, vector<1x16xf32>,
      %swap3A_328 = vector.shape_cast %swap3A_327 : vector<1x16xf32> to vector<16xf32>
      %swap3A_329 = vector.shape_cast %get3A_325 : vector<16xf32> to vector<1x16xf32>
      tpu.vector_store %arg9[%swap3A, %swap3A_326], %swap3A_329 {add = true, strides = array<i32>} : memref<32x512xf32, #tpu.memory_space<vmem>>, vector<1x16xf32>,
      %get3A_330 = arith.index_cast %scan3A_322 : i32 to index
      %get3A_331 = arith.constant 16 : index
      %get3A_332 = tpu.vector_load %arg12[%get3A_330, %get3A_331] {strides = array<i32>} : memref<32x512xf32, #tpu.memory_space<vmem>>, vector<1x16xf32>,
      %get3A_333 = vector.shape_cast %get3A_332 : vector<1x16xf32> to vector<16xf32>
      %swap3A_334 = arith.index_cast %scan3A_322 : i32 to index
      %swap3A_335 = arith.constant 16 : index
      %swap3A_336 = tpu.vector_load %arg9[%swap3A_334, %swap3A_335] {strides = array<i32>} : memref<32x512xf32, #tpu.memory_space<vmem>>, vector<1x16xf32>,
      %swap3A_337 = vector.shape_cast %swap3A_336 : vector<1x16xf32> to vector<16xf32>
      %swap3A_338 = vector.shape_cast %get3A_333 : vector<16xf32> to vector<1x16xf32>
      tpu.vector_store %arg9[%swap3A_334, %swap3A_335], %swap3A_338 {add = true, strides = array<i32>} : memref<32x512xf32, #tpu.memory_space<vmem>>, vector<1x16xf32>,
      %get3A_339 = arith.index_cast %scan3A_322 : i32 to index
      %get3A_340 = arith.constant 32 : index
      %get3A_341 = tpu.vector_load %arg12[%get3A_339, %get3A_340] {strides = array<i32>} : memref<32x512xf32, #tpu.memory_space<vmem>>, vector<1x16xf32>,
      %get3A_342 = vector.shape_cast %get3A_341 : vector<1x16xf32> to vector<16xf32>
      %swap3A_343 = arith.index_cast %scan3A_322 : i32 to index
      %swap3A_344 = arith.constant 32 : index
      %swap3A_345 = tpu.vector_load %arg9[%swap3A_343, %swap3A_344] {strides = array<i32>} : memref<32x512xf32, #tpu.memory_space<vmem>>, vector<1x16xf32>,
      %swap3A_346 = vector.shape_cast %swap3A_345 : vector<1x16xf32> to vector<16xf32>
      %swap3A_347 = vector.shape_cast %get3A_342 : vector<16xf32> to vector<1x16xf32>
      tpu.vector_store %arg9[%swap3A_343, %swap3A_344], %swap3A_347 {add = true, strides = array<i32>} : memref<32x512xf32, #tpu.memory_space<vmem>>, vector<1x16xf32>,
      %get3A_348 = arith.index_cast %scan3A_322 : i32 to index
      %get3A_349 = arith.constant 48 : index
      %get3A_350 = tpu.vector_load %arg12[%get3A_348, %get3A_349] {strides = array<i32>} : memref<32x512xf32, #tpu.memory_space<vmem>>, vector<1x16xf32>,
      %get3A_351 = vector.shape_cast %get3A_350 : vector<1x16xf32> to vector<16xf32>
      %swap3A_352 = arith.index_cast %scan3A_322 : i32 to index
      %swap3A_353 = arith.constant 48 : index
      %swap3A_354 = tpu.vector_load %arg9[%swap3A_352, %swap3A_353] {strides = array<i32>} : memref<32x512xf32, #tpu.memory_space<vmem>>, vector<1x16xf32>,
      %swap3A_355 = vector.shape_cast %swap3A_354 : vector<1x16xf32> to vector<16xf32>
      %swap3A_356 = vector.shape_cast %get3A_351 : vector<16xf32> to vector<1x16xf32>
      tpu.vector_store %arg9[%swap3A_352, %swap3A_353], %swap3A_356 {add = true, strides = array<i32>} : memref<32x512xf32, #tpu.memory_space<vmem>>, vector<1x16xf32>,
      %get3A_357 = arith.index_cast %scan3A_322 : i32 to index
      %get3A_358 = arith.constant 64 : index
      %get3A_359 = tpu.vector_load %arg12[%get3A_357, %get3A_358] {strides = array<i32>} : memref<32x512xf32, #tpu.memory_space<vmem>>, vector<1x16xf32>,
      %get3A_360 = vector.shape_cast %get3A_359 : vector<1x16xf32> to vector<16xf32>
      %swap3A_361 = arith.index_cast %scan3A_322 : i32 to index
      %swap3A_362 = arith.constant 64 : index
      %swap3A_363 = tpu.vector_load %arg9[%swap3A_361, %swap3A_362] {strides = array<i32>} : memref<32x512xf32, #tpu.memory_space<vmem>>, vector<1x16xf32>,
      %swap3A_364 = vector.shape_cast %swap3A_363 : vector<1x16xf32> to vector<16xf32>
      %swap3A_365 = vector.shape_cast %get3A_360 : vector<16xf32> to vector<1x16xf32>
      tpu.vector_store %arg9[%swap3A_361, %swap3A_362], %swap3A_365 {add = true, strides = array<i32>} : memref<32x512xf32, #tpu.memory_space<vmem>>, vector<1x16xf32>,
      %get3A_366 = arith.index_cast %scan3A_322 : i32 to index
      %get3A_367 = arith.constant 80 : index
      %get3A_368 = tpu.vector_load %arg12[%get3A_366, %get3A_367] {strides = array<i32>} : memref<32x512xf32, #tpu.memory_space<vmem>>, vector<1x16xf32>,
      %get3A_369 = vector.shape_cast %get3A_368 : vector<1x16xf32> to vector<16xf32>
      %swap3A_370 = arith.index_cast %scan3A_322 : i32 to index
      %swap3A_371 = arith.constant 80 : index
      %swap3A_372 = tpu.vector_load %arg9[%swap3A_370, %swap3A_371] {strides = array<i32>} : memref<32x512xf32, #tpu.memory_space<vmem>>, vector<1x16xf32>,
      %swap3A_373 = vector.shape_cast %swap3A_372 : vector<1x16xf32> to vector<16xf32>
      %swap3A_374 = vector.shape_cast %get3A_369 : vector<16xf32> to vector<1x16xf32>
      tpu.vector_store %arg9[%swap3A_370, %swap3A_371], %swap3A_374 {add = true, strides = array<i32>} : memref<32x512xf32, #tpu.memory_space<vmem>>, vector<1x16xf32>,
      %get3A_375 = arith.index_cast %scan3A_322 : i32 to index
      %get3A_376 = arith.constant 96 : index
      %get3A_377 = tpu.vector_load %arg12[%get3A_375, %get3A_376] {strides = array<i32>} : memref<32x512xf32, #tpu.memory_space<vmem>>, vector<1x16xf32>,
      %get3A_378 = vector.shape_cast %get3A_377 : vector<1x16xf32> to vector<16xf32>
      %swap3A_379 = arith.index_cast %scan3A_322 : i32 to index
      %swap3A_380 = arith.constant 96 : index
      %swap3A_381 = tpu.vector_load %arg9[%swap3A_379, %swap3A_380] {strides = array<i32>} : memref<32x512xf32, #tpu.memory_space<vmem>>, vector<1x16xf32>,
      %swap3A_382 = vector.shape_cast %swap3A_381 : vector<1x16xf32> to vector<16xf32>
      %swap3A_383 = vector.shape_cast %get3A_378 : vector<16xf32> to vector<1x16xf32>
      tpu.vector_store %arg9[%swap3A_379, %swap3A_380], %swap3A_383 {add = true, strides = array<i32>} : memref<32x512xf32, #tpu.memory_space<vmem>>, vector<1x16xf32>,
      %get3A_384 = arith.index_cast %scan3A_322 : i32 to index
      %get3A_385 = arith.constant 112 : index
      %get3A_386 = tpu.vector_load %arg12[%get3A_384, %get3A_385] {strides = array<i32>} : memref<32x512xf32, #tpu.memory_space<vmem>>, vector<1x16xf32>,
      %get3A_387 = vector.shape_cast %get3A_386 : vector<1x16xf32> to vector<16xf32>
      %swap3A_388 = arith.index_cast %scan3A_322 : i32 to index
      %swap3A_389 = arith.constant 112 : index
      %swap3A_390 = tpu.vector_load %arg9[%swap3A_388, %swap3A_389] {strides = array<i32>} : memref<32x512xf32, #tpu.memory_space<vmem>>, vector<1x16xf32>,
      %swap3A_391 = vector.shape_cast %swap3A_390 : vector<1x16xf32> to vector<16xf32>
      %swap3A_392 = vector.shape_cast %get3A_387 : vector<16xf32> to vector<1x16xf32>
      tpu.vector_store %arg9[%swap3A_388, %swap3A_389], %swap3A_392 {add = true, strides = array<i32>} : memref<32x512xf32, #tpu.memory_space<vmem>>, vector<1x16xf32>,
      %get3A_393 = arith.index_cast %scan3A_322 : i32 to index
      %get3A_394 = arith.constant 128 : index
      %get3A_395 = tpu.vector_load %arg12[%get3A_393, %get3A_394] {strides = array<i32>} : memref<32x512xf32, #tpu.memory_space<vmem>>, vector<1x16xf32>,
      %get3A_396 = vector.shape_cast %get3A_395 : vector<1x16xf32> to vector<16xf32>
      %swap3A_397 = arith.index_cast %scan3A_322 : i32 to index
      %swap3A_398 = arith.constant 128 : index
      %swap3A_399 = tpu.vector_load %arg9[%swap3A_397, %swap3A_398] {strides = array<i32>} : memref<32x512xf32, #tpu.memory_space<vmem>>, vector<1x16xf32>,
      %swap3A_400 = vector.shape_cast %swap3A_399 : vector<1x16xf32> to vector<16xf32>
      %swap3A_401 = vector.shape_cast %get3A_396 : vector<16xf32> to vector<1x16xf32>
      tpu.vector_store %arg9[%swap3A_397, %swap3A_398], %swap3A_401 {add = true, strides = array<i32>} : memref<32x512xf32, #tpu.memory_space<vmem>>, vector<1x16xf32>,
      %get3A_402 = arith.index_cast %scan3A_322 : i32 to index
      %get3A_403 = arith.constant 144 : index
      %get3A_404 = tpu.vector_load %arg12[%get3A_402, %get3A_403] {strides = array<i32>} : memref<32x512xf32, #tpu.memory_space<vmem>>, vector<1x16xf32>,
      %get3A_405 = vector.shape_cast %get3A_404 : vector<1x16xf32> to vector<16xf32>
      %swap3A_406 = arith.index_cast %scan3A_322 : i32 to index
      %swap3A_407 = arith.constant 144 : index
      %swap3A_408 = tpu.vector_load %arg9[%swap3A_406, %swap3A_407] {strides = array<i32>} : memref<32x512xf32, #tpu.memory_space<vmem>>, vector<1x16xf32>,
      %swap3A_409 = vector.shape_cast %swap3A_408 : vector<1x16xf32> to vector<16xf32>
      %swap3A_410 = vector.shape_cast %get3A_405 : vector<16xf32> to vector<1x16xf32>
      tpu.vector_store %arg9[%swap3A_406, %swap3A_407], %swap3A_410 {add = true, strides = array<i32>} : memref<32x512xf32, #tpu.memory_space<vmem>>, vector<1x16xf32>,
      %get3A_411 = arith.index_cast %scan3A_322 : i32 to index
      %get3A_412 = arith.constant 160 : index
      %get3A_413 = tpu.vector_load %arg12[%get3A_411, %get3A_412] {strides = array<i32>} : memref<32x512xf32, #tpu.memory_space<vmem>>, vector<1x16xf32>,
      %get3A_414 = vector.shape_cast %get3A_413 : vector<1x16xf32> to vector<16xf32>
      %swap3A_415 = arith.index_cast %scan3A_322 : i32 to index
      %swap3A_416 = arith.constant 160 : index
      %swap3A_417 = tpu.vector_load %arg9[%swap3A_415, %swap3A_416] {strides = array<i32>} : memref<32x512xf32, #tpu.memory_space<vmem>>, vector<1x16xf32>,
      %swap3A_418 = vector.shape_cast %swap3A_417 : vector<1x16xf32> to vector<16xf32>
      %swap3A_419 = vector.shape_cast %get3A_414 : vector<16xf32> to vector<1x16xf32>
      tpu.vector_store %arg9[%swap3A_415, %swap3A_416], %swap3A_419 {add = true, strides = array<i32>} : memref<32x512xf32, #tpu.memory_space<vmem>>, vector<1x16xf32>,
      %get3A_420 = arith.index_cast %scan3A_322 : i32 to index
      %get3A_421 = arith.constant 176 : index
      %get3A_422 = tpu.vector_load %arg12[%get3A_420, %get3A_421] {strides = array<i32>} : memref<32x512xf32, #tpu.memory_space<vmem>>, vector<1x16xf32>,
      %get3A_423 = vector.shape_cast %get3A_422 : vector<1x16xf32> to vector<16xf32>
      %swap3A_424 = arith.index_cast %scan3A_322 : i32 to index
      %swap3A_425 = arith.constant 176 : index
      %swap3A_426 = tpu.vector_load %arg9[%swap3A_424, %swap3A_425] {strides = array<i32>} : memref<32x512xf32, #tpu.memory_space<vmem>>, vector<1x16xf32>,
      %swap3A_427 = vector.shape_cast %swap3A_426 : vector<1x16xf32> to vector<16xf32>
      %swap3A_428 = vector.shape_cast %get3A_423 : vector<16xf32> to vector<1x16xf32>
      tpu.vector_store %arg9[%swap3A_424, %swap3A_425], %swap3A_428 {add = true, strides = array<i32>} : memref<32x512xf32, #tpu.memory_space<vmem>>, vector<1x16xf32>,
      %get3A_429 = arith.index_cast %scan3A_322 : i32 to index
      %get3A_430 = arith.constant 192 : index
      %get3A_431 = tpu.vector_load %arg12[%get3A_429, %get3A_430] {strides = array<i32>} : memref<32x512xf32, #tpu.memory_space<vmem>>, vector<1x16xf32>,
      %get3A_432 = vector.shape_cast %get3A_431 : vector<1x16xf32> to vector<16xf32>
      %swap3A_433 = arith.index_cast %scan3A_322 : i32 to index
      %swap3A_434 = arith.constant 192 : index
      %swap3A_435 = tpu.vector_load %arg9[%swap3A_433, %swap3A_434] {strides = array<i32>} : memref<32x512xf32, #tpu.memory_space<vmem>>, vector<1x16xf32>,
      %swap3A_436 = vector.shape_cast %swap3A_435 : vector<1x16xf32> to vector<16xf32>
      %swap3A_437 = vector.shape_cast %get3A_432 : vector<16xf32> to vector<1x16xf32>
      tpu.vector_store %arg9[%swap3A_433, %swap3A_434], %swap3A_437 {add = true, strides = array<i32>} : memref<32x512xf32, #tpu.memory_space<vmem>>, vector<1x16xf32>,
      %get3A_438 = arith.index_cast %scan3A_322 : i32 to index
      %get3A_439 = arith.constant 208 : index
      %get3A_440 = tpu.vector_load %arg12[%get3A_438, %get3A_439] {strides = array<i32>} : memref<32x512xf32, #tpu.memory_space<vmem>>, vector<1x16xf32>,
      %get3A_441 = vector.shape_cast %get3A_440 : vector<1x16xf32> to vector<16xf32>
      %swap3A_442 = arith.index_cast %scan3A_322 : i32 to index
      %swap3A_443 = arith.constant 208 : index
      %swap3A_444 = tpu.vector_load %arg9[%swap3A_442, %swap3A_443] {strides = array<i32>} : memref<32x512xf32, #tpu.memory_space<vmem>>, vector<1x16xf32>,
      %swap3A_445 = vector.shape_cast %swap3A_444 : vector<1x16xf32> to vector<16xf32>
      %swap3A_446 = vector.shape_cast %get3A_441 : vector<16xf32> to vector<1x16xf32>
      tpu.vector_store %arg9[%swap3A_442, %swap3A_443], %swap3A_446 {add = true, strides = array<i32>} : memref<32x512xf32, #tpu.memory_space<vmem>>, vector<1x16xf32>,
      %get3A_447 = arith.index_cast %scan3A_322 : i32 to index
      %get3A_448 = arith.constant 224 : index
      %get3A_449 = tpu.vector_load %arg12[%get3A_447, %get3A_448] {strides = array<i32>} : memref<32x512xf32, #tpu.memory_space<vmem>>, vector<1x16xf32>,
      %get3A_450 = vector.shape_cast %get3A_449 : vector<1x16xf32> to vector<16xf32>
      %swap3A_451 = arith.index_cast %scan3A_322 : i32 to index
      %swap3A_452 = arith.constant 224 : index
      %swap3A_453 = tpu.vector_load %arg9[%swap3A_451, %swap3A_452] {strides = array<i32>} : memref<32x512xf32, #tpu.memory_space<vmem>>, vector<1x16xf32>,
      %swap3A_454 = vector.shape_cast %swap3A_453 : vector<1x16xf32> to vector<16xf32>
      %swap3A_455 = vector.shape_cast %get3A_450 : vector<16xf32> to vector<1x16xf32>
      tpu.vector_store %arg9[%swap3A_451, %swap3A_452], %swap3A_455 {add = true, strides = array<i32>} : memref<32x512xf32, #tpu.memory_space<vmem>>, vector<1x16xf32>,
      %get3A_456 = arith.index_cast %scan3A_322 : i32 to index
      %get3A_457 = arith.constant 240 : index
      %get3A_458 = tpu.vector_load %arg12[%get3A_456, %get3A_457] {strides = array<i32>} : memref<32x512xf32, #tpu.memory_space<vmem>>, vector<1x16xf32>,
      %get3A_459 = vector.shape_cast %get3A_458 : vector<1x16xf32> to vector<16xf32>
      %swap3A_460 = arith.index_cast %scan3A_322 : i32 to index
      %swap3A_461 = arith.constant 240 : index
      %swap3A_462 = tpu.vector_load %arg9[%swap3A_460, %swap3A_461] {strides = array<i32>} : memref<32x512xf32, #tpu.memory_space<vmem>>, vector<1x16xf32>,
      %swap3A_463 = vector.shape_cast %swap3A_462 : vector<1x16xf32> to vector<16xf32>
      %swap3A_464 = vector.shape_cast %get3A_459 : vector<16xf32> to vector<1x16xf32>
      tpu.vector_store %arg9[%swap3A_460, %swap3A_461], %swap3A_464 {add = true, strides = array<i32>} : memref<32x512xf32, #tpu.memory_space<vmem>>, vector<1x16xf32>,
      %get3A_465 = arith.index_cast %scan3A_322 : i32 to index
      %get3A_466 = arith.constant 256 : index
      %get3A_467 = tpu.vector_load %arg12[%get3A_465, %get3A_466] {strides = array<i32>} : memref<32x512xf32, #tpu.memory_space<vmem>>, vector<1x16xf32>,
      %get3A_468 = vector.shape_cast %get3A_467 : vector<1x16xf32> to vector<16xf32>
      %swap3A_469 = arith.index_cast %scan3A_322 : i32 to index
      %swap3A_470 = arith.constant 256 : index
      %swap3A_471 = tpu.vector_load %arg9[%swap3A_469, %swap3A_470] {strides = array<i32>} : memref<32x512xf32, #tpu.memory_space<vmem>>, vector<1x16xf32>,
      %swap3A_472 = vector.shape_cast %swap3A_471 : vector<1x16xf32> to vector<16xf32>
      %swap3A_473 = vector.shape_cast %get3A_468 : vector<16xf32> to vector<1x16xf32>
      tpu.vector_store %arg9[%swap3A_469, %swap3A_470], %swap3A_473 {add = true, strides = array<i32>} : memref<32x512xf32, #tpu.memory_space<vmem>>, vector<1x16xf32>,
      %get3A_474 = arith.index_cast %scan3A_322 : i32 to index
      %get3A_475 = arith.constant 272 : index
      %get3A_476 = tpu.vector_load %arg12[%get3A_474, %get3A_475] {strides = array<i32>} : memref<32x512xf32, #tpu.memory_space<vmem>>, vector<1x16xf32>,
      %get3A_477 = vector.shape_cast %get3A_476 : vector<1x16xf32> to vector<16xf32>
      %swap3A_478 = arith.index_cast %scan3A_322 : i32 to index
      %swap3A_479 = arith.constant 272 : index
      %swap3A_480 = tpu.vector_load %arg9[%swap3A_478, %swap3A_479] {strides = array<i32>} : memref<32x512xf32, #tpu.memory_space<vmem>>, vector<1x16xf32>,
      %swap3A_481 = vector.shape_cast %swap3A_480 : vector<1x16xf32> to vector<16xf32>
      %swap3A_482 = vector.shape_cast %get3A_477 : vector<16xf32> to vector<1x16xf32>
      tpu.vector_store %arg9[%swap3A_478, %swap3A_479], %swap3A_482 {add = true, strides = array<i32>} : memref<32x512xf32, #tpu.memory_space<vmem>>, vector<1x16xf32>,
      %get3A_483 = arith.index_cast %scan3A_322 : i32 to index
      %get3A_484 = arith.constant 288 : index
      %get3A_485 = tpu.vector_load %arg12[%get3A_483, %get3A_484] {strides = array<i32>} : memref<32x512xf32, #tpu.memory_space<vmem>>, vector<1x16xf32>,
      %get3A_486 = vector.shape_cast %get3A_485 : vector<1x16xf32> to vector<16xf32>
      %swap3A_487 = arith.index_cast %scan3A_322 : i32 to index
      %swap3A_488 = arith.constant 288 : index
      %swap3A_489 = tpu.vector_load %arg9[%swap3A_487, %swap3A_488] {strides = array<i32>} : memref<32x512xf32, #tpu.memory_space<vmem>>, vector<1x16xf32>,
      %swap3A_490 = vector.shape_cast %swap3A_489 : vector<1x16xf32> to vector<16xf32>
      %swap3A_491 = vector.shape_cast %get3A_486 : vector<16xf32> to vector<1x16xf32>
      tpu.vector_store %arg9[%swap3A_487, %swap3A_488], %swap3A_491 {add = true, strides = array<i32>} : memref<32x512xf32, #tpu.memory_space<vmem>>, vector<1x16xf32>,
      %get3A_492 = arith.index_cast %scan3A_322 : i32 to index
      %get3A_493 = arith.constant 304 : index
      %get3A_494 = tpu.vector_load %arg12[%get3A_492, %get3A_493] {strides = array<i32>} : memref<32x512xf32, #tpu.memory_space<vmem>>, vector<1x16xf32>,
      %get3A_495 = vector.shape_cast %get3A_494 : vector<1x16xf32> to vector<16xf32>
      %swap3A_496 = arith.index_cast %scan3A_322 : i32 to index
      %swap3A_497 = arith.constant 304 : index
      %swap3A_498 = tpu.vector_load %arg9[%swap3A_496, %swap3A_497] {strides = array<i32>} : memref<32x512xf32, #tpu.memory_space<vmem>>, vector<1x16xf32>,
      %swap3A_499 = vector.shape_cast %swap3A_498 : vector<1x16xf32> to vector<16xf32>
      %swap3A_500 = vector.shape_cast %get3A_495 : vector<16xf32> to vector<1x16xf32>
      tpu.vector_store %arg9[%swap3A_496, %swap3A_497], %swap3A_500 {add = true, strides = array<i32>} : memref<32x512xf32, #tpu.memory_space<vmem>>, vector<1x16xf32>,
      %get3A_501 = arith.index_cast %scan3A_322 : i32 to index
      %get3A_502 = arith.constant 320 : index
      %get3A_503 = tpu.vector_load %arg12[%get3A_501, %get3A_502] {strides = array<i32>} : memref<32x512xf32, #tpu.memory_space<vmem>>, vector<1x16xf32>,
      %get3A_504 = vector.shape_cast %get3A_503 : vector<1x16xf32> to vector<16xf32>
      %swap3A_505 = arith.index_cast %scan3A_322 : i32 to index
      %swap3A_506 = arith.constant 320 : index
      %swap3A_507 = tpu.vector_load %arg9[%swap3A_505, %swap3A_506] {strides = array<i32>} : memref<32x512xf32, #tpu.memory_space<vmem>>, vector<1x16xf32>,
      %swap3A_508 = vector.shape_cast %swap3A_507 : vector<1x16xf32> to vector<16xf32>
      %swap3A_509 = vector.shape_cast %get3A_504 : vector<16xf32> to vector<1x16xf32>
      tpu.vector_store %arg9[%swap3A_505, %swap3A_506], %swap3A_509 {add = true, strides = array<i32>} : memref<32x512xf32, #tpu.memory_space<vmem>>, vector<1x16xf32>,
      %get3A_510 = arith.index_cast %scan3A_322 : i32 to index
      %get3A_511 = arith.constant 336 : index
      %get3A_512 = tpu.vector_load %arg12[%get3A_510, %get3A_511] {strides = array<i32>} : memref<32x512xf32, #tpu.memory_space<vmem>>, vector<1x16xf32>,
      %get3A_513 = vector.shape_cast %get3A_512 : vector<1x16xf32> to vector<16xf32>
      %swap3A_514 = arith.index_cast %scan3A_322 : i32 to index
      %swap3A_515 = arith.constant 336 : index
      %swap3A_516 = tpu.vector_load %arg9[%swap3A_514, %swap3A_515] {strides = array<i32>} : memref<32x512xf32, #tpu.memory_space<vmem>>, vector<1x16xf32>,
      %swap3A_517 = vector.shape_cast %swap3A_516 : vector<1x16xf32> to vector<16xf32>
      %swap3A_518 = vector.shape_cast %get3A_513 : vector<16xf32> to vector<1x16xf32>
      tpu.vector_store %arg9[%swap3A_514, %swap3A_515], %swap3A_518 {add = true, strides = array<i32>} : memref<32x512xf32, #tpu.memory_space<vmem>>, vector<1x16xf32>,
      %get3A_519 = arith.index_cast %scan3A_322 : i32 to index
      %get3A_520 = arith.constant 352 : index
      %get3A_521 = tpu.vector_load %arg12[%get3A_519, %get3A_520] {strides = array<i32>} : memref<32x512xf32, #tpu.memory_space<vmem>>, vector<1x16xf32>,
      %get3A_522 = vector.shape_cast %get3A_521 : vector<1x16xf32> to vector<16xf32>
      %swap3A_523 = arith.index_cast %scan3A_322 : i32 to index
      %swap3A_524 = arith.constant 352 : index
      %swap3A_525 = tpu.vector_load %arg9[%swap3A_523, %swap3A_524] {strides = array<i32>} : memref<32x512xf32, #tpu.memory_space<vmem>>, vector<1x16xf32>,
      %swap3A_526 = vector.shape_cast %swap3A_525 : vector<1x16xf32> to vector<16xf32>
      %swap3A_527 = vector.shape_cast %get3A_522 : vector<16xf32> to vector<1x16xf32>
      tpu.vector_store %arg9[%swap3A_523, %swap3A_524], %swap3A_527 {add = true, strides = array<i32>} : memref<32x512xf32, #tpu.memory_space<vmem>>, vector<1x16xf32>,
      %get3A_528 = arith.index_cast %scan3A_322 : i32 to index
      %get3A_529 = arith.constant 368 : index
      %get3A_530 = tpu.vector_load %arg12[%get3A_528, %get3A_529] {strides = array<i32>} : memref<32x512xf32, #tpu.memory_space<vmem>>, vector<1x16xf32>,
      %get3A_531 = vector.shape_cast %get3A_530 : vector<1x16xf32> to vector<16xf32>
      %swap3A_532 = arith.index_cast %scan3A_322 : i32 to index
      %swap3A_533 = arith.constant 368 : index
      %swap3A_534 = tpu.vector_load %arg9[%swap3A_532, %swap3A_533] {strides = array<i32>} : memref<32x512xf32, #tpu.memory_space<vmem>>, vector<1x16xf32>,
      %swap3A_535 = vector.shape_cast %swap3A_534 : vector<1x16xf32> to vector<16xf32>
      %swap3A_536 = vector.shape_cast %get3A_531 : vector<16xf32> to vector<1x16xf32>
      tpu.vector_store %arg9[%swap3A_532, %swap3A_533], %swap3A_536 {add = true, strides = array<i32>} : memref<32x512xf32, #tpu.memory_space<vmem>>, vector<1x16xf32>,
      %get3A_537 = arith.index_cast %scan3A_322 : i32 to index
      %get3A_538 = arith.constant 384 : index
      %get3A_539 = tpu.vector_load %arg12[%get3A_537, %get3A_538] {strides = array<i32>} : memref<32x512xf32, #tpu.memory_space<vmem>>, vector<1x16xf32>,
      %get3A_540 = vector.shape_cast %get3A_539 : vector<1x16xf32> to vector<16xf32>
      %swap3A_541 = arith.index_cast %scan3A_322 : i32 to index
      %swap3A_542 = arith.constant 384 : index
      %swap3A_543 = tpu.vector_load %arg9[%swap3A_541, %swap3A_542] {strides = array<i32>} : memref<32x512xf32, #tpu.memory_space<vmem>>, vector<1x16xf32>,
      %swap3A_544 = vector.shape_cast %swap3A_543 : vector<1x16xf32> to vector<16xf32>
      %swap3A_545 = vector.shape_cast %get3A_540 : vector<16xf32> to vector<1x16xf32>
      tpu.vector_store %arg9[%swap3A_541, %swap3A_542], %swap3A_545 {add = true, strides = array<i32>} : memref<32x512xf32, #tpu.memory_space<vmem>>, vector<1x16xf32>,
      %get3A_546 = arith.index_cast %scan3A_322 : i32 to index
      %get3A_547 = arith.constant 400 : index
      %get3A_548 = tpu.vector_load %arg12[%get3A_546, %get3A_547] {strides = array<i32>} : memref<32x512xf32, #tpu.memory_space<vmem>>, vector<1x16xf32>,
      %get3A_549 = vector.shape_cast %get3A_548 : vector<1x16xf32> to vector<16xf32>
      %swap3A_550 = arith.index_cast %scan3A_322 : i32 to index
      %swap3A_551 = arith.constant 400 : index
      %swap3A_552 = tpu.vector_load %arg9[%swap3A_550, %swap3A_551] {strides = array<i32>} : memref<32x512xf32, #tpu.memory_space<vmem>>, vector<1x16xf32>,
      %swap3A_553 = vector.shape_cast %swap3A_552 : vector<1x16xf32> to vector<16xf32>
      %swap3A_554 = vector.shape_cast %get3A_549 : vector<16xf32> to vector<1x16xf32>
      tpu.vector_store %arg9[%swap3A_550, %swap3A_551], %swap3A_554 {add = true, strides = array<i32>} : memref<32x512xf32, #tpu.memory_space<vmem>>, vector<1x16xf32>,
      %get3A_555 = arith.index_cast %scan3A_322 : i32 to index
      %get3A_556 = arith.constant 416 : index
      %get3A_557 = tpu.vector_load %arg12[%get3A_555, %get3A_556] {strides = array<i32>} : memref<32x512xf32, #tpu.memory_space<vmem>>, vector<1x16xf32>,
      %get3A_558 = vector.shape_cast %get3A_557 : vector<1x16xf32> to vector<16xf32>
      %swap3A_559 = arith.index_cast %scan3A_322 : i32 to index
      %swap3A_560 = arith.constant 416 : index
      %swap3A_561 = tpu.vector_load %arg9[%swap3A_559, %swap3A_560] {strides = array<i32>} : memref<32x512xf32, #tpu.memory_space<vmem>>, vector<1x16xf32>,
      %swap3A_562 = vector.shape_cast %swap3A_561 : vector<1x16xf32> to vector<16xf32>
      %swap3A_563 = vector.shape_cast %get3A_558 : vector<16xf32> to vector<1x16xf32>
      tpu.vector_store %arg9[%swap3A_559, %swap3A_560], %swap3A_563 {add = true, strides = array<i32>} : memref<32x512xf32, #tpu.memory_space<vmem>>, vector<1x16xf32>,
      %get3A_564 = arith.index_cast %scan3A_322 : i32 to index
      %get3A_565 = arith.constant 432 : index
      %get3A_566 = tpu.vector_load %arg12[%get3A_564, %get3A_565] {strides = array<i32>} : memref<32x512xf32, #tpu.memory_space<vmem>>, vector<1x16xf32>,
      %get3A_567 = vector.shape_cast %get3A_566 : vector<1x16xf32> to vector<16xf32>
      %swap3A_568 = arith.index_cast %scan3A_322 : i32 to index
      %swap3A_569 = arith.constant 432 : index
      %swap3A_570 = tpu.vector_load %arg9[%swap3A_568, %swap3A_569] {strides = array<i32>} : memref<32x512xf32, #tpu.memory_space<vmem>>, vector<1x16xf32>,
      %swap3A_571 = vector.shape_cast %swap3A_570 : vector<1x16xf32> to vector<16xf32>
      %swap3A_572 = vector.shape_cast %get3A_567 : vector<16xf32> to vector<1x16xf32>
      tpu.vector_store %arg9[%swap3A_568, %swap3A_569], %swap3A_572 {add = true, strides = array<i32>} : memref<32x512xf32, #tpu.memory_space<vmem>>, vector<1x16xf32>,
      %get3A_573 = arith.index_cast %scan3A_322 : i32 to index
      %get3A_574 = arith.constant 448 : index
      %get3A_575 = tpu.vector_load %arg12[%get3A_573, %get3A_574] {strides = array<i32>} : memref<32x512xf32, #tpu.memory_space<vmem>>, vector<1x16xf32>,
      %get3A_576 = vector.shape_cast %get3A_575 : vector<1x16xf32> to vector<16xf32>
      %swap3A_577 = arith.index_cast %scan3A_322 : i32 to index
      %swap3A_578 = arith.constant 448 : index
      %swap3A_579 = tpu.vector_load %arg9[%swap3A_577, %swap3A_578] {strides = array<i32>} : memref<32x512xf32, #tpu.memory_space<vmem>>, vector<1x16xf32>,
      %swap3A_580 = vector.shape_cast %swap3A_579 : vector<1x16xf32> to vector<16xf32>
      %swap3A_581 = vector.shape_cast %get3A_576 : vector<16xf32> to vector<1x16xf32>
      tpu.vector_store %arg9[%swap3A_577, %swap3A_578], %swap3A_581 {add = true, strides = array<i32>} : memref<32x512xf32, #tpu.memory_space<vmem>>, vector<1x16xf32>,
      %get3A_582 = arith.index_cast %scan3A_322 : i32 to index
      %get3A_583 = arith.constant 464 : index
      %get3A_584 = tpu.vector_load %arg12[%get3A_582, %get3A_583] {strides = array<i32>} : memref<32x512xf32, #tpu.memory_space<vmem>>, vector<1x16xf32>,
      %get3A_585 = vector.shape_cast %get3A_584 : vector<1x16xf32> to vector<16xf32>
      %swap3A_586 = arith.index_cast %scan3A_322 : i32 to index
      %swap3A_587 = arith.constant 464 : index
      %swap3A_588 = tpu.vector_load %arg9[%swap3A_586, %swap3A_587] {strides = array<i32>} : memref<32x512xf32, #tpu.memory_space<vmem>>, vector<1x16xf32>,
      %swap3A_589 = vector.shape_cast %swap3A_588 : vector<1x16xf32> to vector<16xf32>
      %swap3A_590 = vector.shape_cast %get3A_585 : vector<16xf32> to vector<1x16xf32>
      tpu.vector_store %arg9[%swap3A_586, %swap3A_587], %swap3A_590 {add = true, strides = array<i32>} : memref<32x512xf32, #tpu.memory_space<vmem>>, vector<1x16xf32>,
      %get3A_591 = arith.index_cast %scan3A_322 : i32 to index
      %get3A_592 = arith.constant 480 : index
      %get3A_593 = tpu.vector_load %arg12[%get3A_591, %get3A_592] {strides = array<i32>} : memref<32x512xf32, #tpu.memory_space<vmem>>, vector<1x16xf32>,
      %get3A_594 = vector.shape_cast %get3A_593 : vector<1x16xf32> to vector<16xf32>
      %swap3A_595 = arith.index_cast %scan3A_322 : i32 to index
      %swap3A_596 = arith.constant 480 : index
      %swap3A_597 = tpu.vector_load %arg9[%swap3A_595, %swap3A_596] {strides = array<i32>} : memref<32x512xf32, #tpu.memory_space<vmem>>, vector<1x16xf32>,
      %swap3A_598 = vector.shape_cast %swap3A_597 : vector<1x16xf32> to vector<16xf32>
      %swap3A_599 = vector.shape_cast %get3A_594 : vector<16xf32> to vector<1x16xf32>
      tpu.vector_store %arg9[%swap3A_595, %swap3A_596], %swap3A_599 {add = true, strides = array<i32>} : memref<32x512xf32, #tpu.memory_space<vmem>>, vector<1x16xf32>,
      %get3A_600 = arith.index_cast %scan3A_322 : i32 to index
      %get3A_601 = arith.constant 496 : index
      %get3A_602 = tpu.vector_load %arg12[%get3A_600, %get3A_601] {strides = array<i32>} : memref<32x512xf32, #tpu.memory_space<vmem>>, vector<1x16xf32>,
      %get3A_603 = vector.shape_cast %get3A_602 : vector<1x16xf32> to vector<16xf32>
      %swap3A_604 = arith.index_cast %scan3A_322 : i32 to index
      %swap3A_605 = arith.constant 496 : index
      %swap3A_606 = tpu.vector_load %arg9[%swap3A_604, %swap3A_605] {strides = array<i32>} : memref<32x512xf32, #tpu.memory_space<vmem>>, vector<1x16xf32>,
      %swap3A_607 = vector.shape_cast %swap3A_606 : vector<1x16xf32> to vector<16xf32>
      %swap3A_608 = vector.shape_cast %get3A_603 : vector<16xf32> to vector<1x16xf32>
      tpu.vector_store %arg9[%swap3A_604, %swap3A_605], %swap3A_608 {add = true, strides = array<i32>} : memref<32x512xf32, #tpu.memory_space<vmem>>, vector<1x16xf32>,
    }
    %scan3A_232 = arith.constant 32 : i32
    %add3A_233 = arith.constant 160 : i32
    %add3A_234 = arith.addi %rem3A_4, %add3A_233 : i32
    %dma_start3A_235 = arith.constant 0 : i32
    %dma_start3A_236 = tpu.memref_slice %arg5[%div3A_3, %add3A_234, %dma_start3A_235] : memref<4x2048x512xf32, #tpu.memory_space<hbm>> -> memref<1x32x512xf32, #tpu.memory_space<hbm>>
    %dma_start3A_237 = tpu.memref_squeeze %dma_start3A_236 : memref<1x32x512xf32, #tpu.memory_space<hbm>> -> memref<32x512xf32, #tpu.memory_space<hbm>>
    %dma_start3A_238 = arith.constant 0 : i32
    %dma_start3A_239 = tpu.memref_slice %arg5[%div3A_3, %add3A_234, %dma_start3A_238] : memref<4x2048x512xf32, #tpu.memory_space<hbm>> -> memref<1x32x512xf32, #tpu.memory_space<hbm>>
    %dma_start3A_240 = tpu.memref_squeeze %dma_start3A_239 : memref<1x32x512xf32, #tpu.memory_space<hbm>> -> memref<32x512xf32, #tpu.memory_space<hbm>>
    tpu.enqueue_dma source(%arg9 : memref<32x512xf32, #tpu.memory_space<vmem>>) target(%dma_start3A_240 : memref<32x512xf32, #tpu.memory_space<hbm>>) target_semaphore(%arg21 : memref<!tpu.dma_semaphore, #tpu.memory_space<semaphore_mem>>)
    %add3A_241 = arith.constant 224 : i32
    %add3A_242 = arith.addi %rem3A_4, %add3A_241 : i32
    %dma_start3A_243 = arith.constant 0 : i32
    %dma_start3A_244 = tpu.memref_slice %arg4[%add3A_242, %dma_start3A_243] : memref<2048x512xf32, #tpu.memory_space<hbm>> -> memref<32x512xf32, #tpu.memory_space<hbm>>
    %dma_start3A_245 = arith.constant 0 : i32
    %dma_start3A_246 = tpu.memref_slice %arg4[%add3A_242, %dma_start3A_245] : memref<2048x512xf32, #tpu.memory_space<hbm>> -> memref<32x512xf32, #tpu.memory_space<hbm>>
    tpu.enqueue_dma source(%dma_start3A_246 : memref<32x512xf32, #tpu.memory_space<hbm>>) target(%arg11 : memref<32x512xf32, #tpu.memory_space<vmem>>) target_semaphore(%arg17 : memref<!tpu.dma_semaphore, #tpu.memory_space<semaphore_mem>>)
    %dma_wait3A_247 = arith.constant 0 : i32
    %dma_wait3A_248 = tpu.memref_slice %arg5[%div3A_3, %add3A_194, %dma_wait3A_247] : memref<4x2048x512xf32, #tpu.memory_space<hbm>> -> memref<1x32x512xf32, #tpu.memory_space<hbm>>
    %dma_wait3A_249 = tpu.memref_squeeze %dma_wait3A_248 : memref<1x32x512xf32, #tpu.memory_space<hbm>> -> memref<32x512xf32, #tpu.memory_space<hbm>>
    %dma_wait3A_250 = arith.constant 0 : i32
    %dma_wait3A_251 = tpu.memref_slice %arg5[%div3A_3, %add3A_194, %dma_wait3A_250] : memref<4x2048x512xf32, #tpu.memory_space<hbm>> -> memref<1x32x512xf32, #tpu.memory_space<hbm>>
    %dma_wait3A_252 = tpu.memref_squeeze %dma_wait3A_251 : memref<1x32x512xf32, #tpu.memory_space<hbm>> -> memref<32x512xf32, #tpu.memory_space<hbm>>
    tpu.wait_dma2 semaphore(%arg20 : memref<!tpu.dma_semaphore, #tpu.memory_space<semaphore_mem>>) src(%arg8 : memref<32x512xf32, #tpu.memory_space<vmem>>) dst(%dma_wait3A_252 : memref<32x512xf32, #tpu.memory_space<hbm>>)
    %dma_start3A_253 = arith.constant 224 : i32
    %dma_start3A_254 = tpu.memref_slice %arg6[%dma_start3A_253] : memref<256xi32, #tpu.memory_space<vmem>> -> memref<32xi32, #tpu.memory_space<vmem>>
    %dma_start3A_255 = arith.constant 0 : i32
    %dma_start3A_256 = arith.constant 0 : i32
    %dma_start3A_257 = tpu.memref_slice %arg3[%dma_start3A_255, %dma_start3A_256] : memref<774x512xf32, #tpu.memory_space<hbm>> -> memref<774x512xf32, #tpu.memory_space<hbm>>
    tpu.enqueue_indirect_dma source(%dma_start3A_257 : memref<774x512xf32, #tpu.memory_space<hbm>>) target(%arg8 : memref<32x512xf32, #tpu.memory_space<vmem>>) offsets(%dma_start3A_254 : memref<32xi32, #tpu.memory_space<vmem>>) semaphore(%arg14 : memref<!tpu.dma_semaphore, #tpu.memory_space<semaphore_mem>>)
    %dma_wait3A_258 = arith.constant 192 : i32
    %dma_wait3A_259 = tpu.memref_slice %arg6[%dma_wait3A_258] : memref<256xi32, #tpu.memory_space<vmem>> -> memref<32xi32, #tpu.memory_space<vmem>>
    %dma_wait3A_260 = arith.constant 0 : i32
    %dma_wait3A_261 = arith.constant 0 : i32
    %dma_wait3A_262 = tpu.memref_slice %arg3[%dma_wait3A_260, %dma_wait3A_261] : memref<774x512xf32, #tpu.memory_space<hbm>> -> memref<774x512xf32, #tpu.memory_space<hbm>>
    tpu.wait_indirect_dma semaphore(%arg13 : memref<!tpu.dma_semaphore, #tpu.memory_space<semaphore_mem>>) src(%dma_wait3A_262 : memref<774x512xf32, #tpu.memory_space<hbm>>) dst(%arg7 : memref<32x512xf32, #tpu.memory_space<vmem>>)
    %dma_wait3A_263 = arith.constant 0 : i32
    %dma_wait3A_264 = tpu.memref_slice %arg4[%add3A_202, %dma_wait3A_263] : memref<2048x512xf32, #tpu.memory_space<hbm>> -> memref<32x512xf32, #tpu.memory_space<hbm>>
    %dma_wait3A_265 = arith.constant 0 : i32
    %dma_wait3A_266 = tpu.memref_slice %arg4[%add3A_202, %dma_wait3A_265] : memref<2048x512xf32, #tpu.memory_space<hbm>> -> memref<32x512xf32, #tpu.memory_space<hbm>>
    tpu.wait_dma2 semaphore(%arg16 : memref<!tpu.dma_semaphore, #tpu.memory_space<semaphore_mem>>) src(%dma_wait3A_266 : memref<32x512xf32, #tpu.memory_space<hbm>>) dst(%arg10 : memref<32x512xf32, #tpu.memory_space<vmem>>)
    %scan3A_267 = arith.constant 0 : i32
    %scan3A_268 = arith.constant 0 : i32
    %scan3A_269 = arith.constant 32 : i32
    %scan3A_270 = arith.addi %scan3A_268, %scan3A_269 : i32
    %scan3A_271 = arith.constant 1 : i32
    scf.for %scan3A_322 = %scan3A_268 to %scan3A_270 step %scan3A_271  : i32 {
      %get3A = arith.index_cast %scan3A_322 : i32 to index
      %get3A_323 = arith.constant 0 : index
      %get3A_324 = tpu.vector_load %arg10[%get3A, %get3A_323] {strides = array<i32>} : memref<32x512xf32, #tpu.memory_space<vmem>>, vector<1x16xf32>,
      %get3A_325 = vector.shape_cast %get3A_324 : vector<1x16xf32> to vector<16xf32>
      %swap3A = arith.index_cast %scan3A_322 : i32 to index
      %swap3A_326 = arith.constant 0 : index
      %swap3A_327 = tpu.vector_load %arg7[%swap3A, %swap3A_326] {strides = array<i32>} : memref<32x512xf32, #tpu.memory_space<vmem>>, vector<1x16xf32>,
      %swap3A_328 = vector.shape_cast %swap3A_327 : vector<1x16xf32> to vector<16xf32>
      %swap3A_329 = vector.shape_cast %get3A_325 : vector<16xf32> to vector<1x16xf32>
      tpu.vector_store %arg7[%swap3A, %swap3A_326], %swap3A_329 {add = true, strides = array<i32>} : memref<32x512xf32, #tpu.memory_space<vmem>>, vector<1x16xf32>,
      %get3A_330 = arith.index_cast %scan3A_322 : i32 to index
      %get3A_331 = arith.constant 16 : index
      %get3A_332 = tpu.vector_load %arg10[%get3A_330, %get3A_331] {strides = array<i32>} : memref<32x512xf32, #tpu.memory_space<vmem>>, vector<1x16xf32>,
      %get3A_333 = vector.shape_cast %get3A_332 : vector<1x16xf32> to vector<16xf32>
      %swap3A_334 = arith.index_cast %scan3A_322 : i32 to index
      %swap3A_335 = arith.constant 16 : index
      %swap3A_336 = tpu.vector_load %arg7[%swap3A_334, %swap3A_335] {strides = array<i32>} : memref<32x512xf32, #tpu.memory_space<vmem>>, vector<1x16xf32>,
      %swap3A_337 = vector.shape_cast %swap3A_336 : vector<1x16xf32> to vector<16xf32>
      %swap3A_338 = vector.shape_cast %get3A_333 : vector<16xf32> to vector<1x16xf32>
      tpu.vector_store %arg7[%swap3A_334, %swap3A_335], %swap3A_338 {add = true, strides = array<i32>} : memref<32x512xf32, #tpu.memory_space<vmem>>, vector<1x16xf32>,
      %get3A_339 = arith.index_cast %scan3A_322 : i32 to index
      %get3A_340 = arith.constant 32 : index
      %get3A_341 = tpu.vector_load %arg10[%get3A_339, %get3A_340] {strides = array<i32>} : memref<32x512xf32, #tpu.memory_space<vmem>>, vector<1x16xf32>,
      %get3A_342 = vector.shape_cast %get3A_341 : vector<1x16xf32> to vector<16xf32>
      %swap3A_343 = arith.index_cast %scan3A_322 : i32 to index
      %swap3A_344 = arith.constant 32 : index
      %swap3A_345 = tpu.vector_load %arg7[%swap3A_343, %swap3A_344] {strides = array<i32>} : memref<32x512xf32, #tpu.memory_space<vmem>>, vector<1x16xf32>,
      %swap3A_346 = vector.shape_cast %swap3A_345 : vector<1x16xf32> to vector<16xf32>
      %swap3A_347 = vector.shape_cast %get3A_342 : vector<16xf32> to vector<1x16xf32>
      tpu.vector_store %arg7[%swap3A_343, %swap3A_344], %swap3A_347 {add = true, strides = array<i32>} : memref<32x512xf32, #tpu.memory_space<vmem>>, vector<1x16xf32>,
      %get3A_348 = arith.index_cast %scan3A_322 : i32 to index
      %get3A_349 = arith.constant 48 : index
      %get3A_350 = tpu.vector_load %arg10[%get3A_348, %get3A_349] {strides = array<i32>} : memref<32x512xf32, #tpu.memory_space<vmem>>, vector<1x16xf32>,
      %get3A_351 = vector.shape_cast %get3A_350 : vector<1x16xf32> to vector<16xf32>
      %swap3A_352 = arith.index_cast %scan3A_322 : i32 to index
      %swap3A_353 = arith.constant 48 : index
      %swap3A_354 = tpu.vector_load %arg7[%swap3A_352, %swap3A_353] {strides = array<i32>} : memref<32x512xf32, #tpu.memory_space<vmem>>, vector<1x16xf32>,
      %swap3A_355 = vector.shape_cast %swap3A_354 : vector<1x16xf32> to vector<16xf32>
      %swap3A_356 = vector.shape_cast %get3A_351 : vector<16xf32> to vector<1x16xf32>
      tpu.vector_store %arg7[%swap3A_352, %swap3A_353], %swap3A_356 {add = true, strides = array<i32>} : memref<32x512xf32, #tpu.memory_space<vmem>>, vector<1x16xf32>,
      %get3A_357 = arith.index_cast %scan3A_322 : i32 to index
      %get3A_358 = arith.constant 64 : index
      %get3A_359 = tpu.vector_load %arg10[%get3A_357, %get3A_358] {strides = array<i32>} : memref<32x512xf32, #tpu.memory_space<vmem>>, vector<1x16xf32>,
      %get3A_360 = vector.shape_cast %get3A_359 : vector<1x16xf32> to vector<16xf32>
      %swap3A_361 = arith.index_cast %scan3A_322 : i32 to index
      %swap3A_362 = arith.constant 64 : index
      %swap3A_363 = tpu.vector_load %arg7[%swap3A_361, %swap3A_362] {strides = array<i32>} : memref<32x512xf32, #tpu.memory_space<vmem>>, vector<1x16xf32>,
      %swap3A_364 = vector.shape_cast %swap3A_363 : vector<1x16xf32> to vector<16xf32>
      %swap3A_365 = vector.shape_cast %get3A_360 : vector<16xf32> to vector<1x16xf32>
      tpu.vector_store %arg7[%swap3A_361, %swap3A_362], %swap3A_365 {add = true, strides = array<i32>} : memref<32x512xf32, #tpu.memory_space<vmem>>, vector<1x16xf32>,
      %get3A_366 = arith.index_cast %scan3A_322 : i32 to index
      %get3A_367 = arith.constant 80 : index
      %get3A_368 = tpu.vector_load %arg10[%get3A_366, %get3A_367] {strides = array<i32>} : memref<32x512xf32, #tpu.memory_space<vmem>>, vector<1x16xf32>,
      %get3A_369 = vector.shape_cast %get3A_368 : vector<1x16xf32> to vector<16xf32>
      %swap3A_370 = arith.index_cast %scan3A_322 : i32 to index
      %swap3A_371 = arith.constant 80 : index
      %swap3A_372 = tpu.vector_load %arg7[%swap3A_370, %swap3A_371] {strides = array<i32>} : memref<32x512xf32, #tpu.memory_space<vmem>>, vector<1x16xf32>,
      %swap3A_373 = vector.shape_cast %swap3A_372 : vector<1x16xf32> to vector<16xf32>
      %swap3A_374 = vector.shape_cast %get3A_369 : vector<16xf32> to vector<1x16xf32>
      tpu.vector_store %arg7[%swap3A_370, %swap3A_371], %swap3A_374 {add = true, strides = array<i32>} : memref<32x512xf32, #tpu.memory_space<vmem>>, vector<1x16xf32>,
      %get3A_375 = arith.index_cast %scan3A_322 : i32 to index
      %get3A_376 = arith.constant 96 : index
      %get3A_377 = tpu.vector_load %arg10[%get3A_375, %get3A_376] {strides = array<i32>} : memref<32x512xf32, #tpu.memory_space<vmem>>, vector<1x16xf32>,
      %get3A_378 = vector.shape_cast %get3A_377 : vector<1x16xf32> to vector<16xf32>
      %swap3A_379 = arith.index_cast %scan3A_322 : i32 to index
      %swap3A_380 = arith.constant 96 : index
      %swap3A_381 = tpu.vector_load %arg7[%swap3A_379, %swap3A_380] {strides = array<i32>} : memref<32x512xf32, #tpu.memory_space<vmem>>, vector<1x16xf32>,
      %swap3A_382 = vector.shape_cast %swap3A_381 : vector<1x16xf32> to vector<16xf32>
      %swap3A_383 = vector.shape_cast %get3A_378 : vector<16xf32> to vector<1x16xf32>
      tpu.vector_store %arg7[%swap3A_379, %swap3A_380], %swap3A_383 {add = true, strides = array<i32>} : memref<32x512xf32, #tpu.memory_space<vmem>>, vector<1x16xf32>,
      %get3A_384 = arith.index_cast %scan3A_322 : i32 to index
      %get3A_385 = arith.constant 112 : index
      %get3A_386 = tpu.vector_load %arg10[%get3A_384, %get3A_385] {strides = array<i32>} : memref<32x512xf32, #tpu.memory_space<vmem>>, vector<1x16xf32>,
      %get3A_387 = vector.shape_cast %get3A_386 : vector<1x16xf32> to vector<16xf32>
      %swap3A_388 = arith.index_cast %scan3A_322 : i32 to index
      %swap3A_389 = arith.constant 112 : index
      %swap3A_390 = tpu.vector_load %arg7[%swap3A_388, %swap3A_389] {strides = array<i32>} : memref<32x512xf32, #tpu.memory_space<vmem>>, vector<1x16xf32>,
      %swap3A_391 = vector.shape_cast %swap3A_390 : vector<1x16xf32> to vector<16xf32>
      %swap3A_392 = vector.shape_cast %get3A_387 : vector<16xf32> to vector<1x16xf32>
      tpu.vector_store %arg7[%swap3A_388, %swap3A_389], %swap3A_392 {add = true, strides = array<i32>} : memref<32x512xf32, #tpu.memory_space<vmem>>, vector<1x16xf32>,
      %get3A_393 = arith.index_cast %scan3A_322 : i32 to index
      %get3A_394 = arith.constant 128 : index
      %get3A_395 = tpu.vector_load %arg10[%get3A_393, %get3A_394] {strides = array<i32>} : memref<32x512xf32, #tpu.memory_space<vmem>>, vector<1x16xf32>,
      %get3A_396 = vector.shape_cast %get3A_395 : vector<1x16xf32> to vector<16xf32>
      %swap3A_397 = arith.index_cast %scan3A_322 : i32 to index
      %swap3A_398 = arith.constant 128 : index
      %swap3A_399 = tpu.vector_load %arg7[%swap3A_397, %swap3A_398] {strides = array<i32>} : memref<32x512xf32, #tpu.memory_space<vmem>>, vector<1x16xf32>,
      %swap3A_400 = vector.shape_cast %swap3A_399 : vector<1x16xf32> to vector<16xf32>
      %swap3A_401 = vector.shape_cast %get3A_396 : vector<16xf32> to vector<1x16xf32>
      tpu.vector_store %arg7[%swap3A_397, %swap3A_398], %swap3A_401 {add = true, strides = array<i32>} : memref<32x512xf32, #tpu.memory_space<vmem>>, vector<1x16xf32>,
      %get3A_402 = arith.index_cast %scan3A_322 : i32 to index
      %get3A_403 = arith.constant 144 : index
      %get3A_404 = tpu.vector_load %arg10[%get3A_402, %get3A_403] {strides = array<i32>} : memref<32x512xf32, #tpu.memory_space<vmem>>, vector<1x16xf32>,
      %get3A_405 = vector.shape_cast %get3A_404 : vector<1x16xf32> to vector<16xf32>
      %swap3A_406 = arith.index_cast %scan3A_322 : i32 to index
      %swap3A_407 = arith.constant 144 : index
      %swap3A_408 = tpu.vector_load %arg7[%swap3A_406, %swap3A_407] {strides = array<i32>} : memref<32x512xf32, #tpu.memory_space<vmem>>, vector<1x16xf32>,
      %swap3A_409 = vector.shape_cast %swap3A_408 : vector<1x16xf32> to vector<16xf32>
      %swap3A_410 = vector.shape_cast %get3A_405 : vector<16xf32> to vector<1x16xf32>
      tpu.vector_store %arg7[%swap3A_406, %swap3A_407], %swap3A_410 {add = true, strides = array<i32>} : memref<32x512xf32, #tpu.memory_space<vmem>>, vector<1x16xf32>,
      %get3A_411 = arith.index_cast %scan3A_322 : i32 to index
      %get3A_412 = arith.constant 160 : index
      %get3A_413 = tpu.vector_load %arg10[%get3A_411, %get3A_412] {strides = array<i32>} : memref<32x512xf32, #tpu.memory_space<vmem>>, vector<1x16xf32>,
      %get3A_414 = vector.shape_cast %get3A_413 : vector<1x16xf32> to vector<16xf32>
      %swap3A_415 = arith.index_cast %scan3A_322 : i32 to index
      %swap3A_416 = arith.constant 160 : index
      %swap3A_417 = tpu.vector_load %arg7[%swap3A_415, %swap3A_416] {strides = array<i32>} : memref<32x512xf32, #tpu.memory_space<vmem>>, vector<1x16xf32>,
      %swap3A_418 = vector.shape_cast %swap3A_417 : vector<1x16xf32> to vector<16xf32>
      %swap3A_419 = vector.shape_cast %get3A_414 : vector<16xf32> to vector<1x16xf32>
      tpu.vector_store %arg7[%swap3A_415, %swap3A_416], %swap3A_419 {add = true, strides = array<i32>} : memref<32x512xf32, #tpu.memory_space<vmem>>, vector<1x16xf32>,
      %get3A_420 = arith.index_cast %scan3A_322 : i32 to index
      %get3A_421 = arith.constant 176 : index
      %get3A_422 = tpu.vector_load %arg10[%get3A_420, %get3A_421] {strides = array<i32>} : memref<32x512xf32, #tpu.memory_space<vmem>>, vector<1x16xf32>,
      %get3A_423 = vector.shape_cast %get3A_422 : vector<1x16xf32> to vector<16xf32>
      %swap3A_424 = arith.index_cast %scan3A_322 : i32 to index
      %swap3A_425 = arith.constant 176 : index
      %swap3A_426 = tpu.vector_load %arg7[%swap3A_424, %swap3A_425] {strides = array<i32>} : memref<32x512xf32, #tpu.memory_space<vmem>>, vector<1x16xf32>,
      %swap3A_427 = vector.shape_cast %swap3A_426 : vector<1x16xf32> to vector<16xf32>
      %swap3A_428 = vector.shape_cast %get3A_423 : vector<16xf32> to vector<1x16xf32>
      tpu.vector_store %arg7[%swap3A_424, %swap3A_425], %swap3A_428 {add = true, strides = array<i32>} : memref<32x512xf32, #tpu.memory_space<vmem>>, vector<1x16xf32>,
      %get3A_429 = arith.index_cast %scan3A_322 : i32 to index
      %get3A_430 = arith.constant 192 : index
      %get3A_431 = tpu.vector_load %arg10[%get3A_429, %get3A_430] {strides = array<i32>} : memref<32x512xf32, #tpu.memory_space<vmem>>, vector<1x16xf32>,
      %get3A_432 = vector.shape_cast %get3A_431 : vector<1x16xf32> to vector<16xf32>
      %swap3A_433 = arith.index_cast %scan3A_322 : i32 to index
      %swap3A_434 = arith.constant 192 : index
      %swap3A_435 = tpu.vector_load %arg7[%swap3A_433, %swap3A_434] {strides = array<i32>} : memref<32x512xf32, #tpu.memory_space<vmem>>, vector<1x16xf32>,
      %swap3A_436 = vector.shape_cast %swap3A_435 : vector<1x16xf32> to vector<16xf32>
      %swap3A_437 = vector.shape_cast %get3A_432 : vector<16xf32> to vector<1x16xf32>
      tpu.vector_store %arg7[%swap3A_433, %swap3A_434], %swap3A_437 {add = true, strides = array<i32>} : memref<32x512xf32, #tpu.memory_space<vmem>>, vector<1x16xf32>,
      %get3A_438 = arith.index_cast %scan3A_322 : i32 to index
      %get3A_439 = arith.constant 208 : index
      %get3A_440 = tpu.vector_load %arg10[%get3A_438, %get3A_439] {strides = array<i32>} : memref<32x512xf32, #tpu.memory_space<vmem>>, vector<1x16xf32>,
      %get3A_441 = vector.shape_cast %get3A_440 : vector<1x16xf32> to vector<16xf32>
      %swap3A_442 = arith.index_cast %scan3A_322 : i32 to index
      %swap3A_443 = arith.constant 208 : index
      %swap3A_444 = tpu.vector_load %arg7[%swap3A_442, %swap3A_443] {strides = array<i32>} : memref<32x512xf32, #tpu.memory_space<vmem>>, vector<1x16xf32>,
      %swap3A_445 = vector.shape_cast %swap3A_444 : vector<1x16xf32> to vector<16xf32>
      %swap3A_446 = vector.shape_cast %get3A_441 : vector<16xf32> to vector<1x16xf32>
      tpu.vector_store %arg7[%swap3A_442, %swap3A_443], %swap3A_446 {add = true, strides = array<i32>} : memref<32x512xf32, #tpu.memory_space<vmem>>, vector<1x16xf32>,
      %get3A_447 = arith.index_cast %scan3A_322 : i32 to index
      %get3A_448 = arith.constant 224 : index
      %get3A_449 = tpu.vector_load %arg10[%get3A_447, %get3A_448] {strides = array<i32>} : memref<32x512xf32, #tpu.memory_space<vmem>>, vector<1x16xf32>,
      %get3A_450 = vector.shape_cast %get3A_449 : vector<1x16xf32> to vector<16xf32>
      %swap3A_451 = arith.index_cast %scan3A_322 : i32 to index
      %swap3A_452 = arith.constant 224 : index
      %swap3A_453 = tpu.vector_load %arg7[%swap3A_451, %swap3A_452] {strides = array<i32>} : memref<32x512xf32, #tpu.memory_space<vmem>>, vector<1x16xf32>,
      %swap3A_454 = vector.shape_cast %swap3A_453 : vector<1x16xf32> to vector<16xf32>
      %swap3A_455 = vector.shape_cast %get3A_450 : vector<16xf32> to vector<1x16xf32>
      tpu.vector_store %arg7[%swap3A_451, %swap3A_452], %swap3A_455 {add = true, strides = array<i32>} : memref<32x512xf32, #tpu.memory_space<vmem>>, vector<1x16xf32>,
      %get3A_456 = arith.index_cast %scan3A_322 : i32 to index
      %get3A_457 = arith.constant 240 : index
      %get3A_458 = tpu.vector_load %arg10[%get3A_456, %get3A_457] {strides = array<i32>} : memref<32x512xf32, #tpu.memory_space<vmem>>, vector<1x16xf32>,
      %get3A_459 = vector.shape_cast %get3A_458 : vector<1x16xf32> to vector<16xf32>
      %swap3A_460 = arith.index_cast %scan3A_322 : i32 to index
      %swap3A_461 = arith.constant 240 : index
      %swap3A_462 = tpu.vector_load %arg7[%swap3A_460, %swap3A_461] {strides = array<i32>} : memref<32x512xf32, #tpu.memory_space<vmem>>, vector<1x16xf32>,
      %swap3A_463 = vector.shape_cast %swap3A_462 : vector<1x16xf32> to vector<16xf32>
      %swap3A_464 = vector.shape_cast %get3A_459 : vector<16xf32> to vector<1x16xf32>
      tpu.vector_store %arg7[%swap3A_460, %swap3A_461], %swap3A_464 {add = true, strides = array<i32>} : memref<32x512xf32, #tpu.memory_space<vmem>>, vector<1x16xf32>,
      %get3A_465 = arith.index_cast %scan3A_322 : i32 to index
      %get3A_466 = arith.constant 256 : index
      %get3A_467 = tpu.vector_load %arg10[%get3A_465, %get3A_466] {strides = array<i32>} : memref<32x512xf32, #tpu.memory_space<vmem>>, vector<1x16xf32>,
      %get3A_468 = vector.shape_cast %get3A_467 : vector<1x16xf32> to vector<16xf32>
      %swap3A_469 = arith.index_cast %scan3A_322 : i32 to index
      %swap3A_470 = arith.constant 256 : index
      %swap3A_471 = tpu.vector_load %arg7[%swap3A_469, %swap3A_470] {strides = array<i32>} : memref<32x512xf32, #tpu.memory_space<vmem>>, vector<1x16xf32>,
      %swap3A_472 = vector.shape_cast %swap3A_471 : vector<1x16xf32> to vector<16xf32>
      %swap3A_473 = vector.shape_cast %get3A_468 : vector<16xf32> to vector<1x16xf32>
      tpu.vector_store %arg7[%swap3A_469, %swap3A_470], %swap3A_473 {add = true, strides = array<i32>} : memref<32x512xf32, #tpu.memory_space<vmem>>, vector<1x16xf32>,
      %get3A_474 = arith.index_cast %scan3A_322 : i32 to index
      %get3A_475 = arith.constant 272 : index
      %get3A_476 = tpu.vector_load %arg10[%get3A_474, %get3A_475] {strides = array<i32>} : memref<32x512xf32, #tpu.memory_space<vmem>>, vector<1x16xf32>,
      %get3A_477 = vector.shape_cast %get3A_476 : vector<1x16xf32> to vector<16xf32>
      %swap3A_478 = arith.index_cast %scan3A_322 : i32 to index
      %swap3A_479 = arith.constant 272 : index
      %swap3A_480 = tpu.vector_load %arg7[%swap3A_478, %swap3A_479] {strides = array<i32>} : memref<32x512xf32, #tpu.memory_space<vmem>>, vector<1x16xf32>,
      %swap3A_481 = vector.shape_cast %swap3A_480 : vector<1x16xf32> to vector<16xf32>
      %swap3A_482 = vector.shape_cast %get3A_477 : vector<16xf32> to vector<1x16xf32>
      tpu.vector_store %arg7[%swap3A_478, %swap3A_479], %swap3A_482 {add = true, strides = array<i32>} : memref<32x512xf32, #tpu.memory_space<vmem>>, vector<1x16xf32>,
      %get3A_483 = arith.index_cast %scan3A_322 : i32 to index
      %get3A_484 = arith.constant 288 : index
      %get3A_485 = tpu.vector_load %arg10[%get3A_483, %get3A_484] {strides = array<i32>} : memref<32x512xf32, #tpu.memory_space<vmem>>, vector<1x16xf32>,
      %get3A_486 = vector.shape_cast %get3A_485 : vector<1x16xf32> to vector<16xf32>
      %swap3A_487 = arith.index_cast %scan3A_322 : i32 to index
      %swap3A_488 = arith.constant 288 : index
      %swap3A_489 = tpu.vector_load %arg7[%swap3A_487, %swap3A_488] {strides = array<i32>} : memref<32x512xf32, #tpu.memory_space<vmem>>, vector<1x16xf32>,
      %swap3A_490 = vector.shape_cast %swap3A_489 : vector<1x16xf32> to vector<16xf32>
      %swap3A_491 = vector.shape_cast %get3A_486 : vector<16xf32> to vector<1x16xf32>
      tpu.vector_store %arg7[%swap3A_487, %swap3A_488], %swap3A_491 {add = true, strides = array<i32>} : memref<32x512xf32, #tpu.memory_space<vmem>>, vector<1x16xf32>,
      %get3A_492 = arith.index_cast %scan3A_322 : i32 to index
      %get3A_493 = arith.constant 304 : index
      %get3A_494 = tpu.vector_load %arg10[%get3A_492, %get3A_493] {strides = array<i32>} : memref<32x512xf32, #tpu.memory_space<vmem>>, vector<1x16xf32>,
      %get3A_495 = vector.shape_cast %get3A_494 : vector<1x16xf32> to vector<16xf32>
      %swap3A_496 = arith.index_cast %scan3A_322 : i32 to index
      %swap3A_497 = arith.constant 304 : index
      %swap3A_498 = tpu.vector_load %arg7[%swap3A_496, %swap3A_497] {strides = array<i32>} : memref<32x512xf32, #tpu.memory_space<vmem>>, vector<1x16xf32>,
      %swap3A_499 = vector.shape_cast %swap3A_498 : vector<1x16xf32> to vector<16xf32>
      %swap3A_500 = vector.shape_cast %get3A_495 : vector<16xf32> to vector<1x16xf32>
      tpu.vector_store %arg7[%swap3A_496, %swap3A_497], %swap3A_500 {add = true, strides = array<i32>} : memref<32x512xf32, #tpu.memory_space<vmem>>, vector<1x16xf32>,
      %get3A_501 = arith.index_cast %scan3A_322 : i32 to index
      %get3A_502 = arith.constant 320 : index
      %get3A_503 = tpu.vector_load %arg10[%get3A_501, %get3A_502] {strides = array<i32>} : memref<32x512xf32, #tpu.memory_space<vmem>>, vector<1x16xf32>,
      %get3A_504 = vector.shape_cast %get3A_503 : vector<1x16xf32> to vector<16xf32>
      %swap3A_505 = arith.index_cast %scan3A_322 : i32 to index
      %swap3A_506 = arith.constant 320 : index
      %swap3A_507 = tpu.vector_load %arg7[%swap3A_505, %swap3A_506] {strides = array<i32>} : memref<32x512xf32, #tpu.memory_space<vmem>>, vector<1x16xf32>,
      %swap3A_508 = vector.shape_cast %swap3A_507 : vector<1x16xf32> to vector<16xf32>
      %swap3A_509 = vector.shape_cast %get3A_504 : vector<16xf32> to vector<1x16xf32>
      tpu.vector_store %arg7[%swap3A_505, %swap3A_506], %swap3A_509 {add = true, strides = array<i32>} : memref<32x512xf32, #tpu.memory_space<vmem>>, vector<1x16xf32>,
      %get3A_510 = arith.index_cast %scan3A_322 : i32 to index
      %get3A_511 = arith.constant 336 : index
      %get3A_512 = tpu.vector_load %arg10[%get3A_510, %get3A_511] {strides = array<i32>} : memref<32x512xf32, #tpu.memory_space<vmem>>, vector<1x16xf32>,
      %get3A_513 = vector.shape_cast %get3A_512 : vector<1x16xf32> to vector<16xf32>
      %swap3A_514 = arith.index_cast %scan3A_322 : i32 to index
      %swap3A_515 = arith.constant 336 : index
      %swap3A_516 = tpu.vector_load %arg7[%swap3A_514, %swap3A_515] {strides = array<i32>} : memref<32x512xf32, #tpu.memory_space<vmem>>, vector<1x16xf32>,
      %swap3A_517 = vector.shape_cast %swap3A_516 : vector<1x16xf32> to vector<16xf32>
      %swap3A_518 = vector.shape_cast %get3A_513 : vector<16xf32> to vector<1x16xf32>
      tpu.vector_store %arg7[%swap3A_514, %swap3A_515], %swap3A_518 {add = true, strides = array<i32>} : memref<32x512xf32, #tpu.memory_space<vmem>>, vector<1x16xf32>,
      %get3A_519 = arith.index_cast %scan3A_322 : i32 to index
      %get3A_520 = arith.constant 352 : index
      %get3A_521 = tpu.vector_load %arg10[%get3A_519, %get3A_520] {strides = array<i32>} : memref<32x512xf32, #tpu.memory_space<vmem>>, vector<1x16xf32>,
      %get3A_522 = vector.shape_cast %get3A_521 : vector<1x16xf32> to vector<16xf32>
      %swap3A_523 = arith.index_cast %scan3A_322 : i32 to index
      %swap3A_524 = arith.constant 352 : index
      %swap3A_525 = tpu.vector_load %arg7[%swap3A_523, %swap3A_524] {strides = array<i32>} : memref<32x512xf32, #tpu.memory_space<vmem>>, vector<1x16xf32>,
      %swap3A_526 = vector.shape_cast %swap3A_525 : vector<1x16xf32> to vector<16xf32>
      %swap3A_527 = vector.shape_cast %get3A_522 : vector<16xf32> to vector<1x16xf32>
      tpu.vector_store %arg7[%swap3A_523, %swap3A_524], %swap3A_527 {add = true, strides = array<i32>} : memref<32x512xf32, #tpu.memory_space<vmem>>, vector<1x16xf32>,
      %get3A_528 = arith.index_cast %scan3A_322 : i32 to index
      %get3A_529 = arith.constant 368 : index
      %get3A_530 = tpu.vector_load %arg10[%get3A_528, %get3A_529] {strides = array<i32>} : memref<32x512xf32, #tpu.memory_space<vmem>>, vector<1x16xf32>,
      %get3A_531 = vector.shape_cast %get3A_530 : vector<1x16xf32> to vector<16xf32>
      %swap3A_532 = arith.index_cast %scan3A_322 : i32 to index
      %swap3A_533 = arith.constant 368 : index
      %swap3A_534 = tpu.vector_load %arg7[%swap3A_532, %swap3A_533] {strides = array<i32>} : memref<32x512xf32, #tpu.memory_space<vmem>>, vector<1x16xf32>,
      %swap3A_535 = vector.shape_cast %swap3A_534 : vector<1x16xf32> to vector<16xf32>
      %swap3A_536 = vector.shape_cast %get3A_531 : vector<16xf32> to vector<1x16xf32>
      tpu.vector_store %arg7[%swap3A_532, %swap3A_533], %swap3A_536 {add = true, strides = array<i32>} : memref<32x512xf32, #tpu.memory_space<vmem>>, vector<1x16xf32>,
      %get3A_537 = arith.index_cast %scan3A_322 : i32 to index
      %get3A_538 = arith.constant 384 : index
      %get3A_539 = tpu.vector_load %arg10[%get3A_537, %get3A_538] {strides = array<i32>} : memref<32x512xf32, #tpu.memory_space<vmem>>, vector<1x16xf32>,
      %get3A_540 = vector.shape_cast %get3A_539 : vector<1x16xf32> to vector<16xf32>
      %swap3A_541 = arith.index_cast %scan3A_322 : i32 to index
      %swap3A_542 = arith.constant 384 : index
      %swap3A_543 = tpu.vector_load %arg7[%swap3A_541, %swap3A_542] {strides = array<i32>} : memref<32x512xf32, #tpu.memory_space<vmem>>, vector<1x16xf32>,
      %swap3A_544 = vector.shape_cast %swap3A_543 : vector<1x16xf32> to vector<16xf32>
      %swap3A_545 = vector.shape_cast %get3A_540 : vector<16xf32> to vector<1x16xf32>
      tpu.vector_store %arg7[%swap3A_541, %swap3A_542], %swap3A_545 {add = true, strides = array<i32>} : memref<32x512xf32, #tpu.memory_space<vmem>>, vector<1x16xf32>,
      %get3A_546 = arith.index_cast %scan3A_322 : i32 to index
      %get3A_547 = arith.constant 400 : index
      %get3A_548 = tpu.vector_load %arg10[%get3A_546, %get3A_547] {strides = array<i32>} : memref<32x512xf32, #tpu.memory_space<vmem>>, vector<1x16xf32>,
      %get3A_549 = vector.shape_cast %get3A_548 : vector<1x16xf32> to vector<16xf32>
      %swap3A_550 = arith.index_cast %scan3A_322 : i32 to index
      %swap3A_551 = arith.constant 400 : index
      %swap3A_552 = tpu.vector_load %arg7[%swap3A_550, %swap3A_551] {strides = array<i32>} : memref<32x512xf32, #tpu.memory_space<vmem>>, vector<1x16xf32>,
      %swap3A_553 = vector.shape_cast %swap3A_552 : vector<1x16xf32> to vector<16xf32>
      %swap3A_554 = vector.shape_cast %get3A_549 : vector<16xf32> to vector<1x16xf32>
      tpu.vector_store %arg7[%swap3A_550, %swap3A_551], %swap3A_554 {add = true, strides = array<i32>} : memref<32x512xf32, #tpu.memory_space<vmem>>, vector<1x16xf32>,
      %get3A_555 = arith.index_cast %scan3A_322 : i32 to index
      %get3A_556 = arith.constant 416 : index
      %get3A_557 = tpu.vector_load %arg10[%get3A_555, %get3A_556] {strides = array<i32>} : memref<32x512xf32, #tpu.memory_space<vmem>>, vector<1x16xf32>,
      %get3A_558 = vector.shape_cast %get3A_557 : vector<1x16xf32> to vector<16xf32>
      %swap3A_559 = arith.index_cast %scan3A_322 : i32 to index
      %swap3A_560 = arith.constant 416 : index
      %swap3A_561 = tpu.vector_load %arg7[%swap3A_559, %swap3A_560] {strides = array<i32>} : memref<32x512xf32, #tpu.memory_space<vmem>>, vector<1x16xf32>,
      %swap3A_562 = vector.shape_cast %swap3A_561 : vector<1x16xf32> to vector<16xf32>
      %swap3A_563 = vector.shape_cast %get3A_558 : vector<16xf32> to vector<1x16xf32>
      tpu.vector_store %arg7[%swap3A_559, %swap3A_560], %swap3A_563 {add = true, strides = array<i32>} : memref<32x512xf32, #tpu.memory_space<vmem>>, vector<1x16xf32>,
      %get3A_564 = arith.index_cast %scan3A_322 : i32 to index
      %get3A_565 = arith.constant 432 : index
      %get3A_566 = tpu.vector_load %arg10[%get3A_564, %get3A_565] {strides = array<i32>} : memref<32x512xf32, #tpu.memory_space<vmem>>, vector<1x16xf32>,
      %get3A_567 = vector.shape_cast %get3A_566 : vector<1x16xf32> to vector<16xf32>
      %swap3A_568 = arith.index_cast %scan3A_322 : i32 to index
      %swap3A_569 = arith.constant 432 : index
      %swap3A_570 = tpu.vector_load %arg7[%swap3A_568, %swap3A_569] {strides = array<i32>} : memref<32x512xf32, #tpu.memory_space<vmem>>, vector<1x16xf32>,
      %swap3A_571 = vector.shape_cast %swap3A_570 : vector<1x16xf32> to vector<16xf32>
      %swap3A_572 = vector.shape_cast %get3A_567 : vector<16xf32> to vector<1x16xf32>
      tpu.vector_store %arg7[%swap3A_568, %swap3A_569], %swap3A_572 {add = true, strides = array<i32>} : memref<32x512xf32, #tpu.memory_space<vmem>>, vector<1x16xf32>,
      %get3A_573 = arith.index_cast %scan3A_322 : i32 to index
      %get3A_574 = arith.constant 448 : index
      %get3A_575 = tpu.vector_load %arg10[%get3A_573, %get3A_574] {strides = array<i32>} : memref<32x512xf32, #tpu.memory_space<vmem>>, vector<1x16xf32>,
      %get3A_576 = vector.shape_cast %get3A_575 : vector<1x16xf32> to vector<16xf32>
      %swap3A_577 = arith.index_cast %scan3A_322 : i32 to index
      %swap3A_578 = arith.constant 448 : index
      %swap3A_579 = tpu.vector_load %arg7[%swap3A_577, %swap3A_578] {strides = array<i32>} : memref<32x512xf32, #tpu.memory_space<vmem>>, vector<1x16xf32>,
      %swap3A_580 = vector.shape_cast %swap3A_579 : vector<1x16xf32> to vector<16xf32>
      %swap3A_581 = vector.shape_cast %get3A_576 : vector<16xf32> to vector<1x16xf32>
      tpu.vector_store %arg7[%swap3A_577, %swap3A_578], %swap3A_581 {add = true, strides = array<i32>} : memref<32x512xf32, #tpu.memory_space<vmem>>, vector<1x16xf32>,
      %get3A_582 = arith.index_cast %scan3A_322 : i32 to index
      %get3A_583 = arith.constant 464 : index
      %get3A_584 = tpu.vector_load %arg10[%get3A_582, %get3A_583] {strides = array<i32>} : memref<32x512xf32, #tpu.memory_space<vmem>>, vector<1x16xf32>,
      %get3A_585 = vector.shape_cast %get3A_584 : vector<1x16xf32> to vector<16xf32>
      %swap3A_586 = arith.index_cast %scan3A_322 : i32 to index
      %swap3A_587 = arith.constant 464 : index
      %swap3A_588 = tpu.vector_load %arg7[%swap3A_586, %swap3A_587] {strides = array<i32>} : memref<32x512xf32, #tpu.memory_space<vmem>>, vector<1x16xf32>,
      %swap3A_589 = vector.shape_cast %swap3A_588 : vector<1x16xf32> to vector<16xf32>
      %swap3A_590 = vector.shape_cast %get3A_585 : vector<16xf32> to vector<1x16xf32>
      tpu.vector_store %arg7[%swap3A_586, %swap3A_587], %swap3A_590 {add = true, strides = array<i32>} : memref<32x512xf32, #tpu.memory_space<vmem>>, vector<1x16xf32>,
      %get3A_591 = arith.index_cast %scan3A_322 : i32 to index
      %get3A_592 = arith.constant 480 : index
      %get3A_593 = tpu.vector_load %arg10[%get3A_591, %get3A_592] {strides = array<i32>} : memref<32x512xf32, #tpu.memory_space<vmem>>, vector<1x16xf32>,
      %get3A_594 = vector.shape_cast %get3A_593 : vector<1x16xf32> to vector<16xf32>
      %swap3A_595 = arith.index_cast %scan3A_322 : i32 to index
      %swap3A_596 = arith.constant 480 : index
      %swap3A_597 = tpu.vector_load %arg7[%swap3A_595, %swap3A_596] {strides = array<i32>} : memref<32x512xf32, #tpu.memory_space<vmem>>, vector<1x16xf32>,
      %swap3A_598 = vector.shape_cast %swap3A_597 : vector<1x16xf32> to vector<16xf32>
      %swap3A_599 = vector.shape_cast %get3A_594 : vector<16xf32> to vector<1x16xf32>
      tpu.vector_store %arg7[%swap3A_595, %swap3A_596], %swap3A_599 {add = true, strides = array<i32>} : memref<32x512xf32, #tpu.memory_space<vmem>>, vector<1x16xf32>,
      %get3A_600 = arith.index_cast %scan3A_322 : i32 to index
      %get3A_601 = arith.constant 496 : index
      %get3A_602 = tpu.vector_load %arg10[%get3A_600, %get3A_601] {strides = array<i32>} : memref<32x512xf32, #tpu.memory_space<vmem>>, vector<1x16xf32>,
      %get3A_603 = vector.shape_cast %get3A_602 : vector<1x16xf32> to vector<16xf32>
      %swap3A_604 = arith.index_cast %scan3A_322 : i32 to index
      %swap3A_605 = arith.constant 496 : index
      %swap3A_606 = tpu.vector_load %arg7[%swap3A_604, %swap3A_605] {strides = array<i32>} : memref<32x512xf32, #tpu.memory_space<vmem>>, vector<1x16xf32>,
      %swap3A_607 = vector.shape_cast %swap3A_606 : vector<1x16xf32> to vector<16xf32>
      %swap3A_608 = vector.shape_cast %get3A_603 : vector<16xf32> to vector<1x16xf32>
      tpu.vector_store %arg7[%swap3A_604, %swap3A_605], %swap3A_608 {add = true, strides = array<i32>} : memref<32x512xf32, #tpu.memory_space<vmem>>, vector<1x16xf32>,
    }
    %scan3A_272 = arith.constant 32 : i32
    %add3A_273 = arith.constant 192 : i32
    %add3A_274 = arith.addi %rem3A_4, %add3A_273 : i32
    %dma_start3A_275 = arith.constant 0 : i32
    %dma_start3A_276 = tpu.memref_slice %arg5[%div3A_3, %add3A_274, %dma_start3A_275] : memref<4x2048x512xf32, #tpu.memory_space<hbm>> -> memref<1x32x512xf32, #tpu.memory_space<hbm>>
    %dma_start3A_277 = tpu.memref_squeeze %dma_start3A_276 : memref<1x32x512xf32, #tpu.memory_space<hbm>> -> memref<32x512xf32, #tpu.memory_space<hbm>>
    %dma_start3A_278 = arith.constant 0 : i32
    %dma_start3A_279 = tpu.memref_slice %arg5[%div3A_3, %add3A_274, %dma_start3A_278] : memref<4x2048x512xf32, #tpu.memory_space<hbm>> -> memref<1x32x512xf32, #tpu.memory_space<hbm>>
    %dma_start3A_280 = tpu.memref_squeeze %dma_start3A_279 : memref<1x32x512xf32, #tpu.memory_space<hbm>> -> memref<32x512xf32, #tpu.memory_space<hbm>>
    tpu.enqueue_dma source(%arg7 : memref<32x512xf32, #tpu.memory_space<vmem>>) target(%dma_start3A_280 : memref<32x512xf32, #tpu.memory_space<hbm>>) target_semaphore(%arg19 : memref<!tpu.dma_semaphore, #tpu.memory_space<semaphore_mem>>)
    %dma_wait3A_281 = arith.constant 224 : i32
    %dma_wait3A_282 = tpu.memref_slice %arg6[%dma_wait3A_281] : memref<256xi32, #tpu.memory_space<vmem>> -> memref<32xi32, #tpu.memory_space<vmem>>
    %dma_wait3A_283 = arith.constant 0 : i32
    %dma_wait3A_284 = arith.constant 0 : i32
    %dma_wait3A_285 = tpu.memref_slice %arg3[%dma_wait3A_283, %dma_wait3A_284] : memref<774x512xf32, #tpu.memory_space<hbm>> -> memref<774x512xf32, #tpu.memory_space<hbm>>
    tpu.wait_indirect_dma semaphore(%arg14 : memref<!tpu.dma_semaphore, #tpu.memory_space<semaphore_mem>>) src(%dma_wait3A_285 : memref<774x512xf32, #tpu.memory_space<hbm>>) dst(%arg8 : memref<32x512xf32, #tpu.memory_space<vmem>>)
    %dma_wait3A_286 = arith.constant 0 : i32
    %dma_wait3A_287 = tpu.memref_slice %arg4[%add3A_242, %dma_wait3A_286] : memref<2048x512xf32, #tpu.memory_space<hbm>> -> memref<32x512xf32, #tpu.memory_space<hbm>>
    %dma_wait3A_288 = arith.constant 0 : i32
    %dma_wait3A_289 = tpu.memref_slice %arg4[%add3A_242, %dma_wait3A_288] : memref<2048x512xf32, #tpu.memory_space<hbm>> -> memref<32x512xf32, #tpu.memory_space<hbm>>
    tpu.wait_dma2 semaphore(%arg17 : memref<!tpu.dma_semaphore, #tpu.memory_space<semaphore_mem>>) src(%dma_wait3A_289 : memref<32x512xf32, #tpu.memory_space<hbm>>) dst(%arg11 : memref<32x512xf32, #tpu.memory_space<vmem>>)
    %scan3A_290 = arith.constant 0 : i32
    %scan3A_291 = arith.constant 0 : i32
    %scan3A_292 = arith.constant 32 : i32
    %scan3A_293 = arith.addi %scan3A_291, %scan3A_292 : i32
    %scan3A_294 = arith.constant 1 : i32
    scf.for %scan3A_322 = %scan3A_291 to %scan3A_293 step %scan3A_294  : i32 {
      %get3A = arith.index_cast %scan3A_322 : i32 to index
      %get3A_323 = arith.constant 0 : index
      %get3A_324 = tpu.vector_load %arg11[%get3A, %get3A_323] {strides = array<i32>} : memref<32x512xf32, #tpu.memory_space<vmem>>, vector<1x16xf32>,
      %get3A_325 = vector.shape_cast %get3A_324 : vector<1x16xf32> to vector<16xf32>
      %swap3A = arith.index_cast %scan3A_322 : i32 to index
      %swap3A_326 = arith.constant 0 : index
      %swap3A_327 = tpu.vector_load %arg8[%swap3A, %swap3A_326] {strides = array<i32>} : memref<32x512xf32, #tpu.memory_space<vmem>>, vector<1x16xf32>,
      %swap3A_328 = vector.shape_cast %swap3A_327 : vector<1x16xf32> to vector<16xf32>
      %swap3A_329 = vector.shape_cast %get3A_325 : vector<16xf32> to vector<1x16xf32>
      tpu.vector_store %arg8[%swap3A, %swap3A_326], %swap3A_329 {add = true, strides = array<i32>} : memref<32x512xf32, #tpu.memory_space<vmem>>, vector<1x16xf32>,
      %get3A_330 = arith.index_cast %scan3A_322 : i32 to index
      %get3A_331 = arith.constant 16 : index
      %get3A_332 = tpu.vector_load %arg11[%get3A_330, %get3A_331] {strides = array<i32>} : memref<32x512xf32, #tpu.memory_space<vmem>>, vector<1x16xf32>,
      %get3A_333 = vector.shape_cast %get3A_332 : vector<1x16xf32> to vector<16xf32>
      %swap3A_334 = arith.index_cast %scan3A_322 : i32 to index
      %swap3A_335 = arith.constant 16 : index
      %swap3A_336 = tpu.vector_load %arg8[%swap3A_334, %swap3A_335] {strides = array<i32>} : memref<32x512xf32, #tpu.memory_space<vmem>>, vector<1x16xf32>,
      %swap3A_337 = vector.shape_cast %swap3A_336 : vector<1x16xf32> to vector<16xf32>
      %swap3A_338 = vector.shape_cast %get3A_333 : vector<16xf32> to vector<1x16xf32>
      tpu.vector_store %arg8[%swap3A_334, %swap3A_335], %swap3A_338 {add = true, strides = array<i32>} : memref<32x512xf32, #tpu.memory_space<vmem>>, vector<1x16xf32>,
      %get3A_339 = arith.index_cast %scan3A_322 : i32 to index
      %get3A_340 = arith.constant 32 : index
      %get3A_341 = tpu.vector_load %arg11[%get3A_339, %get3A_340] {strides = array<i32>} : memref<32x512xf32, #tpu.memory_space<vmem>>, vector<1x16xf32>,
      %get3A_342 = vector.shape_cast %get3A_341 : vector<1x16xf32> to vector<16xf32>
      %swap3A_343 = arith.index_cast %scan3A_322 : i32 to index
      %swap3A_344 = arith.constant 32 : index
      %swap3A_345 = tpu.vector_load %arg8[%swap3A_343, %swap3A_344] {strides = array<i32>} : memref<32x512xf32, #tpu.memory_space<vmem>>, vector<1x16xf32>,
      %swap3A_346 = vector.shape_cast %swap3A_345 : vector<1x16xf32> to vector<16xf32>
      %swap3A_347 = vector.shape_cast %get3A_342 : vector<16xf32> to vector<1x16xf32>
      tpu.vector_store %arg8[%swap3A_343, %swap3A_344], %swap3A_347 {add = true, strides = array<i32>} : memref<32x512xf32, #tpu.memory_space<vmem>>, vector<1x16xf32>,
      %get3A_348 = arith.index_cast %scan3A_322 : i32 to index
      %get3A_349 = arith.constant 48 : index
      %get3A_350 = tpu.vector_load %arg11[%get3A_348, %get3A_349] {strides = array<i32>} : memref<32x512xf32, #tpu.memory_space<vmem>>, vector<1x16xf32>,
      %get3A_351 = vector.shape_cast %get3A_350 : vector<1x16xf32> to vector<16xf32>
      %swap3A_352 = arith.index_cast %scan3A_322 : i32 to index
      %swap3A_353 = arith.constant 48 : index
      %swap3A_354 = tpu.vector_load %arg8[%swap3A_352, %swap3A_353] {strides = array<i32>} : memref<32x512xf32, #tpu.memory_space<vmem>>, vector<1x16xf32>,
      %swap3A_355 = vector.shape_cast %swap3A_354 : vector<1x16xf32> to vector<16xf32>
      %swap3A_356 = vector.shape_cast %get3A_351 : vector<16xf32> to vector<1x16xf32>
      tpu.vector_store %arg8[%swap3A_352, %swap3A_353], %swap3A_356 {add = true, strides = array<i32>} : memref<32x512xf32, #tpu.memory_space<vmem>>, vector<1x16xf32>,
      %get3A_357 = arith.index_cast %scan3A_322 : i32 to index
      %get3A_358 = arith.constant 64 : index
      %get3A_359 = tpu.vector_load %arg11[%get3A_357, %get3A_358] {strides = array<i32>} : memref<32x512xf32, #tpu.memory_space<vmem>>, vector<1x16xf32>,
      %get3A_360 = vector.shape_cast %get3A_359 : vector<1x16xf32> to vector<16xf32>
      %swap3A_361 = arith.index_cast %scan3A_322 : i32 to index
      %swap3A_362 = arith.constant 64 : index
      %swap3A_363 = tpu.vector_load %arg8[%swap3A_361, %swap3A_362] {strides = array<i32>} : memref<32x512xf32, #tpu.memory_space<vmem>>, vector<1x16xf32>,
      %swap3A_364 = vector.shape_cast %swap3A_363 : vector<1x16xf32> to vector<16xf32>
      %swap3A_365 = vector.shape_cast %get3A_360 : vector<16xf32> to vector<1x16xf32>
      tpu.vector_store %arg8[%swap3A_361, %swap3A_362], %swap3A_365 {add = true, strides = array<i32>} : memref<32x512xf32, #tpu.memory_space<vmem>>, vector<1x16xf32>,
      %get3A_366 = arith.index_cast %scan3A_322 : i32 to index
      %get3A_367 = arith.constant 80 : index
      %get3A_368 = tpu.vector_load %arg11[%get3A_366, %get3A_367] {strides = array<i32>} : memref<32x512xf32, #tpu.memory_space<vmem>>, vector<1x16xf32>,
      %get3A_369 = vector.shape_cast %get3A_368 : vector<1x16xf32> to vector<16xf32>
      %swap3A_370 = arith.index_cast %scan3A_322 : i32 to index
      %swap3A_371 = arith.constant 80 : index
      %swap3A_372 = tpu.vector_load %arg8[%swap3A_370, %swap3A_371] {strides = array<i32>} : memref<32x512xf32, #tpu.memory_space<vmem>>, vector<1x16xf32>,
      %swap3A_373 = vector.shape_cast %swap3A_372 : vector<1x16xf32> to vector<16xf32>
      %swap3A_374 = vector.shape_cast %get3A_369 : vector<16xf32> to vector<1x16xf32>
      tpu.vector_store %arg8[%swap3A_370, %swap3A_371], %swap3A_374 {add = true, strides = array<i32>} : memref<32x512xf32, #tpu.memory_space<vmem>>, vector<1x16xf32>,
      %get3A_375 = arith.index_cast %scan3A_322 : i32 to index
      %get3A_376 = arith.constant 96 : index
      %get3A_377 = tpu.vector_load %arg11[%get3A_375, %get3A_376] {strides = array<i32>} : memref<32x512xf32, #tpu.memory_space<vmem>>, vector<1x16xf32>,
      %get3A_378 = vector.shape_cast %get3A_377 : vector<1x16xf32> to vector<16xf32>
      %swap3A_379 = arith.index_cast %scan3A_322 : i32 to index
      %swap3A_380 = arith.constant 96 : index
      %swap3A_381 = tpu.vector_load %arg8[%swap3A_379, %swap3A_380] {strides = array<i32>} : memref<32x512xf32, #tpu.memory_space<vmem>>, vector<1x16xf32>,
      %swap3A_382 = vector.shape_cast %swap3A_381 : vector<1x16xf32> to vector<16xf32>
      %swap3A_383 = vector.shape_cast %get3A_378 : vector<16xf32> to vector<1x16xf32>
      tpu.vector_store %arg8[%swap3A_379, %swap3A_380], %swap3A_383 {add = true, strides = array<i32>} : memref<32x512xf32, #tpu.memory_space<vmem>>, vector<1x16xf32>,
      %get3A_384 = arith.index_cast %scan3A_322 : i32 to index
      %get3A_385 = arith.constant 112 : index
      %get3A_386 = tpu.vector_load %arg11[%get3A_384, %get3A_385] {strides = array<i32>} : memref<32x512xf32, #tpu.memory_space<vmem>>, vector<1x16xf32>,
      %get3A_387 = vector.shape_cast %get3A_386 : vector<1x16xf32> to vector<16xf32>
      %swap3A_388 = arith.index_cast %scan3A_322 : i32 to index
      %swap3A_389 = arith.constant 112 : index
      %swap3A_390 = tpu.vector_load %arg8[%swap3A_388, %swap3A_389] {strides = array<i32>} : memref<32x512xf32, #tpu.memory_space<vmem>>, vector<1x16xf32>,
      %swap3A_391 = vector.shape_cast %swap3A_390 : vector<1x16xf32> to vector<16xf32>
      %swap3A_392 = vector.shape_cast %get3A_387 : vector<16xf32> to vector<1x16xf32>
      tpu.vector_store %arg8[%swap3A_388, %swap3A_389], %swap3A_392 {add = true, strides = array<i32>} : memref<32x512xf32, #tpu.memory_space<vmem>>, vector<1x16xf32>,
      %get3A_393 = arith.index_cast %scan3A_322 : i32 to index
      %get3A_394 = arith.constant 128 : index
      %get3A_395 = tpu.vector_load %arg11[%get3A_393, %get3A_394] {strides = array<i32>} : memref<32x512xf32, #tpu.memory_space<vmem>>, vector<1x16xf32>,
      %get3A_396 = vector.shape_cast %get3A_395 : vector<1x16xf32> to vector<16xf32>
      %swap3A_397 = arith.index_cast %scan3A_322 : i32 to index
      %swap3A_398 = arith.constant 128 : index
      %swap3A_399 = tpu.vector_load %arg8[%swap3A_397, %swap3A_398] {strides = array<i32>} : memref<32x512xf32, #tpu.memory_space<vmem>>, vector<1x16xf32>,
      %swap3A_400 = vector.shape_cast %swap3A_399 : vector<1x16xf32> to vector<16xf32>
      %swap3A_401 = vector.shape_cast %get3A_396 : vector<16xf32> to vector<1x16xf32>
      tpu.vector_store %arg8[%swap3A_397, %swap3A_398], %swap3A_401 {add = true, strides = array<i32>} : memref<32x512xf32, #tpu.memory_space<vmem>>, vector<1x16xf32>,
      %get3A_402 = arith.index_cast %scan3A_322 : i32 to index
      %get3A_403 = arith.constant 144 : index
      %get3A_404 = tpu.vector_load %arg11[%get3A_402, %get3A_403] {strides = array<i32>} : memref<32x512xf32, #tpu.memory_space<vmem>>, vector<1x16xf32>,
      %get3A_405 = vector.shape_cast %get3A_404 : vector<1x16xf32> to vector<16xf32>
      %swap3A_406 = arith.index_cast %scan3A_322 : i32 to index
      %swap3A_407 = arith.constant 144 : index
      %swap3A_408 = tpu.vector_load %arg8[%swap3A_406, %swap3A_407] {strides = array<i32>} : memref<32x512xf32, #tpu.memory_space<vmem>>, vector<1x16xf32>,
      %swap3A_409 = vector.shape_cast %swap3A_408 : vector<1x16xf32> to vector<16xf32>
      %swap3A_410 = vector.shape_cast %get3A_405 : vector<16xf32> to vector<1x16xf32>
      tpu.vector_store %arg8[%swap3A_406, %swap3A_407], %swap3A_410 {add = true, strides = array<i32>} : memref<32x512xf32, #tpu.memory_space<vmem>>, vector<1x16xf32>,
      %get3A_411 = arith.index_cast %scan3A_322 : i32 to index
      %get3A_412 = arith.constant 160 : index
      %get3A_413 = tpu.vector_load %arg11[%get3A_411, %get3A_412] {strides = array<i32>} : memref<32x512xf32, #tpu.memory_space<vmem>>, vector<1x16xf32>,
      %get3A_414 = vector.shape_cast %get3A_413 : vector<1x16xf32> to vector<16xf32>
      %swap3A_415 = arith.index_cast %scan3A_322 : i32 to index
      %swap3A_416 = arith.constant 160 : index
      %swap3A_417 = tpu.vector_load %arg8[%swap3A_415, %swap3A_416] {strides = array<i32>} : memref<32x512xf32, #tpu.memory_space<vmem>>, vector<1x16xf32>,
      %swap3A_418 = vector.shape_cast %swap3A_417 : vector<1x16xf32> to vector<16xf32>
      %swap3A_419 = vector.shape_cast %get3A_414 : vector<16xf32> to vector<1x16xf32>
      tpu.vector_store %arg8[%swap3A_415, %swap3A_416], %swap3A_419 {add = true, strides = array<i32>} : memref<32x512xf32, #tpu.memory_space<vmem>>, vector<1x16xf32>,
      %get3A_420 = arith.index_cast %scan3A_322 : i32 to index
      %get3A_421 = arith.constant 176 : index
      %get3A_422 = tpu.vector_load %arg11[%get3A_420, %get3A_421] {strides = array<i32>} : memref<32x512xf32, #tpu.memory_space<vmem>>, vector<1x16xf32>,
      %get3A_423 = vector.shape_cast %get3A_422 : vector<1x16xf32> to vector<16xf32>
      %swap3A_424 = arith.index_cast %scan3A_322 : i32 to index
      %swap3A_425 = arith.constant 176 : index
      %swap3A_426 = tpu.vector_load %arg8[%swap3A_424, %swap3A_425] {strides = array<i32>} : memref<32x512xf32, #tpu.memory_space<vmem>>, vector<1x16xf32>,
      %swap3A_427 = vector.shape_cast %swap3A_426 : vector<1x16xf32> to vector<16xf32>
      %swap3A_428 = vector.shape_cast %get3A_423 : vector<16xf32> to vector<1x16xf32>
      tpu.vector_store %arg8[%swap3A_424, %swap3A_425], %swap3A_428 {add = true, strides = array<i32>} : memref<32x512xf32, #tpu.memory_space<vmem>>, vector<1x16xf32>,
      %get3A_429 = arith.index_cast %scan3A_322 : i32 to index
      %get3A_430 = arith.constant 192 : index
      %get3A_431 = tpu.vector_load %arg11[%get3A_429, %get3A_430] {strides = array<i32>} : memref<32x512xf32, #tpu.memory_space<vmem>>, vector<1x16xf32>,
      %get3A_432 = vector.shape_cast %get3A_431 : vector<1x16xf32> to vector<16xf32>
      %swap3A_433 = arith.index_cast %scan3A_322 : i32 to index
      %swap3A_434 = arith.constant 192 : index
      %swap3A_435 = tpu.vector_load %arg8[%swap3A_433, %swap3A_434] {strides = array<i32>} : memref<32x512xf32, #tpu.memory_space<vmem>>, vector<1x16xf32>,
      %swap3A_436 = vector.shape_cast %swap3A_435 : vector<1x16xf32> to vector<16xf32>
      %swap3A_437 = vector.shape_cast %get3A_432 : vector<16xf32> to vector<1x16xf32>
      tpu.vector_store %arg8[%swap3A_433, %swap3A_434], %swap3A_437 {add = true, strides = array<i32>} : memref<32x512xf32, #tpu.memory_space<vmem>>, vector<1x16xf32>,
      %get3A_438 = arith.index_cast %scan3A_322 : i32 to index
      %get3A_439 = arith.constant 208 : index
      %get3A_440 = tpu.vector_load %arg11[%get3A_438, %get3A_439] {strides = array<i32>} : memref<32x512xf32, #tpu.memory_space<vmem>>, vector<1x16xf32>,
      %get3A_441 = vector.shape_cast %get3A_440 : vector<1x16xf32> to vector<16xf32>
      %swap3A_442 = arith.index_cast %scan3A_322 : i32 to index
      %swap3A_443 = arith.constant 208 : index
      %swap3A_444 = tpu.vector_load %arg8[%swap3A_442, %swap3A_443] {strides = array<i32>} : memref<32x512xf32, #tpu.memory_space<vmem>>, vector<1x16xf32>,
      %swap3A_445 = vector.shape_cast %swap3A_444 : vector<1x16xf32> to vector<16xf32>
      %swap3A_446 = vector.shape_cast %get3A_441 : vector<16xf32> to vector<1x16xf32>
      tpu.vector_store %arg8[%swap3A_442, %swap3A_443], %swap3A_446 {add = true, strides = array<i32>} : memref<32x512xf32, #tpu.memory_space<vmem>>, vector<1x16xf32>,
      %get3A_447 = arith.index_cast %scan3A_322 : i32 to index
      %get3A_448 = arith.constant 224 : index
      %get3A_449 = tpu.vector_load %arg11[%get3A_447, %get3A_448] {strides = array<i32>} : memref<32x512xf32, #tpu.memory_space<vmem>>, vector<1x16xf32>,
      %get3A_450 = vector.shape_cast %get3A_449 : vector<1x16xf32> to vector<16xf32>
      %swap3A_451 = arith.index_cast %scan3A_322 : i32 to index
      %swap3A_452 = arith.constant 224 : index
      %swap3A_453 = tpu.vector_load %arg8[%swap3A_451, %swap3A_452] {strides = array<i32>} : memref<32x512xf32, #tpu.memory_space<vmem>>, vector<1x16xf32>,
      %swap3A_454 = vector.shape_cast %swap3A_453 : vector<1x16xf32> to vector<16xf32>
      %swap3A_455 = vector.shape_cast %get3A_450 : vector<16xf32> to vector<1x16xf32>
      tpu.vector_store %arg8[%swap3A_451, %swap3A_452], %swap3A_455 {add = true, strides = array<i32>} : memref<32x512xf32, #tpu.memory_space<vmem>>, vector<1x16xf32>,
      %get3A_456 = arith.index_cast %scan3A_322 : i32 to index
      %get3A_457 = arith.constant 240 : index
      %get3A_458 = tpu.vector_load %arg11[%get3A_456, %get3A_457] {strides = array<i32>} : memref<32x512xf32, #tpu.memory_space<vmem>>, vector<1x16xf32>,
      %get3A_459 = vector.shape_cast %get3A_458 : vector<1x16xf32> to vector<16xf32>
      %swap3A_460 = arith.index_cast %scan3A_322 : i32 to index
      %swap3A_461 = arith.constant 240 : index
      %swap3A_462 = tpu.vector_load %arg8[%swap3A_460, %swap3A_461] {strides = array<i32>} : memref<32x512xf32, #tpu.memory_space<vmem>>, vector<1x16xf32>,
      %swap3A_463 = vector.shape_cast %swap3A_462 : vector<1x16xf32> to vector<16xf32>
      %swap3A_464 = vector.shape_cast %get3A_459 : vector<16xf32> to vector<1x16xf32>
      tpu.vector_store %arg8[%swap3A_460, %swap3A_461], %swap3A_464 {add = true, strides = array<i32>} : memref<32x512xf32, #tpu.memory_space<vmem>>, vector<1x16xf32>,
      %get3A_465 = arith.index_cast %scan3A_322 : i32 to index
      %get3A_466 = arith.constant 256 : index
      %get3A_467 = tpu.vector_load %arg11[%get3A_465, %get3A_466] {strides = array<i32>} : memref<32x512xf32, #tpu.memory_space<vmem>>, vector<1x16xf32>,
      %get3A_468 = vector.shape_cast %get3A_467 : vector<1x16xf32> to vector<16xf32>
      %swap3A_469 = arith.index_cast %scan3A_322 : i32 to index
      %swap3A_470 = arith.constant 256 : index
      %swap3A_471 = tpu.vector_load %arg8[%swap3A_469, %swap3A_470] {strides = array<i32>} : memref<32x512xf32, #tpu.memory_space<vmem>>, vector<1x16xf32>,
      %swap3A_472 = vector.shape_cast %swap3A_471 : vector<1x16xf32> to vector<16xf32>
      %swap3A_473 = vector.shape_cast %get3A_468 : vector<16xf32> to vector<1x16xf32>
      tpu.vector_store %arg8[%swap3A_469, %swap3A_470], %swap3A_473 {add = true, strides = array<i32>} : memref<32x512xf32, #tpu.memory_space<vmem>>, vector<1x16xf32>,
      %get3A_474 = arith.index_cast %scan3A_322 : i32 to index
      %get3A_475 = arith.constant 272 : index
      %get3A_476 = tpu.vector_load %arg11[%get3A_474, %get3A_475] {strides = array<i32>} : memref<32x512xf32, #tpu.memory_space<vmem>>, vector<1x16xf32>,
      %get3A_477 = vector.shape_cast %get3A_476 : vector<1x16xf32> to vector<16xf32>
      %swap3A_478 = arith.index_cast %scan3A_322 : i32 to index
      %swap3A_479 = arith.constant 272 : index
      %swap3A_480 = tpu.vector_load %arg8[%swap3A_478, %swap3A_479] {strides = array<i32>} : memref<32x512xf32, #tpu.memory_space<vmem>>, vector<1x16xf32>,
      %swap3A_481 = vector.shape_cast %swap3A_480 : vector<1x16xf32> to vector<16xf32>
      %swap3A_482 = vector.shape_cast %get3A_477 : vector<16xf32> to vector<1x16xf32>
      tpu.vector_store %arg8[%swap3A_478, %swap3A_479], %swap3A_482 {add = true, strides = array<i32>} : memref<32x512xf32, #tpu.memory_space<vmem>>, vector<1x16xf32>,
      %get3A_483 = arith.index_cast %scan3A_322 : i32 to index
      %get3A_484 = arith.constant 288 : index
      %get3A_485 = tpu.vector_load %arg11[%get3A_483, %get3A_484] {strides = array<i32>} : memref<32x512xf32, #tpu.memory_space<vmem>>, vector<1x16xf32>,
      %get3A_486 = vector.shape_cast %get3A_485 : vector<1x16xf32> to vector<16xf32>
      %swap3A_487 = arith.index_cast %scan3A_322 : i32 to index
      %swap3A_488 = arith.constant 288 : index
      %swap3A_489 = tpu.vector_load %arg8[%swap3A_487, %swap3A_488] {strides = array<i32>} : memref<32x512xf32, #tpu.memory_space<vmem>>, vector<1x16xf32>,
      %swap3A_490 = vector.shape_cast %swap3A_489 : vector<1x16xf32> to vector<16xf32>
      %swap3A_491 = vector.shape_cast %get3A_486 : vector<16xf32> to vector<1x16xf32>
      tpu.vector_store %arg8[%swap3A_487, %swap3A_488], %swap3A_491 {add = true, strides = array<i32>} : memref<32x512xf32, #tpu.memory_space<vmem>>, vector<1x16xf32>,
      %get3A_492 = arith.index_cast %scan3A_322 : i32 to index
      %get3A_493 = arith.constant 304 : index
      %get3A_494 = tpu.vector_load %arg11[%get3A_492, %get3A_493] {strides = array<i32>} : memref<32x512xf32, #tpu.memory_space<vmem>>, vector<1x16xf32>,
      %get3A_495 = vector.shape_cast %get3A_494 : vector<1x16xf32> to vector<16xf32>
      %swap3A_496 = arith.index_cast %scan3A_322 : i32 to index
      %swap3A_497 = arith.constant 304 : index
      %swap3A_498 = tpu.vector_load %arg8[%swap3A_496, %swap3A_497] {strides = array<i32>} : memref<32x512xf32, #tpu.memory_space<vmem>>, vector<1x16xf32>,
      %swap3A_499 = vector.shape_cast %swap3A_498 : vector<1x16xf32> to vector<16xf32>
      %swap3A_500 = vector.shape_cast %get3A_495 : vector<16xf32> to vector<1x16xf32>
      tpu.vector_store %arg8[%swap3A_496, %swap3A_497], %swap3A_500 {add = true, strides = array<i32>} : memref<32x512xf32, #tpu.memory_space<vmem>>, vector<1x16xf32>,
      %get3A_501 = arith.index_cast %scan3A_322 : i32 to index
      %get3A_502 = arith.constant 320 : index
      %get3A_503 = tpu.vector_load %arg11[%get3A_501, %get3A_502] {strides = array<i32>} : memref<32x512xf32, #tpu.memory_space<vmem>>, vector<1x16xf32>,
      %get3A_504 = vector.shape_cast %get3A_503 : vector<1x16xf32> to vector<16xf32>
      %swap3A_505 = arith.index_cast %scan3A_322 : i32 to index
      %swap3A_506 = arith.constant 320 : index
      %swap3A_507 = tpu.vector_load %arg8[%swap3A_505, %swap3A_506] {strides = array<i32>} : memref<32x512xf32, #tpu.memory_space<vmem>>, vector<1x16xf32>,
      %swap3A_508 = vector.shape_cast %swap3A_507 : vector<1x16xf32> to vector<16xf32>
      %swap3A_509 = vector.shape_cast %get3A_504 : vector<16xf32> to vector<1x16xf32>
      tpu.vector_store %arg8[%swap3A_505, %swap3A_506], %swap3A_509 {add = true, strides = array<i32>} : memref<32x512xf32, #tpu.memory_space<vmem>>, vector<1x16xf32>,
      %get3A_510 = arith.index_cast %scan3A_322 : i32 to index
      %get3A_511 = arith.constant 336 : index
      %get3A_512 = tpu.vector_load %arg11[%get3A_510, %get3A_511] {strides = array<i32>} : memref<32x512xf32, #tpu.memory_space<vmem>>, vector<1x16xf32>,
      %get3A_513 = vector.shape_cast %get3A_512 : vector<1x16xf32> to vector<16xf32>
      %swap3A_514 = arith.index_cast %scan3A_322 : i32 to index
      %swap3A_515 = arith.constant 336 : index
      %swap3A_516 = tpu.vector_load %arg8[%swap3A_514, %swap3A_515] {strides = array<i32>} : memref<32x512xf32, #tpu.memory_space<vmem>>, vector<1x16xf32>,
      %swap3A_517 = vector.shape_cast %swap3A_516 : vector<1x16xf32> to vector<16xf32>
      %swap3A_518 = vector.shape_cast %get3A_513 : vector<16xf32> to vector<1x16xf32>
      tpu.vector_store %arg8[%swap3A_514, %swap3A_515], %swap3A_518 {add = true, strides = array<i32>} : memref<32x512xf32, #tpu.memory_space<vmem>>, vector<1x16xf32>,
      %get3A_519 = arith.index_cast %scan3A_322 : i32 to index
      %get3A_520 = arith.constant 352 : index
      %get3A_521 = tpu.vector_load %arg11[%get3A_519, %get3A_520] {strides = array<i32>} : memref<32x512xf32, #tpu.memory_space<vmem>>, vector<1x16xf32>,
      %get3A_522 = vector.shape_cast %get3A_521 : vector<1x16xf32> to vector<16xf32>
      %swap3A_523 = arith.index_cast %scan3A_322 : i32 to index
      %swap3A_524 = arith.constant 352 : index
      %swap3A_525 = tpu.vector_load %arg8[%swap3A_523, %swap3A_524] {strides = array<i32>} : memref<32x512xf32, #tpu.memory_space<vmem>>, vector<1x16xf32>,
      %swap3A_526 = vector.shape_cast %swap3A_525 : vector<1x16xf32> to vector<16xf32>
      %swap3A_527 = vector.shape_cast %get3A_522 : vector<16xf32> to vector<1x16xf32>
      tpu.vector_store %arg8[%swap3A_523, %swap3A_524], %swap3A_527 {add = true, strides = array<i32>} : memref<32x512xf32, #tpu.memory_space<vmem>>, vector<1x16xf32>,
      %get3A_528 = arith.index_cast %scan3A_322 : i32 to index
      %get3A_529 = arith.constant 368 : index
      %get3A_530 = tpu.vector_load %arg11[%get3A_528, %get3A_529] {strides = array<i32>} : memref<32x512xf32, #tpu.memory_space<vmem>>, vector<1x16xf32>,
      %get3A_531 = vector.shape_cast %get3A_530 : vector<1x16xf32> to vector<16xf32>
      %swap3A_532 = arith.index_cast %scan3A_322 : i32 to index
      %swap3A_533 = arith.constant 368 : index
      %swap3A_534 = tpu.vector_load %arg8[%swap3A_532, %swap3A_533] {strides = array<i32>} : memref<32x512xf32, #tpu.memory_space<vmem>>, vector<1x16xf32>,
      %swap3A_535 = vector.shape_cast %swap3A_534 : vector<1x16xf32> to vector<16xf32>
      %swap3A_536 = vector.shape_cast %get3A_531 : vector<16xf32> to vector<1x16xf32>
      tpu.vector_store %arg8[%swap3A_532, %swap3A_533], %swap3A_536 {add = true, strides = array<i32>} : memref<32x512xf32, #tpu.memory_space<vmem>>, vector<1x16xf32>,
      %get3A_537 = arith.index_cast %scan3A_322 : i32 to index
      %get3A_538 = arith.constant 384 : index
      %get3A_539 = tpu.vector_load %arg11[%get3A_537, %get3A_538] {strides = array<i32>} : memref<32x512xf32, #tpu.memory_space<vmem>>, vector<1x16xf32>,
      %get3A_540 = vector.shape_cast %get3A_539 : vector<1x16xf32> to vector<16xf32>
      %swap3A_541 = arith.index_cast %scan3A_322 : i32 to index
      %swap3A_542 = arith.constant 384 : index
      %swap3A_543 = tpu.vector_load %arg8[%swap3A_541, %swap3A_542] {strides = array<i32>} : memref<32x512xf32, #tpu.memory_space<vmem>>, vector<1x16xf32>,
      %swap3A_544 = vector.shape_cast %swap3A_543 : vector<1x16xf32> to vector<16xf32>
      %swap3A_545 = vector.shape_cast %get3A_540 : vector<16xf32> to vector<1x16xf32>
      tpu.vector_store %arg8[%swap3A_541, %swap3A_542], %swap3A_545 {add = true, strides = array<i32>} : memref<32x512xf32, #tpu.memory_space<vmem>>, vector<1x16xf32>,
      %get3A_546 = arith.index_cast %scan3A_322 : i32 to index
      %get3A_547 = arith.constant 400 : index
      %get3A_548 = tpu.vector_load %arg11[%get3A_546, %get3A_547] {strides = array<i32>} : memref<32x512xf32, #tpu.memory_space<vmem>>, vector<1x16xf32>,
      %get3A_549 = vector.shape_cast %get3A_548 : vector<1x16xf32> to vector<16xf32>
      %swap3A_550 = arith.index_cast %scan3A_322 : i32 to index
      %swap3A_551 = arith.constant 400 : index
      %swap3A_552 = tpu.vector_load %arg8[%swap3A_550, %swap3A_551] {strides = array<i32>} : memref<32x512xf32, #tpu.memory_space<vmem>>, vector<1x16xf32>,
      %swap3A_553 = vector.shape_cast %swap3A_552 : vector<1x16xf32> to vector<16xf32>
      %swap3A_554 = vector.shape_cast %get3A_549 : vector<16xf32> to vector<1x16xf32>
      tpu.vector_store %arg8[%swap3A_550, %swap3A_551], %swap3A_554 {add = true, strides = array<i32>} : memref<32x512xf32, #tpu.memory_space<vmem>>, vector<1x16xf32>,
      %get3A_555 = arith.index_cast %scan3A_322 : i32 to index
      %get3A_556 = arith.constant 416 : index
      %get3A_557 = tpu.vector_load %arg11[%get3A_555, %get3A_556] {strides = array<i32>} : memref<32x512xf32, #tpu.memory_space<vmem>>, vector<1x16xf32>,
      %get3A_558 = vector.shape_cast %get3A_557 : vector<1x16xf32> to vector<16xf32>
      %swap3A_559 = arith.index_cast %scan3A_322 : i32 to index
      %swap3A_560 = arith.constant 416 : index
      %swap3A_561 = tpu.vector_load %arg8[%swap3A_559, %swap3A_560] {strides = array<i32>} : memref<32x512xf32, #tpu.memory_space<vmem>>, vector<1x16xf32>,
      %swap3A_562 = vector.shape_cast %swap3A_561 : vector<1x16xf32> to vector<16xf32>
      %swap3A_563 = vector.shape_cast %get3A_558 : vector<16xf32> to vector<1x16xf32>
      tpu.vector_store %arg8[%swap3A_559, %swap3A_560], %swap3A_563 {add = true, strides = array<i32>} : memref<32x512xf32, #tpu.memory_space<vmem>>, vector<1x16xf32>,
      %get3A_564 = arith.index_cast %scan3A_322 : i32 to index
      %get3A_565 = arith.constant 432 : index
      %get3A_566 = tpu.vector_load %arg11[%get3A_564, %get3A_565] {strides = array<i32>} : memref<32x512xf32, #tpu.memory_space<vmem>>, vector<1x16xf32>,
      %get3A_567 = vector.shape_cast %get3A_566 : vector<1x16xf32> to vector<16xf32>
      %swap3A_568 = arith.index_cast %scan3A_322 : i32 to index
      %swap3A_569 = arith.constant 432 : index
      %swap3A_570 = tpu.vector_load %arg8[%swap3A_568, %swap3A_569] {strides = array<i32>} : memref<32x512xf32, #tpu.memory_space<vmem>>, vector<1x16xf32>,
      %swap3A_571 = vector.shape_cast %swap3A_570 : vector<1x16xf32> to vector<16xf32>
      %swap3A_572 = vector.shape_cast %get3A_567 : vector<16xf32> to vector<1x16xf32>
      tpu.vector_store %arg8[%swap3A_568, %swap3A_569], %swap3A_572 {add = true, strides = array<i32>} : memref<32x512xf32, #tpu.memory_space<vmem>>, vector<1x16xf32>,
      %get3A_573 = arith.index_cast %scan3A_322 : i32 to index
      %get3A_574 = arith.constant 448 : index
      %get3A_575 = tpu.vector_load %arg11[%get3A_573, %get3A_574] {strides = array<i32>} : memref<32x512xf32, #tpu.memory_space<vmem>>, vector<1x16xf32>,
      %get3A_576 = vector.shape_cast %get3A_575 : vector<1x16xf32> to vector<16xf32>
      %swap3A_577 = arith.index_cast %scan3A_322 : i32 to index
      %swap3A_578 = arith.constant 448 : index
      %swap3A_579 = tpu.vector_load %arg8[%swap3A_577, %swap3A_578] {strides = array<i32>} : memref<32x512xf32, #tpu.memory_space<vmem>>, vector<1x16xf32>,
      %swap3A_580 = vector.shape_cast %swap3A_579 : vector<1x16xf32> to vector<16xf32>
      %swap3A_581 = vector.shape_cast %get3A_576 : vector<16xf32> to vector<1x16xf32>
      tpu.vector_store %arg8[%swap3A_577, %swap3A_578], %swap3A_581 {add = true, strides = array<i32>} : memref<32x512xf32, #tpu.memory_space<vmem>>, vector<1x16xf32>,
      %get3A_582 = arith.index_cast %scan3A_322 : i32 to index
      %get3A_583 = arith.constant 464 : index
      %get3A_584 = tpu.vector_load %arg11[%get3A_582, %get3A_583] {strides = array<i32>} : memref<32x512xf32, #tpu.memory_space<vmem>>, vector<1x16xf32>,
      %get3A_585 = vector.shape_cast %get3A_584 : vector<1x16xf32> to vector<16xf32>
      %swap3A_586 = arith.index_cast %scan3A_322 : i32 to index
      %swap3A_587 = arith.constant 464 : index
      %swap3A_588 = tpu.vector_load %arg8[%swap3A_586, %swap3A_587] {strides = array<i32>} : memref<32x512xf32, #tpu.memory_space<vmem>>, vector<1x16xf32>,
      %swap3A_589 = vector.shape_cast %swap3A_588 : vector<1x16xf32> to vector<16xf32>
      %swap3A_590 = vector.shape_cast %get3A_585 : vector<16xf32> to vector<1x16xf32>
      tpu.vector_store %arg8[%swap3A_586, %swap3A_587], %swap3A_590 {add = true, strides = array<i32>} : memref<32x512xf32, #tpu.memory_space<vmem>>, vector<1x16xf32>,
      %get3A_591 = arith.index_cast %scan3A_322 : i32 to index
      %get3A_592 = arith.constant 480 : index
      %get3A_593 = tpu.vector_load %arg11[%get3A_591, %get3A_592] {strides = array<i32>} : memref<32x512xf32, #tpu.memory_space<vmem>>, vector<1x16xf32>,
      %get3A_594 = vector.shape_cast %get3A_593 : vector<1x16xf32> to vector<16xf32>
      %swap3A_595 = arith.index_cast %scan3A_322 : i32 to index
      %swap3A_596 = arith.constant 480 : index
      %swap3A_597 = tpu.vector_load %arg8[%swap3A_595, %swap3A_596] {strides = array<i32>} : memref<32x512xf32, #tpu.memory_space<vmem>>, vector<1x16xf32>,
      %swap3A_598 = vector.shape_cast %swap3A_597 : vector<1x16xf32> to vector<16xf32>
      %swap3A_599 = vector.shape_cast %get3A_594 : vector<16xf32> to vector<1x16xf32>
      tpu.vector_store %arg8[%swap3A_595, %swap3A_596], %swap3A_599 {add = true, strides = array<i32>} : memref<32x512xf32, #tpu.memory_space<vmem>>, vector<1x16xf32>,
      %get3A_600 = arith.index_cast %scan3A_322 : i32 to index
      %get3A_601 = arith.constant 496 : index
      %get3A_602 = tpu.vector_load %arg11[%get3A_600, %get3A_601] {strides = array<i32>} : memref<32x512xf32, #tpu.memory_space<vmem>>, vector<1x16xf32>,
      %get3A_603 = vector.shape_cast %get3A_602 : vector<1x16xf32> to vector<16xf32>
      %swap3A_604 = arith.index_cast %scan3A_322 : i32 to index
      %swap3A_605 = arith.constant 496 : index
      %swap3A_606 = tpu.vector_load %arg8[%swap3A_604, %swap3A_605] {strides = array<i32>} : memref<32x512xf32, #tpu.memory_space<vmem>>, vector<1x16xf32>,
      %swap3A_607 = vector.shape_cast %swap3A_606 : vector<1x16xf32> to vector<16xf32>
      %swap3A_608 = vector.shape_cast %get3A_603 : vector<16xf32> to vector<1x16xf32>
      tpu.vector_store %arg8[%swap3A_604, %swap3A_605], %swap3A_608 {add = true, strides = array<i32>} : memref<32x512xf32, #tpu.memory_space<vmem>>, vector<1x16xf32>,
    }
    %scan3A_295 = arith.constant 32 : i32
    %add3A_296 = arith.constant 224 : i32
    %add3A_297 = arith.addi %rem3A_4, %add3A_296 : i32
    %dma_start3A_298 = arith.constant 0 : i32
    %dma_start3A_299 = tpu.memref_slice %arg5[%div3A_3, %add3A_297, %dma_start3A_298] : memref<4x2048x512xf32, #tpu.memory_space<hbm>> -> memref<1x32x512xf32, #tpu.memory_space<hbm>>
    %dma_start3A_300 = tpu.memref_squeeze %dma_start3A_299 : memref<1x32x512xf32, #tpu.memory_space<hbm>> -> memref<32x512xf32, #tpu.memory_space<hbm>>
    %dma_start3A_301 = arith.constant 0 : i32
    %dma_start3A_302 = tpu.memref_slice %arg5[%div3A_3, %add3A_297, %dma_start3A_301] : memref<4x2048x512xf32, #tpu.memory_space<hbm>> -> memref<1x32x512xf32, #tpu.memory_space<hbm>>
    %dma_start3A_303 = tpu.memref_squeeze %dma_start3A_302 : memref<1x32x512xf32, #tpu.memory_space<hbm>> -> memref<32x512xf32, #tpu.memory_space<hbm>>
    tpu.enqueue_dma source(%arg8 : memref<32x512xf32, #tpu.memory_space<vmem>>) target(%dma_start3A_303 : memref<32x512xf32, #tpu.memory_space<hbm>>) target_semaphore(%arg20 : memref<!tpu.dma_semaphore, #tpu.memory_space<semaphore_mem>>)
    %dma_wait3A_304 = arith.constant 0 : i32
    %dma_wait3A_305 = tpu.memref_slice %arg5[%div3A_3, %add3A_234, %dma_wait3A_304] : memref<4x2048x512xf32, #tpu.memory_space<hbm>> -> memref<1x32x512xf32, #tpu.memory_space<hbm>>
    %dma_wait3A_306 = tpu.memref_squeeze %dma_wait3A_305 : memref<1x32x512xf32, #tpu.memory_space<hbm>> -> memref<32x512xf32, #tpu.memory_space<hbm>>
    %dma_wait3A_307 = arith.constant 0 : i32
    %dma_wait3A_308 = tpu.memref_slice %arg5[%div3A_3, %add3A_234, %dma_wait3A_307] : memref<4x2048x512xf32, #tpu.memory_space<hbm>> -> memref<1x32x512xf32, #tpu.memory_space<hbm>>
    %dma_wait3A_309 = tpu.memref_squeeze %dma_wait3A_308 : memref<1x32x512xf32, #tpu.memory_space<hbm>> -> memref<32x512xf32, #tpu.memory_space<hbm>>
    tpu.wait_dma2 semaphore(%arg21 : memref<!tpu.dma_semaphore, #tpu.memory_space<semaphore_mem>>) src(%arg9 : memref<32x512xf32, #tpu.memory_space<vmem>>) dst(%dma_wait3A_309 : memref<32x512xf32, #tpu.memory_space<hbm>>)
    %dma_wait3A_310 = arith.constant 0 : i32
    %dma_wait3A_311 = tpu.memref_slice %arg5[%div3A_3, %add3A_274, %dma_wait3A_310] : memref<4x2048x512xf32, #tpu.memory_space<hbm>> -> memref<1x32x512xf32, #tpu.memory_space<hbm>>
    %dma_wait3A_312 = tpu.memref_squeeze %dma_wait3A_311 : memref<1x32x512xf32, #tpu.memory_space<hbm>> -> memref<32x512xf32, #tpu.memory_space<hbm>>
    %dma_wait3A_313 = arith.constant 0 : i32
    %dma_wait3A_314 = tpu.memref_slice %arg5[%div3A_3, %add3A_274, %dma_wait3A_313] : memref<4x2048x512xf32, #tpu.memory_space<hbm>> -> memref<1x32x512xf32, #tpu.memory_space<hbm>>
    %dma_wait3A_315 = tpu.memref_squeeze %dma_wait3A_314 : memref<1x32x512xf32, #tpu.memory_space<hbm>> -> memref<32x512xf32, #tpu.memory_space<hbm>>
    tpu.wait_dma2 semaphore(%arg19 : memref<!tpu.dma_semaphore, #tpu.memory_space<semaphore_mem>>) src(%arg7 : memref<32x512xf32, #tpu.memory_space<vmem>>) dst(%dma_wait3A_315 : memref<32x512xf32, #tpu.memory_space<hbm>>)
    %dma_wait3A_316 = arith.constant 0 : i32
    %dma_wait3A_317 = tpu.memref_slice %arg5[%div3A_3, %add3A_297, %dma_wait3A_316] : memref<4x2048x512xf32, #tpu.memory_space<hbm>> -> memref<1x32x512xf32, #tpu.memory_space<hbm>>
    %dma_wait3A_318 = tpu.memref_squeeze %dma_wait3A_317 : memref<1x32x512xf32, #tpu.memory_space<hbm>> -> memref<32x512xf32, #tpu.memory_space<hbm>>
    %dma_wait3A_319 = arith.constant 0 : i32
    %dma_wait3A_320 = tpu.memref_slice %arg5[%div3A_3, %add3A_297, %dma_wait3A_319] : memref<4x2048x512xf32, #tpu.memory_space<hbm>> -> memref<1x32x512xf32, #tpu.memory_space<hbm>>
    %dma_wait3A_321 = tpu.memref_squeeze %dma_wait3A_320 : memref<1x32x512xf32, #tpu.memory_space<hbm>> -> memref<32x512xf32, #tpu.memory_space<hbm>>
    tpu.wait_dma2 semaphore(%arg20 : memref<!tpu.dma_semaphore, #tpu.memory_space<semaphore_mem>>) src(%arg8 : memref<32x512xf32, #tpu.memory_space<vmem>>) dst(%dma_wait3A_321 : memref<32x512xf32, #tpu.memory_space<hbm>>)
    return
  }
}

module attributes {stable_mosaic.version = 14 : i64} {
  func.func @_prep_body(%arg0: memref<774x512xf32, #tpu.memory_space<vmem>>, %arg1: memref<2048x512xf32, #tpu.memory_space<vmem>>, %arg2: memref<774x512xf32, #tpu.memory_space<vmem>>, %arg3: memref<2048x512xf32, #tpu.memory_space<vmem>>) attributes {dimension_semantics = [], scalar_prefetch = 0 : i64, scratch_operands = 0 : i64, tpu.core_type = #tpu.core_type<tc>} {
    %get3A = arith.constant 0 : index
    %get3A_0 = arith.constant 0 : index
    %get3A_1 = vector.load %arg0[%get3A, %get3A_0] : memref<774x512xf32, #tpu.memory_space<vmem>>, vector<774x512xf32>
    %mul3A = arith.constant 22.6274166 : f32
    %mul3A_2 = vector.broadcast %mul3A : f32 to vector<774x512xf32>
    %mul3A_3 = arith.mulf %get3A_1, %mul3A_2 : vector<774x512xf32>
    %swap3A = arith.constant 0 : index
    %swap3A_4 = arith.constant 0 : index
    %swap3A_5 = vector.load %arg2[%swap3A, %swap3A_4] : memref<774x512xf32, #tpu.memory_space<vmem>>, vector<774x512xf32>
    tpu.vector_store %arg2[%swap3A, %swap3A_4], %mul3A_3 {strides = array<i32>} : memref<774x512xf32, #tpu.memory_space<vmem>>, vector<774x512xf32>,
    %get3A_6 = arith.constant 0 : index
    %get3A_7 = arith.constant 0 : index
    %get3A_8 = vector.load %arg1[%get3A_6, %get3A_7] : memref<2048x512xf32, #tpu.memory_space<vmem>>, vector<2048x512xf32>
    %swap3A_9 = arith.constant 0 : index
    %swap3A_10 = arith.constant 0 : index
    %swap3A_11 = vector.load %arg3[%swap3A_9, %swap3A_10] : memref<2048x512xf32, #tpu.memory_space<vmem>>, vector<2048x512xf32>
    tpu.vector_store %arg3[%swap3A_9, %swap3A_10], %get3A_8 {strides = array<i32>} : memref<2048x512xf32, #tpu.memory_space<vmem>>, vector<2048x512xf32>,
    return
  }
}

</mosaic_0001>

<sc_bundles>
// kernel: kernel.4.cloned.1.call-start
scs
__scs_entry_jumppad:
0x0: {  	(pc) =	sbr.rel $0x88, $3  }
0x1: {  	(tag) =	ssettag $0x0;
	lr =	simm.s32 $0x1  }
0x2: {  	[smem:$0x3F9F] =	sst lr;
	_ =	strace $0xD0000000  }
0x3: {  	_ = 	snop  }
0x4: {  	_ = 	snop  }
0x5: {  	_ = 	snop  }
0x6: {  	_ = 	snop  }
0x7: {  	_ = 	snop  }
__scs_overlays_trampoline_lowered:
0x8: {  	[smem:$0x3FAE] =	sst s0  }
0x9: {  	[smem:$0x3FAF] =	sst s1  }
0xa: {  	[smem:$0x3FB0] =	sst s2  }
0xb: {  	[smem:$0x3FB1] =	sst s3  }
0xc: {  	[smem:$0x3FB2] =	sst s4  }
0xd: {  	[smem:$0x3FB3] =	sst s5  }
0xe: {  	[smem:$0x3FB4] =	sst s6  }
0xf: {  	[smem:$0x3FB5] =	sst s7  }
0x10: {  	[smem:$0x3FB6] =	sst s8  }
0x11: {  	[smem:$0x3FB7] =	sst s9;
	s0 =	simm.s32 @!p0 $0x0  }
0x12: {  	s1 =	sld [smem:$0x3F9D];
	s0 =	simm.s32 @p0 $0x1  }
0x13: {  	[smem:$0x3FB8] =	sst s0;
	s0 =	simm.s32 @!p1 $0x0  }
0x14: {  	s2 =	sld [smem:$0x3F9C];
	s0 =	simm.s32 @p1 $0x1  }
0x15: {  	[smem:$0x3FB9] =	sst s0;
	s0 =	simm.s32 @!p2 $0x0  }
0x16: {  	s3 =	sld [smem:$0x3FDB];
	s0 =	simm.s32 @p2 $0x1  }
0x17: {  	s4 =	simm.s32 $0x1BF5;
	[smem:$0x3FBB] =	sst s0  }
0x18: {  	s0 =	sld [smem:$0x3F9E];
	_ =	swait.ge [sflag:s4], $0x0  }
0x19: {  	s7 =	sld [smem:$0x3F9F]  }
0x1a: {  	s8 =	sadd.s32 $0xFFFFE003, lr  }
0x1b: {  	s9 =	sadd.s32 $0xFFFFFEF7, lr;
	s5 =	simm.s32 $0xFFFFFFFF;
	p2 =	slt.u32 s8, $0xFFFFF086  }
0x1c: {  	p1 =	slt.u32 s9, $0xF7A;
	s5 =	simm.s32 @!p2 $0x0  }
0x1d: {  	s5 =	simm.s32 @p1 $0x1;
	p0 =	seq.s32 s7, s2  }
0x1e: {  	s7 =	smul.u32 @!p0 $0xF7A, s2;
	p2 =	seq.s32 @!p0 s5, $0x0  }
0x1f: {  	s9 =	smul.u32 $0xF7A, s1;
	s8 =	simm.s32 @!p0 $0x1BF5;
	p2 =	por !p2, p0  }
0x20: {  	[sflag:s8] =	ssyncset.s32 @!p0 $0xFFFFF086;
	s6 =	sadd.s32 @!p0 s3, s7;
	s7 =	simm.s32 @!p0 $0x108  }
0x21: {  	s3 =	sadd.s32 s3, s9;
	s6 =	sadd.s32 @!p0 $0x88, s6;
	s7 =	simm.s32 @p2 $0x1082  }
0x22: {  	[simem:s7], [sflag:s8] =	dma.local @!p0 [hbm:s6], $0xF7A  }
0x23: {  	s9 =	sor.u32 $0xD0000000, s2;
	s6 =	simm.s32 $0x108;
	_ =	swait.ge @!p0 [sflag:s8], $0x0  }
0x24: {  	s3 =	sadd.s32 $0x88, s3;
	s6 =	simm.s32 @!p1 $0x1082;
	[sflag:s4] =	ssyncset.s32 $0xFFFFF086  }
0x25: {  	[simem:s6], [sflag:s4] =	dma.local [hbm:s3], $0xF7A  }
0x26: {  	[smem:$0x3F9F] =	sst s1;
	(tag) =	ssettag s2;
	_ =	strace s9  }
0x27: {  	s1 =	sld [smem:$0x3FAF]  }
0x28: {  	s2 =	sld [smem:$0x3FB0]  }
0x29: {  	s4 =	sld [smem:$0x3FB2]  }
0x2a: {  	p0 =	seq.s32 s5, $0x0;
	s5 =	sld [smem:$0x3FB3]  }
0x2b: {  	s6 =	sld [smem:$0x3FB4]  }
0x2c: {  	s7 =	sld [smem:$0x3FB5]  }
0x2d: {  	s3 =	simm.s32 $0x108;
	s8 =	sld [smem:$0x3FB6]  }
0x2e: {  	s3 =	simm.s32 @!p0 $0x1082;
	s9 =	sld [smem:$0x3FB7]  }
0x2f: {  	lr =	sadd.s32 s0, s3;
	s0 =	sld [smem:$0x3FAE]  }
0x30: {  	s3 =	sld [smem:$0x3FB1]  }
0x31: {  	[smem:$0x3FBA] =	sst s10  }
0x32: {  	s10 =	sld [smem:$0x3FB8];
	_ =	sdelay $0x3  }
0x33: {  	p0 =	seq.s32 s10, $0x1;
	s10 =	sld [smem:$0x3FBA];
	_ =	sdelay $0x3  }
0x34: {  	[smem:$0x3FBA] =	sst s10  }
0x35: {  	s10 =	sld [smem:$0x3FB9];
	_ =	sdelay $0x3  }
0x36: {  	p1 =	seq.s32 s10, $0x1;
	s10 =	sld [smem:$0x3FBA];
	_ =	sdelay $0x3  }
0x37: {  	[smem:$0x3FBA] =	sst s10  }
0x38: {  	s10 =	sld [smem:$0x3FBB]  }
0x39: {  	_ = 	snop;
	(pc) =	sbr.ind lr, $3  }
0x3a: {  	_ = 	snop  }
0x3b: {  	_ = 	snop  }
0x3c: {  	p2 =	seq.s32 s10, $0x1;
	s10 =	sld [smem:$0x3FBA]  }
0x3d: {  	_ =	shalt  }
0x3e: {  	_ =	shalt  }
0x3f: {  	_ =	shalt  }
0x40: {  	_ =	shalt  }
0x41: {  	_ =	shalt  }
0x42: {  	_ =	shalt  }
0x43: {  	_ =	shalt  }
0x44: {  	_ =	shalt  }
0x45: {  	_ =	shalt  }
0x46: {  	_ =	shalt  }
0x47: {  	_ =	shalt  }
0x48: {  	_ =	shalt  }
0x49: {  	_ =	shalt  }
0x4a: {  	_ =	shalt  }
0x4b: {  	_ =	shalt  }
0x4c: {  	_ =	shalt  }
0x4d: {  	_ =	shalt  }
0x4e: {  	_ =	shalt  }
0x4f: {  	_ =	shalt  }
0x50: {  	_ =	shalt  }
0x51: {  	_ =	shalt  }
0x52: {  	_ =	shalt  }
0x53: {  	_ =	shalt  }
0x54: {  	_ =	shalt  }
0x55: {  	_ =	shalt  }
0x56: {  	_ =	shalt  }
0x57: {  	_ =	shalt  }
0x58: {  	_ =	shalt  }
0x59: {  	_ =	shalt  }
0x5a: {  	_ =	shalt  }
0x5b: {  	_ =	shalt  }
0x5c: {  	_ =	shalt  }
0x5d: {  	_ =	shalt  }
0x5e: {  	_ =	shalt  }
0x5f: {  	_ =	shalt  }
0x60: {  	_ =	shalt  }
0x61: {  	_ =	shalt  }
0x62: {  	_ =	shalt  }
0x63: {  	_ =	shalt  }
0x64: {  	_ =	shalt  }
0x65: {  	_ =	shalt  }
0x66: {  	_ =	shalt  }
0x67: {  	_ =	shalt  }
0x68: {  	_ =	shalt  }
0x69: {  	_ =	shalt  }
0x6a: {  	_ =	shalt  }
0x6b: {  	_ =	shalt  }
0x6c: {  	_ =	shalt  }
0x6d: {  	_ =	shalt  }
0x6e: {  	_ =	shalt  }
0x6f: {  	_ =	shalt  }
0x70: {  	_ =	shalt  }
0x71: {  	_ =	shalt  }
0x72: {  	_ =	shalt  }
0x73: {  	_ =	shalt  }
0x74: {  	_ =	shalt  }
0x75: {  	_ =	shalt  }
0x76: {  	_ =	shalt  }
0x77: {  	_ =	shalt  }
0x78: {  	_ =	shalt  }
0x79: {  	_ =	shalt  }
0x7a: {  	_ =	shalt  }
0x7b: {  	_ =	shalt  }
0x7c: {  	_ =	shalt  }
0x7d: {  	_ =	shalt  }
0x7e: {  	_ =	shalt  }
0x7f: {  	_ =	shalt  }
0x80: {  	_ =	shalt  }
0x81: {  	_ =	shalt  }
0x82: {  	_ =	shalt  }
0x83: {  	_ =	shalt  }
0x84: {  	_ =	shalt  }
0x85: {  	_ =	shalt  }
0x86: {  	_ =	shalt  }
0x87: {  	_ =	shalt  }
.Lfunc_end0:
.L_simem_size_0:
called_computation_lowered:
.L_overlay_start_0:
0x88: {  	s2 =	sld [smem:$0x3FD9]  }
0x89: {  	s3 =	sld [smem:$0x3FFE];
	_ =	sdelay $0x1  }
0x8a: {  	s1 =	srdreg.scid  }
0x8b: {  	s0 =	sand.u32 $0x1, s1  }
0x8c: {  	s17 =	sshll.u32 s0, $0xA;
	s2 =	sadd.s32 s3, s2  }
0x8d: {  	s2 =	sadd.s32 s2, s17  }
0x8e: {  	[smem:$0x3FC6] =	sst s2  }
0x8f: {  	_ = 	snop  }
0x90: {  	s2 =	sld [smem:$0x3FC9]  }
0x91: {  	s18 =	sld [smem:$0x3FD0];
	(tm) =	ssettm $0x1  }
0x92: {  	s4 =	sld [smem:$0x3FFB];
	_ =	sdelay $0x3  }
0x93: {  	_ =	strace s4  }
0x94: {  	s4 =	sld [smem:$0x3FFC];
	_ =	sdelay $0x3  }
0x95: {  	_ =	strace s4  }
0x96: {  	s4 =	sld [smem:$0x3FFD];
	_ =	sdelay $0x3  }
0x97: {  	_ =	strace s4  }
0x98: {  	_ =	strace $0x8FFFFFFF  }
0x99: {  	s19 =	sld [smem:$0x3FDB];
	_ =	sdelay $0x1  }
0x9a: {  	s5 =	simm.s32 $_scs_section_size  }
0x9b: {  	s6 =	simm.s32 $_size__tile_overlayer_lowered;
	s7 =	simm.s32 $_tile_overlayer_lowered  }
0x9c: {  	s22 =	simm.s32 $0x1BFF;
	s21 =	sshll.u32 s7, $0x1;
	s4 =	sadd.s32 s5, s19  }
0x9d: {  	s8 =	simm.s32 $0x0;
	s20 =	sshll.u32 s6, $0x1;
	s6 =	sadd.s32 s21, s4  }
0x9e: {  	[timem:s8], [sflag:s22] =	dma.local [hbm:s6], s20  }
0x9f: {  	_ =	swait.ge [sflag:s22], s20  }
0xa0: {  	s5 =	ssub.s32 $0x0, s20;
	[sflag:s22] =	ssyncset.done $0x0  }
0xa1: {  	[sflag:s22] =	ssyncadd.s32 s5;
	_ =	sdelay $0x1  }
0xa2: {  	s23 =	simm.s32 $0x1B8B  }
0xa3: {  	_ =	swait.ge [sflag:s23], $0x1  }
0xa4: {  	[sflag:s23] =	ssyncset.done $0x0  }
0xa5: {  	s25 =	simm.s32 $0x1B8E;
	s24 =	sld [smem:$0x3FFE];
	[sflag:s23] =	ssyncadd.s32 $0xFFFFFFFF  }
0xa6: {  	s26 =	simm.s32 $execute0_lowered;
	[smem:$0x3FD2] =	sst s25  }
0xa7: {  	s6 =	sshll.u32 s26, $0x1;
	_ =	strace $0x80000046;
	[dreg:$0x1] =	wrdreg $0xFFFFFFFF  }
0xa8: {  	s28 =	simm.s32 $_size_execute0_lowered;
	s4 =	sadd.s32 s4, s6;
	[dreg:$0x0] =	wrdreg $0x0  }
0xa9: {  	s6 =	sshll.u32 s28, $0x1;
	[dreg:$0x2] =	wrdreg s4  }
0xaa: {  	[dreg:$0x3] =	wrdreg s6  }
0xab: {  	[dreg:$0x4] =	wrdreg $0xC0  }
0xac: {  	_ =	task [dreg:s8], $0x5FFFF  }
0xad: {  	[dreg:$0x1] =	wrdreg $0xFFFFFFFF  }
0xae: {  	[dreg:$0x0] =	wrdreg $0x60  }
0xaf: {  	[dreg:$0x2] =	wrdreg s2  }
0xb0: {  	[dreg:$0x3] =	wrdreg s24  }
0xb1: {  	[dreg:$0x4] =	wrdreg s18  }
0xb2: {  	[dreg:$0x5] =	wrdreg $0x9  }
0xb3: {  	_ =	task.clear_ibuf [dreg:s8], $0x6FFFF;
	_ =	strace $0x90000046  }
0xb4: {  	s29 =	simm.s32 $0x9;
	_ =	strace $0x80000048  }
0xb5: {  	_ =	swait.ge [sflag:s29], $0x1  }
0xb6: {  	[sflag:s29] =	ssyncadd.s32 $0xFFFFFFFF  }
0xb7: {  	_ =	strace $0x90000048  }
0xb8: {  	_ =	sfence  }
0xb9: {  	s30 =	sld [smem:$0x0];
	_ =	sdelay $0x2  }
0xba: {  	s31 =	sshll.u32 s1, $0xD;
	s1 =	sshrl.u32 s1, $0x2  }
0xbb: {  	s3 =	sand.u32 $0x4000, s31;
	s1 =	sadd.s32 s1, s30  }
0xbc: {  	s0 =	sor.u32 s3, s0;
	s1 =	sshll.u32 s1, $0x11  }
0xbd: {  	s0 =	sor.u32 s1, s0  }
0xbe: {  	s0 =	sadd.s32 $0x8F2B, s0  }
0xbf: {  	[sflag:s0] =	ssyncadd.remote.s32 $0x1  }
0xc0: {  	_ =	sfence.sel $0xFFFF  }
0xc1: {  	[dreg:$0x0] =	wrdreg $0xFFFFFFFF;
	(pc) =	sbr.abs _section_cstart, $3  }
0xc2: {  	[dreg:$0x1] =	wrdreg $0xFFFFFFFF  }
0xc3: {  	_ =	task.clear_ibuf [dreg:s8], $0x2FFFF;
	_ =	strace $0x9FFFFFFF  }
0xc4: {  	(tm) =	ssettm $0x7FFFFFFF  }
0xc5: {  	_ =	shalt  }
tec
execute0_lowered:
.L_overlay_start_1:
0x0: {  	(tag) =	ssettag $0x1  }
0x1: {  	s1 =	rddreg [dreg:$0x0]  }
0x2: {  	s4 =	rddreg [dreg:$0x1]  }
0x3: {  	s0 =	rddreg [dreg:$0x2]  }
0x4: {  	s2 =	srdreg.scid;
	s7 =	stileid.u32  }
0x5: {  	s28 =	simm.s32 $0x100;
	s5 =	sand.u32 $0x1, s2;
	s3 =	sshll.u32 s7, $0x9  }
0x6: {  	s2 =	simm.s32 $0x0;
	s7 =	sshrl.u32 s7, $0x2;
	s6 =	sshll.u32 s5, $0x8  }
0x7: {  	s3 =	sand.u32 $0x600, s3;
	[smem:$0x7FF] =	sst s2;
	s9 =	sshll.u32 s7, $0x7  }
0x8: {  	s5 =	ssub.s32 $0x2, s5;
	s30 =	sshll.u32 s7, $0x14;
	s6 =	sor.u32 s6, s3  }
0x9: {  	_ =	strace $0x80000047;
	s3 =	sadd.s32 $0x20E00, s4;
	s10 =	sshrl.u32 s5, $0x1  }
0xa: {  	s8 =	sshll.u32 s6, $0x2;
	s5 =	ssub.s32 s5, s10;
	s26 =	sshll.u32 s6, $0x6  }
0xb: {  	s29 =	sshll.u32 s6, $0x9;
	s6 =	sadd.s32 $0x20F00, s4;
	s8 =	sor.u32 s9, s8  }
0xc: {  	s9 =	sadd.s32 $0xE00, s4;
	s31 =	sor.u32 $0x4000, s29;
	s7 =	sor.u32 s30, s29  }
0xd: {  	s11 =	sor.u32 $0x8000, s29;
	s14 =	sor.u32 $0xC000, s29;
	s18 =	sor.u32 $0x10000, s29  }
0xe: {  	s20 =	sor.u32 $0x14000, s29;
	s22 =	sor.u32 $0x18000, s29;
	s8 =	sshrl.u32 s8, $0x3  }
0xf: {  	s12 =	sshrl.u32 s31, $0x3;
	s7 =	sshrl.u32 s7, $0x3;
	s13 =	sshrl.u32 s11, $0x3  }
0x10: {  	s4 =	sor.u32 s30, s31;
	s15 =	sshrl.u32 s14, $0x3;
	s11 =	sor.u32 s30, s11  }
0x11: {  	s19 =	sshrl.u32 s18, $0x3;
	s21 =	sshrl.u32 s20, $0x3;
	s23 =	sshrl.u32 s22, $0x3  }
0x12: {  	s31 =	smax.u32 s5, $0x1;
	s5 =	simm.s32 $0x4100;
	s1 =	sadd.s32 s1, s8  }
0x13: {  	s10 =	sadd.s32 s9, s12;
	s7 =	sadd.s32 s0, s7;
	s4 =	sshrl.u32 s4, $0x3  }
0x14: {  	s16 =	sadd.s32 s9, s15;
	s17 =	sshrl.u32 s11, $0x3;
	[dreg:$0x15] =	wrdreg s31  }
0x15: {  	s11 =	sor.u32 s30, s20;
	s24 =	sadd.s32 s9, s23;
	[dreg:$0x4] =	wrdreg s1  }
0x16: {  	s23 =	simm.s32 $0x3100;
	s12 =	simm.s32 $0x7100;
	[dreg:$0x6] =	wrdreg s10  }
0x17: {  	s15 =	simm.s32 $0x4;
	s20 =	simm.s32 $0x3;
	[dreg:$0x7] =	wrdreg s7  }
0x18: {  	s1 =	sadd.s32 s9, s26;
	s7 =	sadd.s32 s9, s13;
	[dreg:$0xa] =	wrdreg s16  }
0x19: {  	s4 =	sadd.s32 s0, s4;
	s10 =	sadd.s32 s9, s19;
	[dreg:$0x10] =	wrdreg s24  }
0x1a: {  	s25 =	sshrl.u32 s11, $0x3;
	s26 =	sor.u32 $0x1C000, s29;
	s24 =	simm.s32 $0x3900  }
0x1b: {  	s11 =	simm.s32 $0x6900;
	s13 =	simm.s32 $0x7900;
	[dreg:$0x5] =	wrdreg s1  }
0x1c: {  	s16 =	simm.s32 $0x8100;
	s19 =	simm.s32 $0x7;
	[dreg:$0x8] =	wrdreg s7  }
0x1d: {  	[dreg:$0x9] =	wrdreg s4;
	s4 =	sadd.s32 s0, s17;
	s7 =	sor.u32 s30, s14  }
0x1e: {  	[dreg:$0xc] =	wrdreg s10;
	s8 =	sshrl.u32 s26, $0x3;
	s1 =	sor.u32 s30, s26  }
0x1f: {  	s10 =	simm.s32 $0x6100;
	s14 =	simm.s32 $0x1;
	s17 =	simm.s32 $0x5  }
0x20: {  	s26 =	simm.s32 $0x0;
	[dreg:$0xb] =	wrdreg s4;
	s7 =	sshrl.u32 s7, $0x3  }
0x21: {  	s4 =	sor.u32 s30, s18;
	s29 =	sadd.s32 s9, s8;
	s1 =	sshrl.u32 s1, $0x3  }
0x22: {  	s8 =	simm.s32 $0x5100;
	s7 =	sadd.s32 s0, s7;
	[dreg:$0x12] =	wrdreg s29  }
0x23: {  	s18 =	simm.s32 $0x2;
	s4 =	sshrl.u32 s4, $0x3;
	[dreg:$0xd] =	wrdreg s7  }
0x24: {  	s7 =	sadd.s32 s9, s21;
	s4 =	sadd.s32 s0, s4;
	s9 =	simm.s32 $0x5900  }
0x25: {  	s21 =	simm.s32 $0x6;
	[dreg:$0xe] =	wrdreg s7;
	s7 =	sor.u32 s30, s22  }
0x26: {  	[dreg:$0xf] =	wrdreg s4;
	s4 =	sadd.s32 s0, s25;
	s7 =	sshrl.u32 s7, $0x3  }
0x27: {  	v2 =	vlaneseq.u32;
	s22 =	simm.s32 $0x8;
	[dreg:$0x11] =	wrdreg s4;
	s30 =	sadd.s32 s0, s7  }
0x28: {  	vm0 =	vmmov $0xffff;
	v1 =	vshrl.u32 v2, $0x3;
	s25 =	simm.s32 $0x9;
	s0 =	sadd.s32 s0, s1;
	[dreg:$0x13] =	wrdreg s30  }
0x29: {  	v0 =	vand.u32 $0x7, v2;
	v2 =	vor.u32 $0x8, v2;
	v1 =	vmul.u32 $0x8, v1;
	s4 =	simm.s32 $0x10100;
	s7 =	simm.s32 $0x4900;
	[dreg:$0x14] =	wrdreg s0  }
.LBB2_1:
0x2a: {  	s0 =	rddreg [dreg:$0x4];
	s1 =	simm.s32 $0x80;
	s29 =	simm.s32 $0x200  }
0x2b: {  	[tilespmem:s2], [sflag:$0xA] =	stream.strided.gather [hbm4b:s0+s1], $0x100, s29, s1, $0x38;
	[tilespmem:$0x18100] =	vst v63  }
0x2c: {  	s1 =	simm.s32 $0xA  }
0x2d: {  	_ =	swait.ge [sflag:s1], $0x100  }
0x2e: {  	[sflag:s1] =	ssyncset.done $0x0  }
0x2f: {  	s0 =	rddreg [dreg:$0x5];
	[sflag:s1] =	ssyncadd.s32 $0xFFFFFF00;
	s1 =	simm.s32 $0xC100  }
0x30: {  	[tilespmem:s1], [sflag:$0x4] =	stream.linear.gather [hbm4b:s0+s2], $0x4000, $0x38;
	[tilespmem:$0x18100] =	vst v63  }
0x31: {  	v3 =	vld [tilespmem:$0x0];
	_ =	sdelay $0x4  }
0x32: {  	v4 =	vshll.u32 v3, $0x2  }
0x33: {  	v3 =	vand.u32 $0x7, v3;
	v4 =	vand.u32 $0xFFFFFFE0, v4  }
0x34: {  	v3 =	vor.u32 v3, v4  }
0x35: {  	v4 =	vperm.xlane v3, v0;
	_ =	sdelay $0x1  }
0x36: {  	v4 =	vadd.s32 v1, v4;
	_ =	sdelay $0x1  }
0x37: {  	v3 =	vperm.xlane v3, v2;
	_ =	sdelay $0x1  }
0x38: {  	v3 =	vadd.s32 v1, v3  }
0x39: {  	[tilespmem:s28], [sflag:$0x1] =	stream.indirect_vreg.gather [hbm4b:s3+s2], $0x80, v4, vm0, $0xb8;
	[tilespmem:$0x18100] =	vst v63  }
0x3a: {  	s1 =	simm.s32 $0x900  }
0x3b: {  	[tilespmem:s1], [sflag:$0x1] =	stream.indirect_vreg.gather [hbm4b:s6+s2], $0x80, v4, vm0, $0xb8;
	[tilespmem:$0x18100] =	vst v63  }
0x3c: {  	s1 =	simm.s32 $0x1100  }
0x3d: {  	[tilespmem:s1], [sflag:$0x1] =	stream.indirect_vreg.gather [hbm4b:s3+s2], $0x80, v3, vm0, $0xb8;
	[tilespmem:$0x18100] =	vst v63  }
0x3e: {  	s1 =	simm.s32 $0x1900  }
0x3f: {  	[tilespmem:s1], [sflag:$0x1] =	stream.indirect_vreg.gather [hbm4b:s6+s2], $0x80, v3, vm0, $0xb8;
	[tilespmem:$0x18100] =	vst v63  }
0x40: {  	v3 =	vld [tilespmem:$0x10];
	_ =	sdelay $0x4  }
0x41: {  	v4 =	vshll.u32 v3, $0x2  }
0x42: {  	v3 =	vand.u32 $0x7, v3;
	v4 =	vand.u32 $0xFFFFFFE0, v4  }
0x43: {  	v3 =	vor.u32 v3, v4  }
0x44: {  	v4 =	vperm.xlane v3, v0;
	_ =	sdelay $0x1  }
0x45: {  	v4 =	vadd.s32 v1, v4;
	_ =	sdelay $0x1  }
0x46: {  	v3 =	vperm.xlane v3, v2;
	_ =	sdelay $0x1  }
0x47: {  	s1 =	simm.s32 $0x2100;
	v3 =	vadd.s32 v1, v3  }
0x48: {  	[tilespmem:s1], [sflag:$0x1] =	stream.indirect_vreg.gather [hbm4b:s3+s2], $0x80, v4, vm0, $0xb8;
	[tilespmem:$0x18100] =	vst v63  }
0x49: {  	s1 =	simm.s32 $0x2900  }
0x4a: {  	[tilespmem:s1], [sflag:$0x1] =	stream.indirect_vreg.gather [hbm4b:s6+s2], $0x80, v4, vm0, $0xb8;
	[tilespmem:$0x18100] =	vst v63  }
0x4b: {  	_ = 	snop  }
0x4c: {  	[tilespmem:s23], [sflag:$0x1] =	stream.indirect_vreg.gather [hbm4b:s3+s2], $0x80, v3, vm0, $0xb8;
	[tilespmem:$0x18100] =	vst v63  }
0x4d: {  	_ = 	snop  }
0x4e: {  	[tilespmem:s24], [sflag:$0x1] =	stream.indirect_vreg.gather [hbm4b:s6+s2], $0x80, v3, vm0, $0xb8;
	[tilespmem:$0x18100] =	vst v63  }
0x4f: {  	s1 =	rddreg [dreg:$0x6]  }
0x50: {  	[tilespmem:s4], [sflag:$0x5] =	stream.linear.gather [hbm4b:s1+s2], $0x4000, $0x38;
	[tilespmem:$0x18100] =	vst v63  }
0x51: {  	v3 =	vld [tilespmem:$0x20];
	_ =	sdelay $0x4  }
0x52: {  	v4 =	vshll.u32 v3, $0x2  }
0x53: {  	v3 =	vand.u32 $0x7, v3;
	v4 =	vand.u32 $0xFFFFFFE0, v4  }
0x54: {  	v3 =	vor.u32 v3, v4  }
0x55: {  	v4 =	vperm.xlane v3, v0;
	_ =	sdelay $0x1  }
0x56: {  	v4 =	vadd.s32 v1, v4;
	_ =	sdelay $0x1  }
0x57: {  	v3 =	vperm.xlane v3, v2;
	_ =	sdelay $0x1  }
0x58: {  	v3 =	vadd.s32 v1, v3  }
0x59: {  	[tilespmem:s5], [sflag:$0x2] =	stream.indirect_vreg.gather [hbm4b:s3+s2], $0x80, v4, vm0, $0xb8;
	[tilespmem:$0x18100] =	vst v63  }
0x5a: {  	_ = 	snop  }
0x5b: {  	[tilespmem:s7], [sflag:$0x2] =	stream.indirect_vreg.gather [hbm4b:s6+s2], $0x80, v4, vm0, $0xb8;
	[tilespmem:$0x18100] =	vst v63  }
0x5c: {  	_ = 	snop  }
0x5d: {  	[tilespmem:s8], [sflag:$0x2] =	stream.indirect_vreg.gather [hbm4b:s3+s2], $0x80, v3, vm0, $0xb8;
	[tilespmem:$0x18100] =	vst v63  }
0x5e: {  	_ = 	snop  }
0x5f: {  	[tilespmem:s9], [sflag:$0x2] =	stream.indirect_vreg.gather [hbm4b:s6+s2], $0x80, v3, vm0, $0xb8;
	[tilespmem:$0x18100] =	vst v63  }
0x60: {  	v3 =	vld [tilespmem:$0x30];
	_ =	sdelay $0x4  }
0x61: {  	v4 =	vshll.u32 v3, $0x2  }
0x62: {  	v3 =	vand.u32 $0x7, v3;
	v4 =	vand.u32 $0xFFFFFFE0, v4  }
0x63: {  	v3 =	vor.u32 v3, v4  }
0x64: {  	v4 =	vperm.xlane v3, v0;
	_ =	sdelay $0x1  }
0x65: {  	v4 =	vadd.s32 v1, v4;
	_ =	sdelay $0x1  }
0x66: {  	v3 =	vperm.xlane v3, v2;
	_ =	sdelay $0x1  }
0x67: {  	v3 =	vadd.s32 v1, v3  }
0x68: {  	[tilespmem:s10], [sflag:$0x2] =	stream.indirect_vreg.gather [hbm4b:s3+s2], $0x80, v4, vm0, $0xb8;
	[tilespmem:$0x18100] =	vst v63  }
0x69: {  	_ = 	snop  }
0x6a: {  	[tilespmem:s11], [sflag:$0x2] =	stream.indirect_vreg.gather [hbm4b:s6+s2], $0x80, v4, vm0, $0xb8;
	[tilespmem:$0x18100] =	vst v63  }
0x6b: {  	_ = 	snop  }
0x6c: {  	[tilespmem:s12], [sflag:$0x2] =	stream.indirect_vreg.gather [hbm4b:s3+s2], $0x80, v3, vm0, $0xb8;
	[tilespmem:$0x18100] =	vst v63  }
0x6d: {  	_ = 	snop  }
0x6e: {  	[tilespmem:s13], [sflag:$0x2] =	stream.indirect_vreg.gather [hbm4b:s6+s2], $0x80, v3, vm0, $0xb8;
	[tilespmem:$0x18100] =	vst v63  }
0x6f: {  	_ =	swait.ge [sflag:s14], $0x4000  }
0x70: {  	[sflag:s14] =	ssyncset.done $0x0  }
0x71: {  	[sflag:s14] =	ssyncadd.s32 $0xFFFFC000  }
0x72: {  	_ =	swait.ge [sflag:s15], $0x4000  }
0x73: {  	s0 =	sand.u32 $0x3000, s2;
	s1 =	sand.u32 $0x380, s2;
	[sflag:s15] =	ssyncset.done $0x0  }
0x74: {  	s29 =	sor.u32 s1, s0;
	[sflag:s15] =	ssyncadd.s32 $0xFFFFC000  }
0x75: {  	v3 =	vld [tilespmem:s29+$0xCD70]  }
0x76: {  	v4 =	vld [tilespmem:s29+$0xC100]  }
0x77: {  	v5 =	vld [tilespmem:s29+$0xC110]  }
0x78: {  	v6 =	vld [tilespmem:s29+$0xC120]  }
0x79: {  	v7 =	vld [tilespmem:s29+$0xC130]  }
0x7a: {  	v8 =	vld [tilespmem:s29+$0xC140]  }
0x7b: {  	v9 =	vld [tilespmem:s29+$0xC150]  }
0x7c: {  	v10 =	vld [tilespmem:s29+$0xC160]  }
0x7d: {  	v11 =	vld [tilespmem:s29+$0xC170]  }
0x7e: {  	v12 =	vld [tilespmem:s29+$0xC500]  }
0x7f: {  	v13 =	vld [tilespmem:s29+$0xC510]  }
0x80: {  	v14 =	vld [tilespmem:s29+$0xC520]  }
0x81: {  	v15 =	vld [tilespmem:s29+$0xC530]  }
0x82: {  	v16 =	vld [tilespmem:s29+$0xC540]  }
0x83: {  	v17 =	vld [tilespmem:s29+$0xC550]  }
0x84: {  	v18 =	vld [tilespmem:s29+$0xC560]  }
0x85: {  	v19 =	vld [tilespmem:s29+$0xC570]  }
0x86: {  	v20 =	vld [tilespmem:s29+$0xC900]  }
0x87: {  	v21 =	vld [tilespmem:s29+$0xC910]  }
0x88: {  	v22 =	vld [tilespmem:s29+$0xC920]  }
0x89: {  	v23 =	vld [tilespmem:s29+$0xC930]  }
0x8a: {  	v24 =	vld [tilespmem:s29+$0xC940]  }
0x8b: {  	v25 =	vld [tilespmem:s29+$0xC950]  }
0x8c: {  	v26 =	vld [tilespmem:s29+$0xC960]  }
0x8d: {  	v27 =	vld [tilespmem:s29+$0xC970]  }
0x8e: {  	v28 =	vld [tilespmem:s29+$0xCD00]  }
0x8f: {  	v29 =	vld [tilespmem:s29+$0xCD10]  }
0x90: {  	v30 =	vld [tilespmem:s29+$0xCD20]  }
0x91: {  	v31 =	vld [tilespmem:s29+$0xCD30]  }
0x92: {  	v32 =	vld [tilespmem:s29+$0xCD40]  }
0x93: {  	v33 =	vld [tilespmem:s29+$0xCD50]  }
0x94: {  	[tilespmem:s29+$0xD70] =	vst.add.f32.msk $0xffff, v3  }
0x95: {  	v3 =	vld [tilespmem:s29+$0xCD60]  }
0x96: {  	[tilespmem:s29+$0x100] =	vst.add.f32.msk $0xffff, v4  }
0x97: {  	[tilespmem:s29+$0x110] =	vst.add.f32.msk $0xffff, v5  }
0x98: {  	[tilespmem:s29+$0x120] =	vst.add.f32.msk $0xffff, v6  }
0x99: {  	[tilespmem:s29+$0x130] =	vst.add.f32.msk $0xffff, v7  }
0x9a: {  	[tilespmem:s29+$0x140] =	vst.add.f32.msk $0xffff, v8  }
0x9b: {  	[tilespmem:s29+$0x150] =	vst.add.f32.msk $0xffff, v9  }
0x9c: {  	[tilespmem:s29+$0x160] =	vst.add.f32.msk $0xffff, v10  }
0x9d: {  	[tilespmem:s29+$0x170] =	vst.add.f32.msk $0xffff, v11  }
0x9e: {  	[tilespmem:s29+$0x500] =	vst.add.f32.msk $0xffff, v12  }
0x9f: {  	[tilespmem:s29+$0x510] =	vst.add.f32.msk $0xffff, v13  }
0xa0: {  	[tilespmem:s29+$0x520] =	vst.add.f32.msk $0xffff, v14  }
0xa1: {  	[tilespmem:s29+$0x530] =	vst.add.f32.msk $0xffff, v15  }
0xa2: {  	[tilespmem:s29+$0x540] =	vst.add.f32.msk $0xffff, v16  }
0xa3: {  	[tilespmem:s29+$0x550] =	vst.add.f32.msk $0xffff, v17  }
0xa4: {  	[tilespmem:s29+$0x560] =	vst.add.f32.msk $0xffff, v18  }
0xa5: {  	[tilespmem:s29+$0x570] =	vst.add.f32.msk $0xffff, v19  }
0xa6: {  	[tilespmem:s29+$0x900] =	vst.add.f32.msk $0xffff, v20  }
0xa7: {  	[tilespmem:s29+$0x910] =	vst.add.f32.msk $0xffff, v21  }
0xa8: {  	[tilespmem:s29+$0x920] =	vst.add.f32.msk $0xffff, v22  }
0xa9: {  	[tilespmem:s29+$0x930] =	vst.add.f32.msk $0xffff, v23  }
0xaa: {  	[tilespmem:s29+$0x940] =	vst.add.f32.msk $0xffff, v24  }
0xab: {  	[tilespmem:s29+$0x950] =	vst.add.f32.msk $0xffff, v25  }
0xac: {  	[tilespmem:s29+$0x960] =	vst.add.f32.msk $0xffff, v26  }
0xad: {  	[tilespmem:s29+$0x970] =	vst.add.f32.msk $0xffff, v27  }
0xae: {  	[tilespmem:s29+$0xD00] =	vst.add.f32.msk $0xffff, v28  }
0xaf: {  	[tilespmem:s29+$0xD10] =	vst.add.f32.msk $0xffff, v29  }
0xb0: {  	[tilespmem:s29+$0xD20] =	vst.add.f32.msk $0xffff, v30  }
0xb1: {  	[tilespmem:s29+$0xD30] =	vst.add.f32.msk $0xffff, v31  }
0xb2: {  	s30 =	simm.s32 $0x80;
	s1 =	simm.s32 $0x200;
	[tilespmem:s29+$0xD40] =	vst.add.f32.msk $0xffff, v32  }
0xb3: {  	s31 =	simm.s32 $0x400;
	s0 =	sand.u32 $0x3000, s1;
	s1 =	sand.u32 $0x380, s30;
	[tilespmem:s29+$0xD50] =	vst.add.f32.msk $0xffff, v33  }
.LBB2_2:
0xb4: {  	p0 =	sne.s32 s31, $0x3E00;
	[tilespmem:s29+$0xD60] =	vst.add.f32.msk $0xffff, v3;
	s29 =	sor.u32 s1, s0  }
0xb5: {  	v3 =	vld [tilespmem:s29+$0xCD70]  }
0xb6: {  	v4 =	vld [tilespmem:s29+$0xC100]  }
0xb7: {  	v5 =	vld [tilespmem:s29+$0xC110]  }
0xb8: {  	v6 =	vld [tilespmem:s29+$0xC120]  }
0xb9: {  	v7 =	vld [tilespmem:s29+$0xC130]  }
0xba: {  	[tilespmem:s29+$0xD70] =	vst.add.f32.msk $0xffff, v3  }
0xbb: {  	v8 =	vld [tilespmem:s29+$0xC140]  }
0xbc: {  	v9 =	vld [tilespmem:s29+$0xC150]  }
0xbd: {  	v10 =	vld [tilespmem:s29+$0xC160]  }
0xbe: {  	v11 =	vld [tilespmem:s29+$0xC170]  }
0xbf: {  	v12 =	vld [tilespmem:s29+$0xC500]  }
0xc0: {  	v13 =	vld [tilespmem:s29+$0xC510]  }
0xc1: {  	v14 =	vld [tilespmem:s29+$0xC520]  }
0xc2: {  	v15 =	vld [tilespmem:s29+$0xC530]  }
0xc3: {  	v16 =	vld [tilespmem:s29+$0xC540]  }
0xc4: {  	v17 =	vld [tilespmem:s29+$0xC550]  }
0xc5: {  	v18 =	vld [tilespmem:s29+$0xC560]  }
0xc6: {  	v19 =	vld [tilespmem:s29+$0xC570]  }
0xc7: {  	v20 =	vld [tilespmem:s29+$0xC900]  }
0xc8: {  	v21 =	vld [tilespmem:s29+$0xC910]  }
0xc9: {  	v22 =	vld [tilespmem:s29+$0xC920]  }
0xca: {  	v23 =	vld [tilespmem:s29+$0xC930]  }
0xcb: {  	v24 =	vld [tilespmem:s29+$0xC940]  }
0xcc: {  	v25 =	vld [tilespmem:s29+$0xC950]  }
0xcd: {  	v26 =	vld [tilespmem:s29+$0xC960]  }
0xce: {  	v27 =	vld [tilespmem:s29+$0xC970]  }
0xcf: {  	v28 =	vld [tilespmem:s29+$0xCD00]  }
0xd0: {  	v29 =	vld [tilespmem:s29+$0xCD10]  }
0xd1: {  	v30 =	vld [tilespmem:s29+$0xCD20]  }
0xd2: {  	v31 =	vld [tilespmem:s29+$0xCD30]  }
0xd3: {  	v32 =	vld [tilespmem:s29+$0xCD40]  }
0xd4: {  	v33 =	vld [tilespmem:s29+$0xCD50]  }
0xd5: {  	v3 =	vld [tilespmem:s29+$0xCD60]  }
0xd6: {  	[tilespmem:s29+$0x100] =	vst.add.f32.msk $0xffff, v4  }
0xd7: {  	[tilespmem:s29+$0x110] =	vst.add.f32.msk $0xffff, v5  }
0xd8: {  	[tilespmem:s29+$0x120] =	vst.add.f32.msk $0xffff, v6  }
0xd9: {  	[tilespmem:s29+$0x130] =	vst.add.f32.msk $0xffff, v7  }
0xda: {  	[tilespmem:s29+$0x140] =	vst.add.f32.msk $0xffff, v8  }
0xdb: {  	[tilespmem:s29+$0x150] =	vst.add.f32.msk $0xffff, v9  }
0xdc: {  	[tilespmem:s29+$0x160] =	vst.add.f32.msk $0xffff, v10  }
0xdd: {  	[tilespmem:s29+$0x170] =	vst.add.f32.msk $0xffff, v11  }
0xde: {  	[tilespmem:s29+$0x500] =	vst.add.f32.msk $0xffff, v12  }
0xdf: {  	[tilespmem:s29+$0x510] =	vst.add.f32.msk $0xffff, v13  }
0xe0: {  	[tilespmem:s29+$0x520] =	vst.add.f32.msk $0xffff, v14  }
0xe1: {  	[tilespmem:s29+$0x530] =	vst.add.f32.msk $0xffff, v15  }
0xe2: {  	[tilespmem:s29+$0x540] =	vst.add.f32.msk $0xffff, v16  }
0xe3: {  	[tilespmem:s29+$0x550] =	vst.add.f32.msk $0xffff, v17  }
0xe4: {  	[tilespmem:s29+$0x560] =	vst.add.f32.msk $0xffff, v18  }
0xe5: {  	[tilespmem:s29+$0x570] =	vst.add.f32.msk $0xffff, v19  }
0xe6: {  	[tilespmem:s29+$0x900] =	vst.add.f32.msk $0xffff, v20  }
0xe7: {  	[tilespmem:s29+$0x910] =	vst.add.f32.msk $0xffff, v21  }
0xe8: {  	[tilespmem:s29+$0x920] =	vst.add.f32.msk $0xffff, v22  }
0xe9: {  	[tilespmem:s29+$0x930] =	vst.add.f32.msk $0xffff, v23  }
0xea: {  	[tilespmem:s29+$0x940] =	vst.add.f32.msk $0xffff, v24  }
0xeb: {  	[tilespmem:s29+$0x950] =	vst.add.f32.msk $0xffff, v25  }
0xec: {  	[tilespmem:s29+$0x960] =	vst.add.f32.msk $0xffff, v26  }
0xed: {  	[tilespmem:s29+$0x970] =	vst.add.f32.msk $0xffff, v27  }
0xee: {  	[tilespmem:s29+$0xD00] =	vst.add.f32.msk $0xffff, v28  }
.Ltmp0:
0xef: {  	[tilespmem:s29+$0xD10] =	vst.add.f32.msk $0xffff, v29;
	(pc) =	sbr.rel @p0 .LBB2_2-.Ltmp0, $4  }
0xf0: {  	[tilespmem:s29+$0xD20] =	vst.add.f32.msk $0xffff, v30  }
0xf1: {  	[tilespmem:s29+$0xD30] =	vst.add.f32.msk $0xffff, v31  }
0xf2: {  	s30 =	sadd.s32 $0x80, s30;
	[tilespmem:s29+$0xD40] =	vst.add.f32.msk $0xffff, v32  }
0xf3: {  	s0 =	sand.u32 $0x3000, s31;
	s31 =	sadd.s32 $0x200, s31;
	s1 =	sand.u32 $0x380, s30;
	[tilespmem:s29+$0xD50] =	vst.add.f32.msk $0xffff, v33  }
0xf4: {  	s30 =	sor.u32 s1, s0;
	[tilespmem:s29+$0xD60] =	vst.add.f32.msk $0xffff, v3  }
0xf5: {  	v3 =	vld [tilespmem:s30+$0xCD70]  }
0xf6: {  	v4 =	vld [tilespmem:s30+$0xC100]  }
0xf7: {  	v5 =	vld [tilespmem:s30+$0xC110]  }
0xf8: {  	v6 =	vld [tilespmem:s30+$0xC120]  }
0xf9: {  	v7 =	vld [tilespmem:s30+$0xC130]  }
0xfa: {  	v8 =	vld [tilespmem:s30+$0xC150]  }
0xfb: {  	v9 =	vld [tilespmem:s30+$0xC160]  }
0xfc: {  	v10 =	vld [tilespmem:s30+$0xC170]  }
0xfd: {  	v11 =	vld [tilespmem:s30+$0xC500]  }
0xfe: {  	v12 =	vld [tilespmem:s30+$0xC510]  }
0xff: {  	v13 =	vld [tilespmem:s30+$0xC520]  }
0x100: {  	v14 =	vld [tilespmem:s30+$0xC530]  }
0x101: {  	v15 =	vld [tilespmem:s30+$0xC540]  }
0x102: {  	v16 =	vld [tilespmem:s30+$0xC550]  }
0x103: {  	v17 =	vld [tilespmem:s30+$0xC560]  }
0x104: {  	v18 =	vld [tilespmem:s30+$0xC570]  }
0x105: {  	v19 =	vld [tilespmem:s30+$0xC900]  }
0x106: {  	v20 =	vld [tilespmem:s30+$0xC910]  }
0x107: {  	v21 =	vld [tilespmem:s30+$0xC920]  }
0x108: {  	v22 =	vld [tilespmem:s30+$0xC930]  }
0x109: {  	v23 =	vld [tilespmem:s30+$0xC940]  }
0x10a: {  	v24 =	vld [tilespmem:s30+$0xC950]  }
0x10b: {  	v25 =	vld [tilespmem:s30+$0xC960]  }
0x10c: {  	v26 =	vld [tilespmem:s30+$0xC970]  }
0x10d: {  	v27 =	vld [tilespmem:s30+$0xCD00]  }
0x10e: {  	v28 =	vld [tilespmem:s30+$0xCD10]  }
0x10f: {  	v29 =	vld [tilespmem:s30+$0xCD20]  }
0x110: {  	v30 =	vld [tilespmem:s30+$0xCD30]  }
0x111: {  	v31 =	vld [tilespmem:s30+$0xCD40]  }
0x112: {  	v32 =	vld [tilespmem:s30+$0xCD50]  }
0x113: {  	v33 =	vld [tilespmem:s30+$0xCD60]  }
0x114: {  	[tilespmem:s30+$0xD70] =	vst.add.f32.msk $0xffff, v3  }
0x115: {  	v3 =	vld [tilespmem:s30+$0xC140]  }
0x116: {  	[tilespmem:s30+$0x100] =	vst.add.f32.msk $0xffff, v4  }
0x117: {  	[tilespmem:s30+$0x110] =	vst.add.f32.msk $0xffff, v5  }
0x118: {  	[tilespmem:s30+$0x120] =	vst.add.f32.msk $0xffff, v6  }
0x119: {  	[tilespmem:s30+$0x130] =	vst.add.f32.msk $0xffff, v7  }
0x11a: {  	[tilespmem:s30+$0x150] =	vst.add.f32.msk $0xffff, v8  }
0x11b: {  	[tilespmem:s30+$0x160] =	vst.add.f32.msk $0xffff, v9  }
0x11c: {  	[tilespmem:s30+$0x170] =	vst.add.f32.msk $0xffff, v10  }
0x11d: {  	[tilespmem:s30+$0x500] =	vst.add.f32.msk $0xffff, v11  }
0x11e: {  	[tilespmem:s30+$0x510] =	vst.add.f32.msk $0xffff, v12  }
0x11f: {  	[tilespmem:s30+$0x520] =	vst.add.f32.msk $0xffff, v13  }
0x120: {  	[tilespmem:s30+$0x530] =	vst.add.f32.msk $0xffff, v14  }
0x121: {  	[tilespmem:s30+$0x540] =	vst.add.f32.msk $0xffff, v15  }
0x122: {  	[tilespmem:s30+$0x550] =	vst.add.f32.msk $0xffff, v16  }
0x123: {  	[tilespmem:s30+$0x560] =	vst.add.f32.msk $0xffff, v17  }
0x124: {  	[tilespmem:s30+$0x570] =	vst.add.f32.msk $0xffff, v18  }
0x125: {  	[tilespmem:s30+$0x900] =	vst.add.f32.msk $0xffff, v19  }
0x126: {  	[tilespmem:s30+$0x910] =	vst.add.f32.msk $0xffff, v20  }
0x127: {  	[tilespmem:s30+$0x920] =	vst.add.f32.msk $0xffff, v21  }
0x128: {  	[tilespmem:s30+$0x930] =	vst.add.f32.msk $0xffff, v22  }
0x129: {  	[tilespmem:s30+$0x940] =	vst.add.f32.msk $0xffff, v23  }
0x12a: {  	[tilespmem:s30+$0x950] =	vst.add.f32.msk $0xffff, v24  }
0x12b: {  	[tilespmem:s30+$0x960] =	vst.add.f32.msk $0xffff, v25  }
0x12c: {  	[tilespmem:s30+$0x970] =	vst.add.f32.msk $0xffff, v26  }
0x12d: {  	[tilespmem:s30+$0xD00] =	vst.add.f32.msk $0xffff, v27  }
0x12e: {  	[tilespmem:s30+$0xD10] =	vst.add.f32.msk $0xffff, v28  }
0x12f: {  	[tilespmem:s30+$0xD20] =	vst.add.f32.msk $0xffff, v29  }
0x130: {  	[tilespmem:s30+$0xD30] =	vst.add.f32.msk $0xffff, v30  }
0x131: {  	[tilespmem:s30+$0xD40] =	vst.add.f32.msk $0xffff, v31  }
0x132: {  	[tilespmem:s30+$0xD50] =	vst.add.f32.msk $0xffff, v32  }
0x133: {  	[tilespmem:s30+$0xD60] =	vst.add.f32.msk $0xffff, v33  }
0x134: {  	s0 =	simm.s32 $0x0;
	s1 =	rddreg [dreg:$0x7];
	[tilespmem:s30+$0x140] =	vst.add.f32.msk $0xffff, v3  }
0x135: {  	[hbm4b:s1+s0] =	stream.linear.scatter [tilespmem:s28], [sflag:$0x7], $0x4000, $0x38;
	[tilespmem:$0x18100] =	vst v63  }
0x136: {  	s29 =	simm.s32 $0x14100;
	s1 =	rddreg [dreg:$0x8]  }
0x137: {  	[tilespmem:s29], [sflag:$0x6] =	stream.linear.gather [hbm4b:s1+s0], $0x4000, $0x38;
	[tilespmem:$0x18100] =	vst v63  }
0x138: {  	v3 =	vld [tilespmem:$0x40];
	_ =	sdelay $0x4  }
0x139: {  	v4 =	vshll.u32 v3, $0x2  }
0x13a: {  	v3 =	vand.u32 $0x7, v3;
	v4 =	vand.u32 $0xFFFFFFE0, v4  }
0x13b: {  	v3 =	vor.u32 v3, v4  }
0x13c: {  	v4 =	vperm.xlane v3, v0;
	_ =	sdelay $0x1  }
0x13d: {  	v4 =	vadd.s32 v1, v4;
	_ =	sdelay $0x1  }
0x13e: {  	v3 =	vperm.xlane v3, v2;
	_ =	sdelay $0x1  }
0x13f: {  	v3 =	vadd.s32 v1, v3  }
0x140: {  	[tilespmem:s16], [sflag:$0x3] =	stream.indirect_vreg.gather [hbm4b:s3+s0], $0x80, v4, vm0, $0xb8;
	[tilespmem:$0x18100] =	vst v63  }
0x141: {  	s1 =	simm.s32 $0x8900  }
0x142: {  	[tilespmem:s1], [sflag:$0x3] =	stream.indirect_vreg.gather [hbm4b:s6+s0], $0x80, v4, vm0, $0xb8;
	[tilespmem:$0x18100] =	vst v63  }
0x143: {  	s1 =	simm.s32 $0x9100  }
0x144: {  	[tilespmem:s1], [sflag:$0x3] =	stream.indirect_vreg.gather [hbm4b:s3+s0], $0x80, v3, vm0, $0xb8;
	[tilespmem:$0x18100] =	vst v63  }
0x145: {  	s1 =	simm.s32 $0x9900  }
0x146: {  	[tilespmem:s1], [sflag:$0x3] =	stream.indirect_vreg.gather [hbm4b:s6+s0], $0x80, v3, vm0, $0xb8;
	[tilespmem:$0x18100] =	vst v63  }
0x147: {  	v3 =	vld [tilespmem:$0x50];
	_ =	sdelay $0x4  }
0x148: {  	v4 =	vshll.u32 v3, $0x2  }
0x149: {  	v3 =	vand.u32 $0x7, v3;
	v4 =	vand.u32 $0xFFFFFFE0, v4  }
0x14a: {  	v3 =	vor.u32 v3, v4  }
0x14b: {  	v4 =	vperm.xlane v3, v0;
	_ =	sdelay $0x1  }
0x14c: {  	v4 =	vadd.s32 v1, v4;
	_ =	sdelay $0x1  }
0x14d: {  	v3 =	vperm.xlane v3, v2;
	_ =	sdelay $0x1  }
0x14e: {  	s1 =	simm.s32 $0xA100;
	v3 =	vadd.s32 v1, v3  }
0x14f: {  	[tilespmem:s1], [sflag:$0x3] =	stream.indirect_vreg.gather [hbm4b:s3+s0], $0x80, v4, vm0, $0xb8;
	[tilespmem:$0x18100] =	vst v63  }
0x150: {  	s1 =	simm.s32 $0xA900  }
0x151: {  	[tilespmem:s1], [sflag:$0x3] =	stream.indirect_vreg.gather [hbm4b:s6+s0], $0x80, v4, vm0, $0xb8;
	[tilespmem:$0x18100] =	vst v63  }
0x152: {  	s1 =	simm.s32 $0xB100  }
0x153: {  	[tilespmem:s1], [sflag:$0x3] =	stream.indirect_vreg.gather [hbm4b:s3+s0], $0x80, v3, vm0, $0xb8;
	[tilespmem:$0x18100] =	vst v63  }
0x154: {  	s1 =	simm.s32 $0xB900  }
0x155: {  	[tilespmem:s1], [sflag:$0x3] =	stream.indirect_vreg.gather [hbm4b:s6+s0], $0x80, v3, vm0, $0xb8;
	[tilespmem:$0x18100] =	vst v63  }
0x156: {  	_ =	swait.ge [sflag:s18], $0x4000  }
0x157: {  	[sflag:s18] =	ssyncset.done $0x0  }
0x158: {  	[sflag:s18] =	ssyncadd.s32 $0xFFFFC000  }
0x159: {  	_ =	swait.ge [sflag:s17], $0x4000  }
0x15a: {  	s1 =	sand.u32 $0x3000, s0;
	s0 =	sand.u32 $0x380, s0;
	[sflag:s17] =	ssyncset.done $0x0  }
0x15b: {  	s29 =	sor.u32 s0, s1;
	[sflag:s17] =	ssyncadd.s32 $0xFFFFC000  }
0x15c: {  	v3 =	vld [tilespmem:s29+$0x10D70]  }
0x15d: {  	v4 =	vld [tilespmem:s29+$0x10100]  }
0x15e: {  	v5 =	vld [tilespmem:s29+$0x10110]  }
0x15f: {  	v36 =	vld [tilespmem:s29+$0x10120]  }
0x160: {  	v37 =	vld [tilespmem:s29+$0x10130]  }
0x161: {  	v38 =	vld [tilespmem:s29+$0x10140]  }
0x162: {  	v39 =	vld [tilespmem:s29+$0x10150]  }
0x163: {  	v40 =	vld [tilespmem:s29+$0x10160]  }
0x164: {  	v41 =	vld [tilespmem:s29+$0x10170]  }
0x165: {  	v42 =	vld [tilespmem:s29+$0x10500]  }
0x166: {  	v43 =	vld [tilespmem:s29+$0x10510]  }
0x167: {  	v44 =	vld [tilespmem:s29+$0x10520]  }
0x168: {  	v45 =	vld [tilespmem:s29+$0x10530]  }
0x169: {  	v46 =	vld [tilespmem:s29+$0x10540]  }
0x16a: {  	v47 =	vld [tilespmem:s29+$0x10550]  }
0x16b: {  	v48 =	vld [tilespmem:s29+$0x10560]  }
0x16c: {  	v49 =	vld [tilespmem:s29+$0x10570]  }
0x16d: {  	v50 =	vld [tilespmem:s29+$0x10900]  }
0x16e: {  	v51 =	vld [tilespmem:s29+$0x10910]  }
0x16f: {  	v52 =	vld [tilespmem:s29+$0x10920]  }
0x170: {  	v53 =	vld [tilespmem:s29+$0x10930]  }
0x171: {  	v54 =	vld [tilespmem:s29+$0x10940]  }
0x172: {  	v55 =	vld [tilespmem:s29+$0x10950]  }
0x173: {  	v56 =	vld [tilespmem:s29+$0x10960]  }
0x174: {  	v57 =	vld [tilespmem:s29+$0x10970]  }
0x175: {  	v58 =	vld [tilespmem:s29+$0x10D00]  }
0x176: {  	v59 =	vld [tilespmem:s29+$0x10D10]  }
0x177: {  	v60 =	vld [tilespmem:s29+$0x10D20]  }
0x178: {  	v61 =	vld [tilespmem:s29+$0x10D30]  }
0x179: {  	v62 =	vld [tilespmem:s29+$0x10D40]  }
0x17a: {  	v63 =	vld [tilespmem:s29+$0x10D50]  }
0x17b: {  	[tilespmem:s29+$0x4D70] =	vst.add.f32.msk $0xffff, v3  }
0x17c: {  	v3 =	vld [tilespmem:s29+$0x10D60]  }
0x17d: {  	[tilespmem:s29+$0x4100] =	vst.add.f32.msk $0xffff, v4  }
0x17e: {  	[tilespmem:s29+$0x4110] =	vst.add.f32.msk $0xffff, v5  }
0x17f: {  	[tilespmem:s29+$0x4120] =	vst.add.f32.msk $0xffff, v36  }
0x180: {  	[tilespmem:s29+$0x4130] =	vst.add.f32.msk $0xffff, v37  }
0x181: {  	[tilespmem:s29+$0x4140] =	vst.add.f32.msk $0xffff, v38  }
0x182: {  	[tilespmem:s29+$0x4150] =	vst.add.f32.msk $0xffff, v39  }
0x183: {  	[tilespmem:s29+$0x4160] =	vst.add.f32.msk $0xffff, v40  }
0x184: {  	[tilespmem:s29+$0x4170] =	vst.add.f32.msk $0xffff, v41  }
0x185: {  	[tilespmem:s29+$0x4500] =	vst.add.f32.msk $0xffff, v42  }
0x186: {  	[tilespmem:s29+$0x4510] =	vst.add.f32.msk $0xffff, v43  }
0x187: {  	[tilespmem:s29+$0x4520] =	vst.add.f32.msk $0xffff, v44  }
0x188: {  	[tilespmem:s29+$0x4530] =	vst.add.f32.msk $0xffff, v45  }
0x189: {  	[tilespmem:s29+$0x4540] =	vst.add.f32.msk $0xffff, v46  }
0x18a: {  	[tilespmem:s29+$0x4550] =	vst.add.f32.msk $0xffff, v47  }
0x18b: {  	[tilespmem:s29+$0x4560] =	vst.add.f32.msk $0xffff, v48  }
0x18c: {  	[tilespmem:s29+$0x4570] =	vst.add.f32.msk $0xffff, v49  }
0x18d: {  	[tilespmem:s29+$0x4900] =	vst.add.f32.msk $0xffff, v50  }
0x18e: {  	[tilespmem:s29+$0x4910] =	vst.add.f32.msk $0xffff, v51  }
0x18f: {  	[tilespmem:s29+$0x4920] =	vst.add.f32.msk $0xffff, v52  }
0x190: {  	[tilespmem:s29+$0x4930] =	vst.add.f32.msk $0xffff, v53  }
0x191: {  	[tilespmem:s29+$0x4940] =	vst.add.f32.msk $0xffff, v54  }
0x192: {  	[tilespmem:s29+$0x4950] =	vst.add.f32.msk $0xffff, v55  }
0x193: {  	[tilespmem:s29+$0x4960] =	vst.add.f32.msk $0xffff, v56  }
0x194: {  	[tilespmem:s29+$0x4970] =	vst.add.f32.msk $0xffff, v57  }
0x195: {  	[tilespmem:s29+$0x4D00] =	vst.add.f32.msk $0xffff, v58  }
0x196: {  	[tilespmem:s29+$0x4D10] =	vst.add.f32.msk $0xffff, v59  }
0x197: {  	[tilespmem:s29+$0x4D20] =	vst.add.f32.msk $0xffff, v60  }
0x198: {  	[tilespmem:s29+$0x4D30] =	vst.add.f32.msk $0xffff, v61  }
0x199: {  	s30 =	simm.s32 $0x80;
	s1 =	simm.s32 $0x200;
	[tilespmem:s29+$0x4D40] =	vst.add.f32.msk $0xffff, v62  }
0x19a: {  	s31 =	simm.s32 $0x400;
	s0 =	sand.u32 $0x3000, s1;
	s1 =	sand.u32 $0x380, s30;
	[tilespmem:s29+$0x4D50] =	vst.add.f32.msk $0xffff, v63  }
.LBB2_4:
0x19b: {  	p0 =	sne.s32 s31, $0x3E00;
	[tilespmem:s29+$0x4D60] =	vst.add.f32.msk $0xffff, v3;
	s29 =	sor.u32 s1, s0  }
0x19c: {  	v3 =	vld [tilespmem:s29+$0x10D70]  }
0x19d: {  	v4 =	vld [tilespmem:s29+$0x10100]  }
0x19e: {  	v5 =	vld [tilespmem:s29+$0x10110]  }
0x19f: {  	v6 =	vld [tilespmem:s29+$0x10120]  }
0x1a0: {  	v7 =	vld [tilespmem:s29+$0x10130]  }
0x1a1: {  	[tilespmem:s29+$0x4D70] =	vst.add.f32.msk $0xffff, v3  }
0x1a2: {  	v8 =	vld [tilespmem:s29+$0x10140]  }
0x1a3: {  	v9 =	vld [tilespmem:s29+$0x10150]  }
0x1a4: {  	v10 =	vld [tilespmem:s29+$0x10160]  }
0x1a5: {  	v11 =	vld [tilespmem:s29+$0x10170]  }
0x1a6: {  	v12 =	vld [tilespmem:s29+$0x10500]  }
0x1a7: {  	v13 =	vld [tilespmem:s29+$0x10510]  }
0x1a8: {  	v14 =	vld [tilespmem:s29+$0x10520]  }
0x1a9: {  	v15 =	vld [tilespmem:s29+$0x10530]  }
0x1aa: {  	v16 =	vld [tilespmem:s29+$0x10540]  }
0x1ab: {  	v17 =	vld [tilespmem:s29+$0x10550]  }
0x1ac: {  	v18 =	vld [tilespmem:s29+$0x10560]  }
0x1ad: {  	v19 =	vld [tilespmem:s29+$0x10570]  }
0x1ae: {  	v20 =	vld [tilespmem:s29+$0x10900]  }
0x1af: {  	v21 =	vld [tilespmem:s29+$0x10910]  }
0x1b0: {  	v22 =	vld [tilespmem:s29+$0x10920]  }
0x1b1: {  	v23 =	vld [tilespmem:s29+$0x10930]  }
0x1b2: {  	v24 =	vld [tilespmem:s29+$0x10940]  }
0x1b3: {  	v25 =	vld [tilespmem:s29+$0x10950]  }
0x1b4: {  	v26 =	vld [tilespmem:s29+$0x10960]  }
0x1b5: {  	v27 =	vld [tilespmem:s29+$0x10970]  }
0x1b6: {  	v28 =	vld [tilespmem:s29+$0x10D00]  }
0x1b7: {  	v29 =	vld [tilespmem:s29+$0x10D10]  }
0x1b8: {  	v30 =	vld [tilespmem:s29+$0x10D20]  }
0x1b9: {  	v31 =	vld [tilespmem:s29+$0x10D30]  }
0x1ba: {  	v32 =	vld [tilespmem:s29+$0x10D40]  }
0x1bb: {  	v33 =	vld [tilespmem:s29+$0x10D50]  }
0x1bc: {  	v3 =	vld [tilespmem:s29+$0x10D60]  }
0x1bd: {  	[tilespmem:s29+$0x4100] =	vst.add.f32.msk $0xffff, v4  }
0x1be: {  	[tilespmem:s29+$0x4110] =	vst.add.f32.msk $0xffff, v5  }
0x1bf: {  	[tilespmem:s29+$0x4120] =	vst.add.f32.msk $0xffff, v6  }
0x1c0: {  	[tilespmem:s29+$0x4130] =	vst.add.f32.msk $0xffff, v7  }
0x1c1: {  	[tilespmem:s29+$0x4140] =	vst.add.f32.msk $0xffff, v8  }
0x1c2: {  	[tilespmem:s29+$0x4150] =	vst.add.f32.msk $0xffff, v9  }
0x1c3: {  	[tilespmem:s29+$0x4160] =	vst.add.f32.msk $0xffff, v10  }
0x1c4: {  	[tilespmem:s29+$0x4170] =	vst.add.f32.msk $0xffff, v11  }
0x1c5: {  	[tilespmem:s29+$0x4500] =	vst.add.f32.msk $0xffff, v12  }
0x1c6: {  	[tilespmem:s29+$0x4510] =	vst.add.f32.msk $0xffff, v13  }
0x1c7: {  	[tilespmem:s29+$0x4520] =	vst.add.f32.msk $0xffff, v14  }
0x1c8: {  	[tilespmem:s29+$0x4530] =	vst.add.f32.msk $0xffff, v15  }
0x1c9: {  	[tilespmem:s29+$0x4540] =	vst.add.f32.msk $0xffff, v16  }
0x1ca: {  	[tilespmem:s29+$0x4550] =	vst.add.f32.msk $0xffff, v17  }
0x1cb: {  	[tilespmem:s29+$0x4560] =	vst.add.f32.msk $0xffff, v18  }
0x1cc: {  	[tilespmem:s29+$0x4570] =	vst.add.f32.msk $0xffff, v19  }
0x1cd: {  	[tilespmem:s29+$0x4900] =	vst.add.f32.msk $0xffff, v20  }
0x1ce: {  	[tilespmem:s29+$0x4910] =	vst.add.f32.msk $0xffff, v21  }
0x1cf: {  	[tilespmem:s29+$0x4920] =	vst.add.f32.msk $0xffff, v22  }
0x1d0: {  	[tilespmem:s29+$0x4930] =	vst.add.f32.msk $0xffff, v23  }
0x1d1: {  	[tilespmem:s29+$0x4940] =	vst.add.f32.msk $0xffff, v24  }
0x1d2: {  	[tilespmem:s29+$0x4950] =	vst.add.f32.msk $0xffff, v25  }
0x1d3: {  	[tilespmem:s29+$0x4960] =	vst.add.f32.msk $0xffff, v26  }
0x1d4: {  	[tilespmem:s29+$0x4970] =	vst.add.f32.msk $0xffff, v27  }
0x1d5: {  	[tilespmem:s29+$0x4D00] =	vst.add.f32.msk $0xffff, v28  }
.Ltmp1:
0x1d6: {  	[tilespmem:s29+$0x4D10] =	vst.add.f32.msk $0xffff, v29;
	(pc) =	sbr.rel @p0 .LBB2_4-.Ltmp1, $4  }
0x1d7: {  	[tilespmem:s29+$0x4D20] =	vst.add.f32.msk $0xffff, v30  }
0x1d8: {  	[tilespmem:s29+$0x4D30] =	vst.add.f32.msk $0xffff, v31  }
0x1d9: {  	s30 =	sadd.s32 $0x80, s30;
	[tilespmem:s29+$0x4D40] =	vst.add.f32.msk $0xffff, v32  }
0x1da: {  	s0 =	sand.u32 $0x3000, s31;
	s31 =	sadd.s32 $0x200, s31;
	s1 =	sand.u32 $0x380, s30;
	[tilespmem:s29+$0x4D50] =	vst.add.f32.msk $0xffff, v33  }
0x1db: {  	s30 =	sor.u32 s1, s0;
	[tilespmem:s29+$0x4D60] =	vst.add.f32.msk $0xffff, v3  }
0x1dc: {  	v3 =	vld [tilespmem:s30+$0x10D70]  }
0x1dd: {  	v4 =	vld [tilespmem:s30+$0x10100]  }
0x1de: {  	v5 =	vld [tilespmem:s30+$0x10110]  }
0x1df: {  	v6 =	vld [tilespmem:s30+$0x10120]  }
0x1e0: {  	v7 =	vld [tilespmem:s30+$0x10130]  }
0x1e1: {  	v8 =	vld [tilespmem:s30+$0x10150]  }
0x1e2: {  	v9 =	vld [tilespmem:s30+$0x10160]  }
0x1e3: {  	v10 =	vld [tilespmem:s30+$0x10170]  }
0x1e4: {  	v11 =	vld [tilespmem:s30+$0x10500]  }
0x1e5: {  	v12 =	vld [tilespmem:s30+$0x10510]  }
0x1e6: {  	v13 =	vld [tilespmem:s30+$0x10520]  }
0x1e7: {  	v14 =	vld [tilespmem:s30+$0x10530]  }
0x1e8: {  	v15 =	vld [tilespmem:s30+$0x10540]  }
0x1e9: {  	v16 =	vld [tilespmem:s30+$0x10550]  }
0x1ea: {  	v17 =	vld [tilespmem:s30+$0x10560]  }
0x1eb: {  	v18 =	vld [tilespmem:s30+$0x10570]  }
0x1ec: {  	v19 =	vld [tilespmem:s30+$0x10900]  }
0x1ed: {  	v20 =	vld [tilespmem:s30+$0x10910]  }
0x1ee: {  	v21 =	vld [tilespmem:s30+$0x10920]  }
0x1ef: {  	v22 =	vld [tilespmem:s30+$0x10930]  }
0x1f0: {  	v23 =	vld [tilespmem:s30+$0x10940]  }
0x1f1: {  	v24 =	vld [tilespmem:s30+$0x10950]  }
0x1f2: {  	v25 =	vld [tilespmem:s30+$0x10960]  }
0x1f3: {  	v26 =	vld [tilespmem:s30+$0x10970]  }
0x1f4: {  	v27 =	vld [tilespmem:s30+$0x10D00]  }
0x1f5: {  	v28 =	vld [tilespmem:s30+$0x10D10]  }
0x1f6: {  	v29 =	vld [tilespmem:s30+$0x10D20]  }
0x1f7: {  	v30 =	vld [tilespmem:s30+$0x10D30]  }
0x1f8: {  	v31 =	vld [tilespmem:s30+$0x10D40]  }
0x1f9: {  	v32 =	vld [tilespmem:s30+$0x10D50]  }
0x1fa: {  	v33 =	vld [tilespmem:s30+$0x10D60]  }
0x1fb: {  	[tilespmem:s30+$0x4D70] =	vst.add.f32.msk $0xffff, v3  }
0x1fc: {  	v3 =	vld [tilespmem:s30+$0x10140]  }
0x1fd: {  	[tilespmem:s30+$0x4100] =	vst.add.f32.msk $0xffff, v4  }
0x1fe: {  	[tilespmem:s30+$0x4110] =	vst.add.f32.msk $0xffff, v5  }
0x1ff: {  	[tilespmem:s30+$0x4120] =	vst.add.f32.msk $0xffff, v6  }
0x200: {  	[tilespmem:s30+$0x4130] =	vst.add.f32.msk $0xffff, v7  }
0x201: {  	[tilespmem:s30+$0x4150] =	vst.add.f32.msk $0xffff, v8  }
0x202: {  	[tilespmem:s30+$0x4160] =	vst.add.f32.msk $0xffff, v9  }
0x203: {  	[tilespmem:s30+$0x4170] =	vst.add.f32.msk $0xffff, v10  }
0x204: {  	[tilespmem:s30+$0x4500] =	vst.add.f32.msk $0xffff, v11  }
0x205: {  	[tilespmem:s30+$0x4510] =	vst.add.f32.msk $0xffff, v12  }
0x206: {  	[tilespmem:s30+$0x4520] =	vst.add.f32.msk $0xffff, v13  }
0x207: {  	[tilespmem:s30+$0x4530] =	vst.add.f32.msk $0xffff, v14  }
0x208: {  	[tilespmem:s30+$0x4540] =	vst.add.f32.msk $0xffff, v15  }
0x209: {  	[tilespmem:s30+$0x4550] =	vst.add.f32.msk $0xffff, v16  }
0x20a: {  	[tilespmem:s30+$0x4560] =	vst.add.f32.msk $0xffff, v17  }
0x20b: {  	[tilespmem:s30+$0x4570] =	vst.add.f32.msk $0xffff, v18  }
0x20c: {  	[tilespmem:s30+$0x4900] =	vst.add.f32.msk $0xffff, v19  }
0x20d: {  	[tilespmem:s30+$0x4910] =	vst.add.f32.msk $0xffff, v20  }
0x20e: {  	[tilespmem:s30+$0x4920] =	vst.add.f32.msk $0xffff, v21  }
0x20f: {  	[tilespmem:s30+$0x4930] =	vst.add.f32.msk $0xffff, v22  }
0x210: {  	[tilespmem:s30+$0x4940] =	vst.add.f32.msk $0xffff, v23  }
0x211: {  	[tilespmem:s30+$0x4950] =	vst.add.f32.msk $0xffff, v24  }
0x212: {  	[tilespmem:s30+$0x4960] =	vst.add.f32.msk $0xffff, v25  }
0x213: {  	[tilespmem:s30+$0x4970] =	vst.add.f32.msk $0xffff, v26  }
0x214: {  	[tilespmem:s30+$0x4D00] =	vst.add.f32.msk $0xffff, v27  }
0x215: {  	[tilespmem:s30+$0x4D10] =	vst.add.f32.msk $0xffff, v28  }
0x216: {  	[tilespmem:s30+$0x4D20] =	vst.add.f32.msk $0xffff, v29  }
0x217: {  	[tilespmem:s30+$0x4D30] =	vst.add.f32.msk $0xffff, v30  }
0x218: {  	[tilespmem:s30+$0x4D40] =	vst.add.f32.msk $0xffff, v31  }
0x219: {  	[tilespmem:s30+$0x4D50] =	vst.add.f32.msk $0xffff, v32  }
0x21a: {  	[tilespmem:s30+$0x4D60] =	vst.add.f32.msk $0xffff, v33  }
0x21b: {  	s0 =	simm.s32 $0x0;
	s1 =	rddreg [dreg:$0x9];
	[tilespmem:s30+$0x4140] =	vst.add.f32.msk $0xffff, v3  }
0x21c: {  	[hbm4b:s1+s0] =	stream.linear.scatter [tilespmem:s5], [sflag:$0x8], $0x4000, $0x38;
	[tilespmem:$0x18100] =	vst v63  }
0x21d: {  	s29 =	simm.s32 $0xC100;
	s1 =	rddreg [dreg:$0xa]  }
0x21e: {  	[tilespmem:s29], [sflag:$0x4] =	stream.linear.gather [hbm4b:s1+s0], $0x4000, $0x38;
	[tilespmem:$0x18100] =	vst v63  }
0x21f: {  	_ =	swait.ge [sflag:s19], $0x4000  }
0x220: {  	[sflag:s19] =	ssyncset.done $0x0  }
0x221: {  	[sflag:s19] =	ssyncadd.s32 $0xFFFFC000  }
0x222: {  	v3 =	vld [tilespmem:$0x60];
	_ =	sdelay $0x4  }
0x223: {  	v4 =	vshll.u32 v3, $0x2  }
0x224: {  	v3 =	vand.u32 $0x7, v3;
	v4 =	vand.u32 $0xFFFFFFE0, v4  }
0x225: {  	v3 =	vor.u32 v3, v4  }
0x226: {  	v4 =	vperm.xlane v3, v0;
	_ =	sdelay $0x1  }
0x227: {  	v4 =	vadd.s32 v1, v4;
	_ =	sdelay $0x1  }
0x228: {  	v3 =	vperm.xlane v3, v2;
	_ =	sdelay $0x1  }
0x229: {  	v3 =	vadd.s32 v1, v3  }
0x22a: {  	[tilespmem:s28], [sflag:$0x1] =	stream.indirect_vreg.gather [hbm4b:s3+s0], $0x80, v4, vm0, $0xb8;
	[tilespmem:$0x18100] =	vst v63  }
0x22b: {  	s1 =	simm.s32 $0x900  }
0x22c: {  	[tilespmem:s1], [sflag:$0x1] =	stream.indirect_vreg.gather [hbm4b:s6+s0], $0x80, v4, vm0, $0xb8;
	[tilespmem:$0x18100] =	vst v63  }
0x22d: {  	s1 =	simm.s32 $0x1100  }
0x22e: {  	[tilespmem:s1], [sflag:$0x1] =	stream.indirect_vreg.gather [hbm4b:s3+s0], $0x80, v3, vm0, $0xb8;
	[tilespmem:$0x18100] =	vst v63  }
0x22f: {  	s1 =	simm.s32 $0x1900  }
0x230: {  	[tilespmem:s1], [sflag:$0x1] =	stream.indirect_vreg.gather [hbm4b:s6+s0], $0x80, v3, vm0, $0xb8;
	[tilespmem:$0x18100] =	vst v63  }
0x231: {  	v3 =	vld [tilespmem:$0x70];
	_ =	sdelay $0x4  }
0x232: {  	v4 =	vshll.u32 v3, $0x2  }
0x233: {  	v3 =	vand.u32 $0x7, v3;
	v4 =	vand.u32 $0xFFFFFFE0, v4  }
0x234: {  	v3 =	vor.u32 v3, v4  }
0x235: {  	v4 =	vperm.xlane v3, v0;
	_ =	sdelay $0x1  }
0x236: {  	v4 =	vadd.s32 v1, v4;
	_ =	sdelay $0x1  }
0x237: {  	v3 =	vperm.xlane v3, v2;
	_ =	sdelay $0x1  }
0x238: {  	s1 =	simm.s32 $0x2100;
	v3 =	vadd.s32 v1, v3  }
0x239: {  	[tilespmem:s1], [sflag:$0x1] =	stream.indirect_vreg.gather [hbm4b:s3+s0], $0x80, v4, vm0, $0xb8;
	[tilespmem:$0x18100] =	vst v63  }
0x23a: {  	s1 =	simm.s32 $0x2900  }
0x23b: {  	[tilespmem:s1], [sflag:$0x1] =	stream.indirect_vreg.gather [hbm4b:s6+s0], $0x80, v4, vm0, $0xb8;
	[tilespmem:$0x18100] =	vst v63  }
0x23c: {  	_ = 	snop  }
0x23d: {  	[tilespmem:s23], [sflag:$0x1] =	stream.indirect_vreg.gather [hbm4b:s3+s0], $0x80, v3, vm0, $0xb8;
	[tilespmem:$0x18100] =	vst v63  }
0x23e: {  	_ = 	snop  }
0x23f: {  	[tilespmem:s24], [sflag:$0x1] =	stream.indirect_vreg.gather [hbm4b:s6+s0], $0x80, v3, vm0, $0xb8;
	[tilespmem:$0x18100] =	vst v63  }
0x240: {  	_ =	swait.ge [sflag:s20], $0x4000  }
0x241: {  	[sflag:s20] =	ssyncset.done $0x0  }
0x242: {  	[sflag:s20] =	ssyncadd.s32 $0xFFFFC000  }
0x243: {  	_ =	swait.ge [sflag:s21], $0x4000  }
0x244: {  	s1 =	sand.u32 $0x3000, s0;
	s0 =	sand.u32 $0x380, s0;
	[sflag:s21] =	ssyncset.done $0x0  }
0x245: {  	s29 =	sor.u32 s0, s1;
	[sflag:s21] =	ssyncadd.s32 $0xFFFFC000  }
0x246: {  	v3 =	vld [tilespmem:s29+$0x14D70]  }
0x247: {  	v4 =	vld [tilespmem:s29+$0x14100]  }
0x248: {  	v5 =	vld [tilespmem:s29+$0x14110]  }
0x249: {  	v36 =	vld [tilespmem:s29+$0x14120]  }
0x24a: {  	v37 =	vld [tilespmem:s29+$0x14130]  }
0x24b: {  	v38 =	vld [tilespmem:s29+$0x14140]  }
0x24c: {  	v39 =	vld [tilespmem:s29+$0x14150]  }
0x24d: {  	v40 =	vld [tilespmem:s29+$0x14160]  }
0x24e: {  	v41 =	vld [tilespmem:s29+$0x14170]  }
0x24f: {  	v42 =	vld [tilespmem:s29+$0x14500]  }
0x250: {  	v43 =	vld [tilespmem:s29+$0x14510]  }
0x251: {  	v44 =	vld [tilespmem:s29+$0x14520]  }
0x252: {  	v45 =	vld [tilespmem:s29+$0x14530]  }
0x253: {  	v46 =	vld [tilespmem:s29+$0x14540]  }
0x254: {  	v47 =	vld [tilespmem:s29+$0x14550]  }
0x255: {  	v48 =	vld [tilespmem:s29+$0x14560]  }
0x256: {  	v49 =	vld [tilespmem:s29+$0x14570]  }
0x257: {  	v50 =	vld [tilespmem:s29+$0x14900]  }
0x258: {  	v51 =	vld [tilespmem:s29+$0x14910]  }
0x259: {  	v52 =	vld [tilespmem:s29+$0x14920]  }
0x25a: {  	v53 =	vld [tilespmem:s29+$0x14930]  }
0x25b: {  	v54 =	vld [tilespmem:s29+$0x14940]  }
0x25c: {  	v55 =	vld [tilespmem:s29+$0x14950]  }
0x25d: {  	v56 =	vld [tilespmem:s29+$0x14960]  }
0x25e: {  	v57 =	vld [tilespmem:s29+$0x14970]  }
0x25f: {  	v58 =	vld [tilespmem:s29+$0x14D00]  }
0x260: {  	v59 =	vld [tilespmem:s29+$0x14D10]  }
0x261: {  	v60 =	vld [tilespmem:s29+$0x14D20]  }
0x262: {  	v61 =	vld [tilespmem:s29+$0x14D30]  }
0x263: {  	v62 =	vld [tilespmem:s29+$0x14D40]  }
0x264: {  	v63 =	vld [tilespmem:s29+$0x14D50]  }
0x265: {  	[tilespmem:s29+$0x8D70] =	vst.add.f32.msk $0xffff, v3  }
0x266: {  	v3 =	vld [tilespmem:s29+$0x14D60]  }
0x267: {  	[tilespmem:s29+$0x8100] =	vst.add.f32.msk $0xffff, v4  }
0x268: {  	[tilespmem:s29+$0x8110] =	vst.add.f32.msk $0xffff, v5  }
0x269: {  	[tilespmem:s29+$0x8120] =	vst.add.f32.msk $0xffff, v36  }
0x26a: {  	[tilespmem:s29+$0x8130] =	vst.add.f32.msk $0xffff, v37  }
0x26b: {  	[tilespmem:s29+$0x8140] =	vst.add.f32.msk $0xffff, v38  }
0x26c: {  	[tilespmem:s29+$0x8150] =	vst.add.f32.msk $0xffff, v39  }
0x26d: {  	[tilespmem:s29+$0x8160] =	vst.add.f32.msk $0xffff, v40  }
0x26e: {  	[tilespmem:s29+$0x8170] =	vst.add.f32.msk $0xffff, v41  }
0x26f: {  	[tilespmem:s29+$0x8500] =	vst.add.f32.msk $0xffff, v42  }
0x270: {  	[tilespmem:s29+$0x8510] =	vst.add.f32.msk $0xffff, v43  }
0x271: {  	[tilespmem:s29+$0x8520] =	vst.add.f32.msk $0xffff, v44  }
0x272: {  	[tilespmem:s29+$0x8530] =	vst.add.f32.msk $0xffff, v45  }
0x273: {  	[tilespmem:s29+$0x8540] =	vst.add.f32.msk $0xffff, v46  }
0x274: {  	[tilespmem:s29+$0x8550] =	vst.add.f32.msk $0xffff, v47  }
0x275: {  	[tilespmem:s29+$0x8560] =	vst.add.f32.msk $0xffff, v48  }
0x276: {  	[tilespmem:s29+$0x8570] =	vst.add.f32.msk $0xffff, v49  }
0x277: {  	[tilespmem:s29+$0x8900] =	vst.add.f32.msk $0xffff, v50  }
0x278: {  	[tilespmem:s29+$0x8910] =	vst.add.f32.msk $0xffff, v51  }
0x279: {  	[tilespmem:s29+$0x8920] =	vst.add.f32.msk $0xffff, v52  }
0x27a: {  	[tilespmem:s29+$0x8930] =	vst.add.f32.msk $0xffff, v53  }
0x27b: {  	[tilespmem:s29+$0x8940] =	vst.add.f32.msk $0xffff, v54  }
0x27c: {  	[tilespmem:s29+$0x8950] =	vst.add.f32.msk $0xffff, v55  }
0x27d: {  	[tilespmem:s29+$0x8960] =	vst.add.f32.msk $0xffff, v56  }
0x27e: {  	[tilespmem:s29+$0x8970] =	vst.add.f32.msk $0xffff, v57  }
0x27f: {  	[tilespmem:s29+$0x8D00] =	vst.add.f32.msk $0xffff, v58  }
0x280: {  	[tilespmem:s29+$0x8D10] =	vst.add.f32.msk $0xffff, v59  }
0x281: {  	[tilespmem:s29+$0x8D20] =	vst.add.f32.msk $0xffff, v60  }
0x282: {  	[tilespmem:s29+$0x8D30] =	vst.add.f32.msk $0xffff, v61  }
0x283: {  	s30 =	simm.s32 $0x80;
	s1 =	simm.s32 $0x200;
	[tilespmem:s29+$0x8D40] =	vst.add.f32.msk $0xffff, v62  }
0x284: {  	s31 =	simm.s32 $0x400;
	s0 =	sand.u32 $0x3000, s1;
	s1 =	sand.u32 $0x380, s30;
	[tilespmem:s29+$0x8D50] =	vst.add.f32.msk $0xffff, v63  }
.LBB2_6:
0x285: {  	p0 =	sne.s32 s31, $0x3E00;
	[tilespmem:s29+$0x8D60] =	vst.add.f32.msk $0xffff, v3;
	s29 =	sor.u32 s1, s0  }
0x286: {  	v3 =	vld [tilespmem:s29+$0x14D70]  }
0x287: {  	v4 =	vld [tilespmem:s29+$0x14100]  }
0x288: {  	v5 =	vld [tilespmem:s29+$0x14110]  }
0x289: {  	v6 =	vld [tilespmem:s29+$0x14120]  }
0x28a: {  	v7 =	vld [tilespmem:s29+$0x14130]  }
0x28b: {  	[tilespmem:s29+$0x8D70] =	vst.add.f32.msk $0xffff, v3  }
0x28c: {  	v8 =	vld [tilespmem:s29+$0x14140]  }
0x28d: {  	v9 =	vld [tilespmem:s29+$0x14150]  }
0x28e: {  	v10 =	vld [tilespmem:s29+$0x14160]  }
0x28f: {  	v11 =	vld [tilespmem:s29+$0x14170]  }
0x290: {  	v12 =	vld [tilespmem:s29+$0x14500]  }
0x291: {  	v13 =	vld [tilespmem:s29+$0x14510]  }
0x292: {  	v14 =	vld [tilespmem:s29+$0x14520]  }
0x293: {  	v15 =	vld [tilespmem:s29+$0x14530]  }
0x294: {  	v16 =	vld [tilespmem:s29+$0x14540]  }
0x295: {  	v17 =	vld [tilespmem:s29+$0x14550]  }
0x296: {  	v18 =	vld [tilespmem:s29+$0x14560]  }
0x297: {  	v19 =	vld [tilespmem:s29+$0x14570]  }
0x298: {  	v20 =	vld [tilespmem:s29+$0x14900]  }
0x299: {  	v21 =	vld [tilespmem:s29+$0x14910]  }
0x29a: {  	v22 =	vld [tilespmem:s29+$0x14920]  }
0x29b: {  	v23 =	vld [tilespmem:s29+$0x14930]  }
0x29c: {  	v24 =	vld [tilespmem:s29+$0x14940]  }
0x29d: {  	v25 =	vld [tilespmem:s29+$0x14950]  }
0x29e: {  	v26 =	vld [tilespmem:s29+$0x14960]  }
0x29f: {  	v27 =	vld [tilespmem:s29+$0x14970]  }
0x2a0: {  	v28 =	vld [tilespmem:s29+$0x14D00]  }
0x2a1: {  	v29 =	vld [tilespmem:s29+$0x14D10]  }
0x2a2: {  	v30 =	vld [tilespmem:s29+$0x14D20]  }
0x2a3: {  	v31 =	vld [tilespmem:s29+$0x14D30]  }
0x2a4: {  	v32 =	vld [tilespmem:s29+$0x14D40]  }
0x2a5: {  	v33 =	vld [tilespmem:s29+$0x14D50]  }
0x2a6: {  	v3 =	vld [tilespmem:s29+$0x14D60]  }
0x2a7: {  	[tilespmem:s29+$0x8100] =	vst.add.f32.msk $0xffff, v4  }
0x2a8: {  	[tilespmem:s29+$0x8110] =	vst.add.f32.msk $0xffff, v5  }
0x2a9: {  	[tilespmem:s29+$0x8120] =	vst.add.f32.msk $0xffff, v6  }
0x2aa: {  	[tilespmem:s29+$0x8130] =	vst.add.f32.msk $0xffff, v7  }
0x2ab: {  	[tilespmem:s29+$0x8140] =	vst.add.f32.msk $0xffff, v8  }
0x2ac: {  	[tilespmem:s29+$0x8150] =	vst.add.f32.msk $0xffff, v9  }
0x2ad: {  	[tilespmem:s29+$0x8160] =	vst.add.f32.msk $0xffff, v10  }
0x2ae: {  	[tilespmem:s29+$0x8170] =	vst.add.f32.msk $0xffff, v11  }
0x2af: {  	[tilespmem:s29+$0x8500] =	vst.add.f32.msk $0xffff, v12  }
0x2b0: {  	[tilespmem:s29+$0x8510] =	vst.add.f32.msk $0xffff, v13  }
0x2b1: {  	[tilespmem:s29+$0x8520] =	vst.add.f32.msk $0xffff, v14  }
0x2b2: {  	[tilespmem:s29+$0x8530] =	vst.add.f32.msk $0xffff, v15  }
0x2b3: {  	[tilespmem:s29+$0x8540] =	vst.add.f32.msk $0xffff, v16  }
0x2b4: {  	[tilespmem:s29+$0x8550] =	vst.add.f32.msk $0xffff, v17  }
0x2b5: {  	[tilespmem:s29+$0x8560] =	vst.add.f32.msk $0xffff, v18  }
0x2b6: {  	[tilespmem:s29+$0x8570] =	vst.add.f32.msk $0xffff, v19  }
0x2b7: {  	[tilespmem:s29+$0x8900] =	vst.add.f32.msk $0xffff, v20  }
0x2b8: {  	[tilespmem:s29+$0x8910] =	vst.add.f32.msk $0xffff, v21  }
0x2b9: {  	[tilespmem:s29+$0x8920] =	vst.add.f32.msk $0xffff, v22  }
0x2ba: {  	[tilespmem:s29+$0x8930] =	vst.add.f32.msk $0xffff, v23  }
0x2bb: {  	[tilespmem:s29+$0x8940] =	vst.add.f32.msk $0xffff, v24  }
0x2bc: {  	[tilespmem:s29+$0x8950] =	vst.add.f32.msk $0xffff, v25  }
0x2bd: {  	[tilespmem:s29+$0x8960] =	vst.add.f32.msk $0xffff, v26  }
0x2be: {  	[tilespmem:s29+$0x8970] =	vst.add.f32.msk $0xffff, v27  }
0x2bf: {  	[tilespmem:s29+$0x8D00] =	vst.add.f32.msk $0xffff, v28  }
.Ltmp2:
0x2c0: {  	[tilespmem:s29+$0x8D10] =	vst.add.f32.msk $0xffff, v29;
	(pc) =	sbr.rel @p0 .LBB2_6-.Ltmp2, $4  }
0x2c1: {  	[tilespmem:s29+$0x8D20] =	vst.add.f32.msk $0xffff, v30  }
0x2c2: {  	[tilespmem:s29+$0x8D30] =	vst.add.f32.msk $0xffff, v31  }
0x2c3: {  	s30 =	sadd.s32 $0x80, s30;
	[tilespmem:s29+$0x8D40] =	vst.add.f32.msk $0xffff, v32  }
0x2c4: {  	s0 =	sand.u32 $0x3000, s31;
	s31 =	sadd.s32 $0x200, s31;
	s1 =	sand.u32 $0x380, s30;
	[tilespmem:s29+$0x8D50] =	vst.add.f32.msk $0xffff, v33  }
0x2c5: {  	s30 =	sor.u32 s1, s0;
	[tilespmem:s29+$0x8D60] =	vst.add.f32.msk $0xffff, v3  }
0x2c6: {  	v3 =	vld [tilespmem:s30+$0x14D70]  }
0x2c7: {  	v4 =	vld [tilespmem:s30+$0x14100]  }
0x2c8: {  	v5 =	vld [tilespmem:s30+$0x14110]  }
0x2c9: {  	v6 =	vld [tilespmem:s30+$0x14120]  }
0x2ca: {  	v7 =	vld [tilespmem:s30+$0x14130]  }
0x2cb: {  	v8 =	vld [tilespmem:s30+$0x14150]  }
0x2cc: {  	v9 =	vld [tilespmem:s30+$0x14160]  }
0x2cd: {  	v10 =	vld [tilespmem:s30+$0x14170]  }
0x2ce: {  	v11 =	vld [tilespmem:s30+$0x14500]  }
0x2cf: {  	v12 =	vld [tilespmem:s30+$0x14510]  }
0x2d0: {  	v13 =	vld [tilespmem:s30+$0x14520]  }
0x2d1: {  	v14 =	vld [tilespmem:s30+$0x14530]  }
0x2d2: {  	v15 =	vld [tilespmem:s30+$0x14540]  }
0x2d3: {  	v16 =	vld [tilespmem:s30+$0x14550]  }
0x2d4: {  	v17 =	vld [tilespmem:s30+$0x14560]  }
0x2d5: {  	v18 =	vld [tilespmem:s30+$0x14570]  }
0x2d6: {  	v19 =	vld [tilespmem:s30+$0x14900]  }
0x2d7: {  	v20 =	vld [tilespmem:s30+$0x14910]  }
0x2d8: {  	v21 =	vld [tilespmem:s30+$0x14920]  }
0x2d9: {  	v22 =	vld [tilespmem:s30+$0x14930]  }
0x2da: {  	v23 =	vld [tilespmem:s30+$0x14940]  }
0x2db: {  	v24 =	vld [tilespmem:s30+$0x14950]  }
0x2dc: {  	v25 =	vld [tilespmem:s30+$0x14960]  }
0x2dd: {  	v26 =	vld [tilespmem:s30+$0x14970]  }
0x2de: {  	v27 =	vld [tilespmem:s30+$0x14D00]  }
0x2df: {  	v28 =	vld [tilespmem:s30+$0x14D10]  }
0x2e0: {  	v29 =	vld [tilespmem:s30+$0x14D20]  }
0x2e1: {  	v30 =	vld [tilespmem:s30+$0x14D30]  }
0x2e2: {  	v31 =	vld [tilespmem:s30+$0x14D40]  }
0x2e3: {  	v32 =	vld [tilespmem:s30+$0x14D50]  }
0x2e4: {  	v33 =	vld [tilespmem:s30+$0x14D60]  }
0x2e5: {  	[tilespmem:s30+$0x8D70] =	vst.add.f32.msk $0xffff, v3  }
0x2e6: {  	v3 =	vld [tilespmem:s30+$0x14140]  }
0x2e7: {  	[tilespmem:s30+$0x8100] =	vst.add.f32.msk $0xffff, v4  }
0x2e8: {  	[tilespmem:s30+$0x8110] =	vst.add.f32.msk $0xffff, v5  }
0x2e9: {  	[tilespmem:s30+$0x8120] =	vst.add.f32.msk $0xffff, v6  }
0x2ea: {  	[tilespmem:s30+$0x8130] =	vst.add.f32.msk $0xffff, v7  }
0x2eb: {  	[tilespmem:s30+$0x8150] =	vst.add.f32.msk $0xffff, v8  }
0x2ec: {  	[tilespmem:s30+$0x8160] =	vst.add.f32.msk $0xffff, v9  }
0x2ed: {  	[tilespmem:s30+$0x8170] =	vst.add.f32.msk $0xffff, v10  }
0x2ee: {  	[tilespmem:s30+$0x8500] =	vst.add.f32.msk $0xffff, v11  }
0x2ef: {  	[tilespmem:s30+$0x8510] =	vst.add.f32.msk $0xffff, v12  }
0x2f0: {  	[tilespmem:s30+$0x8520] =	vst.add.f32.msk $0xffff, v13  }
0x2f1: {  	[tilespmem:s30+$0x8530] =	vst.add.f32.msk $0xffff, v14  }
0x2f2: {  	[tilespmem:s30+$0x8540] =	vst.add.f32.msk $0xffff, v15  }
0x2f3: {  	[tilespmem:s30+$0x8550] =	vst.add.f32.msk $0xffff, v16  }
0x2f4: {  	[tilespmem:s30+$0x8560] =	vst.add.f32.msk $0xffff, v17  }
0x2f5: {  	[tilespmem:s30+$0x8570] =	vst.add.f32.msk $0xffff, v18  }
0x2f6: {  	[tilespmem:s30+$0x8900] =	vst.add.f32.msk $0xffff, v19  }
0x2f7: {  	[tilespmem:s30+$0x8910] =	vst.add.f32.msk $0xffff, v20  }
0x2f8: {  	[tilespmem:s30+$0x8920] =	vst.add.f32.msk $0xffff, v21  }
0x2f9: {  	[tilespmem:s30+$0x8930] =	vst.add.f32.msk $0xffff, v22  }
0x2fa: {  	[tilespmem:s30+$0x8940] =	vst.add.f32.msk $0xffff, v23  }
0x2fb: {  	[tilespmem:s30+$0x8950] =	vst.add.f32.msk $0xffff, v24  }
0x2fc: {  	[tilespmem:s30+$0x8960] =	vst.add.f32.msk $0xffff, v25  }
0x2fd: {  	[tilespmem:s30+$0x8970] =	vst.add.f32.msk $0xffff, v26  }
0x2fe: {  	[tilespmem:s30+$0x8D00] =	vst.add.f32.msk $0xffff, v27  }
0x2ff: {  	[tilespmem:s30+$0x8D10] =	vst.add.f32.msk $0xffff, v28  }
0x300: {  	[tilespmem:s30+$0x8D20] =	vst.add.f32.msk $0xffff, v29  }
0x301: {  	[tilespmem:s30+$0x8D30] =	vst.add.f32.msk $0xffff, v30  }
0x302: {  	[tilespmem:s30+$0x8D40] =	vst.add.f32.msk $0xffff, v31  }
0x303: {  	[tilespmem:s30+$0x8D50] =	vst.add.f32.msk $0xffff, v32  }
0x304: {  	[tilespmem:s30+$0x8D60] =	vst.add.f32.msk $0xffff, v33  }
0x305: {  	s0 =	simm.s32 $0x0;
	s1 =	rddreg [dreg:$0xb];
	[tilespmem:s30+$0x8140] =	vst.add.f32.msk $0xffff, v3  }
0x306: {  	[hbm4b:s1+s0] =	stream.linear.scatter [tilespmem:s16], [sflag:$0x9], $0x4000, $0x38;
	[tilespmem:$0x18100] =	vst v63  }
0x307: {  	s1 =	rddreg [dreg:$0xc]  }
0x308: {  	[tilespmem:s4], [sflag:$0x5] =	stream.linear.gather [hbm4b:s1+s0], $0x4000, $0x38;
	[tilespmem:$0x18100] =	vst v63  }
0x309: {  	_ =	swait.ge [sflag:s22], $0x4000  }
0x30a: {  	[sflag:s22] =	ssyncset.done $0x0  }
0x30b: {  	[sflag:s22] =	ssyncadd.s32 $0xFFFFC000  }
0x30c: {  	v3 =	vld [tilespmem:$0x80];
	_ =	sdelay $0x4  }
0x30d: {  	v4 =	vshll.u32 v3, $0x2  }
0x30e: {  	v3 =	vand.u32 $0x7, v3;
	v4 =	vand.u32 $0xFFFFFFE0, v4  }
0x30f: {  	v3 =	vor.u32 v3, v4  }
0x310: {  	v4 =	vperm.xlane v3, v0;
	_ =	sdelay $0x1  }
0x311: {  	v4 =	vadd.s32 v1, v4;
	_ =	sdelay $0x1  }
0x312: {  	v3 =	vperm.xlane v3, v2;
	_ =	sdelay $0x1  }
0x313: {  	v3 =	vadd.s32 v1, v3  }
0x314: {  	[tilespmem:s5], [sflag:$0x2] =	stream.indirect_vreg.gather [hbm4b:s3+s0], $0x80, v4, vm0, $0xb8;
	[tilespmem:$0x18100] =	vst v63  }
0x315: {  	_ = 	snop  }
0x316: {  	[tilespmem:s7], [sflag:$0x2] =	stream.indirect_vreg.gather [hbm4b:s6+s0], $0x80, v4, vm0, $0xb8;
	[tilespmem:$0x18100] =	vst v63  }
0x317: {  	_ = 	snop  }
0x318: {  	[tilespmem:s8], [sflag:$0x2] =	stream.indirect_vreg.gather [hbm4b:s3+s0], $0x80, v3, vm0, $0xb8;
	[tilespmem:$0x18100] =	vst v63  }
0x319: {  	_ = 	snop  }
0x31a: {  	[tilespmem:s9], [sflag:$0x2] =	stream.indirect_vreg.gather [hbm4b:s6+s0], $0x80, v3, vm0, $0xb8;
	[tilespmem:$0x18100] =	vst v63  }
0x31b: {  	v3 =	vld [tilespmem:$0x90];
	_ =	sdelay $0x4  }
0x31c: {  	v4 =	vshll.u32 v3, $0x2  }
0x31d: {  	v3 =	vand.u32 $0x7, v3;
	v4 =	vand.u32 $0xFFFFFFE0, v4  }
0x31e: {  	v3 =	vor.u32 v3, v4  }
0x31f: {  	v4 =	vperm.xlane v3, v0;
	_ =	sdelay $0x1  }
0x320: {  	v4 =	vadd.s32 v1, v4;
	_ =	sdelay $0x1  }
0x321: {  	v3 =	vperm.xlane v3, v2;
	_ =	sdelay $0x1  }
0x322: {  	v3 =	vadd.s32 v1, v3  }
0x323: {  	[tilespmem:s10], [sflag:$0x2] =	stream.indirect_vreg.gather [hbm4b:s3+s0], $0x80, v4, vm0, $0xb8;
	[tilespmem:$0x18100] =	vst v63  }
0x324: {  	_ = 	snop  }
0x325: {  	[tilespmem:s11], [sflag:$0x2] =	stream.indirect_vreg.gather [hbm4b:s6+s0], $0x80, v4, vm0, $0xb8;
	[tilespmem:$0x18100] =	vst v63  }
0x326: {  	_ = 	snop  }
0x327: {  	[tilespmem:s12], [sflag:$0x2] =	stream.indirect_vreg.gather [hbm4b:s3+s0], $0x80, v3, vm0, $0xb8;
	[tilespmem:$0x18100] =	vst v63  }
0x328: {  	_ = 	snop  }
0x329: {  	[tilespmem:s13], [sflag:$0x2] =	stream.indirect_vreg.gather [hbm4b:s6+s0], $0x80, v3, vm0, $0xb8;
	[tilespmem:$0x18100] =	vst v63  }
0x32a: {  	_ =	swait.ge [sflag:s14], $0x4000  }
0x32b: {  	[sflag:s14] =	ssyncset.done $0x0  }
0x32c: {  	[sflag:s14] =	ssyncadd.s32 $0xFFFFC000  }
0x32d: {  	_ =	swait.ge [sflag:s15], $0x4000  }
0x32e: {  	s1 =	sand.u32 $0x3000, s0;
	s0 =	sand.u32 $0x380, s0;
	[sflag:s15] =	ssyncset.done $0x0  }
0x32f: {  	s29 =	sor.u32 s0, s1;
	[sflag:s15] =	ssyncadd.s32 $0xFFFFC000  }
0x330: {  	v3 =	vld [tilespmem:s29+$0xCD70]  }
0x331: {  	v4 =	vld [tilespmem:s29+$0xC100]  }
0x332: {  	v5 =	vld [tilespmem:s29+$0xC110]  }
0x333: {  	v36 =	vld [tilespmem:s29+$0xC120]  }
0x334: {  	v37 =	vld [tilespmem:s29+$0xC130]  }
0x335: {  	v38 =	vld [tilespmem:s29+$0xC140]  }
0x336: {  	v39 =	vld [tilespmem:s29+$0xC150]  }
0x337: {  	v40 =	vld [tilespmem:s29+$0xC160]  }
0x338: {  	v41 =	vld [tilespmem:s29+$0xC170]  }
0x339: {  	v42 =	vld [tilespmem:s29+$0xC500]  }
0x33a: {  	v43 =	vld [tilespmem:s29+$0xC510]  }
0x33b: {  	v44 =	vld [tilespmem:s29+$0xC520]  }
0x33c: {  	v45 =	vld [tilespmem:s29+$0xC530]  }
0x33d: {  	v46 =	vld [tilespmem:s29+$0xC540]  }
0x33e: {  	v47 =	vld [tilespmem:s29+$0xC550]  }
0x33f: {  	v48 =	vld [tilespmem:s29+$0xC560]  }
0x340: {  	v49 =	vld [tilespmem:s29+$0xC570]  }
0x341: {  	v50 =	vld [tilespmem:s29+$0xC900]  }
0x342: {  	v51 =	vld [tilespmem:s29+$0xC910]  }
0x343: {  	v52 =	vld [tilespmem:s29+$0xC920]  }
0x344: {  	v53 =	vld [tilespmem:s29+$0xC930]  }
0x345: {  	v54 =	vld [tilespmem:s29+$0xC940]  }
0x346: {  	v55 =	vld [tilespmem:s29+$0xC950]  }
0x347: {  	v56 =	vld [tilespmem:s29+$0xC960]  }
0x348: {  	v57 =	vld [tilespmem:s29+$0xC970]  }
0x349: {  	v58 =	vld [tilespmem:s29+$0xCD00]  }
0x34a: {  	v59 =	vld [tilespmem:s29+$0xCD10]  }
0x34b: {  	v60 =	vld [tilespmem:s29+$0xCD20]  }
0x34c: {  	v61 =	vld [tilespmem:s29+$0xCD30]  }
0x34d: {  	v62 =	vld [tilespmem:s29+$0xCD40]  }
0x34e: {  	v63 =	vld [tilespmem:s29+$0xCD50]  }
0x34f: {  	[tilespmem:s29+$0xD70] =	vst.add.f32.msk $0xffff, v3  }
0x350: {  	v3 =	vld [tilespmem:s29+$0xCD60]  }
0x351: {  	[tilespmem:s29+$0x100] =	vst.add.f32.msk $0xffff, v4  }
0x352: {  	[tilespmem:s29+$0x110] =	vst.add.f32.msk $0xffff, v5  }
0x353: {  	[tilespmem:s29+$0x120] =	vst.add.f32.msk $0xffff, v36  }
0x354: {  	[tilespmem:s29+$0x130] =	vst.add.f32.msk $0xffff, v37  }
0x355: {  	[tilespmem:s29+$0x140] =	vst.add.f32.msk $0xffff, v38  }
0x356: {  	[tilespmem:s29+$0x150] =	vst.add.f32.msk $0xffff, v39  }
0x357: {  	[tilespmem:s29+$0x160] =	vst.add.f32.msk $0xffff, v40  }
0x358: {  	[tilespmem:s29+$0x170] =	vst.add.f32.msk $0xffff, v41  }
0x359: {  	[tilespmem:s29+$0x500] =	vst.add.f32.msk $0xffff, v42  }
0x35a: {  	[tilespmem:s29+$0x510] =	vst.add.f32.msk $0xffff, v43  }
0x35b: {  	[tilespmem:s29+$0x520] =	vst.add.f32.msk $0xffff, v44  }
0x35c: {  	[tilespmem:s29+$0x530] =	vst.add.f32.msk $0xffff, v45  }
0x35d: {  	[tilespmem:s29+$0x540] =	vst.add.f32.msk $0xffff, v46  }
0x35e: {  	[tilespmem:s29+$0x550] =	vst.add.f32.msk $0xffff, v47  }
0x35f: {  	[tilespmem:s29+$0x560] =	vst.add.f32.msk $0xffff, v48  }
0x360: {  	[tilespmem:s29+$0x570] =	vst.add.f32.msk $0xffff, v49  }
0x361: {  	[tilespmem:s29+$0x900] =	vst.add.f32.msk $0xffff, v50  }
0x362: {  	[tilespmem:s29+$0x910] =	vst.add.f32.msk $0xffff, v51  }
0x363: {  	[tilespmem:s29+$0x920] =	vst.add.f32.msk $0xffff, v52  }
0x364: {  	[tilespmem:s29+$0x930] =	vst.add.f32.msk $0xffff, v53  }
0x365: {  	[tilespmem:s29+$0x940] =	vst.add.f32.msk $0xffff, v54  }
0x366: {  	[tilespmem:s29+$0x950] =	vst.add.f32.msk $0xffff, v55  }
0x367: {  	[tilespmem:s29+$0x960] =	vst.add.f32.msk $0xffff, v56  }
0x368: {  	[tilespmem:s29+$0x970] =	vst.add.f32.msk $0xffff, v57  }
0x369: {  	[tilespmem:s29+$0xD00] =	vst.add.f32.msk $0xffff, v58  }
0x36a: {  	[tilespmem:s29+$0xD10] =	vst.add.f32.msk $0xffff, v59  }
0x36b: {  	[tilespmem:s29+$0xD20] =	vst.add.f32.msk $0xffff, v60  }
0x36c: {  	[tilespmem:s29+$0xD30] =	vst.add.f32.msk $0xffff, v61  }
0x36d: {  	s30 =	simm.s32 $0x80;
	s1 =	simm.s32 $0x200;
	[tilespmem:s29+$0xD40] =	vst.add.f32.msk $0xffff, v62  }
0x36e: {  	s31 =	simm.s32 $0x400;
	s0 =	sand.u32 $0x3000, s1;
	s1 =	sand.u32 $0x380, s30;
	[tilespmem:s29+$0xD50] =	vst.add.f32.msk $0xffff, v63  }
.LBB2_8:
0x36f: {  	p0 =	sne.s32 s31, $0x3E00;
	[tilespmem:s29+$0xD60] =	vst.add.f32.msk $0xffff, v3;
	s29 =	sor.u32 s1, s0  }
0x370: {  	v3 =	vld [tilespmem:s29+$0xCD70]  }
0x371: {  	v4 =	vld [tilespmem:s29+$0xC100]  }
0x372: {  	v5 =	vld [tilespmem:s29+$0xC110]  }
0x373: {  	v6 =	vld [tilespmem:s29+$0xC120]  }
0x374: {  	v7 =	vld [tilespmem:s29+$0xC130]  }
0x375: {  	[tilespmem:s29+$0xD70] =	vst.add.f32.msk $0xffff, v3  }
0x376: {  	v8 =	vld [tilespmem:s29+$0xC140]  }
0x377: {  	v9 =	vld [tilespmem:s29+$0xC150]  }
0x378: {  	v10 =	vld [tilespmem:s29+$0xC160]  }
0x379: {  	v11 =	vld [tilespmem:s29+$0xC170]  }
0x37a: {  	v12 =	vld [tilespmem:s29+$0xC500]  }
0x37b: {  	v13 =	vld [tilespmem:s29+$0xC510]  }
0x37c: {  	v14 =	vld [tilespmem:s29+$0xC520]  }
0x37d: {  	v15 =	vld [tilespmem:s29+$0xC530]  }
0x37e: {  	v16 =	vld [tilespmem:s29+$0xC540]  }
0x37f: {  	v17 =	vld [tilespmem:s29+$0xC550]  }
0x380: {  	v18 =	vld [tilespmem:s29+$0xC560]  }
0x381: {  	v19 =	vld [tilespmem:s29+$0xC570]  }
0x382: {  	v20 =	vld [tilespmem:s29+$0xC900]  }
0x383: {  	v21 =	vld [tilespmem:s29+$0xC910]  }
0x384: {  	v22 =	vld [tilespmem:s29+$0xC920]  }
0x385: {  	v23 =	vld [tilespmem:s29+$0xC930]  }
0x386: {  	v24 =	vld [tilespmem:s29+$0xC940]  }
0x387: {  	v25 =	vld [tilespmem:s29+$0xC950]  }
0x388: {  	v26 =	vld [tilespmem:s29+$0xC960]  }
0x389: {  	v27 =	vld [tilespmem:s29+$0xC970]  }
0x38a: {  	v28 =	vld [tilespmem:s29+$0xCD00]  }
0x38b: {  	v29 =	vld [tilespmem:s29+$0xCD10]  }
0x38c: {  	v30 =	vld [tilespmem:s29+$0xCD20]  }
0x38d: {  	v31 =	vld [tilespmem:s29+$0xCD30]  }
0x38e: {  	v32 =	vld [tilespmem:s29+$0xCD40]  }
0x38f: {  	v33 =	vld [tilespmem:s29+$0xCD50]  }
0x390: {  	v3 =	vld [tilespmem:s29+$0xCD60]  }
0x391: {  	[tilespmem:s29+$0x100] =	vst.add.f32.msk $0xffff, v4  }
0x392: {  	[tilespmem:s29+$0x110] =	vst.add.f32.msk $0xffff, v5  }
0x393: {  	[tilespmem:s29+$0x120] =	vst.add.f32.msk $0xffff, v6  }
0x394: {  	[tilespmem:s29+$0x130] =	vst.add.f32.msk $0xffff, v7  }
0x395: {  	[tilespmem:s29+$0x140] =	vst.add.f32.msk $0xffff, v8  }
0x396: {  	[tilespmem:s29+$0x150] =	vst.add.f32.msk $0xffff, v9  }
0x397: {  	[tilespmem:s29+$0x160] =	vst.add.f32.msk $0xffff, v10  }
0x398: {  	[tilespmem:s29+$0x170] =	vst.add.f32.msk $0xffff, v11  }
0x399: {  	[tilespmem:s29+$0x500] =	vst.add.f32.msk $0xffff, v12  }
0x39a: {  	[tilespmem:s29+$0x510] =	vst.add.f32.msk $0xffff, v13  }
0x39b: {  	[tilespmem:s29+$0x520] =	vst.add.f32.msk $0xffff, v14  }
0x39c: {  	[tilespmem:s29+$0x530] =	vst.add.f32.msk $0xffff, v15  }
0x39d: {  	[tilespmem:s29+$0x540] =	vst.add.f32.msk $0xffff, v16  }
0x39e: {  	[tilespmem:s29+$0x550] =	vst.add.f32.msk $0xffff, v17  }
0x39f: {  	[tilespmem:s29+$0x560] =	vst.add.f32.msk $0xffff, v18  }
0x3a0: {  	[tilespmem:s29+$0x570] =	vst.add.f32.msk $0xffff, v19  }
0x3a1: {  	[tilespmem:s29+$0x900] =	vst.add.f32.msk $0xffff, v20  }
0x3a2: {  	[tilespmem:s29+$0x910] =	vst.add.f32.msk $0xffff, v21  }
0x3a3: {  	[tilespmem:s29+$0x920] =	vst.add.f32.msk $0xffff, v22  }
0x3a4: {  	[tilespmem:s29+$0x930] =	vst.add.f32.msk $0xffff, v23  }
0x3a5: {  	[tilespmem:s29+$0x940] =	vst.add.f32.msk $0xffff, v24  }
0x3a6: {  	[tilespmem:s29+$0x950] =	vst.add.f32.msk $0xffff, v25  }
0x3a7: {  	[tilespmem:s29+$0x960] =	vst.add.f32.msk $0xffff, v26  }
0x3a8: {  	[tilespmem:s29+$0x970] =	vst.add.f32.msk $0xffff, v27  }
0x3a9: {  	[tilespmem:s29+$0xD00] =	vst.add.f32.msk $0xffff, v28  }
.Ltmp3:
0x3aa: {  	[tilespmem:s29+$0xD10] =	vst.add.f32.msk $0xffff, v29;
	(pc) =	sbr.rel @p0 .LBB2_8-.Ltmp3, $4  }
0x3ab: {  	[tilespmem:s29+$0xD20] =	vst.add.f32.msk $0xffff, v30  }
0x3ac: {  	[tilespmem:s29+$0xD30] =	vst.add.f32.msk $0xffff, v31  }
0x3ad: {  	s30 =	sadd.s32 $0x80, s30;
	[tilespmem:s29+$0xD40] =	vst.add.f32.msk $0xffff, v32  }
0x3ae: {  	s0 =	sand.u32 $0x3000, s31;
	s31 =	sadd.s32 $0x200, s31;
	s1 =	sand.u32 $0x380, s30;
	[tilespmem:s29+$0xD50] =	vst.add.f32.msk $0xffff, v33  }
0x3af: {  	s30 =	sor.u32 s1, s0;
	[tilespmem:s29+$0xD60] =	vst.add.f32.msk $0xffff, v3  }
0x3b0: {  	v3 =	vld [tilespmem:s30+$0xCD70]  }
0x3b1: {  	v4 =	vld [tilespmem:s30+$0xC100]  }
0x3b2: {  	v5 =	vld [tilespmem:s30+$0xC110]  }
0x3b3: {  	v6 =	vld [tilespmem:s30+$0xC120]  }
0x3b4: {  	v7 =	vld [tilespmem:s30+$0xC130]  }
0x3b5: {  	v8 =	vld [tilespmem:s30+$0xC150]  }
0x3b6: {  	v9 =	vld [tilespmem:s30+$0xC160]  }
0x3b7: {  	v10 =	vld [tilespmem:s30+$0xC170]  }
0x3b8: {  	v11 =	vld [tilespmem:s30+$0xC500]  }
0x3b9: {  	v12 =	vld [tilespmem:s30+$0xC510]  }
0x3ba: {  	v13 =	vld [tilespmem:s30+$0xC520]  }
0x3bb: {  	v14 =	vld [tilespmem:s30+$0xC530]  }
0x3bc: {  	v15 =	vld [tilespmem:s30+$0xC540]  }
0x3bd: {  	v16 =	vld [tilespmem:s30+$0xC550]  }
0x3be: {  	v17 =	vld [tilespmem:s30+$0xC560]  }
0x3bf: {  	v18 =	vld [tilespmem:s30+$0xC570]  }
0x3c0: {  	v19 =	vld [tilespmem:s30+$0xC900]  }
0x3c1: {  	v20 =	vld [tilespmem:s30+$0xC910]  }
0x3c2: {  	v21 =	vld [tilespmem:s30+$0xC920]  }
0x3c3: {  	v22 =	vld [tilespmem:s30+$0xC930]  }
0x3c4: {  	v23 =	vld [tilespmem:s30+$0xC940]  }
0x3c5: {  	v24 =	vld [tilespmem:s30+$0xC950]  }
0x3c6: {  	v25 =	vld [tilespmem:s30+$0xC960]  }
0x3c7: {  	v26 =	vld [tilespmem:s30+$0xC970]  }
0x3c8: {  	v27 =	vld [tilespmem:s30+$0xCD00]  }
0x3c9: {  	v28 =	vld [tilespmem:s30+$0xCD10]  }
0x3ca: {  	v29 =	vld [tilespmem:s30+$0xCD20]  }
0x3cb: {  	v30 =	vld [tilespmem:s30+$0xCD30]  }
0x3cc: {  	v31 =	vld [tilespmem:s30+$0xCD40]  }
0x3cd: {  	v32 =	vld [tilespmem:s30+$0xCD50]  }
0x3ce: {  	v33 =	vld [tilespmem:s30+$0xCD60]  }
0x3cf: {  	[tilespmem:s30+$0xD70] =	vst.add.f32.msk $0xffff, v3  }
0x3d0: {  	v3 =	vld [tilespmem:s30+$0xC140]  }
0x3d1: {  	[tilespmem:s30+$0x100] =	vst.add.f32.msk $0xffff, v4  }
0x3d2: {  	[tilespmem:s30+$0x110] =	vst.add.f32.msk $0xffff, v5  }
0x3d3: {  	[tilespmem:s30+$0x120] =	vst.add.f32.msk $0xffff, v6  }
0x3d4: {  	[tilespmem:s30+$0x130] =	vst.add.f32.msk $0xffff, v7  }
0x3d5: {  	[tilespmem:s30+$0x150] =	vst.add.f32.msk $0xffff, v8  }
0x3d6: {  	[tilespmem:s30+$0x160] =	vst.add.f32.msk $0xffff, v9  }
0x3d7: {  	[tilespmem:s30+$0x170] =	vst.add.f32.msk $0xffff, v10  }
0x3d8: {  	[tilespmem:s30+$0x500] =	vst.add.f32.msk $0xffff, v11  }
0x3d9: {  	[tilespmem:s30+$0x510] =	vst.add.f32.msk $0xffff, v12  }
0x3da: {  	[tilespmem:s30+$0x520] =	vst.add.f32.msk $0xffff, v13  }
0x3db: {  	[tilespmem:s30+$0x530] =	vst.add.f32.msk $0xffff, v14  }
0x3dc: {  	[tilespmem:s30+$0x540] =	vst.add.f32.msk $0xffff, v15  }
0x3dd: {  	[tilespmem:s30+$0x550] =	vst.add.f32.msk $0xffff, v16  }
0x3de: {  	[tilespmem:s30+$0x560] =	vst.add.f32.msk $0xffff, v17  }
0x3df: {  	[tilespmem:s30+$0x570] =	vst.add.f32.msk $0xffff, v18  }
0x3e0: {  	[tilespmem:s30+$0x900] =	vst.add.f32.msk $0xffff, v19  }
0x3e1: {  	[tilespmem:s30+$0x910] =	vst.add.f32.msk $0xffff, v20  }
0x3e2: {  	[tilespmem:s30+$0x920] =	vst.add.f32.msk $0xffff, v21  }
0x3e3: {  	[tilespmem:s30+$0x930] =	vst.add.f32.msk $0xffff, v22  }
0x3e4: {  	[tilespmem:s30+$0x940] =	vst.add.f32.msk $0xffff, v23  }
0x3e5: {  	[tilespmem:s30+$0x950] =	vst.add.f32.msk $0xffff, v24  }
0x3e6: {  	[tilespmem:s30+$0x960] =	vst.add.f32.msk $0xffff, v25  }
0x3e7: {  	[tilespmem:s30+$0x970] =	vst.add.f32.msk $0xffff, v26  }
0x3e8: {  	[tilespmem:s30+$0xD00] =	vst.add.f32.msk $0xffff, v27  }
0x3e9: {  	[tilespmem:s30+$0xD10] =	vst.add.f32.msk $0xffff, v28  }
0x3ea: {  	[tilespmem:s30+$0xD20] =	vst.add.f32.msk $0xffff, v29  }
0x3eb: {  	[tilespmem:s30+$0xD30] =	vst.add.f32.msk $0xffff, v30  }
0x3ec: {  	[tilespmem:s30+$0xD40] =	vst.add.f32.msk $0xffff, v31  }
0x3ed: {  	[tilespmem:s30+$0xD50] =	vst.add.f32.msk $0xffff, v32  }
0x3ee: {  	[tilespmem:s30+$0xD60] =	vst.add.f32.msk $0xffff, v33  }
0x3ef: {  	s0 =	simm.s32 $0x0;
	s1 =	rddreg [dreg:$0xd];
	[tilespmem:s30+$0x140] =	vst.add.f32.msk $0xffff, v3  }
0x3f0: {  	[hbm4b:s1+s0] =	stream.linear.scatter [tilespmem:s28], [sflag:$0x7], $0x4000, $0x38;
	[tilespmem:$0x18100] =	vst v63  }
0x3f1: {  	s29 =	simm.s32 $0x14100;
	s1 =	rddreg [dreg:$0xe]  }
0x3f2: {  	[tilespmem:s29], [sflag:$0x6] =	stream.linear.gather [hbm4b:s1+s0], $0x4000, $0x38;
	[tilespmem:$0x18100] =	vst v63  }
0x3f3: {  	_ =	swait.ge [sflag:s25], $0x4000  }
0x3f4: {  	[sflag:s25] =	ssyncset.done $0x0  }
0x3f5: {  	[sflag:s25] =	ssyncadd.s32 $0xFFFFC000  }
0x3f6: {  	v3 =	vld [tilespmem:$0xA0];
	_ =	sdelay $0x4  }
0x3f7: {  	v4 =	vshll.u32 v3, $0x2  }
0x3f8: {  	v3 =	vand.u32 $0x7, v3;
	v4 =	vand.u32 $0xFFFFFFE0, v4  }
0x3f9: {  	v3 =	vor.u32 v3, v4  }
0x3fa: {  	v4 =	vperm.xlane v3, v0;
	_ =	sdelay $0x1  }
0x3fb: {  	v4 =	vadd.s32 v1, v4;
	_ =	sdelay $0x1  }
0x3fc: {  	v3 =	vperm.xlane v3, v2;
	_ =	sdelay $0x1  }
0x3fd: {  	v3 =	vadd.s32 v1, v3  }
0x3fe: {  	[tilespmem:s16], [sflag:$0x3] =	stream.indirect_vreg.gather [hbm4b:s3+s0], $0x80, v4, vm0, $0xb8;
	[tilespmem:$0x18100] =	vst v63  }
0x3ff: {  	s1 =	simm.s32 $0x8900  }
0x400: {  	[tilespmem:s1], [sflag:$0x3] =	stream.indirect_vreg.gather [hbm4b:s6+s0], $0x80, v4, vm0, $0xb8;
	[tilespmem:$0x18100] =	vst v63  }
0x401: {  	s1 =	simm.s32 $0x9100  }
0x402: {  	[tilespmem:s1], [sflag:$0x3] =	stream.indirect_vreg.gather [hbm4b:s3+s0], $0x80, v3, vm0, $0xb8;
	[tilespmem:$0x18100] =	vst v63  }
0x403: {  	s1 =	simm.s32 $0x9900  }
0x404: {  	[tilespmem:s1], [sflag:$0x3] =	stream.indirect_vreg.gather [hbm4b:s6+s0], $0x80, v3, vm0, $0xb8;
	[tilespmem:$0x18100] =	vst v63  }
0x405: {  	v3 =	vld [tilespmem:$0xB0];
	_ =	sdelay $0x4  }
0x406: {  	v4 =	vshll.u32 v3, $0x2  }
0x407: {  	v3 =	vand.u32 $0x7, v3;
	v4 =	vand.u32 $0xFFFFFFE0, v4  }
0x408: {  	v3 =	vor.u32 v3, v4  }
0x409: {  	v4 =	vperm.xlane v3, v0;
	_ =	sdelay $0x1  }
0x40a: {  	v4 =	vadd.s32 v1, v4;
	_ =	sdelay $0x1  }
0x40b: {  	v3 =	vperm.xlane v3, v2;
	_ =	sdelay $0x1  }
0x40c: {  	s1 =	simm.s32 $0xA100;
	v3 =	vadd.s32 v1, v3  }
0x40d: {  	[tilespmem:s1], [sflag:$0x3] =	stream.indirect_vreg.gather [hbm4b:s3+s0], $0x80, v4, vm0, $0xb8;
	[tilespmem:$0x18100] =	vst v63  }
0x40e: {  	s1 =	simm.s32 $0xA900  }
0x40f: {  	[tilespmem:s1], [sflag:$0x3] =	stream.indirect_vreg.gather [hbm4b:s6+s0], $0x80, v4, vm0, $0xb8;
	[tilespmem:$0x18100] =	vst v63  }
0x410: {  	s1 =	simm.s32 $0xB100  }
0x411: {  	[tilespmem:s1], [sflag:$0x3] =	stream.indirect_vreg.gather [hbm4b:s3+s0], $0x80, v3, vm0, $0xb8;
	[tilespmem:$0x18100] =	vst v63  }
0x412: {  	s1 =	simm.s32 $0xB900  }
0x413: {  	[tilespmem:s1], [sflag:$0x3] =	stream.indirect_vreg.gather [hbm4b:s6+s0], $0x80, v3, vm0, $0xb8;
	[tilespmem:$0x18100] =	vst v63  }
0x414: {  	_ =	swait.ge [sflag:s18], $0x4000  }
0x415: {  	[sflag:s18] =	ssyncset.done $0x0  }
0x416: {  	[sflag:s18] =	ssyncadd.s32 $0xFFFFC000  }
0x417: {  	_ =	swait.ge [sflag:s17], $0x4000  }
0x418: {  	s1 =	sand.u32 $0x3000, s0;
	s0 =	sand.u32 $0x380, s0;
	[sflag:s17] =	ssyncset.done $0x0  }
0x419: {  	s29 =	sor.u32 s0, s1;
	[sflag:s17] =	ssyncadd.s32 $0xFFFFC000  }
0x41a: {  	v3 =	vld [tilespmem:s29+$0x10D70]  }
0x41b: {  	v4 =	vld [tilespmem:s29+$0x10100]  }
0x41c: {  	v5 =	vld [tilespmem:s29+$0x10110]  }
0x41d: {  	v36 =	vld [tilespmem:s29+$0x10120]  }
0x41e: {  	v37 =	vld [tilespmem:s29+$0x10130]  }
0x41f: {  	v38 =	vld [tilespmem:s29+$0x10140]  }
0x420: {  	v39 =	vld [tilespmem:s29+$0x10150]  }
0x421: {  	v40 =	vld [tilespmem:s29+$0x10160]  }
0x422: {  	v41 =	vld [tilespmem:s29+$0x10170]  }
0x423: {  	v42 =	vld [tilespmem:s29+$0x10500]  }
0x424: {  	v43 =	vld [tilespmem:s29+$0x10510]  }
0x425: {  	v44 =	vld [tilespmem:s29+$0x10520]  }
0x426: {  	v45 =	vld [tilespmem:s29+$0x10530]  }
0x427: {  	v46 =	vld [tilespmem:s29+$0x10540]  }
0x428: {  	v47 =	vld [tilespmem:s29+$0x10550]  }
0x429: {  	v48 =	vld [tilespmem:s29+$0x10560]  }
0x42a: {  	v49 =	vld [tilespmem:s29+$0x10570]  }
0x42b: {  	v50 =	vld [tilespmem:s29+$0x10900]  }
0x42c: {  	v51 =	vld [tilespmem:s29+$0x10910]  }
0x42d: {  	v52 =	vld [tilespmem:s29+$0x10920]  }
0x42e: {  	v53 =	vld [tilespmem:s29+$0x10930]  }
0x42f: {  	v54 =	vld [tilespmem:s29+$0x10940]  }
0x430: {  	v55 =	vld [tilespmem:s29+$0x10950]  }
0x431: {  	v56 =	vld [tilespmem:s29+$0x10960]  }
0x432: {  	v57 =	vld [tilespmem:s29+$0x10970]  }
0x433: {  	v58 =	vld [tilespmem:s29+$0x10D00]  }
0x434: {  	v59 =	vld [tilespmem:s29+$0x10D10]  }
0x435: {  	v60 =	vld [tilespmem:s29+$0x10D20]  }
0x436: {  	v61 =	vld [tilespmem:s29+$0x10D30]  }
0x437: {  	v62 =	vld [tilespmem:s29+$0x10D40]  }
0x438: {  	v63 =	vld [tilespmem:s29+$0x10D50]  }
0x439: {  	[tilespmem:s29+$0x4D70] =	vst.add.f32.msk $0xffff, v3  }
0x43a: {  	v3 =	vld [tilespmem:s29+$0x10D60]  }
0x43b: {  	[tilespmem:s29+$0x4100] =	vst.add.f32.msk $0xffff, v4  }
0x43c: {  	[tilespmem:s29+$0x4110] =	vst.add.f32.msk $0xffff, v5  }
0x43d: {  	[tilespmem:s29+$0x4120] =	vst.add.f32.msk $0xffff, v36  }
0x43e: {  	[tilespmem:s29+$0x4130] =	vst.add.f32.msk $0xffff, v37  }
0x43f: {  	[tilespmem:s29+$0x4140] =	vst.add.f32.msk $0xffff, v38  }
0x440: {  	[tilespmem:s29+$0x4150] =	vst.add.f32.msk $0xffff, v39  }
0x441: {  	[tilespmem:s29+$0x4160] =	vst.add.f32.msk $0xffff, v40  }
0x442: {  	[tilespmem:s29+$0x4170] =	vst.add.f32.msk $0xffff, v41  }
0x443: {  	[tilespmem:s29+$0x4500] =	vst.add.f32.msk $0xffff, v42  }
0x444: {  	[tilespmem:s29+$0x4510] =	vst.add.f32.msk $0xffff, v43  }
0x445: {  	[tilespmem:s29+$0x4520] =	vst.add.f32.msk $0xffff, v44  }
0x446: {  	[tilespmem:s29+$0x4530] =	vst.add.f32.msk $0xffff, v45  }
0x447: {  	[tilespmem:s29+$0x4540] =	vst.add.f32.msk $0xffff, v46  }
0x448: {  	[tilespmem:s29+$0x4550] =	vst.add.f32.msk $0xffff, v47  }
0x449: {  	[tilespmem:s29+$0x4560] =	vst.add.f32.msk $0xffff, v48  }
0x44a: {  	[tilespmem:s29+$0x4570] =	vst.add.f32.msk $0xffff, v49  }
0x44b: {  	[tilespmem:s29+$0x4900] =	vst.add.f32.msk $0xffff, v50  }
0x44c: {  	[tilespmem:s29+$0x4910] =	vst.add.f32.msk $0xffff, v51  }
0x44d: {  	[tilespmem:s29+$0x4920] =	vst.add.f32.msk $0xffff, v52  }
0x44e: {  	[tilespmem:s29+$0x4930] =	vst.add.f32.msk $0xffff, v53  }
0x44f: {  	[tilespmem:s29+$0x4940] =	vst.add.f32.msk $0xffff, v54  }
0x450: {  	[tilespmem:s29+$0x4950] =	vst.add.f32.msk $0xffff, v55  }
0x451: {  	[tilespmem:s29+$0x4960] =	vst.add.f32.msk $0xffff, v56  }
0x452: {  	[tilespmem:s29+$0x4970] =	vst.add.f32.msk $0xffff, v57  }
0x453: {  	[tilespmem:s29+$0x4D00] =	vst.add.f32.msk $0xffff, v58  }
0x454: {  	[tilespmem:s29+$0x4D10] =	vst.add.f32.msk $0xffff, v59  }
0x455: {  	[tilespmem:s29+$0x4D20] =	vst.add.f32.msk $0xffff, v60  }
0x456: {  	[tilespmem:s29+$0x4D30] =	vst.add.f32.msk $0xffff, v61  }
0x457: {  	s30 =	simm.s32 $0x80;
	s1 =	simm.s32 $0x200;
	[tilespmem:s29+$0x4D40] =	vst.add.f32.msk $0xffff, v62  }
0x458: {  	s31 =	simm.s32 $0x400;
	s0 =	sand.u32 $0x3000, s1;
	s1 =	sand.u32 $0x380, s30;
	[tilespmem:s29+$0x4D50] =	vst.add.f32.msk $0xffff, v63  }
.LBB2_10:
0x459: {  	p0 =	sne.s32 s31, $0x3E00;
	[tilespmem:s29+$0x4D60] =	vst.add.f32.msk $0xffff, v3;
	s29 =	sor.u32 s1, s0  }
0x45a: {  	v3 =	vld [tilespmem:s29+$0x10D70]  }
0x45b: {  	v4 =	vld [tilespmem:s29+$0x10100]  }
0x45c: {  	v5 =	vld [tilespmem:s29+$0x10110]  }
0x45d: {  	v6 =	vld [tilespmem:s29+$0x10120]  }
0x45e: {  	v7 =	vld [tilespmem:s29+$0x10130]  }
0x45f: {  	[tilespmem:s29+$0x4D70] =	vst.add.f32.msk $0xffff, v3  }
0x460: {  	v8 =	vld [tilespmem:s29+$0x10140]  }
0x461: {  	v9 =	vld [tilespmem:s29+$0x10150]  }
0x462: {  	v10 =	vld [tilespmem:s29+$0x10160]  }
0x463: {  	v11 =	vld [tilespmem:s29+$0x10170]  }
0x464: {  	v12 =	vld [tilespmem:s29+$0x10500]  }
0x465: {  	v13 =	vld [tilespmem:s29+$0x10510]  }
0x466: {  	v14 =	vld [tilespmem:s29+$0x10520]  }
0x467: {  	v15 =	vld [tilespmem:s29+$0x10530]  }
0x468: {  	v16 =	vld [tilespmem:s29+$0x10540]  }
0x469: {  	v17 =	vld [tilespmem:s29+$0x10550]  }
0x46a: {  	v18 =	vld [tilespmem:s29+$0x10560]  }
0x46b: {  	v19 =	vld [tilespmem:s29+$0x10570]  }
0x46c: {  	v20 =	vld [tilespmem:s29+$0x10900]  }
0x46d: {  	v21 =	vld [tilespmem:s29+$0x10910]  }
0x46e: {  	v22 =	vld [tilespmem:s29+$0x10920]  }
0x46f: {  	v23 =	vld [tilespmem:s29+$0x10930]  }
0x470: {  	v24 =	vld [tilespmem:s29+$0x10940]  }
0x471: {  	v25 =	vld [tilespmem:s29+$0x10950]  }
0x472: {  	v26 =	vld [tilespmem:s29+$0x10960]  }
0x473: {  	v27 =	vld [tilespmem:s29+$0x10970]  }
0x474: {  	v28 =	vld [tilespmem:s29+$0x10D00]  }
0x475: {  	v29 =	vld [tilespmem:s29+$0x10D10]  }
0x476: {  	v30 =	vld [tilespmem:s29+$0x10D20]  }
0x477: {  	v31 =	vld [tilespmem:s29+$0x10D30]  }
0x478: {  	v32 =	vld [tilespmem:s29+$0x10D40]  }
0x479: {  	v33 =	vld [tilespmem:s29+$0x10D50]  }
0x47a: {  	v3 =	vld [tilespmem:s29+$0x10D60]  }
0x47b: {  	[tilespmem:s29+$0x4100] =	vst.add.f32.msk $0xffff, v4  }
0x47c: {  	[tilespmem:s29+$0x4110] =	vst.add.f32.msk $0xffff, v5  }
0x47d: {  	[tilespmem:s29+$0x4120] =	vst.add.f32.msk $0xffff, v6  }
0x47e: {  	[tilespmem:s29+$0x4130] =	vst.add.f32.msk $0xffff, v7  }
0x47f: {  	[tilespmem:s29+$0x4140] =	vst.add.f32.msk $0xffff, v8  }
0x480: {  	[tilespmem:s29+$0x4150] =	vst.add.f32.msk $0xffff, v9  }
0x481: {  	[tilespmem:s29+$0x4160] =	vst.add.f32.msk $0xffff, v10  }
0x482: {  	[tilespmem:s29+$0x4170] =	vst.add.f32.msk $0xffff, v11  }
0x483: {  	[tilespmem:s29+$0x4500] =	vst.add.f32.msk $0xffff, v12  }
0x484: {  	[tilespmem:s29+$0x4510] =	vst.add.f32.msk $0xffff, v13  }
0x485: {  	[tilespmem:s29+$0x4520] =	vst.add.f32.msk $0xffff, v14  }
0x486: {  	[tilespmem:s29+$0x4530] =	vst.add.f32.msk $0xffff, v15  }
0x487: {  	[tilespmem:s29+$0x4540] =	vst.add.f32.msk $0xffff, v16  }
0x488: {  	[tilespmem:s29+$0x4550] =	vst.add.f32.msk $0xffff, v17  }
0x489: {  	[tilespmem:s29+$0x4560] =	vst.add.f32.msk $0xffff, v18  }
0x48a: {  	[tilespmem:s29+$0x4570] =	vst.add.f32.msk $0xffff, v19  }
0x48b: {  	[tilespmem:s29+$0x4900] =	vst.add.f32.msk $0xffff, v20  }
0x48c: {  	[tilespmem:s29+$0x4910] =	vst.add.f32.msk $0xffff, v21  }
0x48d: {  	[tilespmem:s29+$0x4920] =	vst.add.f32.msk $0xffff, v22  }
0x48e: {  	[tilespmem:s29+$0x4930] =	vst.add.f32.msk $0xffff, v23  }
0x48f: {  	[tilespmem:s29+$0x4940] =	vst.add.f32.msk $0xffff, v24  }
0x490: {  	[tilespmem:s29+$0x4950] =	vst.add.f32.msk $0xffff, v25  }
0x491: {  	[tilespmem:s29+$0x4960] =	vst.add.f32.msk $0xffff, v26  }
0x492: {  	[tilespmem:s29+$0x4970] =	vst.add.f32.msk $0xffff, v27  }
0x493: {  	[tilespmem:s29+$0x4D00] =	vst.add.f32.msk $0xffff, v28  }
.Ltmp4:
0x494: {  	[tilespmem:s29+$0x4D10] =	vst.add.f32.msk $0xffff, v29;
	(pc) =	sbr.rel @p0 .LBB2_10-.Ltmp4, $4  }
0x495: {  	[tilespmem:s29+$0x4D20] =	vst.add.f32.msk $0xffff, v30  }
0x496: {  	[tilespmem:s29+$0x4D30] =	vst.add.f32.msk $0xffff, v31  }
0x497: {  	s30 =	sadd.s32 $0x80, s30;
	[tilespmem:s29+$0x4D40] =	vst.add.f32.msk $0xffff, v32  }
0x498: {  	s0 =	sand.u32 $0x3000, s31;
	s31 =	sadd.s32 $0x200, s31;
	s1 =	sand.u32 $0x380, s30;
	[tilespmem:s29+$0x4D50] =	vst.add.f32.msk $0xffff, v33  }
0x499: {  	s30 =	sor.u32 s1, s0;
	[tilespmem:s29+$0x4D60] =	vst.add.f32.msk $0xffff, v3  }
0x49a: {  	v3 =	vld [tilespmem:s30+$0x10D70]  }
0x49b: {  	v4 =	vld [tilespmem:s30+$0x10100]  }
0x49c: {  	v5 =	vld [tilespmem:s30+$0x10110]  }
0x49d: {  	v6 =	vld [tilespmem:s30+$0x10120]  }
0x49e: {  	v7 =	vld [tilespmem:s30+$0x10130]  }
0x49f: {  	v8 =	vld [tilespmem:s30+$0x10150]  }
0x4a0: {  	v9 =	vld [tilespmem:s30+$0x10160]  }
0x4a1: {  	v10 =	vld [tilespmem:s30+$0x10170]  }
0x4a2: {  	v11 =	vld [tilespmem:s30+$0x10500]  }
0x4a3: {  	v12 =	vld [tilespmem:s30+$0x10510]  }
0x4a4: {  	v13 =	vld [tilespmem:s30+$0x10520]  }
0x4a5: {  	v14 =	vld [tilespmem:s30+$0x10530]  }
0x4a6: {  	v15 =	vld [tilespmem:s30+$0x10540]  }
0x4a7: {  	v16 =	vld [tilespmem:s30+$0x10550]  }
0x4a8: {  	v17 =	vld [tilespmem:s30+$0x10560]  }
0x4a9: {  	v18 =	vld [tilespmem:s30+$0x10570]  }
0x4aa: {  	v19 =	vld [tilespmem:s30+$0x10900]  }
0x4ab: {  	v20 =	vld [tilespmem:s30+$0x10910]  }
0x4ac: {  	v21 =	vld [tilespmem:s30+$0x10920]  }
0x4ad: {  	v22 =	vld [tilespmem:s30+$0x10930]  }
0x4ae: {  	v23 =	vld [tilespmem:s30+$0x10940]  }
0x4af: {  	v24 =	vld [tilespmem:s30+$0x10950]  }
0x4b0: {  	v25 =	vld [tilespmem:s30+$0x10960]  }
0x4b1: {  	v26 =	vld [tilespmem:s30+$0x10970]  }
0x4b2: {  	v27 =	vld [tilespmem:s30+$0x10D00]  }
0x4b3: {  	v28 =	vld [tilespmem:s30+$0x10D10]  }
0x4b4: {  	v29 =	vld [tilespmem:s30+$0x10D20]  }
0x4b5: {  	v30 =	vld [tilespmem:s30+$0x10D30]  }
0x4b6: {  	v31 =	vld [tilespmem:s30+$0x10D40]  }
0x4b7: {  	v32 =	vld [tilespmem:s30+$0x10D50]  }
0x4b8: {  	v33 =	vld [tilespmem:s30+$0x10D60]  }
0x4b9: {  	[tilespmem:s30+$0x4D70] =	vst.add.f32.msk $0xffff, v3  }
0x4ba: {  	v3 =	vld [tilespmem:s30+$0x10140]  }
0x4bb: {  	[tilespmem:s30+$0x4100] =	vst.add.f32.msk $0xffff, v4  }
0x4bc: {  	[tilespmem:s30+$0x4110] =	vst.add.f32.msk $0xffff, v5  }
0x4bd: {  	[tilespmem:s30+$0x4120] =	vst.add.f32.msk $0xffff, v6  }
0x4be: {  	[tilespmem:s30+$0x4130] =	vst.add.f32.msk $0xffff, v7  }
0x4bf: {  	[tilespmem:s30+$0x4150] =	vst.add.f32.msk $0xffff, v8  }
0x4c0: {  	[tilespmem:s30+$0x4160] =	vst.add.f32.msk $0xffff, v9  }
0x4c1: {  	[tilespmem:s30+$0x4170] =	vst.add.f32.msk $0xffff, v10  }
0x4c2: {  	[tilespmem:s30+$0x4500] =	vst.add.f32.msk $0xffff, v11  }
0x4c3: {  	[tilespmem:s30+$0x4510] =	vst.add.f32.msk $0xffff, v12  }
0x4c4: {  	[tilespmem:s30+$0x4520] =	vst.add.f32.msk $0xffff, v13  }
0x4c5: {  	[tilespmem:s30+$0x4530] =	vst.add.f32.msk $0xffff, v14  }
0x4c6: {  	[tilespmem:s30+$0x4540] =	vst.add.f32.msk $0xffff, v15  }
0x4c7: {  	[tilespmem:s30+$0x4550] =	vst.add.f32.msk $0xffff, v16  }
0x4c8: {  	[tilespmem:s30+$0x4560] =	vst.add.f32.msk $0xffff, v17  }
0x4c9: {  	[tilespmem:s30+$0x4570] =	vst.add.f32.msk $0xffff, v18  }
0x4ca: {  	[tilespmem:s30+$0x4900] =	vst.add.f32.msk $0xffff, v19  }
0x4cb: {  	[tilespmem:s30+$0x4910] =	vst.add.f32.msk $0xffff, v20  }
0x4cc: {  	[tilespmem:s30+$0x4920] =	vst.add.f32.msk $0xffff, v21  }
0x4cd: {  	[tilespmem:s30+$0x4930] =	vst.add.f32.msk $0xffff, v22  }
0x4ce: {  	[tilespmem:s30+$0x4940] =	vst.add.f32.msk $0xffff, v23  }
0x4cf: {  	[tilespmem:s30+$0x4950] =	vst.add.f32.msk $0xffff, v24  }
0x4d0: {  	[tilespmem:s30+$0x4960] =	vst.add.f32.msk $0xffff, v25  }
0x4d1: {  	[tilespmem:s30+$0x4970] =	vst.add.f32.msk $0xffff, v26  }
0x4d2: {  	[tilespmem:s30+$0x4D00] =	vst.add.f32.msk $0xffff, v27  }
0x4d3: {  	[tilespmem:s30+$0x4D10] =	vst.add.f32.msk $0xffff, v28  }
0x4d4: {  	[tilespmem:s30+$0x4D20] =	vst.add.f32.msk $0xffff, v29  }
0x4d5: {  	[tilespmem:s30+$0x4D30] =	vst.add.f32.msk $0xffff, v30  }
0x4d6: {  	[tilespmem:s30+$0x4D40] =	vst.add.f32.msk $0xffff, v31  }
0x4d7: {  	[tilespmem:s30+$0x4D50] =	vst.add.f32.msk $0xffff, v32  }
0x4d8: {  	[tilespmem:s30+$0x4D60] =	vst.add.f32.msk $0xffff, v33  }
0x4d9: {  	s0 =	simm.s32 $0x0;
	s1 =	rddreg [dreg:$0xf];
	[tilespmem:s30+$0x4140] =	vst.add.f32.msk $0xffff, v3  }
0x4da: {  	[hbm4b:s1+s0] =	stream.linear.scatter [tilespmem:s5], [sflag:$0x8], $0x4000, $0x38;
	[tilespmem:$0x18100] =	vst v63  }
0x4db: {  	s29 =	simm.s32 $0xC100;
	s1 =	rddreg [dreg:$0x10]  }
0x4dc: {  	[tilespmem:s29], [sflag:$0x4] =	stream.linear.gather [hbm4b:s1+s0], $0x4000, $0x38;
	[tilespmem:$0x18100] =	vst v63  }
0x4dd: {  	_ =	swait.ge [sflag:s19], $0x4000  }
0x4de: {  	[sflag:s19] =	ssyncset.done $0x0  }
0x4df: {  	[sflag:s19] =	ssyncadd.s32 $0xFFFFC000  }
0x4e0: {  	v3 =	vld [tilespmem:$0xC0];
	_ =	sdelay $0x4  }
0x4e1: {  	v4 =	vshll.u32 v3, $0x2  }
0x4e2: {  	v3 =	vand.u32 $0x7, v3;
	v4 =	vand.u32 $0xFFFFFFE0, v4  }
0x4e3: {  	v3 =	vor.u32 v3, v4  }
0x4e4: {  	v4 =	vperm.xlane v3, v0;
	_ =	sdelay $0x1  }
0x4e5: {  	v4 =	vadd.s32 v1, v4;
	_ =	sdelay $0x1  }
0x4e6: {  	v3 =	vperm.xlane v3, v2;
	_ =	sdelay $0x1  }
0x4e7: {  	v3 =	vadd.s32 v1, v3  }
0x4e8: {  	[tilespmem:s28], [sflag:$0x1] =	stream.indirect_vreg.gather [hbm4b:s3+s0], $0x80, v4, vm0, $0xb8;
	[tilespmem:$0x18100] =	vst v63  }
0x4e9: {  	s1 =	simm.s32 $0x900  }
0x4ea: {  	[tilespmem:s1], [sflag:$0x1] =	stream.indirect_vreg.gather [hbm4b:s6+s0], $0x80, v4, vm0, $0xb8;
	[tilespmem:$0x18100] =	vst v63  }
0x4eb: {  	s1 =	simm.s32 $0x1100  }
0x4ec: {  	[tilespmem:s1], [sflag:$0x1] =	stream.indirect_vreg.gather [hbm4b:s3+s0], $0x80, v3, vm0, $0xb8;
	[tilespmem:$0x18100] =	vst v63  }
0x4ed: {  	s1 =	simm.s32 $0x1900  }
0x4ee: {  	[tilespmem:s1], [sflag:$0x1] =	stream.indirect_vreg.gather [hbm4b:s6+s0], $0x80, v3, vm0, $0xb8;
	[tilespmem:$0x18100] =	vst v63  }
0x4ef: {  	v3 =	vld [tilespmem:$0xD0];
	_ =	sdelay $0x4  }
0x4f0: {  	v4 =	vshll.u32 v3, $0x2  }
0x4f1: {  	v3 =	vand.u32 $0x7, v3;
	v4 =	vand.u32 $0xFFFFFFE0, v4  }
0x4f2: {  	v3 =	vor.u32 v3, v4  }
0x4f3: {  	v4 =	vperm.xlane v3, v0;
	_ =	sdelay $0x1  }
0x4f4: {  	v4 =	vadd.s32 v1, v4;
	_ =	sdelay $0x1  }
0x4f5: {  	v3 =	vperm.xlane v3, v2;
	_ =	sdelay $0x1  }
0x4f6: {  	s1 =	simm.s32 $0x2100;
	v3 =	vadd.s32 v1, v3  }
0x4f7: {  	[tilespmem:s1], [sflag:$0x1] =	stream.indirect_vreg.gather [hbm4b:s3+s0], $0x80, v4, vm0, $0xb8;
	[tilespmem:$0x18100] =	vst v63  }
0x4f8: {  	s1 =	simm.s32 $0x2900  }
0x4f9: {  	[tilespmem:s1], [sflag:$0x1] =	stream.indirect_vreg.gather [hbm4b:s6+s0], $0x80, v4, vm0, $0xb8;
	[tilespmem:$0x18100] =	vst v63  }
0x4fa: {  	_ = 	snop  }
0x4fb: {  	[tilespmem:s23], [sflag:$0x1] =	stream.indirect_vreg.gather [hbm4b:s3+s0], $0x80, v3, vm0, $0xb8;
	[tilespmem:$0x18100] =	vst v63  }
0x4fc: {  	_ = 	snop  }
0x4fd: {  	[tilespmem:s24], [sflag:$0x1] =	stream.indirect_vreg.gather [hbm4b:s6+s0], $0x80, v3, vm0, $0xb8;
	[tilespmem:$0x18100] =	vst v63  }
0x4fe: {  	_ =	swait.ge [sflag:s20], $0x4000  }
0x4ff: {  	[sflag:s20] =	ssyncset.done $0x0  }
0x500: {  	[sflag:s20] =	ssyncadd.s32 $0xFFFFC000  }
0x501: {  	_ =	swait.ge [sflag:s21], $0x4000  }
0x502: {  	s1 =	sand.u32 $0x3000, s0;
	s0 =	sand.u32 $0x380, s0;
	[sflag:s21] =	ssyncset.done $0x0  }
0x503: {  	s29 =	sor.u32 s0, s1;
	[sflag:s21] =	ssyncadd.s32 $0xFFFFC000  }
0x504: {  	v3 =	vld [tilespmem:s29+$0x14D70]  }
0x505: {  	v4 =	vld [tilespmem:s29+$0x14100]  }
0x506: {  	v5 =	vld [tilespmem:s29+$0x14110]  }
0x507: {  	v36 =	vld [tilespmem:s29+$0x14120]  }
0x508: {  	v37 =	vld [tilespmem:s29+$0x14130]  }
0x509: {  	v38 =	vld [tilespmem:s29+$0x14140]  }
0x50a: {  	v39 =	vld [tilespmem:s29+$0x14150]  }
0x50b: {  	v40 =	vld [tilespmem:s29+$0x14160]  }
0x50c: {  	v41 =	vld [tilespmem:s29+$0x14170]  }
0x50d: {  	v42 =	vld [tilespmem:s29+$0x14500]  }
0x50e: {  	v43 =	vld [tilespmem:s29+$0x14510]  }
0x50f: {  	v44 =	vld [tilespmem:s29+$0x14520]  }
0x510: {  	v45 =	vld [tilespmem:s29+$0x14530]  }
0x511: {  	v46 =	vld [tilespmem:s29+$0x14540]  }
0x512: {  	v47 =	vld [tilespmem:s29+$0x14550]  }
0x513: {  	v48 =	vld [tilespmem:s29+$0x14560]  }
0x514: {  	v49 =	vld [tilespmem:s29+$0x14570]  }
0x515: {  	v50 =	vld [tilespmem:s29+$0x14900]  }
0x516: {  	v51 =	vld [tilespmem:s29+$0x14910]  }
0x517: {  	v52 =	vld [tilespmem:s29+$0x14920]  }
0x518: {  	v53 =	vld [tilespmem:s29+$0x14930]  }
0x519: {  	v54 =	vld [tilespmem:s29+$0x14940]  }
0x51a: {  	v55 =	vld [tilespmem:s29+$0x14950]  }
0x51b: {  	v56 =	vld [tilespmem:s29+$0x14960]  }
0x51c: {  	v57 =	vld [tilespmem:s29+$0x14970]  }
0x51d: {  	v58 =	vld [tilespmem:s29+$0x14D00]  }
0x51e: {  	v59 =	vld [tilespmem:s29+$0x14D10]  }
0x51f: {  	v60 =	vld [tilespmem:s29+$0x14D20]  }
0x520: {  	v61 =	vld [tilespmem:s29+$0x14D30]  }
0x521: {  	v62 =	vld [tilespmem:s29+$0x14D40]  }
0x522: {  	v63 =	vld [tilespmem:s29+$0x14D50]  }
0x523: {  	[tilespmem:s29+$0x8D70] =	vst.add.f32.msk $0xffff, v3  }
0x524: {  	v3 =	vld [tilespmem:s29+$0x14D60]  }
0x525: {  	[tilespmem:s29+$0x8100] =	vst.add.f32.msk $0xffff, v4  }
0x526: {  	[tilespmem:s29+$0x8110] =	vst.add.f32.msk $0xffff, v5  }
0x527: {  	[tilespmem:s29+$0x8120] =	vst.add.f32.msk $0xffff, v36  }
0x528: {  	[tilespmem:s29+$0x8130] =	vst.add.f32.msk $0xffff, v37  }
0x529: {  	[tilespmem:s29+$0x8140] =	vst.add.f32.msk $0xffff, v38  }
0x52a: {  	[tilespmem:s29+$0x8150] =	vst.add.f32.msk $0xffff, v39  }
0x52b: {  	[tilespmem:s29+$0x8160] =	vst.add.f32.msk $0xffff, v40  }
0x52c: {  	[tilespmem:s29+$0x8170] =	vst.add.f32.msk $0xffff, v41  }
0x52d: {  	[tilespmem:s29+$0x8500] =	vst.add.f32.msk $0xffff, v42  }
0x52e: {  	[tilespmem:s29+$0x8510] =	vst.add.f32.msk $0xffff, v43  }
0x52f: {  	[tilespmem:s29+$0x8520] =	vst.add.f32.msk $0xffff, v44  }
0x530: {  	[tilespmem:s29+$0x8530] =	vst.add.f32.msk $0xffff, v45  }
0x531: {  	[tilespmem:s29+$0x8540] =	vst.add.f32.msk $0xffff, v46  }
0x532: {  	[tilespmem:s29+$0x8550] =	vst.add.f32.msk $0xffff, v47  }
0x533: {  	[tilespmem:s29+$0x8560] =	vst.add.f32.msk $0xffff, v48  }
0x534: {  	[tilespmem:s29+$0x8570] =	vst.add.f32.msk $0xffff, v49  }
0x535: {  	[tilespmem:s29+$0x8900] =	vst.add.f32.msk $0xffff, v50  }
0x536: {  	[tilespmem:s29+$0x8910] =	vst.add.f32.msk $0xffff, v51  }
0x537: {  	[tilespmem:s29+$0x8920] =	vst.add.f32.msk $0xffff, v52  }
0x538: {  	[tilespmem:s29+$0x8930] =	vst.add.f32.msk $0xffff, v53  }
0x539: {  	[tilespmem:s29+$0x8940] =	vst.add.f32.msk $0xffff, v54  }
0x53a: {  	[tilespmem:s29+$0x8950] =	vst.add.f32.msk $0xffff, v55  }
0x53b: {  	[tilespmem:s29+$0x8960] =	vst.add.f32.msk $0xffff, v56  }
0x53c: {  	[tilespmem:s29+$0x8970] =	vst.add.f32.msk $0xffff, v57  }
0x53d: {  	[tilespmem:s29+$0x8D00] =	vst.add.f32.msk $0xffff, v58  }
0x53e: {  	[tilespmem:s29+$0x8D10] =	vst.add.f32.msk $0xffff, v59  }
0x53f: {  	[tilespmem:s29+$0x8D20] =	vst.add.f32.msk $0xffff, v60  }
0x540: {  	[tilespmem:s29+$0x8D30] =	vst.add.f32.msk $0xffff, v61  }
0x541: {  	s30 =	simm.s32 $0x80;
	s1 =	simm.s32 $0x200;
	[tilespmem:s29+$0x8D40] =	vst.add.f32.msk $0xffff, v62  }
0x542: {  	s31 =	simm.s32 $0x400;
	s0 =	sand.u32 $0x3000, s1;
	s1 =	sand.u32 $0x380, s30;
	[tilespmem:s29+$0x8D50] =	vst.add.f32.msk $0xffff, v63  }
.LBB2_12:
0x543: {  	p0 =	sne.s32 s31, $0x3E00;
	[tilespmem:s29+$0x8D60] =	vst.add.f32.msk $0xffff, v3;
	s29 =	sor.u32 s1, s0  }
0x544: {  	v3 =	vld [tilespmem:s29+$0x14D70]  }
0x545: {  	v4 =	vld [tilespmem:s29+$0x14100]  }
0x546: {  	v5 =	vld [tilespmem:s29+$0x14110]  }
0x547: {  	v6 =	vld [tilespmem:s29+$0x14120]  }
0x548: {  	v7 =	vld [tilespmem:s29+$0x14130]  }
0x549: {  	[tilespmem:s29+$0x8D70] =	vst.add.f32.msk $0xffff, v3  }
0x54a: {  	v8 =	vld [tilespmem:s29+$0x14140]  }
0x54b: {  	v9 =	vld [tilespmem:s29+$0x14150]  }
0x54c: {  	v10 =	vld [tilespmem:s29+$0x14160]  }
0x54d: {  	v11 =	vld [tilespmem:s29+$0x14170]  }
0x54e: {  	v12 =	vld [tilespmem:s29+$0x14500]  }
0x54f: {  	v13 =	vld [tilespmem:s29+$0x14510]  }
0x550: {  	v14 =	vld [tilespmem:s29+$0x14520]  }
0x551: {  	v15 =	vld [tilespmem:s29+$0x14530]  }
0x552: {  	v16 =	vld [tilespmem:s29+$0x14540]  }
0x553: {  	v17 =	vld [tilespmem:s29+$0x14550]  }
0x554: {  	v18 =	vld [tilespmem:s29+$0x14560]  }
0x555: {  	v19 =	vld [tilespmem:s29+$0x14570]  }
0x556: {  	v20 =	vld [tilespmem:s29+$0x14900]  }
0x557: {  	v21 =	vld [tilespmem:s29+$0x14910]  }
0x558: {  	v22 =	vld [tilespmem:s29+$0x14920]  }
0x559: {  	v23 =	vld [tilespmem:s29+$0x14930]  }
0x55a: {  	v24 =	vld [tilespmem:s29+$0x14940]  }
0x55b: {  	v25 =	vld [tilespmem:s29+$0x14950]  }
0x55c: {  	v26 =	vld [tilespmem:s29+$0x14960]  }
0x55d: {  	v27 =	vld [tilespmem:s29+$0x14970]  }
0x55e: {  	v28 =	vld [tilespmem:s29+$0x14D00]  }
0x55f: {  	v29 =	vld [tilespmem:s29+$0x14D10]  }
0x560: {  	v30 =	vld [tilespmem:s29+$0x14D20]  }
0x561: {  	v31 =	vld [tilespmem:s29+$0x14D30]  }
0x562: {  	v32 =	vld [tilespmem:s29+$0x14D40]  }
0x563: {  	v33 =	vld [tilespmem:s29+$0x14D50]  }
0x564: {  	v3 =	vld [tilespmem:s29+$0x14D60]  }
0x565: {  	[tilespmem:s29+$0x8100] =	vst.add.f32.msk $0xffff, v4  }
0x566: {  	[tilespmem:s29+$0x8110] =	vst.add.f32.msk $0xffff, v5  }
0x567: {  	[tilespmem:s29+$0x8120] =	vst.add.f32.msk $0xffff, v6  }
0x568: {  	[tilespmem:s29+$0x8130] =	vst.add.f32.msk $0xffff, v7  }
0x569: {  	[tilespmem:s29+$0x8140] =	vst.add.f32.msk $0xffff, v8  }
0x56a: {  	[tilespmem:s29+$0x8150] =	vst.add.f32.msk $0xffff, v9  }
0x56b: {  	[tilespmem:s29+$0x8160] =	vst.add.f32.msk $0xffff, v10  }
0x56c: {  	[tilespmem:s29+$0x8170] =	vst.add.f32.msk $0xffff, v11  }
0x56d: {  	[tilespmem:s29+$0x8500] =	vst.add.f32.msk $0xffff, v12  }
0x56e: {  	[tilespmem:s29+$0x8510] =	vst.add.f32.msk $0xffff, v13  }
0x56f: {  	[tilespmem:s29+$0x8520] =	vst.add.f32.msk $0xffff, v14  }
0x570: {  	[tilespmem:s29+$0x8530] =	vst.add.f32.msk $0xffff, v15  }
0x571: {  	[tilespmem:s29+$0x8540] =	vst.add.f32.msk $0xffff, v16  }
0x572: {  	[tilespmem:s29+$0x8550] =	vst.add.f32.msk $0xffff, v17  }
0x573: {  	[tilespmem:s29+$0x8560] =	vst.add.f32.msk $0xffff, v18  }
0x574: {  	[tilespmem:s29+$0x8570] =	vst.add.f32.msk $0xffff, v19  }
0x575: {  	[tilespmem:s29+$0x8900] =	vst.add.f32.msk $0xffff, v20  }
0x576: {  	[tilespmem:s29+$0x8910] =	vst.add.f32.msk $0xffff, v21  }
0x577: {  	[tilespmem:s29+$0x8920] =	vst.add.f32.msk $0xffff, v22  }
0x578: {  	[tilespmem:s29+$0x8930] =	vst.add.f32.msk $0xffff, v23  }
0x579: {  	[tilespmem:s29+$0x8940] =	vst.add.f32.msk $0xffff, v24  }
0x57a: {  	[tilespmem:s29+$0x8950] =	vst.add.f32.msk $0xffff, v25  }
0x57b: {  	[tilespmem:s29+$0x8960] =	vst.add.f32.msk $0xffff, v26  }
0x57c: {  	[tilespmem:s29+$0x8970] =	vst.add.f32.msk $0xffff, v27  }
0x57d: {  	[tilespmem:s29+$0x8D00] =	vst.add.f32.msk $0xffff, v28  }
.Ltmp5:
0x57e: {  	[tilespmem:s29+$0x8D10] =	vst.add.f32.msk $0xffff, v29;
	(pc) =	sbr.rel @p0 .LBB2_12-.Ltmp5, $4  }
0x57f: {  	[tilespmem:s29+$0x8D20] =	vst.add.f32.msk $0xffff, v30  }
0x580: {  	[tilespmem:s29+$0x8D30] =	vst.add.f32.msk $0xffff, v31  }
0x581: {  	s30 =	sadd.s32 $0x80, s30;
	[tilespmem:s29+$0x8D40] =	vst.add.f32.msk $0xffff, v32  }
0x582: {  	s0 =	sand.u32 $0x3000, s31;
	s31 =	sadd.s32 $0x200, s31;
	s1 =	sand.u32 $0x380, s30;
	[tilespmem:s29+$0x8D50] =	vst.add.f32.msk $0xffff, v33  }
0x583: {  	s30 =	sor.u32 s1, s0;
	[tilespmem:s29+$0x8D60] =	vst.add.f32.msk $0xffff, v3  }
0x584: {  	v3 =	vld [tilespmem:s30+$0x14D70]  }
0x585: {  	v4 =	vld [tilespmem:s30+$0x14100]  }
0x586: {  	v5 =	vld [tilespmem:s30+$0x14110]  }
0x587: {  	v6 =	vld [tilespmem:s30+$0x14120]  }
0x588: {  	v7 =	vld [tilespmem:s30+$0x14130]  }
0x589: {  	v8 =	vld [tilespmem:s30+$0x14150]  }
0x58a: {  	v9 =	vld [tilespmem:s30+$0x14160]  }
0x58b: {  	v10 =	vld [tilespmem:s30+$0x14170]  }
0x58c: {  	v11 =	vld [tilespmem:s30+$0x14500]  }
0x58d: {  	v12 =	vld [tilespmem:s30+$0x14510]  }
0x58e: {  	v13 =	vld [tilespmem:s30+$0x14520]  }
0x58f: {  	v14 =	vld [tilespmem:s30+$0x14530]  }
0x590: {  	v15 =	vld [tilespmem:s30+$0x14540]  }
0x591: {  	v16 =	vld [tilespmem:s30+$0x14550]  }
0x592: {  	v17 =	vld [tilespmem:s30+$0x14560]  }
0x593: {  	v18 =	vld [tilespmem:s30+$0x14570]  }
0x594: {  	v19 =	vld [tilespmem:s30+$0x14900]  }
0x595: {  	v20 =	vld [tilespmem:s30+$0x14910]  }
0x596: {  	v21 =	vld [tilespmem:s30+$0x14920]  }
0x597: {  	v22 =	vld [tilespmem:s30+$0x14930]  }
0x598: {  	v23 =	vld [tilespmem:s30+$0x14940]  }
0x599: {  	v24 =	vld [tilespmem:s30+$0x14950]  }
0x59a: {  	v25 =	vld [tilespmem:s30+$0x14960]  }
0x59b: {  	v26 =	vld [tilespmem:s30+$0x14970]  }
0x59c: {  	v27 =	vld [tilespmem:s30+$0x14D00]  }
0x59d: {  	v28 =	vld [tilespmem:s30+$0x14D10]  }
0x59e: {  	v29 =	vld [tilespmem:s30+$0x14D20]  }
0x59f: {  	v30 =	vld [tilespmem:s30+$0x14D30]  }
0x5a0: {  	v31 =	vld [tilespmem:s30+$0x14D40]  }
0x5a1: {  	v32 =	vld [tilespmem:s30+$0x14D50]  }
0x5a2: {  	v33 =	vld [tilespmem:s30+$0x14D60]  }
0x5a3: {  	[tilespmem:s30+$0x8D70] =	vst.add.f32.msk $0xffff, v3  }
0x5a4: {  	v3 =	vld [tilespmem:s30+$0x14140]  }
0x5a5: {  	[tilespmem:s30+$0x8100] =	vst.add.f32.msk $0xffff, v4  }
0x5a6: {  	[tilespmem:s30+$0x8110] =	vst.add.f32.msk $0xffff, v5  }
0x5a7: {  	[tilespmem:s30+$0x8120] =	vst.add.f32.msk $0xffff, v6  }
0x5a8: {  	[tilespmem:s30+$0x8130] =	vst.add.f32.msk $0xffff, v7  }
0x5a9: {  	[tilespmem:s30+$0x8150] =	vst.add.f32.msk $0xffff, v8  }
0x5aa: {  	[tilespmem:s30+$0x8160] =	vst.add.f32.msk $0xffff, v9  }
0x5ab: {  	[tilespmem:s30+$0x8170] =	vst.add.f32.msk $0xffff, v10  }
0x5ac: {  	[tilespmem:s30+$0x8500] =	vst.add.f32.msk $0xffff, v11  }
0x5ad: {  	[tilespmem:s30+$0x8510] =	vst.add.f32.msk $0xffff, v12  }
0x5ae: {  	[tilespmem:s30+$0x8520] =	vst.add.f32.msk $0xffff, v13  }
0x5af: {  	[tilespmem:s30+$0x8530] =	vst.add.f32.msk $0xffff, v14  }
0x5b0: {  	[tilespmem:s30+$0x8540] =	vst.add.f32.msk $0xffff, v15  }
0x5b1: {  	[tilespmem:s30+$0x8550] =	vst.add.f32.msk $0xffff, v16  }
0x5b2: {  	[tilespmem:s30+$0x8560] =	vst.add.f32.msk $0xffff, v17  }
0x5b3: {  	[tilespmem:s30+$0x8570] =	vst.add.f32.msk $0xffff, v18  }
0x5b4: {  	[tilespmem:s30+$0x8900] =	vst.add.f32.msk $0xffff, v19  }
0x5b5: {  	[tilespmem:s30+$0x8910] =	vst.add.f32.msk $0xffff, v20  }
0x5b6: {  	[tilespmem:s30+$0x8920] =	vst.add.f32.msk $0xffff, v21  }
0x5b7: {  	[tilespmem:s30+$0x8930] =	vst.add.f32.msk $0xffff, v22  }
0x5b8: {  	[tilespmem:s30+$0x8940] =	vst.add.f32.msk $0xffff, v23  }
0x5b9: {  	[tilespmem:s30+$0x8950] =	vst.add.f32.msk $0xffff, v24  }
0x5ba: {  	[tilespmem:s30+$0x8960] =	vst.add.f32.msk $0xffff, v25  }
0x5bb: {  	[tilespmem:s30+$0x8970] =	vst.add.f32.msk $0xffff, v26  }
0x5bc: {  	[tilespmem:s30+$0x8D00] =	vst.add.f32.msk $0xffff, v27  }
0x5bd: {  	[tilespmem:s30+$0x8D10] =	vst.add.f32.msk $0xffff, v28  }
0x5be: {  	[tilespmem:s30+$0x8D20] =	vst.add.f32.msk $0xffff, v29  }
0x5bf: {  	[tilespmem:s30+$0x8D30] =	vst.add.f32.msk $0xffff, v30  }
0x5c0: {  	[tilespmem:s30+$0x8D40] =	vst.add.f32.msk $0xffff, v31  }
0x5c1: {  	[tilespmem:s30+$0x8D50] =	vst.add.f32.msk $0xffff, v32  }
0x5c2: {  	[tilespmem:s30+$0x8D60] =	vst.add.f32.msk $0xffff, v33  }
0x5c3: {  	s0 =	simm.s32 $0x0;
	s1 =	rddreg [dreg:$0x11];
	[tilespmem:s30+$0x8140] =	vst.add.f32.msk $0xffff, v3  }
0x5c4: {  	[hbm4b:s1+s0] =	stream.linear.scatter [tilespmem:s16], [sflag:$0x9], $0x4000, $0x38;
	[tilespmem:$0x18100] =	vst v63  }
0x5c5: {  	s1 =	rddreg [dreg:$0x12]  }
0x5c6: {  	[tilespmem:s4], [sflag:$0x5] =	stream.linear.gather [hbm4b:s1+s0], $0x4000, $0x38;
	[tilespmem:$0x18100] =	vst v63  }
0x5c7: {  	_ =	swait.ge [sflag:s22], $0x4000  }
0x5c8: {  	[sflag:s22] =	ssyncset.done $0x0  }
0x5c9: {  	[sflag:s22] =	ssyncadd.s32 $0xFFFFC000  }
0x5ca: {  	v3 =	vld [tilespmem:$0xE0];
	_ =	sdelay $0x4  }
0x5cb: {  	v4 =	vshll.u32 v3, $0x2  }
0x5cc: {  	v3 =	vand.u32 $0x7, v3;
	v4 =	vand.u32 $0xFFFFFFE0, v4  }
0x5cd: {  	v3 =	vor.u32 v3, v4  }
0x5ce: {  	v4 =	vperm.xlane v3, v0;
	_ =	sdelay $0x1  }
0x5cf: {  	v4 =	vadd.s32 v1, v4;
	_ =	sdelay $0x1  }
0x5d0: {  	v3 =	vperm.xlane v3, v2;
	_ =	sdelay $0x1  }
0x5d1: {  	v3 =	vadd.s32 v1, v3  }
0x5d2: {  	[tilespmem:s5], [sflag:$0x2] =	stream.indirect_vreg.gather [hbm4b:s3+s0], $0x80, v4, vm0, $0xb8;
	[tilespmem:$0x18100] =	vst v63  }
0x5d3: {  	_ = 	snop  }
0x5d4: {  	[tilespmem:s7], [sflag:$0x2] =	stream.indirect_vreg.gather [hbm4b:s6+s0], $0x80, v4, vm0, $0xb8;
	[tilespmem:$0x18100] =	vst v63  }
0x5d5: {  	_ = 	snop  }
0x5d6: {  	[tilespmem:s8], [sflag:$0x2] =	stream.indirect_vreg.gather [hbm4b:s3+s0], $0x80, v3, vm0, $0xb8;
	[tilespmem:$0x18100] =	vst v63  }
0x5d7: {  	_ = 	snop  }
0x5d8: {  	[tilespmem:s9], [sflag:$0x2] =	stream.indirect_vreg.gather [hbm4b:s6+s0], $0x80, v3, vm0, $0xb8;
	[tilespmem:$0x18100] =	vst v63  }
0x5d9: {  	v3 =	vld [tilespmem:$0xF0];
	_ =	sdelay $0x4  }
0x5da: {  	v4 =	vshll.u32 v3, $0x2  }
0x5db: {  	v3 =	vand.u32 $0x7, v3;
	v4 =	vand.u32 $0xFFFFFFE0, v4  }
0x5dc: {  	v3 =	vor.u32 v3, v4  }
0x5dd: {  	v4 =	vperm.xlane v3, v0;
	_ =	sdelay $0x1  }
0x5de: {  	v4 =	vadd.s32 v1, v4;
	_ =	sdelay $0x1  }
0x5df: {  	v3 =	vperm.xlane v3, v2;
	_ =	sdelay $0x1  }
0x5e0: {  	v3 =	vadd.s32 v1, v3  }
0x5e1: {  	[tilespmem:s10], [sflag:$0x2] =	stream.indirect_vreg.gather [hbm4b:s3+s0], $0x80, v4, vm0, $0xb8;
	[tilespmem:$0x18100] =	vst v63  }
0x5e2: {  	_ = 	snop  }
0x5e3: {  	[tilespmem:s11], [sflag:$0x2] =	stream.indirect_vreg.gather [hbm4b:s6+s0], $0x80, v4, vm0, $0xb8;
	[tilespmem:$0x18100] =	vst v63  }
0x5e4: {  	_ = 	snop  }
0x5e5: {  	[tilespmem:s12], [sflag:$0x2] =	stream.indirect_vreg.gather [hbm4b:s3+s0], $0x80, v3, vm0, $0xb8;
	[tilespmem:$0x18100] =	vst v63  }
0x5e6: {  	_ = 	snop  }
0x5e7: {  	[tilespmem:s13], [sflag:$0x2] =	stream.indirect_vreg.gather [hbm4b:s6+s0], $0x80, v3, vm0, $0xb8;
	[tilespmem:$0x18100] =	vst v63  }
0x5e8: {  	_ =	swait.ge [sflag:s14], $0x4000  }
0x5e9: {  	[sflag:s14] =	ssyncset.done $0x0  }
0x5ea: {  	[sflag:s14] =	ssyncadd.s32 $0xFFFFC000  }
0x5eb: {  	_ =	swait.ge [sflag:s15], $0x4000  }
0x5ec: {  	s1 =	sand.u32 $0x3000, s0;
	s0 =	sand.u32 $0x380, s0;
	[sflag:s15] =	ssyncset.done $0x0  }
0x5ed: {  	s29 =	sor.u32 s0, s1;
	[sflag:s15] =	ssyncadd.s32 $0xFFFFC000  }
0x5ee: {  	v3 =	vld [tilespmem:s29+$0xCD70]  }
0x5ef: {  	v4 =	vld [tilespmem:s29+$0xC100]  }
0x5f0: {  	v5 =	vld [tilespmem:s29+$0xC110]  }
0x5f1: {  	v36 =	vld [tilespmem:s29+$0xC120]  }
0x5f2: {  	v37 =	vld [tilespmem:s29+$0xC130]  }
0x5f3: {  	v38 =	vld [tilespmem:s29+$0xC140]  }
0x5f4: {  	v39 =	vld [tilespmem:s29+$0xC150]  }
0x5f5: {  	v40 =	vld [tilespmem:s29+$0xC160]  }
0x5f6: {  	v41 =	vld [tilespmem:s29+$0xC170]  }
0x5f7: {  	v42 =	vld [tilespmem:s29+$0xC500]  }
0x5f8: {  	v43 =	vld [tilespmem:s29+$0xC510]  }
0x5f9: {  	v44 =	vld [tilespmem:s29+$0xC520]  }
0x5fa: {  	v45 =	vld [tilespmem:s29+$0xC530]  }
0x5fb: {  	v46 =	vld [tilespmem:s29+$0xC540]  }
0x5fc: {  	v47 =	vld [tilespmem:s29+$0xC550]  }
0x5fd: {  	v48 =	vld [tilespmem:s29+$0xC560]  }
0x5fe: {  	v49 =	vld [tilespmem:s29+$0xC570]  }
0x5ff: {  	v50 =	vld [tilespmem:s29+$0xC900]  }
0x600: {  	v51 =	vld [tilespmem:s29+$0xC910]  }
0x601: {  	v52 =	vld [tilespmem:s29+$0xC920]  }
0x602: {  	v53 =	vld [tilespmem:s29+$0xC930]  }
0x603: {  	v54 =	vld [tilespmem:s29+$0xC940]  }
0x604: {  	v55 =	vld [tilespmem:s29+$0xC950]  }
0x605: {  	v56 =	vld [tilespmem:s29+$0xC960]  }
0x606: {  	v57 =	vld [tilespmem:s29+$0xC970]  }
0x607: {  	v58 =	vld [tilespmem:s29+$0xCD00]  }
0x608: {  	v59 =	vld [tilespmem:s29+$0xCD10]  }
0x609: {  	v60 =	vld [tilespmem:s29+$0xCD20]  }
0x60a: {  	v61 =	vld [tilespmem:s29+$0xCD30]  }
0x60b: {  	v62 =	vld [tilespmem:s29+$0xCD40]  }
0x60c: {  	v63 =	vld [tilespmem:s29+$0xCD50]  }
0x60d: {  	[tilespmem:s29+$0xD70] =	vst.add.f32.msk $0xffff, v3  }
0x60e: {  	v3 =	vld [tilespmem:s29+$0xCD60]  }
0x60f: {  	[tilespmem:s29+$0x100] =	vst.add.f32.msk $0xffff, v4  }
0x610: {  	[tilespmem:s29+$0x110] =	vst.add.f32.msk $0xffff, v5  }
0x611: {  	[tilespmem:s29+$0x120] =	vst.add.f32.msk $0xffff, v36  }
0x612: {  	[tilespmem:s29+$0x130] =	vst.add.f32.msk $0xffff, v37  }
0x613: {  	[tilespmem:s29+$0x140] =	vst.add.f32.msk $0xffff, v38  }
0x614: {  	[tilespmem:s29+$0x150] =	vst.add.f32.msk $0xffff, v39  }
0x615: {  	[tilespmem:s29+$0x160] =	vst.add.f32.msk $0xffff, v40  }
0x616: {  	[tilespmem:s29+$0x170] =	vst.add.f32.msk $0xffff, v41  }
0x617: {  	[tilespmem:s29+$0x500] =	vst.add.f32.msk $0xffff, v42  }
0x618: {  	[tilespmem:s29+$0x510] =	vst.add.f32.msk $0xffff, v43  }
0x619: {  	[tilespmem:s29+$0x520] =	vst.add.f32.msk $0xffff, v44  }
0x61a: {  	[tilespmem:s29+$0x530] =	vst.add.f32.msk $0xffff, v45  }
0x61b: {  	[tilespmem:s29+$0x540] =	vst.add.f32.msk $0xffff, v46  }
0x61c: {  	[tilespmem:s29+$0x550] =	vst.add.f32.msk $0xffff, v47  }
0x61d: {  	[tilespmem:s29+$0x560] =	vst.add.f32.msk $0xffff, v48  }
0x61e: {  	[tilespmem:s29+$0x570] =	vst.add.f32.msk $0xffff, v49  }
0x61f: {  	[tilespmem:s29+$0x900] =	vst.add.f32.msk $0xffff, v50  }
0x620: {  	[tilespmem:s29+$0x910] =	vst.add.f32.msk $0xffff, v51  }
0x621: {  	[tilespmem:s29+$0x920] =	vst.add.f32.msk $0xffff, v52  }
0x622: {  	[tilespmem:s29+$0x930] =	vst.add.f32.msk $0xffff, v53  }
0x623: {  	[tilespmem:s29+$0x940] =	vst.add.f32.msk $0xffff, v54  }
0x624: {  	[tilespmem:s29+$0x950] =	vst.add.f32.msk $0xffff, v55  }
0x625: {  	[tilespmem:s29+$0x960] =	vst.add.f32.msk $0xffff, v56  }
0x626: {  	[tilespmem:s29+$0x970] =	vst.add.f32.msk $0xffff, v57  }
0x627: {  	[tilespmem:s29+$0xD00] =	vst.add.f32.msk $0xffff, v58  }
0x628: {  	[tilespmem:s29+$0xD10] =	vst.add.f32.msk $0xffff, v59  }
0x629: {  	[tilespmem:s29+$0xD20] =	vst.add.f32.msk $0xffff, v60  }
0x62a: {  	[tilespmem:s29+$0xD30] =	vst.add.f32.msk $0xffff, v61  }
0x62b: {  	s30 =	simm.s32 $0x80;
	s1 =	simm.s32 $0x200;
	[tilespmem:s29+$0xD40] =	vst.add.f32.msk $0xffff, v62  }
0x62c: {  	s31 =	simm.s32 $0x400;
	s0 =	sand.u32 $0x3000, s1;
	s1 =	sand.u32 $0x380, s30;
	[tilespmem:s29+$0xD50] =	vst.add.f32.msk $0xffff, v63  }
.LBB2_14:
0x62d: {  	p0 =	sne.s32 s31, $0x3E00;
	[tilespmem:s29+$0xD60] =	vst.add.f32.msk $0xffff, v3;
	s29 =	sor.u32 s1, s0  }
0x62e: {  	v3 =	vld [tilespmem:s29+$0xCD70]  }
0x62f: {  	v4 =	vld [tilespmem:s29+$0xC100]  }
0x630: {  	v5 =	vld [tilespmem:s29+$0xC110]  }
0x631: {  	v6 =	vld [tilespmem:s29+$0xC120]  }
0x632: {  	v7 =	vld [tilespmem:s29+$0xC130]  }
0x633: {  	[tilespmem:s29+$0xD70] =	vst.add.f32.msk $0xffff, v3  }
0x634: {  	v8 =	vld [tilespmem:s29+$0xC140]  }
0x635: {  	v9 =	vld [tilespmem:s29+$0xC150]  }
0x636: {  	v10 =	vld [tilespmem:s29+$0xC160]  }
0x637: {  	v11 =	vld [tilespmem:s29+$0xC170]  }
0x638: {  	v12 =	vld [tilespmem:s29+$0xC500]  }
0x639: {  	v13 =	vld [tilespmem:s29+$0xC510]  }
0x63a: {  	v14 =	vld [tilespmem:s29+$0xC520]  }
0x63b: {  	v15 =	vld [tilespmem:s29+$0xC530]  }
0x63c: {  	v16 =	vld [tilespmem:s29+$0xC540]  }
0x63d: {  	v17 =	vld [tilespmem:s29+$0xC550]  }
0x63e: {  	v18 =	vld [tilespmem:s29+$0xC560]  }
0x63f: {  	v19 =	vld [tilespmem:s29+$0xC570]  }
0x640: {  	v20 =	vld [tilespmem:s29+$0xC900]  }
0x641: {  	v21 =	vld [tilespmem:s29+$0xC910]  }
0x642: {  	v22 =	vld [tilespmem:s29+$0xC920]  }
0x643: {  	v23 =	vld [tilespmem:s29+$0xC930]  }
0x644: {  	v24 =	vld [tilespmem:s29+$0xC940]  }
0x645: {  	v25 =	vld [tilespmem:s29+$0xC950]  }
0x646: {  	v26 =	vld [tilespmem:s29+$0xC960]  }
0x647: {  	v27 =	vld [tilespmem:s29+$0xC970]  }
0x648: {  	v28 =	vld [tilespmem:s29+$0xCD00]  }
0x649: {  	v29 =	vld [tilespmem:s29+$0xCD10]  }
0x64a: {  	v30 =	vld [tilespmem:s29+$0xCD20]  }
0x64b: {  	v31 =	vld [tilespmem:s29+$0xCD30]  }
0x64c: {  	v32 =	vld [tilespmem:s29+$0xCD40]  }
0x64d: {  	v33 =	vld [tilespmem:s29+$0xCD50]  }
0x64e: {  	v3 =	vld [tilespmem:s29+$0xCD60]  }
0x64f: {  	[tilespmem:s29+$0x100] =	vst.add.f32.msk $0xffff, v4  }
0x650: {  	[tilespmem:s29+$0x110] =	vst.add.f32.msk $0xffff, v5  }
0x651: {  	[tilespmem:s29+$0x120] =	vst.add.f32.msk $0xffff, v6  }
0x652: {  	[tilespmem:s29+$0x130] =	vst.add.f32.msk $0xffff, v7  }
0x653: {  	[tilespmem:s29+$0x140] =	vst.add.f32.msk $0xffff, v8  }
0x654: {  	[tilespmem:s29+$0x150] =	vst.add.f32.msk $0xffff, v9  }
0x655: {  	[tilespmem:s29+$0x160] =	vst.add.f32.msk $0xffff, v10  }
0x656: {  	[tilespmem:s29+$0x170] =	vst.add.f32.msk $0xffff, v11  }
0x657: {  	[tilespmem:s29+$0x500] =	vst.add.f32.msk $0xffff, v12  }
0x658: {  	[tilespmem:s29+$0x510] =	vst.add.f32.msk $0xffff, v13  }
0x659: {  	[tilespmem:s29+$0x520] =	vst.add.f32.msk $0xffff, v14  }
0x65a: {  	[tilespmem:s29+$0x530] =	vst.add.f32.msk $0xffff, v15  }
0x65b: {  	[tilespmem:s29+$0x540] =	vst.add.f32.msk $0xffff, v16  }
0x65c: {  	[tilespmem:s29+$0x550] =	vst.add.f32.msk $0xffff, v17  }
0x65d: {  	[tilespmem:s29+$0x560] =	vst.add.f32.msk $0xffff, v18  }
0x65e: {  	[tilespmem:s29+$0x570] =	vst.add.f32.msk $0xffff, v19  }
0x65f: {  	[tilespmem:s29+$0x900] =	vst.add.f32.msk $0xffff, v20  }
0x660: {  	[tilespmem:s29+$0x910] =	vst.add.f32.msk $0xffff, v21  }
0x661: {  	[tilespmem:s29+$0x920] =	vst.add.f32.msk $0xffff, v22  }
0x662: {  	[tilespmem:s29+$0x930] =	vst.add.f32.msk $0xffff, v23  }
0x663: {  	[tilespmem:s29+$0x940] =	vst.add.f32.msk $0xffff, v24  }
0x664: {  	[tilespmem:s29+$0x950] =	vst.add.f32.msk $0xffff, v25  }
0x665: {  	[tilespmem:s29+$0x960] =	vst.add.f32.msk $0xffff, v26  }
0x666: {  	[tilespmem:s29+$0x970] =	vst.add.f32.msk $0xffff, v27  }
0x667: {  	[tilespmem:s29+$0xD00] =	vst.add.f32.msk $0xffff, v28  }
.Ltmp6:
0x668: {  	[tilespmem:s29+$0xD10] =	vst.add.f32.msk $0xffff, v29;
	(pc) =	sbr.rel @p0 .LBB2_14-.Ltmp6, $4  }
0x669: {  	[tilespmem:s29+$0xD20] =	vst.add.f32.msk $0xffff, v30  }
0x66a: {  	[tilespmem:s29+$0xD30] =	vst.add.f32.msk $0xffff, v31  }
0x66b: {  	s30 =	sadd.s32 $0x80, s30;
	[tilespmem:s29+$0xD40] =	vst.add.f32.msk $0xffff, v32  }
0x66c: {  	s0 =	sand.u32 $0x3000, s31;
	s31 =	sadd.s32 $0x200, s31;
	s1 =	sand.u32 $0x380, s30;
	[tilespmem:s29+$0xD50] =	vst.add.f32.msk $0xffff, v33  }
0x66d: {  	s30 =	sor.u32 s1, s0;
	[tilespmem:s29+$0xD60] =	vst.add.f32.msk $0xffff, v3  }
0x66e: {  	v3 =	vld [tilespmem:s30+$0xCD70]  }
0x66f: {  	v4 =	vld [tilespmem:s30+$0xC100]  }
0x670: {  	v5 =	vld [tilespmem:s30+$0xC110]  }
0x671: {  	v6 =	vld [tilespmem:s30+$0xC120]  }
0x672: {  	v7 =	vld [tilespmem:s30+$0xC130]  }
0x673: {  	v8 =	vld [tilespmem:s30+$0xC150]  }
0x674: {  	v9 =	vld [tilespmem:s30+$0xC160]  }
0x675: {  	v10 =	vld [tilespmem:s30+$0xC170]  }
0x676: {  	v11 =	vld [tilespmem:s30+$0xC500]  }
0x677: {  	v12 =	vld [tilespmem:s30+$0xC510]  }
0x678: {  	v13 =	vld [tilespmem:s30+$0xC520]  }
0x679: {  	v14 =	vld [tilespmem:s30+$0xC530]  }
0x67a: {  	v15 =	vld [tilespmem:s30+$0xC540]  }
0x67b: {  	v16 =	vld [tilespmem:s30+$0xC550]  }
0x67c: {  	v17 =	vld [tilespmem:s30+$0xC560]  }
0x67d: {  	v18 =	vld [tilespmem:s30+$0xC570]  }
0x67e: {  	v19 =	vld [tilespmem:s30+$0xC900]  }
0x67f: {  	v20 =	vld [tilespmem:s30+$0xC910]  }
0x680: {  	v21 =	vld [tilespmem:s30+$0xC920]  }
0x681: {  	v22 =	vld [tilespmem:s30+$0xC930]  }
0x682: {  	v23 =	vld [tilespmem:s30+$0xC940]  }
0x683: {  	v24 =	vld [tilespmem:s30+$0xC950]  }
0x684: {  	v25 =	vld [tilespmem:s30+$0xC960]  }
0x685: {  	v26 =	vld [tilespmem:s30+$0xC970]  }
0x686: {  	v27 =	vld [tilespmem:s30+$0xCD00]  }
0x687: {  	v28 =	vld [tilespmem:s30+$0xCD10]  }
0x688: {  	v29 =	vld [tilespmem:s30+$0xCD20]  }
0x689: {  	v30 =	vld [tilespmem:s30+$0xCD30]  }
0x68a: {  	v31 =	vld [tilespmem:s30+$0xCD40]  }
0x68b: {  	v32 =	vld [tilespmem:s30+$0xCD50]  }
0x68c: {  	v33 =	vld [tilespmem:s30+$0xCD60]  }
0x68d: {  	[tilespmem:s30+$0xD70] =	vst.add.f32.msk $0xffff, v3  }
0x68e: {  	v3 =	vld [tilespmem:s30+$0xC140]  }
0x68f: {  	[tilespmem:s30+$0x100] =	vst.add.f32.msk $0xffff, v4  }
0x690: {  	[tilespmem:s30+$0x110] =	vst.add.f32.msk $0xffff, v5  }
0x691: {  	[tilespmem:s30+$0x120] =	vst.add.f32.msk $0xffff, v6  }
0x692: {  	[tilespmem:s30+$0x130] =	vst.add.f32.msk $0xffff, v7  }
0x693: {  	[tilespmem:s30+$0x150] =	vst.add.f32.msk $0xffff, v8  }
0x694: {  	[tilespmem:s30+$0x160] =	vst.add.f32.msk $0xffff, v9  }
0x695: {  	[tilespmem:s30+$0x170] =	vst.add.f32.msk $0xffff, v10  }
0x696: {  	[tilespmem:s30+$0x500] =	vst.add.f32.msk $0xffff, v11  }
0x697: {  	[tilespmem:s30+$0x510] =	vst.add.f32.msk $0xffff, v12  }
0x698: {  	[tilespmem:s30+$0x520] =	vst.add.f32.msk $0xffff, v13  }
0x699: {  	[tilespmem:s30+$0x530] =	vst.add.f32.msk $0xffff, v14  }
0x69a: {  	[tilespmem:s30+$0x540] =	vst.add.f32.msk $0xffff, v15  }
0x69b: {  	[tilespmem:s30+$0x550] =	vst.add.f32.msk $0xffff, v16  }
0x69c: {  	[tilespmem:s30+$0x560] =	vst.add.f32.msk $0xffff, v17  }
0x69d: {  	[tilespmem:s30+$0x570] =	vst.add.f32.msk $0xffff, v18  }
0x69e: {  	[tilespmem:s30+$0x900] =	vst.add.f32.msk $0xffff, v19  }
0x69f: {  	[tilespmem:s30+$0x910] =	vst.add.f32.msk $0xffff, v20  }
0x6a0: {  	[tilespmem:s30+$0x920] =	vst.add.f32.msk $0xffff, v21  }
0x6a1: {  	[tilespmem:s30+$0x930] =	vst.add.f32.msk $0xffff, v22  }
0x6a2: {  	[tilespmem:s30+$0x940] =	vst.add.f32.msk $0xffff, v23  }
0x6a3: {  	[tilespmem:s30+$0x950] =	vst.add.f32.msk $0xffff, v24  }
0x6a4: {  	[tilespmem:s30+$0x960] =	vst.add.f32.msk $0xffff, v25  }
0x6a5: {  	[tilespmem:s30+$0x970] =	vst.add.f32.msk $0xffff, v26  }
0x6a6: {  	[tilespmem:s30+$0xD00] =	vst.add.f32.msk $0xffff, v27  }
0x6a7: {  	[tilespmem:s30+$0xD10] =	vst.add.f32.msk $0xffff, v28  }
0x6a8: {  	[tilespmem:s30+$0xD20] =	vst.add.f32.msk $0xffff, v29  }
0x6a9: {  	[tilespmem:s30+$0xD30] =	vst.add.f32.msk $0xffff, v30  }
0x6aa: {  	[tilespmem:s30+$0xD40] =	vst.add.f32.msk $0xffff, v31  }
0x6ab: {  	[tilespmem:s30+$0xD50] =	vst.add.f32.msk $0xffff, v32  }
0x6ac: {  	[tilespmem:s30+$0xD60] =	vst.add.f32.msk $0xffff, v33  }
0x6ad: {  	s0 =	simm.s32 $0x0;
	s1 =	rddreg [dreg:$0x13];
	[tilespmem:s30+$0x140] =	vst.add.f32.msk $0xffff, v3  }
0x6ae: {  	[hbm4b:s1+s0] =	stream.linear.scatter [tilespmem:s28], [sflag:$0x7], $0x4000, $0x38;
	[tilespmem:$0x18100] =	vst v63  }
0x6af: {  	_ =	swait.ge [sflag:s18], $0x4000  }
0x6b0: {  	[sflag:s18] =	ssyncset.done $0x0  }
0x6b1: {  	[sflag:s18] =	ssyncadd.s32 $0xFFFFC000  }
0x6b2: {  	_ =	swait.ge [sflag:s17], $0x4000  }
0x6b3: {  	s1 =	sand.u32 $0x3000, s0;
	s0 =	sand.u32 $0x380, s0;
	[sflag:s17] =	ssyncset.done $0x0  }
0x6b4: {  	s29 =	sor.u32 s0, s1;
	[sflag:s17] =	ssyncadd.s32 $0xFFFFC000  }
0x6b5: {  	v3 =	vld [tilespmem:s29+$0x10D70]  }
0x6b6: {  	v4 =	vld [tilespmem:s29+$0x10100]  }
0x6b7: {  	v5 =	vld [tilespmem:s29+$0x10110]  }
0x6b8: {  	v36 =	vld [tilespmem:s29+$0x10120]  }
0x6b9: {  	v37 =	vld [tilespmem:s29+$0x10130]  }
0x6ba: {  	v38 =	vld [tilespmem:s29+$0x10140]  }
0x6bb: {  	v39 =	vld [tilespmem:s29+$0x10150]  }
0x6bc: {  	v40 =	vld [tilespmem:s29+$0x10160]  }
0x6bd: {  	v41 =	vld [tilespmem:s29+$0x10170]  }
0x6be: {  	v42 =	vld [tilespmem:s29+$0x10500]  }
0x6bf: {  	v43 =	vld [tilespmem:s29+$0x10510]  }
0x6c0: {  	v44 =	vld [tilespmem:s29+$0x10520]  }
0x6c1: {  	v45 =	vld [tilespmem:s29+$0x10530]  }
0x6c2: {  	v46 =	vld [tilespmem:s29+$0x10540]  }
0x6c3: {  	v47 =	vld [tilespmem:s29+$0x10550]  }
0x6c4: {  	v48 =	vld [tilespmem:s29+$0x10560]  }
0x6c5: {  	v49 =	vld [tilespmem:s29+$0x10570]  }
0x6c6: {  	v50 =	vld [tilespmem:s29+$0x10900]  }
0x6c7: {  	v51 =	vld [tilespmem:s29+$0x10910]  }
0x6c8: {  	v52 =	vld [tilespmem:s29+$0x10920]  }
0x6c9: {  	v53 =	vld [tilespmem:s29+$0x10930]  }
0x6ca: {  	v54 =	vld [tilespmem:s29+$0x10940]  }
0x6cb: {  	v55 =	vld [tilespmem:s29+$0x10950]  }
0x6cc: {  	v56 =	vld [tilespmem:s29+$0x10960]  }
0x6cd: {  	v57 =	vld [tilespmem:s29+$0x10970]  }
0x6ce: {  	v58 =	vld [tilespmem:s29+$0x10D00]  }
0x6cf: {  	v59 =	vld [tilespmem:s29+$0x10D10]  }
0x6d0: {  	v60 =	vld [tilespmem:s29+$0x10D20]  }
0x6d1: {  	v61 =	vld [tilespmem:s29+$0x10D30]  }
0x6d2: {  	v62 =	vld [tilespmem:s29+$0x10D40]  }
0x6d3: {  	v63 =	vld [tilespmem:s29+$0x10D50]  }
0x6d4: {  	[tilespmem:s29+$0x4D70] =	vst.add.f32.msk $0xffff, v3  }
0x6d5: {  	v3 =	vld [tilespmem:s29+$0x10D60]  }
0x6d6: {  	[tilespmem:s29+$0x4100] =	vst.add.f32.msk $0xffff, v4  }
0x6d7: {  	[tilespmem:s29+$0x4110] =	vst.add.f32.msk $0xffff, v5  }
0x6d8: {  	[tilespmem:s29+$0x4120] =	vst.add.f32.msk $0xffff, v36  }
0x6d9: {  	[tilespmem:s29+$0x4130] =	vst.add.f32.msk $0xffff, v37  }
0x6da: {  	[tilespmem:s29+$0x4140] =	vst.add.f32.msk $0xffff, v38  }
0x6db: {  	[tilespmem:s29+$0x4150] =	vst.add.f32.msk $0xffff, v39  }
0x6dc: {  	[tilespmem:s29+$0x4160] =	vst.add.f32.msk $0xffff, v40  }
0x6dd: {  	[tilespmem:s29+$0x4170] =	vst.add.f32.msk $0xffff, v41  }
0x6de: {  	[tilespmem:s29+$0x4500] =	vst.add.f32.msk $0xffff, v42  }
0x6df: {  	[tilespmem:s29+$0x4510] =	vst.add.f32.msk $0xffff, v43  }
0x6e0: {  	[tilespmem:s29+$0x4520] =	vst.add.f32.msk $0xffff, v44  }
0x6e1: {  	[tilespmem:s29+$0x4530] =	vst.add.f32.msk $0xffff, v45  }
0x6e2: {  	[tilespmem:s29+$0x4540] =	vst.add.f32.msk $0xffff, v46  }
0x6e3: {  	[tilespmem:s29+$0x4550] =	vst.add.f32.msk $0xffff, v47  }
0x6e4: {  	[tilespmem:s29+$0x4560] =	vst.add.f32.msk $0xffff, v48  }
0x6e5: {  	[tilespmem:s29+$0x4570] =	vst.add.f32.msk $0xffff, v49  }
0x6e6: {  	[tilespmem:s29+$0x4900] =	vst.add.f32.msk $0xffff, v50  }
0x6e7: {  	[tilespmem:s29+$0x4910] =	vst.add.f32.msk $0xffff, v51  }
0x6e8: {  	[tilespmem:s29+$0x4920] =	vst.add.f32.msk $0xffff, v52  }
0x6e9: {  	[tilespmem:s29+$0x4930] =	vst.add.f32.msk $0xffff, v53  }
0x6ea: {  	[tilespmem:s29+$0x4940] =	vst.add.f32.msk $0xffff, v54  }
0x6eb: {  	[tilespmem:s29+$0x4950] =	vst.add.f32.msk $0xffff, v55  }
0x6ec: {  	[tilespmem:s29+$0x4960] =	vst.add.f32.msk $0xffff, v56  }
0x6ed: {  	[tilespmem:s29+$0x4970] =	vst.add.f32.msk $0xffff, v57  }
0x6ee: {  	[tilespmem:s29+$0x4D00] =	vst.add.f32.msk $0xffff, v58  }
0x6ef: {  	[tilespmem:s29+$0x4D10] =	vst.add.f32.msk $0xffff, v59  }
0x6f0: {  	[tilespmem:s29+$0x4D20] =	vst.add.f32.msk $0xffff, v60  }
0x6f1: {  	[tilespmem:s29+$0x4D30] =	vst.add.f32.msk $0xffff, v61  }
0x6f2: {  	s30 =	simm.s32 $0x80;
	s1 =	simm.s32 $0x200;
	[tilespmem:s29+$0x4D40] =	vst.add.f32.msk $0xffff, v62  }
0x6f3: {  	s31 =	simm.s32 $0x400;
	s0 =	sand.u32 $0x3000, s1;
	s1 =	sand.u32 $0x380, s30;
	[tilespmem:s29+$0x4D50] =	vst.add.f32.msk $0xffff, v63  }
.LBB2_16:
0x6f4: {  	p0 =	sne.s32 s31, $0x3E00;
	[tilespmem:s29+$0x4D60] =	vst.add.f32.msk $0xffff, v3;
	s29 =	sor.u32 s1, s0  }
0x6f5: {  	v3 =	vld [tilespmem:s29+$0x10D70]  }
0x6f6: {  	v4 =	vld [tilespmem:s29+$0x10100]  }
0x6f7: {  	v5 =	vld [tilespmem:s29+$0x10110]  }
0x6f8: {  	v6 =	vld [tilespmem:s29+$0x10120]  }
0x6f9: {  	v7 =	vld [tilespmem:s29+$0x10130]  }
0x6fa: {  	[tilespmem:s29+$0x4D70] =	vst.add.f32.msk $0xffff, v3  }
0x6fb: {  	v8 =	vld [tilespmem:s29+$0x10140]  }
0x6fc: {  	v9 =	vld [tilespmem:s29+$0x10150]  }
0x6fd: {  	v10 =	vld [tilespmem:s29+$0x10160]  }
0x6fe: {  	v11 =	vld [tilespmem:s29+$0x10170]  }
0x6ff: {  	v12 =	vld [tilespmem:s29+$0x10500]  }
0x700: {  	v13 =	vld [tilespmem:s29+$0x10510]  }
0x701: {  	v14 =	vld [tilespmem:s29+$0x10520]  }
0x702: {  	v15 =	vld [tilespmem:s29+$0x10530]  }
0x703: {  	v16 =	vld [tilespmem:s29+$0x10540]  }
0x704: {  	v17 =	vld [tilespmem:s29+$0x10550]  }
0x705: {  	v18 =	vld [tilespmem:s29+$0x10560]  }
0x706: {  	v19 =	vld [tilespmem:s29+$0x10570]  }
0x707: {  	v20 =	vld [tilespmem:s29+$0x10900]  }
0x708: {  	v21 =	vld [tilespmem:s29+$0x10910]  }
0x709: {  	v22 =	vld [tilespmem:s29+$0x10920]  }
0x70a: {  	v23 =	vld [tilespmem:s29+$0x10930]  }
0x70b: {  	v24 =	vld [tilespmem:s29+$0x10940]  }
0x70c: {  	v25 =	vld [tilespmem:s29+$0x10950]  }
0x70d: {  	v26 =	vld [tilespmem:s29+$0x10960]  }
0x70e: {  	v27 =	vld [tilespmem:s29+$0x10970]  }
0x70f: {  	v28 =	vld [tilespmem:s29+$0x10D00]  }
0x710: {  	v29 =	vld [tilespmem:s29+$0x10D10]  }
0x711: {  	v30 =	vld [tilespmem:s29+$0x10D20]  }
0x712: {  	v31 =	vld [tilespmem:s29+$0x10D30]  }
0x713: {  	v32 =	vld [tilespmem:s29+$0x10D40]  }
0x714: {  	v33 =	vld [tilespmem:s29+$0x10D50]  }
0x715: {  	v3 =	vld [tilespmem:s29+$0x10D60]  }
0x716: {  	[tilespmem:s29+$0x4100] =	vst.add.f32.msk $0xffff, v4  }
0x717: {  	[tilespmem:s29+$0x4110] =	vst.add.f32.msk $0xffff, v5  }
0x718: {  	[tilespmem:s29+$0x4120] =	vst.add.f32.msk $0xffff, v6  }
0x719: {  	[tilespmem:s29+$0x4130] =	vst.add.f32.msk $0xffff, v7  }
0x71a: {  	[tilespmem:s29+$0x4140] =	vst.add.f32.msk $0xffff, v8  }
0x71b: {  	[tilespmem:s29+$0x4150] =	vst.add.f32.msk $0xffff, v9  }
0x71c: {  	[tilespmem:s29+$0x4160] =	vst.add.f32.msk $0xffff, v10  }
0x71d: {  	[tilespmem:s29+$0x4170] =	vst.add.f32.msk $0xffff, v11  }
0x71e: {  	[tilespmem:s29+$0x4500] =	vst.add.f32.msk $0xffff, v12  }
0x71f: {  	[tilespmem:s29+$0x4510] =	vst.add.f32.msk $0xffff, v13  }
0x720: {  	[tilespmem:s29+$0x4520] =	vst.add.f32.msk $0xffff, v14  }
0x721: {  	[tilespmem:s29+$0x4530] =	vst.add.f32.msk $0xffff, v15  }
0x722: {  	[tilespmem:s29+$0x4540] =	vst.add.f32.msk $0xffff, v16  }
0x723: {  	[tilespmem:s29+$0x4550] =	vst.add.f32.msk $0xffff, v17  }
0x724: {  	[tilespmem:s29+$0x4560] =	vst.add.f32.msk $0xffff, v18  }
0x725: {  	[tilespmem:s29+$0x4570] =	vst.add.f32.msk $0xffff, v19  }
0x726: {  	[tilespmem:s29+$0x4900] =	vst.add.f32.msk $0xffff, v20  }
0x727: {  	[tilespmem:s29+$0x4910] =	vst.add.f32.msk $0xffff, v21  }
0x728: {  	[tilespmem:s29+$0x4920] =	vst.add.f32.msk $0xffff, v22  }
0x729: {  	[tilespmem:s29+$0x4930] =	vst.add.f32.msk $0xffff, v23  }
0x72a: {  	[tilespmem:s29+$0x4940] =	vst.add.f32.msk $0xffff, v24  }
0x72b: {  	[tilespmem:s29+$0x4950] =	vst.add.f32.msk $0xffff, v25  }
0x72c: {  	[tilespmem:s29+$0x4960] =	vst.add.f32.msk $0xffff, v26  }
0x72d: {  	[tilespmem:s29+$0x4970] =	vst.add.f32.msk $0xffff, v27  }
0x72e: {  	[tilespmem:s29+$0x4D00] =	vst.add.f32.msk $0xffff, v28  }
.Ltmp7:
0x72f: {  	[tilespmem:s29+$0x4D10] =	vst.add.f32.msk $0xffff, v29;
	(pc) =	sbr.rel @p0 .LBB2_16-.Ltmp7, $4  }
0x730: {  	[tilespmem:s29+$0x4D20] =	vst.add.f32.msk $0xffff, v30  }
0x731: {  	[tilespmem:s29+$0x4D30] =	vst.add.f32.msk $0xffff, v31  }
0x732: {  	s30 =	sadd.s32 $0x80, s30;
	[tilespmem:s29+$0x4D40] =	vst.add.f32.msk $0xffff, v32  }
0x733: {  	s0 =	sand.u32 $0x3000, s31;
	s31 =	sadd.s32 $0x200, s31;
	s1 =	sand.u32 $0x380, s30;
	[tilespmem:s29+$0x4D50] =	vst.add.f32.msk $0xffff, v33  }
0x734: {  	s30 =	sor.u32 s1, s0;
	[tilespmem:s29+$0x4D60] =	vst.add.f32.msk $0xffff, v3  }
0x735: {  	v3 =	vld [tilespmem:s30+$0x10D70]  }
0x736: {  	v4 =	vld [tilespmem:s30+$0x10100]  }
0x737: {  	v5 =	vld [tilespmem:s30+$0x10110]  }
0x738: {  	v6 =	vld [tilespmem:s30+$0x10120]  }
0x739: {  	v7 =	vld [tilespmem:s30+$0x10130]  }
0x73a: {  	v8 =	vld [tilespmem:s30+$0x10150]  }
0x73b: {  	v9 =	vld [tilespmem:s30+$0x10160]  }
0x73c: {  	v10 =	vld [tilespmem:s30+$0x10170]  }
0x73d: {  	v11 =	vld [tilespmem:s30+$0x10500]  }
0x73e: {  	v12 =	vld [tilespmem:s30+$0x10510]  }
0x73f: {  	v13 =	vld [tilespmem:s30+$0x10520]  }
0x740: {  	v14 =	vld [tilespmem:s30+$0x10530]  }
0x741: {  	v15 =	vld [tilespmem:s30+$0x10540]  }
0x742: {  	v16 =	vld [tilespmem:s30+$0x10550]  }
0x743: {  	v17 =	vld [tilespmem:s30+$0x10560]  }
0x744: {  	v18 =	vld [tilespmem:s30+$0x10570]  }
0x745: {  	v19 =	vld [tilespmem:s30+$0x10900]  }
0x746: {  	v20 =	vld [tilespmem:s30+$0x10910]  }
0x747: {  	v21 =	vld [tilespmem:s30+$0x10920]  }
0x748: {  	v22 =	vld [tilespmem:s30+$0x10930]  }
0x749: {  	v23 =	vld [tilespmem:s30+$0x10940]  }
0x74a: {  	v24 =	vld [tilespmem:s30+$0x10950]  }
0x74b: {  	v25 =	vld [tilespmem:s30+$0x10960]  }
0x74c: {  	v26 =	vld [tilespmem:s30+$0x10970]  }
0x74d: {  	v27 =	vld [tilespmem:s30+$0x10D00]  }
0x74e: {  	v28 =	vld [tilespmem:s30+$0x10D10]  }
0x74f: {  	v29 =	vld [tilespmem:s30+$0x10D20]  }
0x750: {  	v30 =	vld [tilespmem:s30+$0x10D30]  }
0x751: {  	v31 =	vld [tilespmem:s30+$0x10D40]  }
0x752: {  	v32 =	vld [tilespmem:s30+$0x10D50]  }
0x753: {  	v33 =	vld [tilespmem:s30+$0x10D60]  }
0x754: {  	[tilespmem:s30+$0x4D70] =	vst.add.f32.msk $0xffff, v3  }
0x755: {  	v3 =	vld [tilespmem:s30+$0x10140]  }
0x756: {  	[tilespmem:s30+$0x4100] =	vst.add.f32.msk $0xffff, v4  }
0x757: {  	[tilespmem:s30+$0x4110] =	vst.add.f32.msk $0xffff, v5  }
0x758: {  	[tilespmem:s30+$0x4120] =	vst.add.f32.msk $0xffff, v6  }
0x759: {  	[tilespmem:s30+$0x4130] =	vst.add.f32.msk $0xffff, v7  }
0x75a: {  	[tilespmem:s30+$0x4150] =	vst.add.f32.msk $0xffff, v8  }
0x75b: {  	[tilespmem:s30+$0x4160] =	vst.add.f32.msk $0xffff, v9  }
0x75c: {  	[tilespmem:s30+$0x4170] =	vst.add.f32.msk $0xffff, v10  }
0x75d: {  	[tilespmem:s30+$0x4500] =	vst.add.f32.msk $0xffff, v11  }
0x75e: {  	[tilespmem:s30+$0x4510] =	vst.add.f32.msk $0xffff, v12  }
0x75f: {  	[tilespmem:s30+$0x4520] =	vst.add.f32.msk $0xffff, v13  }
0x760: {  	[tilespmem:s30+$0x4530] =	vst.add.f32.msk $0xffff, v14  }
0x761: {  	[tilespmem:s30+$0x4540] =	vst.add.f32.msk $0xffff, v15  }
0x762: {  	[tilespmem:s30+$0x4550] =	vst.add.f32.msk $0xffff, v16  }
0x763: {  	[tilespmem:s30+$0x4560] =	vst.add.f32.msk $0xffff, v17  }
0x764: {  	[tilespmem:s30+$0x4570] =	vst.add.f32.msk $0xffff, v18  }
0x765: {  	[tilespmem:s30+$0x4900] =	vst.add.f32.msk $0xffff, v19  }
0x766: {  	[tilespmem:s30+$0x4910] =	vst.add.f32.msk $0xffff, v20  }
0x767: {  	[tilespmem:s30+$0x4920] =	vst.add.f32.msk $0xffff, v21  }
0x768: {  	[tilespmem:s30+$0x4930] =	vst.add.f32.msk $0xffff, v22  }
0x769: {  	[tilespmem:s30+$0x4940] =	vst.add.f32.msk $0xffff, v23  }
0x76a: {  	[tilespmem:s30+$0x4950] =	vst.add.f32.msk $0xffff, v24  }
0x76b: {  	[tilespmem:s30+$0x4960] =	vst.add.f32.msk $0xffff, v25  }
0x76c: {  	[tilespmem:s30+$0x4970] =	vst.add.f32.msk $0xffff, v26  }
0x76d: {  	[tilespmem:s30+$0x4D00] =	vst.add.f32.msk $0xffff, v27  }
0x76e: {  	[tilespmem:s30+$0x4D10] =	vst.add.f32.msk $0xffff, v28  }
0x76f: {  	[tilespmem:s30+$0x4D20] =	vst.add.f32.msk $0xffff, v29  }
0x770: {  	[tilespmem:s30+$0x4D30] =	vst.add.f32.msk $0xffff, v30  }
0x771: {  	[tilespmem:s30+$0x4D40] =	vst.add.f32.msk $0xffff, v31  }
0x772: {  	[tilespmem:s30+$0x4D50] =	vst.add.f32.msk $0xffff, v32  }
0x773: {  	[tilespmem:s30+$0x4D60] =	vst.add.f32.msk $0xffff, v33  }
0x774: {  	[tilespmem:s30+$0x4140] =	vst.add.f32.msk $0xffff, v3;
	s30 =	rddreg [dreg:$0x14]  }
0x775: {  	[hbm4b:s30+s2] =	stream.linear.scatter [tilespmem:s5], [sflag:$0x8], $0x4000, $0x38;
	[tilespmem:$0x18100] =	vst v63  }
0x776: {  	_ =	swait.ge [sflag:s25], $0x4000  }
0x777: {  	[sflag:s25] =	ssyncset.done $0x0  }
0x778: {  	[sflag:s25] =	ssyncadd.s32 $0xFFFFC000  }
0x779: {  	_ =	swait.ge [sflag:s19], $0x4000  }
0x77a: {  	[sflag:s19] =	ssyncset.done $0x0  }
0x77b: {  	[sflag:s19] =	ssyncadd.s32 $0xFFFFC000  }
0x77c: {  	_ =	swait.ge [sflag:s22], $0x4000  }
0x77d: {  	s26 =	sadd.s32 $0x1, s26;
	s31 =	rddreg [dreg:$0x15]  }
0x77e: {  	p0 =	sne.s32 s26, s31  }
.Ltmp8:
0x77f: {  	_ = 	snop;
	(pc) =	sbr.rel @p0 .LBB2_1-.Ltmp8, $3  }
0x780: {  	_ =	sdelay $0x1  }
0x781: {  	[sflag:s22] =	ssyncset.done $0x0  }
0x782: {  	[sflag:s22] =	ssyncadd.s32 $0xFFFFC000  }
0x783: {  	_ =	sfence.sel $0x180000  }
0x784: {  	[bflag:$0x0] =	sbarrier.arrive $0xFFFF  }
0x785: {  	_ =	strace $0x90000047  }
0x786: {  	s0 =	stileid.u32;
	[bflag:$0x2] =	sbarrier.arrive $0xFFFF  }
0x787: {  	p0 =	sne.s32 s0, $0x0;
	s0 =	rddreg [dreg:$0x3]  }
0x788: {  	s0 =	sadd.s32 @!p0 $0x100000, s0  }
0x789: {  	[sflag:s0] =	ssyncadd.tile.s32 @!p0 $0x1;
	_ =	shalt  }
.Lfunc_end2:
_tile_overlayer_lowered:
.L_overlay_start_2:
0x78a: {  	(tag) =	ssettag $0x2  }
0x78b: {  	s0 =	rddreg [dreg:$0x0];
	s2 =	stileid.u32  }
0x78c: {  	s1 =	rddreg [dreg:$0x1];
	p0 =	sne.s32 s2, $0x0  }
0x78d: {  	s3 =	rddreg [dreg:$0x2];
	[bflag:$0x3] =	sbarrier.arrive $0xFFFF;
	s2 =	simm.s32 @!p0 $0x1C0A  }
0x78e: {  	[timem:s3], [sflag:s2] =	dma.local @!p0 [hbm:s0], s1  }
0x78f: {  	s0 =	simm.s32 @!p0 $0xA  }
0x790: {  	_ =	swait.ge @!p0 [sflag:s0], s1  }
0x791: {  	s1 =	ssub.s32 @!p0 $0x0, s1;
	[sflag:s0] =	ssyncset.done @!p0 $0x0  }
0x792: {  	[sflag:s0] =	ssyncadd.s32 @!p0 s1  }
0x793: {  	[bflag:$0x3] =	sbarrier.arrive $0xFFFF  }
0x794: {  	_ =	shalt  }

</sc_bundles>
